<compile_context>
chip_gen: v7x
topology: tpu7x:2x2x1
jax: 0.10.2.dev20260603
libtpu: 0.0.44.dev20260713+nightly
codegen_flags: <defaults>
</compile_context>

<pallas_src>
import functools

import jax
import jax.numpy as jnp
from jax import lax
from jax.experimental import pallas as pl
from jax.experimental.pallas import tpu as pltpu
from jax.experimental.pallas import tpu_sc as plsc

N = 10000
E = 320000
D = 128
FE = 16

NC = 2
NS = 16
NW = NC * NS

K = 64
NCH = 158
EPT = NCH * K
E_PAD = EPT * NW

N_PAD = 10240
STRIPE = N_PAD // NS
DUMP = N

_NEG = -1e30


_EB = 8000


def _escore_body(ea_ref, we1_ref, ate1_ref, we2_ref, ate2_ref, o1_ref, o2_ref):
    i0 = lax.broadcasted_iota(jnp.int32, (128, 128), 0)
    i1 = lax.broadcasted_iota(jnp.int32, (128, 128), 1)
    mask = (i0 // 16 == i1).astype(jnp.float32)
    wv1 = jnp.dot(we1_ref[...], ate1_ref[...], preferred_element_type=jnp.float32)
    wv2 = jnp.dot(we2_ref[...], ate2_ref[...], preferred_element_type=jnp.float32)
    s1 = mask * jnp.concatenate([wv1] * 8, axis=0)
    s2 = mask * jnp.concatenate([wv2] * 8, axis=0)
    ea = ea_ref[...]
    o1_ref[...] = jnp.dot(ea, s1, preferred_element_type=jnp.float32)
    o2_ref[...] = jnp.dot(ea, s2, preferred_element_type=jnp.float32)


def _edge_scores(edge_attr, We1, att_e1, We2, att_e2):
    er = E // 8
    ea_r = edge_attr.reshape(er, 128)
    grid = er // _EB
    o1, o2 = pl.pallas_call(
        _escore_body,
        grid=(grid,),
        in_specs=[
            pl.BlockSpec((_EB, 128), lambda i: (i, 0)),
            pl.BlockSpec((FE, D), lambda i: (0, 0)),
            pl.BlockSpec((D, 1), lambda i: (0, 0)),
            pl.BlockSpec((FE, D), lambda i: (0, 0)),
            pl.BlockSpec((D, 1), lambda i: (0, 0)),
        ],
        out_specs=[
            pl.BlockSpec((_EB, 128), lambda i: (i, 0)),
            pl.BlockSpec((_EB, 128), lambda i: (i, 0)),
        ],
        out_shape=[
            jax.ShapeDtypeStruct((er, 128), jnp.float32),
            jax.ShapeDtypeStruct((er, 128), jnp.float32),
        ],
    )(ea_r, We1, att_e1.reshape(D, 1), We2, att_e2.reshape(D, 1))
    return o1[:, :8].reshape(E), o2[:, :8].reshape(E)


def _proj_body(x_ref, w_ref, ats_ref, atd_ref, h_ref, asrc_ref, adst_ref):
    h = jnp.dot(x_ref[...], w_ref[...], preferred_element_type=jnp.float32)
    h_ref[...] = h
    asrc_ref[...] = jnp.dot(h, ats_ref[...], preferred_element_type=jnp.float32)
    adst_ref[...] = jnp.dot(h, atd_ref[...], preferred_element_type=jnp.float32)


def _project(x, W, att_s, att_d):
    return pl.pallas_call(
        _proj_body,
        out_shape=[
            jax.ShapeDtypeStruct((N, D), jnp.float32),
            jax.ShapeDtypeStruct((N, 1), jnp.float32),
            jax.ShapeDtypeStruct((N, 1), jnp.float32),
        ],
    )(x, W, att_s.reshape(D, 1), att_d.reshape(D, 1))


_MESH = plsc.VectorSubcoreMesh(core_axis_name="c", subcore_axis_name="s")

_TSRC = N
_TDST = N + 8


@functools.partial(
    pl.kernel,
    out_type=[
        jax.ShapeDtypeStruct((NC, N_PAD, D), jnp.float32),
        jax.ShapeDtypeStruct((NC, N_PAD), jnp.float32),
        jax.ShapeDtypeStruct((NC, N_PAD), jnp.float32),
        jax.ShapeDtypeStruct((NC, N_PAD), jnp.float32),
    ],
    mesh=_MESH,
    compiler_params=pltpu.CompilerParams(needs_layout_passes=False),
    scratch_types=[
        pltpu.VMEM((2, 2, K), jnp.int32),
        pltpu.VMEM((2, K), jnp.float32),
        pltpu.VMEM((2, K), jnp.float32),
        pltpu.VMEM((2, K), jnp.float32),
        pltpu.VMEM((2, K), jnp.int32),
        pltpu.VMEM((K,), jnp.float32),
        pltpu.VMEM((2, K, D), jnp.float32),
        pltpu.VMEM((_TSRC,), jnp.float32),
        pltpu.VMEM((_TDST,), jnp.float32),
        pltpu.SemaphoreType.DMA,
        pltpu.SemaphoreType.DMA,
        pltpu.SemaphoreType.DMA,
        pltpu.SemaphoreType.DMA,
        pltpu.SemaphoreType.DMA,
        pltpu.SemaphoreType.DMA,
        pltpu.VMEM_SHARED((N_PAD, D), jnp.float32),
        pltpu.VMEM_SHARED((N_PAD,), jnp.float32),
        pltpu.VMEM_SHARED((N_PAD,), jnp.float32),
        pltpu.VMEM_SHARED((N_PAD,), jnp.float32),
    ],
)
def _sc_edge_pass(h_hbm, ei_hbm, aein_hbm, asrc_hbm, adst_hbm, zscal_hbm,
                  acc_out, den_out, sae_out, cnt_out,
                  ei_v, aein_v, ex_v, ae_v, holdd_v, ones_v, rows_v,
                  asrc_v, adst_v,
                  sem_i0, sem_i1, sem_g0, sem_g1, sem_s0, sem_s1,
                  acc_s, den_s, sae_s, cnt_s):
    cid = lax.axis_index("c")
    sid = lax.axis_index("s")
    wid = cid * NS + sid
    sem_i = (sem_i0, sem_i1)
    sem_g = (sem_g0, sem_g1)
    sem_s = (sem_s0, sem_s1)
    base = sid * STRIPE

    def i_issue(g, b):
        pltpu.async_copy(ei_hbm.at[wid, g], ei_v.at[b], sem_i[b])
        pltpu.async_copy(aein_hbm.at[wid, g], aein_v.at[b], sem_i[b])

    def i_wait(b):
        pltpu.make_async_copy(ei_hbm.at[wid, 0], ei_v.at[b], sem_i[b]).wait()
        pltpu.make_async_copy(aein_hbm.at[wid, 0], aein_v.at[b], sem_i[b]).wait()

    def r_issue(b):
        pltpu.async_copy(h_hbm.at[ei_v.at[b, 0]], rows_v.at[b], sem_g[b])

    def r_wait(b):
        pltpu.make_async_copy(h_hbm.at[ei_v.at[b, 0]], rows_v.at[b], sem_g[b]).wait()

    def s_issue(b):
        pltpu.async_copy(rows_v.at[b], acc_s.at[holdd_v.at[b]], sem_s[b], add=True)
        pltpu.async_copy(ex_v.at[b], den_s.at[holdd_v.at[b]], sem_s[b], add=True)
        pltpu.async_copy(ae_v.at[b], sae_s.at[holdd_v.at[b]], sem_s[b], add=True)
        pltpu.async_copy(ones_v, cnt_s.at[holdd_v.at[b]], sem_s[b], add=True)

    def s_drain(b):
        pltpu.make_async_copy(rows_v.at[b], acc_s.at[holdd_v.at[b]], sem_s[b]).wait()
        pltpu.make_async_copy(ex_v.at[b], den_s.at[holdd_v.at[b]], sem_s[b]).wait()
        pltpu.make_async_copy(ae_v.at[b], sae_s.at[holdd_v.at[b]], sem_s[b]).wait()
        pltpu.make_async_copy(ones_v, cnt_s.at[holdd_v.at[b]], sem_s[b]).wait()

    def scalar_phase(b):
        for i in range(K // 16):
            sl = pl.ds(i * 16, 16)
            s16 = ei_v[b, 0, sl]
            d16 = ei_v[b, 1, sl]
            a16 = aein_v[b, sl]
            al = plsc.load_gather(asrc_v, [s16]) + plsc.load_gather(adst_v, [d16]) + a16
            al = jnp.where(al >= 0.0, al, 0.2 * al)
            ex_v[b, sl] = jnp.exp(al)
            ae_v[b, sl] = a16
            holdd_v[b, sl] = d16

    def scale(b):
        def _sc1(e, c):
            exv = plsc.load_gather(
                ex_v, [jnp.full((16,), b, jnp.int32), jnp.full((16,), e, jnp.int32)])
            for j in range(D // 16):
                rows_v[b, e, pl.ds(j * 16, 16)] = rows_v[b, e, pl.ds(j * 16, 16)] * exv
            return c
        lax.fori_loop(0, K, _sc1, 0, unroll=2)

    pltpu.sync_copy(asrc_hbm, asrc_v)
    pltpu.sync_copy(adst_hbm, adst_v)
    zeros16 = jnp.zeros((16,), jnp.float32)
    for i in range(K // 16):
        ones_v[pl.ds(i * 16, 16)] = zeros16 + 1.0

    def _zrow(i, c):
        rows_v[0, i // 8, pl.ds((i % 8) * 16, 16)] = zeros16
        return c
    lax.fori_loop(0, K * 8, _zrow, 0)
    for j in range(STRIPE // K):
        pltpu.sync_copy(rows_v.at[0], acc_s.at[pl.ds(base + j * K, K)])
    pltpu.sync_copy(zscal_hbm, den_s.at[pl.ds(base, STRIPE)])
    pltpu.sync_copy(zscal_hbm, sae_s.at[pl.ds(base, STRIPE)])
    pltpu.sync_copy(zscal_hbm, cnt_s.at[pl.ds(base, STRIPE)])
    plsc.subcore_barrier()

    def sub(g_new, b, live_new, drain):
        a = 1 - b
        @pl.when(live_new)
        def _():
            i_wait(b)

            @pl.when(drain)
            def _():
                s_drain(b)
            r_issue(b)
        scalar_phase(a)
        r_wait(a)

        @pl.when(g_new + 1 < NCH)
        def _():
            i_issue(g_new + 1, a)
        scale(a)
        s_issue(a)

    i_issue(0, 0)
    i_issue(1, 1)
    i_wait(0)
    r_issue(0)

    true_ = jnp.bool_(True)

    def _pair(gg, c):
        sub(2 * gg + 1, 1, true_, gg > 0)
        sub(2 * gg + 2, 0, 2 * gg + 2 < NCH, true_)
        return c
    lax.fori_loop(0, NCH // 2, _pair, 0)

    s_drain(0)
    s_drain(1)
    plsc.subcore_barrier()

    pltpu.sync_copy(acc_s.at[pl.ds(base, STRIPE)], acc_out.at[cid, pl.ds(base, STRIPE)])
    pltpu.sync_copy(den_s.at[pl.ds(base, STRIPE)], den_out.at[cid, pl.ds(base, STRIPE)])
    pltpu.sync_copy(sae_s.at[pl.ds(base, STRIPE)], sae_out.at[cid, pl.ds(base, STRIPE)])
    pltpu.sync_copy(cnt_s.at[pl.ds(base, STRIPE)], cnt_out.at[cid, pl.ds(base, STRIPE)])


_NR = N_PAD // 128


def _scal_body(den_ref, sae_ref, cnt_ref, asrc_ref, adst_ref, exl_ref, invd_ref):
    den = den_ref[0] + den_ref[1]
    sae = sae_ref[0] + sae_ref[1]
    cnt = cnt_ref[0] + cnt_ref[1]
    loop_ae = sae / jnp.maximum(cnt, 1.0)
    al = asrc_ref[...] + adst_ref[...] + loop_ae
    al = jnp.where(al >= 0.0, al, 0.2 * al)
    exl = jnp.exp(al)
    exl_ref[...] = exl
    invd_ref[...] = 1.0 / (den + exl + 1e-16)


def _bn_relu(o, g, bb):
    mean = jnp.mean(o, axis=0, keepdims=True)
    var = jnp.mean((o - mean) ** 2, axis=0, keepdims=True)
    return jnp.maximum((o - mean) / jnp.sqrt(var + 1e-5) * g + bb, 0.0)


def _apply_body(acc_ref, h_ref, exl_ref, invd_ref, b_ref, g_ref, bb_ref, out_ref):
    acc = acc_ref[0, :N, :] + acc_ref[1, :N, :]
    o = (acc + h_ref[...] * exl_ref[:N]) * invd_ref[:N] + b_ref[...]
    out_ref[...] = _bn_relu(o, g_ref[...], bb_ref[...])


def _applyproj_body(acc_ref, h_ref, exl_ref, invd_ref, b_ref, g_ref, bb_ref,
                    w_ref, ats_ref, atd_ref, h2_ref, asrc_ref, adst_ref):
    acc = acc_ref[0, :N, :] + acc_ref[1, :N, :]
    o = (acc + h_ref[...] * exl_ref[:N]) * invd_ref[:N] + b_ref[...]
    y = _bn_relu(o, g_ref[...], bb_ref[...])
    h2 = jnp.dot(y, w_ref[...], preferred_element_type=jnp.float32)
    h2_ref[...] = h2
    asrc_ref[...] = jnp.dot(h2, ats_ref[...], preferred_element_type=jnp.float32)
    adst_ref[...] = jnp.dot(h2, atd_ref[...], preferred_element_type=jnp.float32)


def _softmax_scalars(den2, sae2, cnt2, asrc_p, adst_p):
    return pl.pallas_call(
        _scal_body,
        out_shape=[
            jax.ShapeDtypeStruct((_NR, 128), jnp.float32),
            jax.ShapeDtypeStruct((_NR, 128), jnp.float32),
        ],
    )(den2.reshape(NC, _NR, 128), sae2.reshape(NC, _NR, 128),
      cnt2.reshape(NC, _NR, 128), asrc_p.reshape(_NR, 128),
      adst_p.reshape(_NR, 128))


def _finalize(acc2, den2, sae2, cnt2, h, asrc_p, adst_p, b, g, bb):
    exl, invd = _softmax_scalars(den2, sae2, cnt2, asrc_p, adst_p)
    return pl.pallas_call(
        _apply_body,
        out_shape=jax.ShapeDtypeStruct((N, D), jnp.float32),
    )(acc2, h, exl.reshape(N_PAD, 1), invd.reshape(N_PAD, 1),
      b.reshape(1, D), g.reshape(1, D), bb.reshape(1, D))


def _finalize_proj(acc2, den2, sae2, cnt2, h, asrc_p, adst_p, b, g, bb,
                   W2, ats2, atd2):
    exl, invd = _softmax_scalars(den2, sae2, cnt2, asrc_p, adst_p)
    return pl.pallas_call(
        _applyproj_body,
        out_shape=[
            jax.ShapeDtypeStruct((N, D), jnp.float32),
            jax.ShapeDtypeStruct((N, 1), jnp.float32),
            jax.ShapeDtypeStruct((N, 1), jnp.float32),
        ],
    )(acc2, h, exl.reshape(N_PAD, 1), invd.reshape(N_PAD, 1),
      b.reshape(1, D), g.reshape(1, D), bb.reshape(1, D),
      W2, ats2.reshape(D, 1), atd2.reshape(D, 1))


def _sc_call(h, asrc, adst, ei, aein, zscal):
    asrc_p = jnp.pad(asrc.reshape(N), (0, N_PAD - N))
    adst_p = jnp.pad(adst.reshape(N), (0, N_PAD - N))
    adst_t = jnp.pad(adst.reshape(N), (0, _TDST - N))
    acc2, den2, sae2, cnt2 = _sc_edge_pass(
        h, ei, aein, asrc.reshape(N), adst_t, zscal)
    return acc2, den2, sae2, cnt2, asrc_p, adst_p


def kernel(x, edge_index, edge_attr, W1, att_src1, att_dst1, We1, att_e1, b1,
           bn1_g, bn1_b, W2, att_src2, att_dst2, We2, att_e2, b2, bn2_g, bn2_b):
    src = jnp.pad(edge_index[0].astype(jnp.int32), (0, E_PAD - E))
    dst = jnp.pad(edge_index[1].astype(jnp.int32), (0, E_PAD - E),
                  constant_values=DUMP)
    ei = jnp.stack([src, dst], axis=0).reshape(2, NW, NCH, K).transpose(1, 2, 0, 3)

    ae1, ae2 = _edge_scores(edge_attr, We1, att_e1, We2, att_e2)
    aein1 = jnp.pad(ae1, (0, E_PAD - E), constant_values=_NEG).reshape(NW, NCH, K)
    aein2 = jnp.pad(ae2, (0, E_PAD - E), constant_values=_NEG).reshape(NW, NCH, K)

    zscal = jnp.zeros((STRIPE,), jnp.float32)

    h1, asrc1, adst1 = _project(x, W1, att_src1, att_dst1)
    acc2, den2, sae2, cnt2, asrc_p, adst_p = _sc_call(h1, asrc1, adst1, ei, aein1, zscal)
    h2, asrc2, adst2 = _finalize_proj(acc2, den2, sae2, cnt2, h1, asrc_p, adst_p,
                                      b1, bn1_g, bn1_b, W2, att_src2, att_dst2)
    acc2, den2, sae2, cnt2, asrc_p, adst_p = _sc_call(h2, asrc2, adst2, ei, aein2, zscal)
    return _finalize(acc2, den2, sae2, cnt2, h2, asrc_p, adst_p, b2, bn2_g, bn2_b)

# --- scband reference (transcript-rebuilt; emitter-appended) ---
"""Pipeline reference for scband-protein-encoder-31533649887775 (READ-ONLY COPY).

The authoritative reference and input builder live on the scoring server;
editing this copy changes nothing except your own understanding.
"""

import jax, jax.numpy as jnp
import numpy as np


def _gat_conv(x, edge_index, edge_attr, W, att_s, att_d, We, att_e, b):
    # PyG GATConv, heads=1, add_self_loops=True with fill_value='mean' for edge_attr
    N = x.shape[0]
    src, dst = edge_index[0], edge_index[1]
    ones = jnp.ones(src.shape[0], dtype=x.dtype)
    cnt = jax.ops.segment_sum(ones, dst, num_segments=N)
    loop_attr = jax.ops.segment_sum(edge_attr, dst, num_segments=N) / jnp.maximum(cnt, 1.0)[:, None]
    loop_idx = jnp.arange(N, dtype=src.dtype)
    src2 = jnp.concatenate([src, loop_idx])
    dst2 = jnp.concatenate([dst, loop_idx])
    ea = jnp.concatenate([edge_attr, loop_attr], axis=0)
    h = x @ W
    a_src = h @ att_s
    a_dst = h @ att_d
    he = ea @ We
    a_e = he @ att_e
    alpha = jax.nn.leaky_relu(a_src[src2] + a_dst[dst2] + a_e, negative_slope=0.2)
    amax = jax.lax.stop_gradient(jax.ops.segment_max(alpha, dst2, num_segments=N))
    amax = jnp.where(jnp.isfinite(amax), amax, 0.0)
    ex = jnp.exp(alpha - amax[dst2])
    denom = jax.ops.segment_sum(ex, dst2, num_segments=N)
    coef = ex / (denom[dst2] + 1e-16)
    out = jax.ops.segment_sum(h[src2] * coef[:, None], dst2, num_segments=N)
    return out + b


def _bn(h, g, b):
    # BatchNorm1d, training-mode batch statistics, eps=1e-5
    mean = jnp.mean(h, axis=0)
    var = jnp.var(h, axis=0)
    return (h - mean) / jnp.sqrt(var + 1e-5) * g + b


def setup_inputs(seed: int = 0) -> dict:
    key = jax.random.key(seed)
    ks = jax.random.split(key, 16)
    N, E, F_in, D, Fe = 10000, 320000, 128, 128, 16
    s = 0.1
    inp = {}
    inp['x'] = jax.random.normal(ks[0], (N, F_in), dtype=jnp.float32)
    inp['edge_index'] = jax.random.randint(ks[1], (2, E), 0, N)
    inp['edge_attr'] = jax.random.normal(ks[2], (E, Fe), dtype=jnp.float32)
    inp['W1'] = jax.random.normal(ks[3], (F_in, D), dtype=jnp.float32) * s
    inp['att_src1'] = jax.random.normal(ks[4], (D,), dtype=jnp.float32) * s
    inp['att_dst1'] = jax.random.normal(ks[5], (D,), dtype=jnp.float32) * s
    inp['We1'] = jax.random.normal(ks[6], (Fe, D), dtype=jnp.float32) * s
    inp['att_e1'] = jax.random.normal(ks[7], (D,), dtype=jnp.float32) * s
    inp['b1'] = jnp.zeros((D,), dtype=jnp.float32)
    inp['bn1_g'] = jnp.ones((D,), dtype=jnp.float32)
    inp['bn1_b'] = jnp.zeros((D,), dtype=jnp.float32)
    inp['W2'] = jax.random.normal(ks[8], (D, D), dtype=jnp.float32) * s
    inp['att_src2'] = jax.random.normal(ks[9], (D,), dtype=jnp.float32) * s
    inp['att_dst2'] = jax.random.normal(ks[10], (D,), dtype=jnp.float32) * s
    inp['We2'] = jax.random.normal(ks[11], (Fe, D), dtype=jnp.float32) * s
    inp['att_e2'] = jax.random.normal(ks[12], (D,), dtype=jnp.float32) * s
    inp['b2'] = jnp.zeros((D,), dtype=jnp.float32)
    inp['bn2_g'] = jnp.ones((D,), dtype=jnp.float32)
    inp['bn2_b'] = jnp.zeros((D,), dtype=jnp.float32)
    return inp


def reference(x, edge_index, edge_attr, W1, att_src1, att_dst1, We1, att_e1, b1, bn1_g, bn1_b, W2, att_src2, att_dst2, We2, att_e2, b2, bn2_g, bn2_b):
    h = jax.nn.relu(_bn(_gat_conv(x, edge_index, edge_attr, W1, att_src1, att_dst1, We1, att_e1, b1), bn1_g, bn1_b))
    h = jax.nn.relu(_bn(_gat_conv(h, edge_index, edge_attr, W2, att_src2, att_dst2, We2, att_e2, b2), bn2_g, bn2_b))
    return h

if __name__ == "__main__":
    import jax
    _d = setup_inputs()
    print(jax.jit(kernel)(*tuple(_d.values())))

</pallas_src>

<mosaic_0001>
#map = affine_map<(d0, d1) -> (0, 0)>
#map1 = affine_map<(d0, d1) -> (0, 0, 0, 0)>
#map2 = affine_map<(d0, d1) -> (0, 0, 0)>
#map3 = affine_map<(d0, d1) -> (0)>
module attributes {stable_mosaic.version = 14 : i64} {
  func.func @_sc_edge_pass(%arg0: i32, %arg1: i32, %arg2: memref<10000x128xf32, #tpu.memory_space<hbm>>, %arg3: memref<32x158x2x64xi32, #tpu.memory_space<hbm>>, %arg4: memref<32x158x64xf32, #tpu.memory_space<hbm>>, %arg5: memref<10000xf32, #tpu.memory_space<hbm>>, %arg6: memref<10008xf32, #tpu.memory_space<hbm>>, %arg7: memref<640xf32, #tpu.memory_space<hbm>>, %arg8: memref<2x10240x128xf32, #tpu.memory_space<hbm>>, %arg9: memref<2x10240xf32, #tpu.memory_space<hbm>>, %arg10: memref<2x10240xf32, #tpu.memory_space<hbm>>, %arg11: memref<2x10240xf32, #tpu.memory_space<hbm>>, %arg12: memref<2x2x64xi32, #tpu.memory_space<vmem>>, %arg13: memref<2x64xf32, #tpu.memory_space<vmem>>, %arg14: memref<2x64xf32, #tpu.memory_space<vmem>>, %arg15: memref<2x64xf32, #tpu.memory_space<vmem>>, %arg16: memref<2x64xi32, #tpu.memory_space<vmem>>, %arg17: memref<64xf32, #tpu.memory_space<vmem>>, %arg18: memref<2x64x128xf32, #tpu.memory_space<vmem>>, %arg19: memref<10000xf32, #tpu.memory_space<vmem>>, %arg20: memref<10008xf32, #tpu.memory_space<vmem>>, %arg21: memref<!tpu.dma_semaphore, #tpu.memory_space<semaphore_mem>>, %arg22: memref<!tpu.dma_semaphore, #tpu.memory_space<semaphore_mem>>, %arg23: memref<!tpu.dma_semaphore, #tpu.memory_space<semaphore_mem>>, %arg24: memref<!tpu.dma_semaphore, #tpu.memory_space<semaphore_mem>>, %arg25: memref<!tpu.dma_semaphore, #tpu.memory_space<semaphore_mem>>, %arg26: memref<!tpu.dma_semaphore, #tpu.memory_space<semaphore_mem>>, %arg27: memref<10240x128xf32, #tpu.memory_space<vmem_shared>>, %arg28: memref<10240xf32, #tpu.memory_space<vmem_shared>>, %arg29: memref<10240xf32, #tpu.memory_space<vmem_shared>>, %arg30: memref<10240xf32, #tpu.memory_space<vmem_shared>>) attributes {dimension_semantics = [#tpu.dimension_semantics<core_parallel>, #tpu.dimension_semantics<subcore_parallel>], iteration_bounds = array<i64: 2, 16>, scalar_prefetch = 0 : i64, scratch_operands = 19 : i64, tpu.core_type = #tpu.core_type<sc_vector_subcore>, window_params = [{transform_indices = #map}, {transform_indices = #map1}, {transform_indices = #map2}, {transform_indices = #map3}, {transform_indices = #map3}, {transform_indices = #map3}, {transform_indices = #map2}, {transform_indices = #map}, {transform_indices = #map}, {transform_indices = #map}]} {
    %mul3A = arith.constant 16 : i32
    %mul3A_0 = arith.muli %arg0, %mul3A : i32
    %add3A = arith.addi %mul3A_0, %arg1 : i32
    %mul3A_1 = arith.constant 640 : i32
    %mul3A_2 = arith.muli %arg1, %mul3A_1 : i32
    "tpu.region"() ({
      %run_scoped3A_248 = tpu.sem_alloc : memref<!tpu.dma_semaphore, #tpu.memory_space<semaphore_mem>>
      tpu.enqueue_dma source(%arg5 : memref<10000xf32, #tpu.memory_space<hbm>>) target(%arg19 : memref<10000xf32, #tpu.memory_space<vmem>>) target_semaphore(%run_scoped3A_248 : memref<!tpu.dma_semaphore, #tpu.memory_space<semaphore_mem>>)
      tpu.wait_dma2 semaphore(%run_scoped3A_248 : memref<!tpu.dma_semaphore, #tpu.memory_space<semaphore_mem>>) src(%arg5 : memref<10000xf32, #tpu.memory_space<hbm>>) dst(%arg19 : memref<10000xf32, #tpu.memory_space<vmem>>)
      tpu.yield
    }) : () -> ()
    "tpu.region"() ({
      %run_scoped3A_248 = tpu.sem_alloc : memref<!tpu.dma_semaphore, #tpu.memory_space<semaphore_mem>>
      tpu.enqueue_dma source(%arg6 : memref<10008xf32, #tpu.memory_space<hbm>>) target(%arg20 : memref<10008xf32, #tpu.memory_space<vmem>>) target_semaphore(%run_scoped3A_248 : memref<!tpu.dma_semaphore, #tpu.memory_space<semaphore_mem>>)
      tpu.wait_dma2 semaphore(%run_scoped3A_248 : memref<!tpu.dma_semaphore, #tpu.memory_space<semaphore_mem>>) src(%arg6 : memref<10008xf32, #tpu.memory_space<hbm>>) dst(%arg20 : memref<10008xf32, #tpu.memory_space<vmem>>)
      tpu.yield
    }) : () -> ()
    %broadcast_in_dim3A = arith.constant 0.000000e+00 : f32
    %broadcast_in_dim3A_3 = vector.broadcast %broadcast_in_dim3A : f32 to vector<16xf32>
    %add3A_4 = arith.constant 1.000000e+00 : f32
    %add3A_5 = vector.broadcast %add3A_4 : f32 to vector<16xf32>
    %add3A_6 = arith.addf %broadcast_in_dim3A_3, %add3A_5 : vector<16xf32>
    %swap3A = arith.constant 0 : index
    %swap3A_7 = tpu.vector_load %arg17[%swap3A] {strides = array<i32>} : memref<64xf32, #tpu.memory_space<vmem>>, vector<16xf32>,
    tpu.vector_store %arg17[%swap3A], %add3A_6 {strides = array<i32>} : memref<64xf32, #tpu.memory_space<vmem>>, vector<16xf32>,
    %add3A_8 = arith.constant 1.000000e+00 : f32
    %add3A_9 = vector.broadcast %add3A_8 : f32 to vector<16xf32>
    %add3A_10 = arith.addf %broadcast_in_dim3A_3, %add3A_9 : vector<16xf32>
    %swap3A_11 = arith.constant 16 : index
    %swap3A_12 = tpu.vector_load %arg17[%swap3A_11] {strides = array<i32>} : memref<64xf32, #tpu.memory_space<vmem>>, vector<16xf32>,
    tpu.vector_store %arg17[%swap3A_11], %add3A_10 {strides = array<i32>} : memref<64xf32, #tpu.memory_space<vmem>>, vector<16xf32>,
    %add3A_13 = arith.constant 1.000000e+00 : f32
    %add3A_14 = vector.broadcast %add3A_13 : f32 to vector<16xf32>
    %add3A_15 = arith.addf %broadcast_in_dim3A_3, %add3A_14 : vector<16xf32>
    %swap3A_16 = arith.constant 32 : index
    %swap3A_17 = tpu.vector_load %arg17[%swap3A_16] {strides = array<i32>} : memref<64xf32, #tpu.memory_space<vmem>>, vector<16xf32>,
    tpu.vector_store %arg17[%swap3A_16], %add3A_15 {strides = array<i32>} : memref<64xf32, #tpu.memory_space<vmem>>, vector<16xf32>,
    %add3A_18 = arith.constant 1.000000e+00 : f32
    %add3A_19 = vector.broadcast %add3A_18 : f32 to vector<16xf32>
    %add3A_20 = arith.addf %broadcast_in_dim3A_3, %add3A_19 : vector<16xf32>
    %swap3A_21 = arith.constant 48 : index
    %swap3A_22 = tpu.vector_load %arg17[%swap3A_21] {strides = array<i32>} : memref<64xf32, #tpu.memory_space<vmem>>, vector<16xf32>,
    tpu.vector_store %arg17[%swap3A_21], %add3A_20 {strides = array<i32>} : memref<64xf32, #tpu.memory_space<vmem>>, vector<16xf32>,
    %scan3A = arith.constant 0 : i32
    %scan3A_23 = arith.constant 0 : i32
    %scan3A_24 = arith.constant 512 : i32
    %scan3A_25 = arith.addi %scan3A_23, %scan3A_24 : i32
    %scan3A_26 = arith.constant 1 : i32
    scf.for %scan3A_248 = %scan3A_23 to %scan3A_25 step %scan3A_26  : i32 {
      %jit3A = arith.constant 8 : i32
      %div3A = arith.divsi %scan3A_248, %jit3A : i32
      %sign3A = arith.constant 0 : i32
      %sign3A_249 = arith.cmpi sgt, %scan3A_248, %sign3A : i32
      %sign3A_250 = arith.extui %sign3A_249 : i1 to i32
      %sign3A_251 = arith.constant 0 : i32
      %sign3A_252 = arith.cmpi slt, %scan3A_248, %sign3A_251 : i32
      %sign3A_253 = arith.extui %sign3A_252 : i1 to i32
      %sign3A_254 = arith.subi %sign3A_250, %sign3A_253 : i32
      %sign3A_255 = arith.constant 0 : i32
      %sign3A_256 = arith.cmpi sgt, %jit3A, %sign3A_255 : i32
      %sign3A_257 = arith.extui %sign3A_256 : i1 to i32
      %sign3A_258 = arith.constant 0 : i32
      %sign3A_259 = arith.cmpi slt, %jit3A, %sign3A_258 : i32
      %sign3A_260 = arith.extui %sign3A_259 : i1 to i32
      %sign3A_261 = arith.subi %sign3A_257, %sign3A_260 : i32
      %ne3A = arith.cmpi ne, %sign3A_254, %sign3A_261 : i32
      %rem3A = arith.remsi %scan3A_248, %jit3A : i32
      %ne3A_262 = arith.constant 0 : i32
      %ne3A_263 = arith.cmpi ne, %rem3A, %ne3A_262 : i32
      %and3A = arith.andi %ne3A, %ne3A_263 : i1
      %sub3A = arith.constant 1 : i32
      %sub3A_264 = arith.subi %div3A, %sub3A : i32
      %select_n3A = arith.select %and3A, %sub3A_264, %div3A : i32
      %jit3A_265 = arith.constant 8 : i32
      %eq3A = arith.constant 0 : i32
      %eq3A_266 = arith.cmpi eq, %jit3A_265, %eq3A : i32
      %jit3A_267 = arith.constant 1 : i32
      %select_n3A_268 = arith.select %eq3A_266, %jit3A_267, %jit3A_265 : i32
      %rem3A_269 = arith.remsi %scan3A_248, %select_n3A_268 : i32
      %ne3A_270 = arith.constant 0 : i32
      %ne3A_271 = arith.cmpi ne, %rem3A_269, %ne3A_270 : i32
      %lt3A = arith.constant 0 : i32
      %lt3A_272 = arith.cmpi slt, %rem3A_269, %lt3A : i32
      %lt3A_273 = arith.constant 0 : i32
      %lt3A_274 = arith.cmpi slt, %select_n3A_268, %lt3A_273 : i32
      %ne3A_275 = arith.xori %lt3A_272, %lt3A_274 : i1
      %and3A_276 = arith.andi %ne3A_275, %ne3A_271 : i1
      %add3A_277 = arith.addi %rem3A_269, %select_n3A_268 : i32
      %select_n3A_278 = arith.select %and3A_276, %add3A_277, %rem3A_269 : i32
      %mul3A_279 = arith.constant 16 : i32
      %mul3A_280 = arith.muli %select_n3A_278, %mul3A_279 : i32
      %swap3A_281 = arith.constant 0 : i32
      %swap3A_282 = arith.index_cast %swap3A_281 : i32 to index
      %swap3A_283 = arith.index_cast %select_n3A : i32 to index
      %swap3A_284 = arith.index_cast %mul3A_280 : i32 to index
      %swap3A_285 = tpu.vector_load %arg18[%swap3A_282, %swap3A_283, %swap3A_284] {strides = array<i32>} : memref<2x64x128xf32, #tpu.memory_space<vmem>>, vector<16xf32>,
      tpu.vector_store %arg18[%swap3A_282, %swap3A_283, %swap3A_284], %broadcast_in_dim3A_3 {strides = array<i32>} : memref<2x64x128xf32, #tpu.memory_space<vmem>>, vector<16xf32>,
    }
    %scan3A_27 = arith.constant 512 : i32
    %add3A_28 = arith.constant 0 : i32
    %add3A_29 = arith.addi %mul3A_2, %add3A_28 : i32
    %run_scoped3A = arith.constant 0 : i32
    "tpu.region"() ({
      %run_scoped3A_248 = tpu.sem_alloc : memref<!tpu.dma_semaphore, #tpu.memory_space<semaphore_mem>>
      %dma_start3A_249 = arith.constant 0 : i32
      %dma_start3A_250 = arith.constant 0 : i32
      %dma_start3A_251 = tpu.memref_slice %arg18[%run_scoped3A, %dma_start3A_249, %dma_start3A_250] : memref<2x64x128xf32, #tpu.memory_space<vmem>> -> memref<1x64x128xf32, #tpu.memory_space<vmem>>
      %dma_start3A_252 = tpu.memref_squeeze %dma_start3A_251 : memref<1x64x128xf32, #tpu.memory_space<vmem>> -> memref<64x128xf32, #tpu.memory_space<vmem>>
      %dma_start3A_253 = arith.constant 0 : i32
      %dma_start3A_254 = tpu.memref_slice %arg27[%add3A_29, %dma_start3A_253] : memref<10240x128xf32, #tpu.memory_space<vmem_shared>> -> memref<64x128xf32, #tpu.memory_space<vmem_shared>>
      %dma_start3A_255 = arith.constant 0 : i32
      %dma_start3A_256 = tpu.memref_slice %arg27[%add3A_29, %dma_start3A_255] : memref<10240x128xf32, #tpu.memory_space<vmem_shared>> -> memref<64x128xf32, #tpu.memory_space<vmem_shared>>
      %dma_start3A_257 = arith.constant 0 : i32
      %dma_start3A_258 = arith.constant 0 : i32
      %dma_start3A_259 = tpu.memref_slice %arg18[%run_scoped3A, %dma_start3A_257, %dma_start3A_258] : memref<2x64x128xf32, #tpu.memory_space<vmem>> -> memref<1x64x128xf32, #tpu.memory_space<vmem>>
      %dma_start3A_260 = tpu.memref_squeeze %dma_start3A_259 : memref<1x64x128xf32, #tpu.memory_space<vmem>> -> memref<64x128xf32, #tpu.memory_space<vmem>>
      tpu.enqueue_dma source(%dma_start3A_260 : memref<64x128xf32, #tpu.memory_space<vmem>>) target(%dma_start3A_256 : memref<64x128xf32, #tpu.memory_space<vmem_shared>>) target_semaphore(%run_scoped3A_248 : memref<!tpu.dma_semaphore, #tpu.memory_space<semaphore_mem>>)
      %dma_wait3A_261 = arith.constant 0 : i32
      %dma_wait3A_262 = arith.constant 0 : i32
      %dma_wait3A_263 = tpu.memref_slice %arg18[%run_scoped3A, %dma_wait3A_261, %dma_wait3A_262] : memref<2x64x128xf32, #tpu.memory_space<vmem>> -> memref<1x64x128xf32, #tpu.memory_space<vmem>>
      %dma_wait3A_264 = tpu.memref_squeeze %dma_wait3A_263 : memref<1x64x128xf32, #tpu.memory_space<vmem>> -> memref<64x128xf32, #tpu.memory_space<vmem>>
      %dma_wait3A_265 = arith.constant 0 : i32
      %dma_wait3A_266 = tpu.memref_slice %arg27[%add3A_29, %dma_wait3A_265] : memref<10240x128xf32, #tpu.memory_space<vmem_shared>> -> memref<64x128xf32, #tpu.memory_space<vmem_shared>>
      %dma_wait3A_267 = arith.constant 0 : i32
      %dma_wait3A_268 = tpu.memref_slice %arg27[%add3A_29, %dma_wait3A_267] : memref<10240x128xf32, #tpu.memory_space<vmem_shared>> -> memref<64x128xf32, #tpu.memory_space<vmem_shared>>
      %dma_wait3A_269 = arith.constant 0 : i32
      %dma_wait3A_270 = arith.constant 0 : i32
      %dma_wait3A_271 = tpu.memref_slice %arg18[%run_scoped3A, %dma_wait3A_269, %dma_wait3A_270] : memref<2x64x128xf32, #tpu.memory_space<vmem>> -> memref<1x64x128xf32, #tpu.memory_space<vmem>>
      %dma_wait3A_272 = tpu.memref_squeeze %dma_wait3A_271 : memref<1x64x128xf32, #tpu.memory_space<vmem>> -> memref<64x128xf32, #tpu.memory_space<vmem>>
      tpu.wait_dma2 semaphore(%run_scoped3A_248 : memref<!tpu.dma_semaphore, #tpu.memory_space<semaphore_mem>>) src(%dma_wait3A_272 : memref<64x128xf32, #tpu.memory_space<vmem>>) dst(%dma_wait3A_268 : memref<64x128xf32, #tpu.memory_space<vmem_shared>>)
      tpu.yield
    }) : () -> ()
    %add3A_30 = arith.constant 64 : i32
    %add3A_31 = arith.addi %mul3A_2, %add3A_30 : i32
    %run_scoped3A_32 = arith.constant 0 : i32
    "tpu.region"() ({
      %run_scoped3A_248 = tpu.sem_alloc : memref<!tpu.dma_semaphore, #tpu.memory_space<semaphore_mem>>
      %dma_start3A_249 = arith.constant 0 : i32
      %dma_start3A_250 = arith.constant 0 : i32
      %dma_start3A_251 = tpu.memref_slice %arg18[%run_scoped3A_32, %dma_start3A_249, %dma_start3A_250] : memref<2x64x128xf32, #tpu.memory_space<vmem>> -> memref<1x64x128xf32, #tpu.memory_space<vmem>>
      %dma_start3A_252 = tpu.memref_squeeze %dma_start3A_251 : memref<1x64x128xf32, #tpu.memory_space<vmem>> -> memref<64x128xf32, #tpu.memory_space<vmem>>
      %dma_start3A_253 = arith.constant 0 : i32
      %dma_start3A_254 = tpu.memref_slice %arg27[%add3A_31, %dma_start3A_253] : memref<10240x128xf32, #tpu.memory_space<vmem_shared>> -> memref<64x128xf32, #tpu.memory_space<vmem_shared>>
      %dma_start3A_255 = arith.constant 0 : i32
      %dma_start3A_256 = tpu.memref_slice %arg27[%add3A_31, %dma_start3A_255] : memref<10240x128xf32, #tpu.memory_space<vmem_shared>> -> memref<64x128xf32, #tpu.memory_space<vmem_shared>>
      %dma_start3A_257 = arith.constant 0 : i32
      %dma_start3A_258 = arith.constant 0 : i32
      %dma_start3A_259 = tpu.memref_slice %arg18[%run_scoped3A_32, %dma_start3A_257, %dma_start3A_258] : memref<2x64x128xf32, #tpu.memory_space<vmem>> -> memref<1x64x128xf32, #tpu.memory_space<vmem>>
      %dma_start3A_260 = tpu.memref_squeeze %dma_start3A_259 : memref<1x64x128xf32, #tpu.memory_space<vmem>> -> memref<64x128xf32, #tpu.memory_space<vmem>>
      tpu.enqueue_dma source(%dma_start3A_260 : memref<64x128xf32, #tpu.memory_space<vmem>>) target(%dma_start3A_256 : memref<64x128xf32, #tpu.memory_space<vmem_shared>>) target_semaphore(%run_scoped3A_248 : memref<!tpu.dma_semaphore, #tpu.memory_space<semaphore_mem>>)
      %dma_wait3A_261 = arith.constant 0 : i32
      %dma_wait3A_262 = arith.constant 0 : i32
      %dma_wait3A_263 = tpu.memref_slice %arg18[%run_scoped3A_32, %dma_wait3A_261, %dma_wait3A_262] : memref<2x64x128xf32, #tpu.memory_space<vmem>> -> memref<1x64x128xf32, #tpu.memory_space<vmem>>
      %dma_wait3A_264 = tpu.memref_squeeze %dma_wait3A_263 : memref<1x64x128xf32, #tpu.memory_space<vmem>> -> memref<64x128xf32, #tpu.memory_space<vmem>>
      %dma_wait3A_265 = arith.constant 0 : i32
      %dma_wait3A_266 = tpu.memref_slice %arg27[%add3A_31, %dma_wait3A_265] : memref<10240x128xf32, #tpu.memory_space<vmem_shared>> -> memref<64x128xf32, #tpu.memory_space<vmem_shared>>
      %dma_wait3A_267 = arith.constant 0 : i32
      %dma_wait3A_268 = tpu.memref_slice %arg27[%add3A_31, %dma_wait3A_267] : memref<10240x128xf32, #tpu.memory_space<vmem_shared>> -> memref<64x128xf32, #tpu.memory_space<vmem_shared>>
      %dma_wait3A_269 = arith.constant 0 : i32
      %dma_wait3A_270 = arith.constant 0 : i32
      %dma_wait3A_271 = tpu.memref_slice %arg18[%run_scoped3A_32, %dma_wait3A_269, %dma_wait3A_270] : memref<2x64x128xf32, #tpu.memory_space<vmem>> -> memref<1x64x128xf32, #tpu.memory_space<vmem>>
      %dma_wait3A_272 = tpu.memref_squeeze %dma_wait3A_271 : memref<1x64x128xf32, #tpu.memory_space<vmem>> -> memref<64x128xf32, #tpu.memory_space<vmem>>
      tpu.wait_dma2 semaphore(%run_scoped3A_248 : memref<!tpu.dma_semaphore, #tpu.memory_space<semaphore_mem>>) src(%dma_wait3A_272 : memref<64x128xf32, #tpu.memory_space<vmem>>) dst(%dma_wait3A_268 : memref<64x128xf32, #tpu.memory_space<vmem_shared>>)
      tpu.yield
    }) : () -> ()
    %add3A_33 = arith.constant 128 : i32
    %add3A_34 = arith.addi %mul3A_2, %add3A_33 : i32
    %run_scoped3A_35 = arith.constant 0 : i32
    "tpu.region"() ({
      %run_scoped3A_248 = tpu.sem_alloc : memref<!tpu.dma_semaphore, #tpu.memory_space<semaphore_mem>>
      %dma_start3A_249 = arith.constant 0 : i32
      %dma_start3A_250 = arith.constant 0 : i32
      %dma_start3A_251 = tpu.memref_slice %arg18[%run_scoped3A_35, %dma_start3A_249, %dma_start3A_250] : memref<2x64x128xf32, #tpu.memory_space<vmem>> -> memref<1x64x128xf32, #tpu.memory_space<vmem>>
      %dma_start3A_252 = tpu.memref_squeeze %dma_start3A_251 : memref<1x64x128xf32, #tpu.memory_space<vmem>> -> memref<64x128xf32, #tpu.memory_space<vmem>>
      %dma_start3A_253 = arith.constant 0 : i32
      %dma_start3A_254 = tpu.memref_slice %arg27[%add3A_34, %dma_start3A_253] : memref<10240x128xf32, #tpu.memory_space<vmem_shared>> -> memref<64x128xf32, #tpu.memory_space<vmem_shared>>
      %dma_start3A_255 = arith.constant 0 : i32
      %dma_start3A_256 = tpu.memref_slice %arg27[%add3A_34, %dma_start3A_255] : memref<10240x128xf32, #tpu.memory_space<vmem_shared>> -> memref<64x128xf32, #tpu.memory_space<vmem_shared>>
      %dma_start3A_257 = arith.constant 0 : i32
      %dma_start3A_258 = arith.constant 0 : i32
      %dma_start3A_259 = tpu.memref_slice %arg18[%run_scoped3A_35, %dma_start3A_257, %dma_start3A_258] : memref<2x64x128xf32, #tpu.memory_space<vmem>> -> memref<1x64x128xf32, #tpu.memory_space<vmem>>
      %dma_start3A_260 = tpu.memref_squeeze %dma_start3A_259 : memref<1x64x128xf32, #tpu.memory_space<vmem>> -> memref<64x128xf32, #tpu.memory_space<vmem>>
      tpu.enqueue_dma source(%dma_start3A_260 : memref<64x128xf32, #tpu.memory_space<vmem>>) target(%dma_start3A_256 : memref<64x128xf32, #tpu.memory_space<vmem_shared>>) target_semaphore(%run_scoped3A_248 : memref<!tpu.dma_semaphore, #tpu.memory_space<semaphore_mem>>)
      %dma_wait3A_261 = arith.constant 0 : i32
      %dma_wait3A_262 = arith.constant 0 : i32
      %dma_wait3A_263 = tpu.memref_slice %arg18[%run_scoped3A_35, %dma_wait3A_261, %dma_wait3A_262] : memref<2x64x128xf32, #tpu.memory_space<vmem>> -> memref<1x64x128xf32, #tpu.memory_space<vmem>>
      %dma_wait3A_264 = tpu.memref_squeeze %dma_wait3A_263 : memref<1x64x128xf32, #tpu.memory_space<vmem>> -> memref<64x128xf32, #tpu.memory_space<vmem>>
      %dma_wait3A_265 = arith.constant 0 : i32
      %dma_wait3A_266 = tpu.memref_slice %arg27[%add3A_34, %dma_wait3A_265] : memref<10240x128xf32, #tpu.memory_space<vmem_shared>> -> memref<64x128xf32, #tpu.memory_space<vmem_shared>>
      %dma_wait3A_267 = arith.constant 0 : i32
      %dma_wait3A_268 = tpu.memref_slice %arg27[%add3A_34, %dma_wait3A_267] : memref<10240x128xf32, #tpu.memory_space<vmem_shared>> -> memref<64x128xf32, #tpu.memory_space<vmem_shared>>
      %dma_wait3A_269 = arith.constant 0 : i32
      %dma_wait3A_270 = arith.constant 0 : i32
      %dma_wait3A_271 = tpu.memref_slice %arg18[%run_scoped3A_35, %dma_wait3A_269, %dma_wait3A_270] : memref<2x64x128xf32, #tpu.memory_space<vmem>> -> memref<1x64x128xf32, #tpu.memory_space<vmem>>
      %dma_wait3A_272 = tpu.memref_squeeze %dma_wait3A_271 : memref<1x64x128xf32, #tpu.memory_space<vmem>> -> memref<64x128xf32, #tpu.memory_space<vmem>>
      tpu.wait_dma2 semaphore(%run_scoped3A_248 : memref<!tpu.dma_semaphore, #tpu.memory_space<semaphore_mem>>) src(%dma_wait3A_272 : memref<64x128xf32, #tpu.memory_space<vmem>>) dst(%dma_wait3A_268 : memref<64x128xf32, #tpu.memory_space<vmem_shared>>)
      tpu.yield
    }) : () -> ()
    %add3A_36 = arith.constant 192 : i32
    %add3A_37 = arith.addi %mul3A_2, %add3A_36 : i32
    %run_scoped3A_38 = arith.constant 0 : i32
    "tpu.region"() ({
      %run_scoped3A_248 = tpu.sem_alloc : memref<!tpu.dma_semaphore, #tpu.memory_space<semaphore_mem>>
      %dma_start3A_249 = arith.constant 0 : i32
      %dma_start3A_250 = arith.constant 0 : i32
      %dma_start3A_251 = tpu.memref_slice %arg18[%run_scoped3A_38, %dma_start3A_249, %dma_start3A_250] : memref<2x64x128xf32, #tpu.memory_space<vmem>> -> memref<1x64x128xf32, #tpu.memory_space<vmem>>
      %dma_start3A_252 = tpu.memref_squeeze %dma_start3A_251 : memref<1x64x128xf32, #tpu.memory_space<vmem>> -> memref<64x128xf32, #tpu.memory_space<vmem>>
      %dma_start3A_253 = arith.constant 0 : i32
      %dma_start3A_254 = tpu.memref_slice %arg27[%add3A_37, %dma_start3A_253] : memref<10240x128xf32, #tpu.memory_space<vmem_shared>> -> memref<64x128xf32, #tpu.memory_space<vmem_shared>>
      %dma_start3A_255 = arith.constant 0 : i32
      %dma_start3A_256 = tpu.memref_slice %arg27[%add3A_37, %dma_start3A_255] : memref<10240x128xf32, #tpu.memory_space<vmem_shared>> -> memref<64x128xf32, #tpu.memory_space<vmem_shared>>
      %dma_start3A_257 = arith.constant 0 : i32
      %dma_start3A_258 = arith.constant 0 : i32
      %dma_start3A_259 = tpu.memref_slice %arg18[%run_scoped3A_38, %dma_start3A_257, %dma_start3A_258] : memref<2x64x128xf32, #tpu.memory_space<vmem>> -> memref<1x64x128xf32, #tpu.memory_space<vmem>>
      %dma_start3A_260 = tpu.memref_squeeze %dma_start3A_259 : memref<1x64x128xf32, #tpu.memory_space<vmem>> -> memref<64x128xf32, #tpu.memory_space<vmem>>
      tpu.enqueue_dma source(%dma_start3A_260 : memref<64x128xf32, #tpu.memory_space<vmem>>) target(%dma_start3A_256 : memref<64x128xf32, #tpu.memory_space<vmem_shared>>) target_semaphore(%run_scoped3A_248 : memref<!tpu.dma_semaphore, #tpu.memory_space<semaphore_mem>>)
      %dma_wait3A_261 = arith.constant 0 : i32
      %dma_wait3A_262 = arith.constant 0 : i32
      %dma_wait3A_263 = tpu.memref_slice %arg18[%run_scoped3A_38, %dma_wait3A_261, %dma_wait3A_262] : memref<2x64x128xf32, #tpu.memory_space<vmem>> -> memref<1x64x128xf32, #tpu.memory_space<vmem>>
      %dma_wait3A_264 = tpu.memref_squeeze %dma_wait3A_263 : memref<1x64x128xf32, #tpu.memory_space<vmem>> -> memref<64x128xf32, #tpu.memory_space<vmem>>
      %dma_wait3A_265 = arith.constant 0 : i32
      %dma_wait3A_266 = tpu.memref_slice %arg27[%add3A_37, %dma_wait3A_265] : memref<10240x128xf32, #tpu.memory_space<vmem_shared>> -> memref<64x128xf32, #tpu.memory_space<vmem_shared>>
      %dma_wait3A_267 = arith.constant 0 : i32
      %dma_wait3A_268 = tpu.memref_slice %arg27[%add3A_37, %dma_wait3A_267] : memref<10240x128xf32, #tpu.memory_space<vmem_shared>> -> memref<64x128xf32, #tpu.memory_space<vmem_shared>>
      %dma_wait3A_269 = arith.constant 0 : i32
      %dma_wait3A_270 = arith.constant 0 : i32
      %dma_wait3A_271 = tpu.memref_slice %arg18[%run_scoped3A_38, %dma_wait3A_269, %dma_wait3A_270] : memref<2x64x128xf32, #tpu.memory_space<vmem>> -> memref<1x64x128xf32, #tpu.memory_space<vmem>>
      %dma_wait3A_272 = tpu.memref_squeeze %dma_wait3A_271 : memref<1x64x128xf32, #tpu.memory_space<vmem>> -> memref<64x128xf32, #tpu.memory_space<vmem>>
      tpu.wait_dma2 semaphore(%run_scoped3A_248 : memref<!tpu.dma_semaphore, #tpu.memory_space<semaphore_mem>>) src(%dma_wait3A_272 : memref<64x128xf32, #tpu.memory_space<vmem>>) dst(%dma_wait3A_268 : memref<64x128xf32, #tpu.memory_space<vmem_shared>>)
      tpu.yield
    }) : () -> ()
    %add3A_39 = arith.constant 256 : i32
    %add3A_40 = arith.addi %mul3A_2, %add3A_39 : i32
    %run_scoped3A_41 = arith.constant 0 : i32
    "tpu.region"() ({
      %run_scoped3A_248 = tpu.sem_alloc : memref<!tpu.dma_semaphore, #tpu.memory_space<semaphore_mem>>
      %dma_start3A_249 = arith.constant 0 : i32
      %dma_start3A_250 = arith.constant 0 : i32
      %dma_start3A_251 = tpu.memref_slice %arg18[%run_scoped3A_41, %dma_start3A_249, %dma_start3A_250] : memref<2x64x128xf32, #tpu.memory_space<vmem>> -> memref<1x64x128xf32, #tpu.memory_space<vmem>>
      %dma_start3A_252 = tpu.memref_squeeze %dma_start3A_251 : memref<1x64x128xf32, #tpu.memory_space<vmem>> -> memref<64x128xf32, #tpu.memory_space<vmem>>
      %dma_start3A_253 = arith.constant 0 : i32
      %dma_start3A_254 = tpu.memref_slice %arg27[%add3A_40, %dma_start3A_253] : memref<10240x128xf32, #tpu.memory_space<vmem_shared>> -> memref<64x128xf32, #tpu.memory_space<vmem_shared>>
      %dma_start3A_255 = arith.constant 0 : i32
      %dma_start3A_256 = tpu.memref_slice %arg27[%add3A_40, %dma_start3A_255] : memref<10240x128xf32, #tpu.memory_space<vmem_shared>> -> memref<64x128xf32, #tpu.memory_space<vmem_shared>>
      %dma_start3A_257 = arith.constant 0 : i32
      %dma_start3A_258 = arith.constant 0 : i32
      %dma_start3A_259 = tpu.memref_slice %arg18[%run_scoped3A_41, %dma_start3A_257, %dma_start3A_258] : memref<2x64x128xf32, #tpu.memory_space<vmem>> -> memref<1x64x128xf32, #tpu.memory_space<vmem>>
      %dma_start3A_260 = tpu.memref_squeeze %dma_start3A_259 : memref<1x64x128xf32, #tpu.memory_space<vmem>> -> memref<64x128xf32, #tpu.memory_space<vmem>>
      tpu.enqueue_dma source(%dma_start3A_260 : memref<64x128xf32, #tpu.memory_space<vmem>>) target(%dma_start3A_256 : memref<64x128xf32, #tpu.memory_space<vmem_shared>>) target_semaphore(%run_scoped3A_248 : memref<!tpu.dma_semaphore, #tpu.memory_space<semaphore_mem>>)
      %dma_wait3A_261 = arith.constant 0 : i32
      %dma_wait3A_262 = arith.constant 0 : i32
      %dma_wait3A_263 = tpu.memref_slice %arg18[%run_scoped3A_41, %dma_wait3A_261, %dma_wait3A_262] : memref<2x64x128xf32, #tpu.memory_space<vmem>> -> memref<1x64x128xf32, #tpu.memory_space<vmem>>
      %dma_wait3A_264 = tpu.memref_squeeze %dma_wait3A_263 : memref<1x64x128xf32, #tpu.memory_space<vmem>> -> memref<64x128xf32, #tpu.memory_space<vmem>>
      %dma_wait3A_265 = arith.constant 0 : i32
      %dma_wait3A_266 = tpu.memref_slice %arg27[%add3A_40, %dma_wait3A_265] : memref<10240x128xf32, #tpu.memory_space<vmem_shared>> -> memref<64x128xf32, #tpu.memory_space<vmem_shared>>
      %dma_wait3A_267 = arith.constant 0 : i32
      %dma_wait3A_268 = tpu.memref_slice %arg27[%add3A_40, %dma_wait3A_267] : memref<10240x128xf32, #tpu.memory_space<vmem_shared>> -> memref<64x128xf32, #tpu.memory_space<vmem_shared>>
      %dma_wait3A_269 = arith.constant 0 : i32
      %dma_wait3A_270 = arith.constant 0 : i32
      %dma_wait3A_271 = tpu.memref_slice %arg18[%run_scoped3A_41, %dma_wait3A_269, %dma_wait3A_270] : memref<2x64x128xf32, #tpu.memory_space<vmem>> -> memref<1x64x128xf32, #tpu.memory_space<vmem>>
      %dma_wait3A_272 = tpu.memref_squeeze %dma_wait3A_271 : memref<1x64x128xf32, #tpu.memory_space<vmem>> -> memref<64x128xf32, #tpu.memory_space<vmem>>
      tpu.wait_dma2 semaphore(%run_scoped3A_248 : memref<!tpu.dma_semaphore, #tpu.memory_space<semaphore_mem>>) src(%dma_wait3A_272 : memref<64x128xf32, #tpu.memory_space<vmem>>) dst(%dma_wait3A_268 : memref<64x128xf32, #tpu.memory_space<vmem_shared>>)
      tpu.yield
    }) : () -> ()
    %add3A_42 = arith.constant 320 : i32
    %add3A_43 = arith.addi %mul3A_2, %add3A_42 : i32
    %run_scoped3A_44 = arith.constant 0 : i32
    "tpu.region"() ({
      %run_scoped3A_248 = tpu.sem_alloc : memref<!tpu.dma_semaphore, #tpu.memory_space<semaphore_mem>>
      %dma_start3A_249 = arith.constant 0 : i32
      %dma_start3A_250 = arith.constant 0 : i32
      %dma_start3A_251 = tpu.memref_slice %arg18[%run_scoped3A_44, %dma_start3A_249, %dma_start3A_250] : memref<2x64x128xf32, #tpu.memory_space<vmem>> -> memref<1x64x128xf32, #tpu.memory_space<vmem>>
      %dma_start3A_252 = tpu.memref_squeeze %dma_start3A_251 : memref<1x64x128xf32, #tpu.memory_space<vmem>> -> memref<64x128xf32, #tpu.memory_space<vmem>>
      %dma_start3A_253 = arith.constant 0 : i32
      %dma_start3A_254 = tpu.memref_slice %arg27[%add3A_43, %dma_start3A_253] : memref<10240x128xf32, #tpu.memory_space<vmem_shared>> -> memref<64x128xf32, #tpu.memory_space<vmem_shared>>
      %dma_start3A_255 = arith.constant 0 : i32
      %dma_start3A_256 = tpu.memref_slice %arg27[%add3A_43, %dma_start3A_255] : memref<10240x128xf32, #tpu.memory_space<vmem_shared>> -> memref<64x128xf32, #tpu.memory_space<vmem_shared>>
      %dma_start3A_257 = arith.constant 0 : i32
      %dma_start3A_258 = arith.constant 0 : i32
      %dma_start3A_259 = tpu.memref_slice %arg18[%run_scoped3A_44, %dma_start3A_257, %dma_start3A_258] : memref<2x64x128xf32, #tpu.memory_space<vmem>> -> memref<1x64x128xf32, #tpu.memory_space<vmem>>
      %dma_start3A_260 = tpu.memref_squeeze %dma_start3A_259 : memref<1x64x128xf32, #tpu.memory_space<vmem>> -> memref<64x128xf32, #tpu.memory_space<vmem>>
      tpu.enqueue_dma source(%dma_start3A_260 : memref<64x128xf32, #tpu.memory_space<vmem>>) target(%dma_start3A_256 : memref<64x128xf32, #tpu.memory_space<vmem_shared>>) target_semaphore(%run_scoped3A_248 : memref<!tpu.dma_semaphore, #tpu.memory_space<semaphore_mem>>)
      %dma_wait3A_261 = arith.constant 0 : i32
      %dma_wait3A_262 = arith.constant 0 : i32
      %dma_wait3A_263 = tpu.memref_slice %arg18[%run_scoped3A_44, %dma_wait3A_261, %dma_wait3A_262] : memref<2x64x128xf32, #tpu.memory_space<vmem>> -> memref<1x64x128xf32, #tpu.memory_space<vmem>>
      %dma_wait3A_264 = tpu.memref_squeeze %dma_wait3A_263 : memref<1x64x128xf32, #tpu.memory_space<vmem>> -> memref<64x128xf32, #tpu.memory_space<vmem>>
      %dma_wait3A_265 = arith.constant 0 : i32
      %dma_wait3A_266 = tpu.memref_slice %arg27[%add3A_43, %dma_wait3A_265] : memref<10240x128xf32, #tpu.memory_space<vmem_shared>> -> memref<64x128xf32, #tpu.memory_space<vmem_shared>>
      %dma_wait3A_267 = arith.constant 0 : i32
      %dma_wait3A_268 = tpu.memref_slice %arg27[%add3A_43, %dma_wait3A_267] : memref<10240x128xf32, #tpu.memory_space<vmem_shared>> -> memref<64x128xf32, #tpu.memory_space<vmem_shared>>
      %dma_wait3A_269 = arith.constant 0 : i32
      %dma_wait3A_270 = arith.constant 0 : i32
      %dma_wait3A_271 = tpu.memref_slice %arg18[%run_scoped3A_44, %dma_wait3A_269, %dma_wait3A_270] : memref<2x64x128xf32, #tpu.memory_space<vmem>> -> memref<1x64x128xf32, #tpu.memory_space<vmem>>
      %dma_wait3A_272 = tpu.memref_squeeze %dma_wait3A_271 : memref<1x64x128xf32, #tpu.memory_space<vmem>> -> memref<64x128xf32, #tpu.memory_space<vmem>>
      tpu.wait_dma2 semaphore(%run_scoped3A_248 : memref<!tpu.dma_semaphore, #tpu.memory_space<semaphore_mem>>) src(%dma_wait3A_272 : memref<64x128xf32, #tpu.memory_space<vmem>>) dst(%dma_wait3A_268 : memref<64x128xf32, #tpu.memory_space<vmem_shared>>)
      tpu.yield
    }) : () -> ()
    %add3A_45 = arith.constant 384 : i32
    %add3A_46 = arith.addi %mul3A_2, %add3A_45 : i32
    %run_scoped3A_47 = arith.constant 0 : i32
    "tpu.region"() ({
      %run_scoped3A_248 = tpu.sem_alloc : memref<!tpu.dma_semaphore, #tpu.memory_space<semaphore_mem>>
      %dma_start3A_249 = arith.constant 0 : i32
      %dma_start3A_250 = arith.constant 0 : i32
      %dma_start3A_251 = tpu.memref_slice %arg18[%run_scoped3A_47, %dma_start3A_249, %dma_start3A_250] : memref<2x64x128xf32, #tpu.memory_space<vmem>> -> memref<1x64x128xf32, #tpu.memory_space<vmem>>
      %dma_start3A_252 = tpu.memref_squeeze %dma_start3A_251 : memref<1x64x128xf32, #tpu.memory_space<vmem>> -> memref<64x128xf32, #tpu.memory_space<vmem>>
      %dma_start3A_253 = arith.constant 0 : i32
      %dma_start3A_254 = tpu.memref_slice %arg27[%add3A_46, %dma_start3A_253] : memref<10240x128xf32, #tpu.memory_space<vmem_shared>> -> memref<64x128xf32, #tpu.memory_space<vmem_shared>>
      %dma_start3A_255 = arith.constant 0 : i32
      %dma_start3A_256 = tpu.memref_slice %arg27[%add3A_46, %dma_start3A_255] : memref<10240x128xf32, #tpu.memory_space<vmem_shared>> -> memref<64x128xf32, #tpu.memory_space<vmem_shared>>
      %dma_start3A_257 = arith.constant 0 : i32
      %dma_start3A_258 = arith.constant 0 : i32
      %dma_start3A_259 = tpu.memref_slice %arg18[%run_scoped3A_47, %dma_start3A_257, %dma_start3A_258] : memref<2x64x128xf32, #tpu.memory_space<vmem>> -> memref<1x64x128xf32, #tpu.memory_space<vmem>>
      %dma_start3A_260 = tpu.memref_squeeze %dma_start3A_259 : memref<1x64x128xf32, #tpu.memory_space<vmem>> -> memref<64x128xf32, #tpu.memory_space<vmem>>
      tpu.enqueue_dma source(%dma_start3A_260 : memref<64x128xf32, #tpu.memory_space<vmem>>) target(%dma_start3A_256 : memref<64x128xf32, #tpu.memory_space<vmem_shared>>) target_semaphore(%run_scoped3A_248 : memref<!tpu.dma_semaphore, #tpu.memory_space<semaphore_mem>>)
      %dma_wait3A_261 = arith.constant 0 : i32
      %dma_wait3A_262 = arith.constant 0 : i32
      %dma_wait3A_263 = tpu.memref_slice %arg18[%run_scoped3A_47, %dma_wait3A_261, %dma_wait3A_262] : memref<2x64x128xf32, #tpu.memory_space<vmem>> -> memref<1x64x128xf32, #tpu.memory_space<vmem>>
      %dma_wait3A_264 = tpu.memref_squeeze %dma_wait3A_263 : memref<1x64x128xf32, #tpu.memory_space<vmem>> -> memref<64x128xf32, #tpu.memory_space<vmem>>
      %dma_wait3A_265 = arith.constant 0 : i32
      %dma_wait3A_266 = tpu.memref_slice %arg27[%add3A_46, %dma_wait3A_265] : memref<10240x128xf32, #tpu.memory_space<vmem_shared>> -> memref<64x128xf32, #tpu.memory_space<vmem_shared>>
      %dma_wait3A_267 = arith.constant 0 : i32
      %dma_wait3A_268 = tpu.memref_slice %arg27[%add3A_46, %dma_wait3A_267] : memref<10240x128xf32, #tpu.memory_space<vmem_shared>> -> memref<64x128xf32, #tpu.memory_space<vmem_shared>>
      %dma_wait3A_269 = arith.constant 0 : i32
      %dma_wait3A_270 = arith.constant 0 : i32
      %dma_wait3A_271 = tpu.memref_slice %arg18[%run_scoped3A_47, %dma_wait3A_269, %dma_wait3A_270] : memref<2x64x128xf32, #tpu.memory_space<vmem>> -> memref<1x64x128xf32, #tpu.memory_space<vmem>>
      %dma_wait3A_272 = tpu.memref_squeeze %dma_wait3A_271 : memref<1x64x128xf32, #tpu.memory_space<vmem>> -> memref<64x128xf32, #tpu.memory_space<vmem>>
      tpu.wait_dma2 semaphore(%run_scoped3A_248 : memref<!tpu.dma_semaphore, #tpu.memory_space<semaphore_mem>>) src(%dma_wait3A_272 : memref<64x128xf32, #tpu.memory_space<vmem>>) dst(%dma_wait3A_268 : memref<64x128xf32, #tpu.memory_space<vmem_shared>>)
      tpu.yield
    }) : () -> ()
    %add3A_48 = arith.constant 448 : i32
    %add3A_49 = arith.addi %mul3A_2, %add3A_48 : i32
    %run_scoped3A_50 = arith.constant 0 : i32
    "tpu.region"() ({
      %run_scoped3A_248 = tpu.sem_alloc : memref<!tpu.dma_semaphore, #tpu.memory_space<semaphore_mem>>
      %dma_start3A_249 = arith.constant 0 : i32
      %dma_start3A_250 = arith.constant 0 : i32
      %dma_start3A_251 = tpu.memref_slice %arg18[%run_scoped3A_50, %dma_start3A_249, %dma_start3A_250] : memref<2x64x128xf32, #tpu.memory_space<vmem>> -> memref<1x64x128xf32, #tpu.memory_space<vmem>>
      %dma_start3A_252 = tpu.memref_squeeze %dma_start3A_251 : memref<1x64x128xf32, #tpu.memory_space<vmem>> -> memref<64x128xf32, #tpu.memory_space<vmem>>
      %dma_start3A_253 = arith.constant 0 : i32
      %dma_start3A_254 = tpu.memref_slice %arg27[%add3A_49, %dma_start3A_253] : memref<10240x128xf32, #tpu.memory_space<vmem_shared>> -> memref<64x128xf32, #tpu.memory_space<vmem_shared>>
      %dma_start3A_255 = arith.constant 0 : i32
      %dma_start3A_256 = tpu.memref_slice %arg27[%add3A_49, %dma_start3A_255] : memref<10240x128xf32, #tpu.memory_space<vmem_shared>> -> memref<64x128xf32, #tpu.memory_space<vmem_shared>>
      %dma_start3A_257 = arith.constant 0 : i32
      %dma_start3A_258 = arith.constant 0 : i32
      %dma_start3A_259 = tpu.memref_slice %arg18[%run_scoped3A_50, %dma_start3A_257, %dma_start3A_258] : memref<2x64x128xf32, #tpu.memory_space<vmem>> -> memref<1x64x128xf32, #tpu.memory_space<vmem>>
      %dma_start3A_260 = tpu.memref_squeeze %dma_start3A_259 : memref<1x64x128xf32, #tpu.memory_space<vmem>> -> memref<64x128xf32, #tpu.memory_space<vmem>>
      tpu.enqueue_dma source(%dma_start3A_260 : memref<64x128xf32, #tpu.memory_space<vmem>>) target(%dma_start3A_256 : memref<64x128xf32, #tpu.memory_space<vmem_shared>>) target_semaphore(%run_scoped3A_248 : memref<!tpu.dma_semaphore, #tpu.memory_space<semaphore_mem>>)
      %dma_wait3A_261 = arith.constant 0 : i32
      %dma_wait3A_262 = arith.constant 0 : i32
      %dma_wait3A_263 = tpu.memref_slice %arg18[%run_scoped3A_50, %dma_wait3A_261, %dma_wait3A_262] : memref<2x64x128xf32, #tpu.memory_space<vmem>> -> memref<1x64x128xf32, #tpu.memory_space<vmem>>
      %dma_wait3A_264 = tpu.memref_squeeze %dma_wait3A_263 : memref<1x64x128xf32, #tpu.memory_space<vmem>> -> memref<64x128xf32, #tpu.memory_space<vmem>>
      %dma_wait3A_265 = arith.constant 0 : i32
      %dma_wait3A_266 = tpu.memref_slice %arg27[%add3A_49, %dma_wait3A_265] : memref<10240x128xf32, #tpu.memory_space<vmem_shared>> -> memref<64x128xf32, #tpu.memory_space<vmem_shared>>
      %dma_wait3A_267 = arith.constant 0 : i32
      %dma_wait3A_268 = tpu.memref_slice %arg27[%add3A_49, %dma_wait3A_267] : memref<10240x128xf32, #tpu.memory_space<vmem_shared>> -> memref<64x128xf32, #tpu.memory_space<vmem_shared>>
      %dma_wait3A_269 = arith.constant 0 : i32
      %dma_wait3A_270 = arith.constant 0 : i32
      %dma_wait3A_271 = tpu.memref_slice %arg18[%run_scoped3A_50, %dma_wait3A_269, %dma_wait3A_270] : memref<2x64x128xf32, #tpu.memory_space<vmem>> -> memref<1x64x128xf32, #tpu.memory_space<vmem>>
      %dma_wait3A_272 = tpu.memref_squeeze %dma_wait3A_271 : memref<1x64x128xf32, #tpu.memory_space<vmem>> -> memref<64x128xf32, #tpu.memory_space<vmem>>
      tpu.wait_dma2 semaphore(%run_scoped3A_248 : memref<!tpu.dma_semaphore, #tpu.memory_space<semaphore_mem>>) src(%dma_wait3A_272 : memref<64x128xf32, #tpu.memory_space<vmem>>) dst(%dma_wait3A_268 : memref<64x128xf32, #tpu.memory_space<vmem_shared>>)
      tpu.yield
    }) : () -> ()
    %add3A_51 = arith.constant 512 : i32
    %add3A_52 = arith.addi %mul3A_2, %add3A_51 : i32
    %run_scoped3A_53 = arith.constant 0 : i32
    "tpu.region"() ({
      %run_scoped3A_248 = tpu.sem_alloc : memref<!tpu.dma_semaphore, #tpu.memory_space<semaphore_mem>>
      %dma_start3A_249 = arith.constant 0 : i32
      %dma_start3A_250 = arith.constant 0 : i32
      %dma_start3A_251 = tpu.memref_slice %arg18[%run_scoped3A_53, %dma_start3A_249, %dma_start3A_250] : memref<2x64x128xf32, #tpu.memory_space<vmem>> -> memref<1x64x128xf32, #tpu.memory_space<vmem>>
      %dma_start3A_252 = tpu.memref_squeeze %dma_start3A_251 : memref<1x64x128xf32, #tpu.memory_space<vmem>> -> memref<64x128xf32, #tpu.memory_space<vmem>>
      %dma_start3A_253 = arith.constant 0 : i32
      %dma_start3A_254 = tpu.memref_slice %arg27[%add3A_52, %dma_start3A_253] : memref<10240x128xf32, #tpu.memory_space<vmem_shared>> -> memref<64x128xf32, #tpu.memory_space<vmem_shared>>
      %dma_start3A_255 = arith.constant 0 : i32
      %dma_start3A_256 = tpu.memref_slice %arg27[%add3A_52, %dma_start3A_255] : memref<10240x128xf32, #tpu.memory_space<vmem_shared>> -> memref<64x128xf32, #tpu.memory_space<vmem_shared>>
      %dma_start3A_257 = arith.constant 0 : i32
      %dma_start3A_258 = arith.constant 0 : i32
      %dma_start3A_259 = tpu.memref_slice %arg18[%run_scoped3A_53, %dma_start3A_257, %dma_start3A_258] : memref<2x64x128xf32, #tpu.memory_space<vmem>> -> memref<1x64x128xf32, #tpu.memory_space<vmem>>
      %dma_start3A_260 = tpu.memref_squeeze %dma_start3A_259 : memref<1x64x128xf32, #tpu.memory_space<vmem>> -> memref<64x128xf32, #tpu.memory_space<vmem>>
      tpu.enqueue_dma source(%dma_start3A_260 : memref<64x128xf32, #tpu.memory_space<vmem>>) target(%dma_start3A_256 : memref<64x128xf32, #tpu.memory_space<vmem_shared>>) target_semaphore(%run_scoped3A_248 : memref<!tpu.dma_semaphore, #tpu.memory_space<semaphore_mem>>)
      %dma_wait3A_261 = arith.constant 0 : i32
      %dma_wait3A_262 = arith.constant 0 : i32
      %dma_wait3A_263 = tpu.memref_slice %arg18[%run_scoped3A_53, %dma_wait3A_261, %dma_wait3A_262] : memref<2x64x128xf32, #tpu.memory_space<vmem>> -> memref<1x64x128xf32, #tpu.memory_space<vmem>>
      %dma_wait3A_264 = tpu.memref_squeeze %dma_wait3A_263 : memref<1x64x128xf32, #tpu.memory_space<vmem>> -> memref<64x128xf32, #tpu.memory_space<vmem>>
      %dma_wait3A_265 = arith.constant 0 : i32
      %dma_wait3A_266 = tpu.memref_slice %arg27[%add3A_52, %dma_wait3A_265] : memref<10240x128xf32, #tpu.memory_space<vmem_shared>> -> memref<64x128xf32, #tpu.memory_space<vmem_shared>>
      %dma_wait3A_267 = arith.constant 0 : i32
      %dma_wait3A_268 = tpu.memref_slice %arg27[%add3A_52, %dma_wait3A_267] : memref<10240x128xf32, #tpu.memory_space<vmem_shared>> -> memref<64x128xf32, #tpu.memory_space<vmem_shared>>
      %dma_wait3A_269 = arith.constant 0 : i32
      %dma_wait3A_270 = arith.constant 0 : i32
      %dma_wait3A_271 = tpu.memref_slice %arg18[%run_scoped3A_53, %dma_wait3A_269, %dma_wait3A_270] : memref<2x64x128xf32, #tpu.memory_space<vmem>> -> memref<1x64x128xf32, #tpu.memory_space<vmem>>
      %dma_wait3A_272 = tpu.memref_squeeze %dma_wait3A_271 : memref<1x64x128xf32, #tpu.memory_space<vmem>> -> memref<64x128xf32, #tpu.memory_space<vmem>>
      tpu.wait_dma2 semaphore(%run_scoped3A_248 : memref<!tpu.dma_semaphore, #tpu.memory_space<semaphore_mem>>) src(%dma_wait3A_272 : memref<64x128xf32, #tpu.memory_space<vmem>>) dst(%dma_wait3A_268 : memref<64x128xf32, #tpu.memory_space<vmem_shared>>)
      tpu.yield
    }) : () -> ()
    %add3A_54 = arith.constant 576 : i32
    %add3A_55 = arith.addi %mul3A_2, %add3A_54 : i32
    %run_scoped3A_56 = arith.constant 0 : i32
    "tpu.region"() ({
      %run_scoped3A_248 = tpu.sem_alloc : memref<!tpu.dma_semaphore, #tpu.memory_space<semaphore_mem>>
      %dma_start3A_249 = arith.constant 0 : i32
      %dma_start3A_250 = arith.constant 0 : i32
      %dma_start3A_251 = tpu.memref_slice %arg18[%run_scoped3A_56, %dma_start3A_249, %dma_start3A_250] : memref<2x64x128xf32, #tpu.memory_space<vmem>> -> memref<1x64x128xf32, #tpu.memory_space<vmem>>
      %dma_start3A_252 = tpu.memref_squeeze %dma_start3A_251 : memref<1x64x128xf32, #tpu.memory_space<vmem>> -> memref<64x128xf32, #tpu.memory_space<vmem>>
      %dma_start3A_253 = arith.constant 0 : i32
      %dma_start3A_254 = tpu.memref_slice %arg27[%add3A_55, %dma_start3A_253] : memref<10240x128xf32, #tpu.memory_space<vmem_shared>> -> memref<64x128xf32, #tpu.memory_space<vmem_shared>>
      %dma_start3A_255 = arith.constant 0 : i32
      %dma_start3A_256 = tpu.memref_slice %arg27[%add3A_55, %dma_start3A_255] : memref<10240x128xf32, #tpu.memory_space<vmem_shared>> -> memref<64x128xf32, #tpu.memory_space<vmem_shared>>
      %dma_start3A_257 = arith.constant 0 : i32
      %dma_start3A_258 = arith.constant 0 : i32
      %dma_start3A_259 = tpu.memref_slice %arg18[%run_scoped3A_56, %dma_start3A_257, %dma_start3A_258] : memref<2x64x128xf32, #tpu.memory_space<vmem>> -> memref<1x64x128xf32, #tpu.memory_space<vmem>>
      %dma_start3A_260 = tpu.memref_squeeze %dma_start3A_259 : memref<1x64x128xf32, #tpu.memory_space<vmem>> -> memref<64x128xf32, #tpu.memory_space<vmem>>
      tpu.enqueue_dma source(%dma_start3A_260 : memref<64x128xf32, #tpu.memory_space<vmem>>) target(%dma_start3A_256 : memref<64x128xf32, #tpu.memory_space<vmem_shared>>) target_semaphore(%run_scoped3A_248 : memref<!tpu.dma_semaphore, #tpu.memory_space<semaphore_mem>>)
      %dma_wait3A_261 = arith.constant 0 : i32
      %dma_wait3A_262 = arith.constant 0 : i32
      %dma_wait3A_263 = tpu.memref_slice %arg18[%run_scoped3A_56, %dma_wait3A_261, %dma_wait3A_262] : memref<2x64x128xf32, #tpu.memory_space<vmem>> -> memref<1x64x128xf32, #tpu.memory_space<vmem>>
      %dma_wait3A_264 = tpu.memref_squeeze %dma_wait3A_263 : memref<1x64x128xf32, #tpu.memory_space<vmem>> -> memref<64x128xf32, #tpu.memory_space<vmem>>
      %dma_wait3A_265 = arith.constant 0 : i32
      %dma_wait3A_266 = tpu.memref_slice %arg27[%add3A_55, %dma_wait3A_265] : memref<10240x128xf32, #tpu.memory_space<vmem_shared>> -> memref<64x128xf32, #tpu.memory_space<vmem_shared>>
      %dma_wait3A_267 = arith.constant 0 : i32
      %dma_wait3A_268 = tpu.memref_slice %arg27[%add3A_55, %dma_wait3A_267] : memref<10240x128xf32, #tpu.memory_space<vmem_shared>> -> memref<64x128xf32, #tpu.memory_space<vmem_shared>>
      %dma_wait3A_269 = arith.constant 0 : i32
      %dma_wait3A_270 = arith.constant 0 : i32
      %dma_wait3A_271 = tpu.memref_slice %arg18[%run_scoped3A_56, %dma_wait3A_269, %dma_wait3A_270] : memref<2x64x128xf32, #tpu.memory_space<vmem>> -> memref<1x64x128xf32, #tpu.memory_space<vmem>>
      %dma_wait3A_272 = tpu.memref_squeeze %dma_wait3A_271 : memref<1x64x128xf32, #tpu.memory_space<vmem>> -> memref<64x128xf32, #tpu.memory_space<vmem>>
      tpu.wait_dma2 semaphore(%run_scoped3A_248 : memref<!tpu.dma_semaphore, #tpu.memory_space<semaphore_mem>>) src(%dma_wait3A_272 : memref<64x128xf32, #tpu.memory_space<vmem>>) dst(%dma_wait3A_268 : memref<64x128xf32, #tpu.memory_space<vmem_shared>>)
      tpu.yield
    }) : () -> ()
    "tpu.region"() ({
      %run_scoped3A_248 = tpu.sem_alloc : memref<!tpu.dma_semaphore, #tpu.memory_space<semaphore_mem>>
      %dma_start3A_249 = tpu.memref_slice %arg28[%mul3A_2] : memref<10240xf32, #tpu.memory_space<vmem_shared>> -> memref<640xf32, #tpu.memory_space<vmem_shared>>
      tpu.enqueue_dma source(%arg7 : memref<640xf32, #tpu.memory_space<hbm>>) target(%dma_start3A_249 : memref<640xf32, #tpu.memory_space<vmem_shared>>) target_semaphore(%run_scoped3A_248 : memref<!tpu.dma_semaphore, #tpu.memory_space<semaphore_mem>>)
      %dma_wait3A_250 = tpu.memref_slice %arg28[%mul3A_2] : memref<10240xf32, #tpu.memory_space<vmem_shared>> -> memref<640xf32, #tpu.memory_space<vmem_shared>>
      tpu.wait_dma2 semaphore(%run_scoped3A_248 : memref<!tpu.dma_semaphore, #tpu.memory_space<semaphore_mem>>) src(%arg7 : memref<640xf32, #tpu.memory_space<hbm>>) dst(%dma_wait3A_250 : memref<640xf32, #tpu.memory_space<vmem_shared>>)
      tpu.yield
    }) : () -> ()
    "tpu.region"() ({
      %run_scoped3A_248 = tpu.sem_alloc : memref<!tpu.dma_semaphore, #tpu.memory_space<semaphore_mem>>
      %dma_start3A_249 = tpu.memref_slice %arg29[%mul3A_2] : memref<10240xf32, #tpu.memory_space<vmem_shared>> -> memref<640xf32, #tpu.memory_space<vmem_shared>>
      tpu.enqueue_dma source(%arg7 : memref<640xf32, #tpu.memory_space<hbm>>) target(%dma_start3A_249 : memref<640xf32, #tpu.memory_space<vmem_shared>>) target_semaphore(%run_scoped3A_248 : memref<!tpu.dma_semaphore, #tpu.memory_space<semaphore_mem>>)
      %dma_wait3A_250 = tpu.memref_slice %arg29[%mul3A_2] : memref<10240xf32, #tpu.memory_space<vmem_shared>> -> memref<640xf32, #tpu.memory_space<vmem_shared>>
      tpu.wait_dma2 semaphore(%run_scoped3A_248 : memref<!tpu.dma_semaphore, #tpu.memory_space<semaphore_mem>>) src(%arg7 : memref<640xf32, #tpu.memory_space<hbm>>) dst(%dma_wait3A_250 : memref<640xf32, #tpu.memory_space<vmem_shared>>)
      tpu.yield
    }) : () -> ()
    "tpu.region"() ({
      %run_scoped3A_248 = tpu.sem_alloc : memref<!tpu.dma_semaphore, #tpu.memory_space<semaphore_mem>>
      %dma_start3A_249 = tpu.memref_slice %arg30[%mul3A_2] : memref<10240xf32, #tpu.memory_space<vmem_shared>> -> memref<640xf32, #tpu.memory_space<vmem_shared>>
      tpu.enqueue_dma source(%arg7 : memref<640xf32, #tpu.memory_space<hbm>>) target(%dma_start3A_249 : memref<640xf32, #tpu.memory_space<vmem_shared>>) target_semaphore(%run_scoped3A_248 : memref<!tpu.dma_semaphore, #tpu.memory_space<semaphore_mem>>)
      %dma_wait3A_250 = tpu.memref_slice %arg30[%mul3A_2] : memref<10240xf32, #tpu.memory_space<vmem_shared>> -> memref<640xf32, #tpu.memory_space<vmem_shared>>
      tpu.wait_dma2 semaphore(%run_scoped3A_248 : memref<!tpu.dma_semaphore, #tpu.memory_space<semaphore_mem>>) src(%arg7 : memref<640xf32, #tpu.memory_space<hbm>>) dst(%dma_wait3A_250 : memref<640xf32, #tpu.memory_space<vmem_shared>>)
      tpu.yield
    }) : () -> ()
    %barrier3A = arith.constant 0 : index
    tpu.barrier barrier_id(%barrier3A)
    %dma_start3A = arith.constant 0 : i32
    %dma_start3A_57 = arith.constant 0 : i32
    %dma_start3A_58 = arith.constant 0 : i32
    %dma_start3A_59 = arith.constant 0 : i32
    %dma_start3A_60 = tpu.memref_slice %arg12[%dma_start3A_57, %dma_start3A_58, %dma_start3A_59] : memref<2x2x64xi32, #tpu.memory_space<vmem>> -> memref<1x2x64xi32, #tpu.memory_space<vmem>>
    %dma_start3A_61 = tpu.memref_squeeze %dma_start3A_60 : memref<1x2x64xi32, #tpu.memory_space<vmem>> -> memref<2x64xi32, #tpu.memory_space<vmem>>
    %dma_start3A_62 = arith.constant 0 : i32
    %dma_start3A_63 = arith.constant 0 : i32
    %dma_start3A_64 = tpu.memref_slice %arg3[%add3A, %dma_start3A, %dma_start3A_62, %dma_start3A_63] : memref<32x158x2x64xi32, #tpu.memory_space<hbm>> -> memref<1x1x2x64xi32, #tpu.memory_space<hbm>>
    %dma_start3A_65 = tpu.memref_squeeze %dma_start3A_64 : memref<1x1x2x64xi32, #tpu.memory_space<hbm>> -> memref<2x64xi32, #tpu.memory_space<hbm>>
    %dma_start3A_66 = arith.constant 0 : i32
    %dma_start3A_67 = arith.constant 0 : i32
    %dma_start3A_68 = tpu.memref_slice %arg12[%dma_start3A_57, %dma_start3A_66, %dma_start3A_67] : memref<2x2x64xi32, #tpu.memory_space<vmem>> -> memref<1x2x64xi32, #tpu.memory_space<vmem>>
    %dma_start3A_69 = tpu.memref_squeeze %dma_start3A_68 : memref<1x2x64xi32, #tpu.memory_space<vmem>> -> memref<2x64xi32, #tpu.memory_space<vmem>>
    %dma_start3A_70 = arith.constant 0 : i32
    %dma_start3A_71 = arith.constant 0 : i32
    %dma_start3A_72 = tpu.memref_slice %arg3[%add3A, %dma_start3A, %dma_start3A_70, %dma_start3A_71] : memref<32x158x2x64xi32, #tpu.memory_space<hbm>> -> memref<1x1x2x64xi32, #tpu.memory_space<hbm>>
    %dma_start3A_73 = tpu.memref_squeeze %dma_start3A_72 : memref<1x1x2x64xi32, #tpu.memory_space<hbm>> -> memref<2x64xi32, #tpu.memory_space<hbm>>
    tpu.enqueue_dma source(%dma_start3A_73 : memref<2x64xi32, #tpu.memory_space<hbm>>) target(%dma_start3A_69 : memref<2x64xi32, #tpu.memory_space<vmem>>) target_semaphore(%arg21 : memref<!tpu.dma_semaphore, #tpu.memory_space<semaphore_mem>>)
    %dma_start3A_74 = arith.constant 0 : i32
    %dma_start3A_75 = arith.constant 0 : i32
    %dma_start3A_76 = arith.constant 0 : i32
    %dma_start3A_77 = tpu.memref_slice %arg13[%dma_start3A_75, %dma_start3A_76] : memref<2x64xf32, #tpu.memory_space<vmem>> -> memref<1x64xf32, #tpu.memory_space<vmem>>
    %dma_start3A_78 = tpu.memref_squeeze %dma_start3A_77 : memref<1x64xf32, #tpu.memory_space<vmem>> -> memref<64xf32, #tpu.memory_space<vmem>>
    %dma_start3A_79 = arith.constant 0 : i32
    %dma_start3A_80 = tpu.memref_slice %arg4[%add3A, %dma_start3A_74, %dma_start3A_79] : memref<32x158x64xf32, #tpu.memory_space<hbm>> -> memref<1x1x64xf32, #tpu.memory_space<hbm>>
    %dma_start3A_81 = tpu.memref_squeeze %dma_start3A_80 : memref<1x1x64xf32, #tpu.memory_space<hbm>> -> memref<64xf32, #tpu.memory_space<hbm>>
    %dma_start3A_82 = arith.constant 0 : i32
    %dma_start3A_83 = tpu.memref_slice %arg13[%dma_start3A_75, %dma_start3A_82] : memref<2x64xf32, #tpu.memory_space<vmem>> -> memref<1x64xf32, #tpu.memory_space<vmem>>
    %dma_start3A_84 = tpu.memref_squeeze %dma_start3A_83 : memref<1x64xf32, #tpu.memory_space<vmem>> -> memref<64xf32, #tpu.memory_space<vmem>>
    %dma_start3A_85 = arith.constant 0 : i32
    %dma_start3A_86 = tpu.memref_slice %arg4[%add3A, %dma_start3A_74, %dma_start3A_85] : memref<32x158x64xf32, #tpu.memory_space<hbm>> -> memref<1x1x64xf32, #tpu.memory_space<hbm>>
    %dma_start3A_87 = tpu.memref_squeeze %dma_start3A_86 : memref<1x1x64xf32, #tpu.memory_space<hbm>> -> memref<64xf32, #tpu.memory_space<hbm>>
    tpu.enqueue_dma source(%dma_start3A_87 : memref<64xf32, #tpu.memory_space<hbm>>) target(%dma_start3A_84 : memref<64xf32, #tpu.memory_space<vmem>>) target_semaphore(%arg21 : memref<!tpu.dma_semaphore, #tpu.memory_space<semaphore_mem>>)
    %dma_start3A_88 = arith.constant 1 : i32
    %dma_start3A_89 = arith.constant 1 : i32
    %dma_start3A_90 = arith.constant 0 : i32
    %dma_start3A_91 = arith.constant 0 : i32
    %dma_start3A_92 = tpu.memref_slice %arg12[%dma_start3A_89, %dma_start3A_90, %dma_start3A_91] : memref<2x2x64xi32, #tpu.memory_space<vmem>> -> memref<1x2x64xi32, #tpu.memory_space<vmem>>
    %dma_start3A_93 = tpu.memref_squeeze %dma_start3A_92 : memref<1x2x64xi32, #tpu.memory_space<vmem>> -> memref<2x64xi32, #tpu.memory_space<vmem>>
    %dma_start3A_94 = arith.constant 0 : i32
    %dma_start3A_95 = arith.constant 0 : i32
    %dma_start3A_96 = tpu.memref_slice %arg3[%add3A, %dma_start3A_88, %dma_start3A_94, %dma_start3A_95] : memref<32x158x2x64xi32, #tpu.memory_space<hbm>> -> memref<1x1x2x64xi32, #tpu.memory_space<hbm>>
    %dma_start3A_97 = tpu.memref_squeeze %dma_start3A_96 : memref<1x1x2x64xi32, #tpu.memory_space<hbm>> -> memref<2x64xi32, #tpu.memory_space<hbm>>
    %dma_start3A_98 = arith.constant 0 : i32
    %dma_start3A_99 = arith.constant 0 : i32
    %dma_start3A_100 = tpu.memref_slice %arg12[%dma_start3A_89, %dma_start3A_98, %dma_start3A_99] : memref<2x2x64xi32, #tpu.memory_space<vmem>> -> memref<1x2x64xi32, #tpu.memory_space<vmem>>
    %dma_start3A_101 = tpu.memref_squeeze %dma_start3A_100 : memref<1x2x64xi32, #tpu.memory_space<vmem>> -> memref<2x64xi32, #tpu.memory_space<vmem>>
    %dma_start3A_102 = arith.constant 0 : i32
    %dma_start3A_103 = arith.constant 0 : i32
    %dma_start3A_104 = tpu.memref_slice %arg3[%add3A, %dma_start3A_88, %dma_start3A_102, %dma_start3A_103] : memref<32x158x2x64xi32, #tpu.memory_space<hbm>> -> memref<1x1x2x64xi32, #tpu.memory_space<hbm>>
    %dma_start3A_105 = tpu.memref_squeeze %dma_start3A_104 : memref<1x1x2x64xi32, #tpu.memory_space<hbm>> -> memref<2x64xi32, #tpu.memory_space<hbm>>
    tpu.enqueue_dma source(%dma_start3A_105 : memref<2x64xi32, #tpu.memory_space<hbm>>) target(%dma_start3A_101 : memref<2x64xi32, #tpu.memory_space<vmem>>) target_semaphore(%arg22 : memref<!tpu.dma_semaphore, #tpu.memory_space<semaphore_mem>>)
    %dma_start3A_106 = arith.constant 1 : i32
    %dma_start3A_107 = arith.constant 1 : i32
    %dma_start3A_108 = arith.constant 0 : i32
    %dma_start3A_109 = tpu.memref_slice %arg13[%dma_start3A_107, %dma_start3A_108] : memref<2x64xf32, #tpu.memory_space<vmem>> -> memref<1x64xf32, #tpu.memory_space<vmem>>
    %dma_start3A_110 = tpu.memref_squeeze %dma_start3A_109 : memref<1x64xf32, #tpu.memory_space<vmem>> -> memref<64xf32, #tpu.memory_space<vmem>>
    %dma_start3A_111 = arith.constant 0 : i32
    %dma_start3A_112 = tpu.memref_slice %arg4[%add3A, %dma_start3A_106, %dma_start3A_111] : memref<32x158x64xf32, #tpu.memory_space<hbm>> -> memref<1x1x64xf32, #tpu.memory_space<hbm>>
    %dma_start3A_113 = tpu.memref_squeeze %dma_start3A_112 : memref<1x1x64xf32, #tpu.memory_space<hbm>> -> memref<64xf32, #tpu.memory_space<hbm>>
    %dma_start3A_114 = arith.constant 0 : i32
    %dma_start3A_115 = tpu.memref_slice %arg13[%dma_start3A_107, %dma_start3A_114] : memref<2x64xf32, #tpu.memory_space<vmem>> -> memref<1x64xf32, #tpu.memory_space<vmem>>
    %dma_start3A_116 = tpu.memref_squeeze %dma_start3A_115 : memref<1x64xf32, #tpu.memory_space<vmem>> -> memref<64xf32, #tpu.memory_space<vmem>>
    %dma_start3A_117 = arith.constant 0 : i32
    %dma_start3A_118 = tpu.memref_slice %arg4[%add3A, %dma_start3A_106, %dma_start3A_117] : memref<32x158x64xf32, #tpu.memory_space<hbm>> -> memref<1x1x64xf32, #tpu.memory_space<hbm>>
    %dma_start3A_119 = tpu.memref_squeeze %dma_start3A_118 : memref<1x1x64xf32, #tpu.memory_space<hbm>> -> memref<64xf32, #tpu.memory_space<hbm>>
    tpu.enqueue_dma source(%dma_start3A_119 : memref<64xf32, #tpu.memory_space<hbm>>) target(%dma_start3A_116 : memref<64xf32, #tpu.memory_space<vmem>>) target_semaphore(%arg22 : memref<!tpu.dma_semaphore, #tpu.memory_space<semaphore_mem>>)
    %dma_wait3A = arith.constant 0 : i32
    %dma_wait3A_120 = arith.constant 0 : i32
    %dma_wait3A_121 = arith.constant 0 : i32
    %dma_wait3A_122 = arith.constant 0 : i32
    %dma_wait3A_123 = tpu.memref_slice %arg12[%dma_wait3A_120, %dma_wait3A_121, %dma_wait3A_122] : memref<2x2x64xi32, #tpu.memory_space<vmem>> -> memref<1x2x64xi32, #tpu.memory_space<vmem>>
    %dma_wait3A_124 = tpu.memref_squeeze %dma_wait3A_123 : memref<1x2x64xi32, #tpu.memory_space<vmem>> -> memref<2x64xi32, #tpu.memory_space<vmem>>
    %dma_wait3A_125 = arith.constant 0 : i32
    %dma_wait3A_126 = arith.constant 0 : i32
    %dma_wait3A_127 = tpu.memref_slice %arg3[%add3A, %dma_wait3A, %dma_wait3A_125, %dma_wait3A_126] : memref<32x158x2x64xi32, #tpu.memory_space<hbm>> -> memref<1x1x2x64xi32, #tpu.memory_space<hbm>>
    %dma_wait3A_128 = tpu.memref_squeeze %dma_wait3A_127 : memref<1x1x2x64xi32, #tpu.memory_space<hbm>> -> memref<2x64xi32, #tpu.memory_space<hbm>>
    %dma_wait3A_129 = arith.constant 0 : i32
    %dma_wait3A_130 = arith.constant 0 : i32
    %dma_wait3A_131 = tpu.memref_slice %arg12[%dma_wait3A_120, %dma_wait3A_129, %dma_wait3A_130] : memref<2x2x64xi32, #tpu.memory_space<vmem>> -> memref<1x2x64xi32, #tpu.memory_space<vmem>>
    %dma_wait3A_132 = tpu.memref_squeeze %dma_wait3A_131 : memref<1x2x64xi32, #tpu.memory_space<vmem>> -> memref<2x64xi32, #tpu.memory_space<vmem>>
    %dma_wait3A_133 = arith.constant 0 : i32
    %dma_wait3A_134 = arith.constant 0 : i32
    %dma_wait3A_135 = tpu.memref_slice %arg3[%add3A, %dma_wait3A, %dma_wait3A_133, %dma_wait3A_134] : memref<32x158x2x64xi32, #tpu.memory_space<hbm>> -> memref<1x1x2x64xi32, #tpu.memory_space<hbm>>
    %dma_wait3A_136 = tpu.memref_squeeze %dma_wait3A_135 : memref<1x1x2x64xi32, #tpu.memory_space<hbm>> -> memref<2x64xi32, #tpu.memory_space<hbm>>
    tpu.wait_dma2 semaphore(%arg21 : memref<!tpu.dma_semaphore, #tpu.memory_space<semaphore_mem>>) src(%dma_wait3A_136 : memref<2x64xi32, #tpu.memory_space<hbm>>) dst(%dma_wait3A_132 : memref<2x64xi32, #tpu.memory_space<vmem>>)
    %dma_wait3A_137 = arith.constant 0 : i32
    %dma_wait3A_138 = arith.constant 0 : i32
    %dma_wait3A_139 = arith.constant 0 : i32
    %dma_wait3A_140 = tpu.memref_slice %arg13[%dma_wait3A_138, %dma_wait3A_139] : memref<2x64xf32, #tpu.memory_space<vmem>> -> memref<1x64xf32, #tpu.memory_space<vmem>>
    %dma_wait3A_141 = tpu.memref_squeeze %dma_wait3A_140 : memref<1x64xf32, #tpu.memory_space<vmem>> -> memref<64xf32, #tpu.memory_space<vmem>>
    %dma_wait3A_142 = arith.constant 0 : i32
    %dma_wait3A_143 = tpu.memref_slice %arg4[%add3A, %dma_wait3A_137, %dma_wait3A_142] : memref<32x158x64xf32, #tpu.memory_space<hbm>> -> memref<1x1x64xf32, #tpu.memory_space<hbm>>
    %dma_wait3A_144 = tpu.memref_squeeze %dma_wait3A_143 : memref<1x1x64xf32, #tpu.memory_space<hbm>> -> memref<64xf32, #tpu.memory_space<hbm>>
    %dma_wait3A_145 = arith.constant 0 : i32
    %dma_wait3A_146 = tpu.memref_slice %arg13[%dma_wait3A_138, %dma_wait3A_145] : memref<2x64xf32, #tpu.memory_space<vmem>> -> memref<1x64xf32, #tpu.memory_space<vmem>>
    %dma_wait3A_147 = tpu.memref_squeeze %dma_wait3A_146 : memref<1x64xf32, #tpu.memory_space<vmem>> -> memref<64xf32, #tpu.memory_space<vmem>>
    %dma_wait3A_148 = arith.constant 0 : i32
    %dma_wait3A_149 = tpu.memref_slice %arg4[%add3A, %dma_wait3A_137, %dma_wait3A_148] : memref<32x158x64xf32, #tpu.memory_space<hbm>> -> memref<1x1x64xf32, #tpu.memory_space<hbm>>
    %dma_wait3A_150 = tpu.memref_squeeze %dma_wait3A_149 : memref<1x1x64xf32, #tpu.memory_space<hbm>> -> memref<64xf32, #tpu.memory_space<hbm>>
    tpu.wait_dma2 semaphore(%arg21 : memref<!tpu.dma_semaphore, #tpu.memory_space<semaphore_mem>>) src(%dma_wait3A_150 : memref<64xf32, #tpu.memory_space<hbm>>) dst(%dma_wait3A_147 : memref<64xf32, #tpu.memory_space<vmem>>)
    %dma_start3A_151 = arith.constant 0 : i32
    %dma_start3A_152 = arith.constant 0 : i32
    %dma_start3A_153 = arith.constant 0 : i32
    %dma_start3A_154 = arith.constant 0 : i32
    %dma_start3A_155 = arith.constant 0 : i32
    %dma_start3A_156 = tpu.memref_slice %arg18[%dma_start3A_153, %dma_start3A_154, %dma_start3A_155] : memref<2x64x128xf32, #tpu.memory_space<vmem>> -> memref<1x64x128xf32, #tpu.memory_space<vmem>>
    %dma_start3A_157 = tpu.memref_squeeze %dma_start3A_156 : memref<1x64x128xf32, #tpu.memory_space<vmem>> -> memref<64x128xf32, #tpu.memory_space<vmem>>
    %dma_start3A_158 = arith.constant 0 : i32
    %dma_start3A_159 = tpu.memref_slice %arg12[%dma_start3A_151, %dma_start3A_152, %dma_start3A_158] : memref<2x2x64xi32, #tpu.memory_space<vmem>> -> memref<1x1x64xi32, #tpu.memory_space<vmem>>
    %dma_start3A_160 = tpu.memref_squeeze %dma_start3A_159 : memref<1x1x64xi32, #tpu.memory_space<vmem>> -> memref<64xi32, #tpu.memory_space<vmem>>
    %dma_start3A_161 = arith.constant 0 : i32
    %dma_start3A_162 = arith.constant 0 : i32
    %dma_start3A_163 = tpu.memref_slice %arg2[%dma_start3A_161, %dma_start3A_162] : memref<10000x128xf32, #tpu.memory_space<hbm>> -> memref<10000x128xf32, #tpu.memory_space<hbm>>
    tpu.enqueue_indirect_dma source(%dma_start3A_163 : memref<10000x128xf32, #tpu.memory_space<hbm>>) target(%dma_start3A_157 : memref<64x128xf32, #tpu.memory_space<vmem>>) offsets(%dma_start3A_160 : memref<64xi32, #tpu.memory_space<vmem>>) semaphore(%arg23 : memref<!tpu.dma_semaphore, #tpu.memory_space<semaphore_mem>>)
    %scan3A_164 = arith.constant 0 : i32
    %scan3A_165 = arith.constant true
    %scan3A_166 = arith.constant 0 : i32
    %scan3A_167 = arith.constant 79 : i32
    %scan3A_168 = arith.addi %scan3A_166, %scan3A_167 : i32
    %scan3A_169 = arith.constant 1 : i32
    scf.for %scan3A_248 = %scan3A_166 to %scan3A_168 step %scan3A_169  : i32 {
      %mul3A_249 = arith.constant 2 : i32
      %mul3A_250 = arith.muli %mul3A_249, %scan3A_248 : i32
      %add3A_251 = arith.constant 1 : i32
      %add3A_252 = arith.addi %mul3A_250, %add3A_251 : i32
      %gt3A = arith.constant 0 : i32
      %gt3A_253 = arith.cmpi sgt, %scan3A_248, %gt3A : i32
      %convert_element_type3A = arith.extui %scan3A_165 : i1 to i32
      %cond3A = arith.constant 0 : i32
      %cond3A_254 = arith.cmpi ne, %convert_element_type3A, %cond3A : i32
      scf.if %cond3A_254 {
        %dma_wait3A_710 = arith.constant 0 : i32
        %dma_wait3A_711 = arith.constant 1 : i32
        %dma_wait3A_712 = arith.constant 0 : i32
        %dma_wait3A_713 = arith.constant 0 : i32
        %dma_wait3A_714 = tpu.memref_slice %arg12[%dma_wait3A_711, %dma_wait3A_712, %dma_wait3A_713] : memref<2x2x64xi32, #tpu.memory_space<vmem>> -> memref<1x2x64xi32, #tpu.memory_space<vmem>>
        %dma_wait3A_715 = tpu.memref_squeeze %dma_wait3A_714 : memref<1x2x64xi32, #tpu.memory_space<vmem>> -> memref<2x64xi32, #tpu.memory_space<vmem>>
        %dma_wait3A_716 = arith.constant 0 : i32
        %dma_wait3A_717 = arith.constant 0 : i32
        %dma_wait3A_718 = tpu.memref_slice %arg3[%add3A, %dma_wait3A_710, %dma_wait3A_716, %dma_wait3A_717] : memref<32x158x2x64xi32, #tpu.memory_space<hbm>> -> memref<1x1x2x64xi32, #tpu.memory_space<hbm>>
        %dma_wait3A_719 = tpu.memref_squeeze %dma_wait3A_718 : memref<1x1x2x64xi32, #tpu.memory_space<hbm>> -> memref<2x64xi32, #tpu.memory_space<hbm>>
        %dma_wait3A_720 = arith.constant 0 : i32
        %dma_wait3A_721 = arith.constant 0 : i32
        %dma_wait3A_722 = tpu.memref_slice %arg12[%dma_wait3A_711, %dma_wait3A_720, %dma_wait3A_721] : memref<2x2x64xi32, #tpu.memory_space<vmem>> -> memref<1x2x64xi32, #tpu.memory_space<vmem>>
        %dma_wait3A_723 = tpu.memref_squeeze %dma_wait3A_722 : memref<1x2x64xi32, #tpu.memory_space<vmem>> -> memref<2x64xi32, #tpu.memory_space<vmem>>
        %dma_wait3A_724 = arith.constant 0 : i32
        %dma_wait3A_725 = arith.constant 0 : i32
        %dma_wait3A_726 = tpu.memref_slice %arg3[%add3A, %dma_wait3A_710, %dma_wait3A_724, %dma_wait3A_725] : memref<32x158x2x64xi32, #tpu.memory_space<hbm>> -> memref<1x1x2x64xi32, #tpu.memory_space<hbm>>
        %dma_wait3A_727 = tpu.memref_squeeze %dma_wait3A_726 : memref<1x1x2x64xi32, #tpu.memory_space<hbm>> -> memref<2x64xi32, #tpu.memory_space<hbm>>
        tpu.wait_dma2 semaphore(%arg22 : memref<!tpu.dma_semaphore, #tpu.memory_space<semaphore_mem>>) src(%dma_wait3A_727 : memref<2x64xi32, #tpu.memory_space<hbm>>) dst(%dma_wait3A_723 : memref<2x64xi32, #tpu.memory_space<vmem>>)
        %dma_wait3A_728 = arith.constant 0 : i32
        %dma_wait3A_729 = arith.constant 1 : i32
        %dma_wait3A_730 = arith.constant 0 : i32
        %dma_wait3A_731 = tpu.memref_slice %arg13[%dma_wait3A_729, %dma_wait3A_730] : memref<2x64xf32, #tpu.memory_space<vmem>> -> memref<1x64xf32, #tpu.memory_space<vmem>>
        %dma_wait3A_732 = tpu.memref_squeeze %dma_wait3A_731 : memref<1x64xf32, #tpu.memory_space<vmem>> -> memref<64xf32, #tpu.memory_space<vmem>>
        %dma_wait3A_733 = arith.constant 0 : i32
        %dma_wait3A_734 = tpu.memref_slice %arg4[%add3A, %dma_wait3A_728, %dma_wait3A_733] : memref<32x158x64xf32, #tpu.memory_space<hbm>> -> memref<1x1x64xf32, #tpu.memory_space<hbm>>
        %dma_wait3A_735 = tpu.memref_squeeze %dma_wait3A_734 : memref<1x1x64xf32, #tpu.memory_space<hbm>> -> memref<64xf32, #tpu.memory_space<hbm>>
        %dma_wait3A_736 = arith.constant 0 : i32
        %dma_wait3A_737 = tpu.memref_slice %arg13[%dma_wait3A_729, %dma_wait3A_736] : memref<2x64xf32, #tpu.memory_space<vmem>> -> memref<1x64xf32, #tpu.memory_space<vmem>>
        %dma_wait3A_738 = tpu.memref_squeeze %dma_wait3A_737 : memref<1x64xf32, #tpu.memory_space<vmem>> -> memref<64xf32, #tpu.memory_space<vmem>>
        %dma_wait3A_739 = arith.constant 0 : i32
        %dma_wait3A_740 = tpu.memref_slice %arg4[%add3A, %dma_wait3A_728, %dma_wait3A_739] : memref<32x158x64xf32, #tpu.memory_space<hbm>> -> memref<1x1x64xf32, #tpu.memory_space<hbm>>
        %dma_wait3A_741 = tpu.memref_squeeze %dma_wait3A_740 : memref<1x1x64xf32, #tpu.memory_space<hbm>> -> memref<64xf32, #tpu.memory_space<hbm>>
        tpu.wait_dma2 semaphore(%arg22 : memref<!tpu.dma_semaphore, #tpu.memory_space<semaphore_mem>>) src(%dma_wait3A_741 : memref<64xf32, #tpu.memory_space<hbm>>) dst(%dma_wait3A_738 : memref<64xf32, #tpu.memory_space<vmem>>)
        %convert_element_type3A_742 = arith.extui %gt3A_253 : i1 to i32
        %cond3A_743 = arith.constant 0 : i32
        %cond3A_744 = arith.cmpi ne, %convert_element_type3A_742, %cond3A_743 : i32
        scf.if %cond3A_744 {
          %dma_wait3A_758 = arith.constant 1 : i32
          %dma_wait3A_759 = arith.constant 1 : i32
          %dma_wait3A_760 = arith.constant 0 : i32
          %dma_wait3A_761 = arith.constant 0 : i32
          %dma_wait3A_762 = tpu.memref_slice %arg18[%dma_wait3A_758, %dma_wait3A_760, %dma_wait3A_761] : memref<2x64x128xf32, #tpu.memory_space<vmem>> -> memref<1x64x128xf32, #tpu.memory_space<vmem>>
          %dma_wait3A_763 = tpu.memref_squeeze %dma_wait3A_762 : memref<1x64x128xf32, #tpu.memory_space<vmem>> -> memref<64x128xf32, #tpu.memory_space<vmem>>
          %dma_wait3A_764 = arith.constant 0 : i32
          %dma_wait3A_765 = tpu.memref_slice %arg16[%dma_wait3A_759, %dma_wait3A_764] : memref<2x64xi32, #tpu.memory_space<vmem>> -> memref<1x64xi32, #tpu.memory_space<vmem>>
          %dma_wait3A_766 = tpu.memref_squeeze %dma_wait3A_765 : memref<1x64xi32, #tpu.memory_space<vmem>> -> memref<64xi32, #tpu.memory_space<vmem>>
          %dma_wait3A_767 = arith.constant 0 : i32
          %dma_wait3A_768 = arith.constant 0 : i32
          %dma_wait3A_769 = tpu.memref_slice %arg27[%dma_wait3A_767, %dma_wait3A_768] : memref<10240x128xf32, #tpu.memory_space<vmem_shared>> -> memref<10240x128xf32, #tpu.memory_space<vmem_shared>>
          tpu.wait_indirect_dma semaphore(%arg26 : memref<!tpu.dma_semaphore, #tpu.memory_space<semaphore_mem>>) src(%dma_wait3A_763 : memref<64x128xf32, #tpu.memory_space<vmem>>) dst(%dma_wait3A_769 : memref<10240x128xf32, #tpu.memory_space<vmem_shared>>)
          %dma_wait3A_770 = arith.constant 1 : i32
          %dma_wait3A_771 = arith.constant 1 : i32
          %dma_wait3A_772 = arith.constant 0 : i32
          %dma_wait3A_773 = tpu.memref_slice %arg14[%dma_wait3A_770, %dma_wait3A_772] : memref<2x64xf32, #tpu.memory_space<vmem>> -> memref<1x64xf32, #tpu.memory_space<vmem>>
          %dma_wait3A_774 = tpu.memref_squeeze %dma_wait3A_773 : memref<1x64xf32, #tpu.memory_space<vmem>> -> memref<64xf32, #tpu.memory_space<vmem>>
          %dma_wait3A_775 = arith.constant 0 : i32
          %dma_wait3A_776 = tpu.memref_slice %arg16[%dma_wait3A_771, %dma_wait3A_775] : memref<2x64xi32, #tpu.memory_space<vmem>> -> memref<1x64xi32, #tpu.memory_space<vmem>>
          %dma_wait3A_777 = tpu.memref_squeeze %dma_wait3A_776 : memref<1x64xi32, #tpu.memory_space<vmem>> -> memref<64xi32, #tpu.memory_space<vmem>>
          %dma_wait3A_778 = arith.constant 0 : i32
          %dma_wait3A_779 = tpu.memref_slice %arg28[%dma_wait3A_778] : memref<10240xf32, #tpu.memory_space<vmem_shared>> -> memref<10240xf32, #tpu.memory_space<vmem_shared>>
          tpu.wait_indirect_dma semaphore(%arg26 : memref<!tpu.dma_semaphore, #tpu.memory_space<semaphore_mem>>) src(%dma_wait3A_774 : memref<64xf32, #tpu.memory_space<vmem>>) dst(%dma_wait3A_779 : memref<10240xf32, #tpu.memory_space<vmem_shared>>)
          %dma_wait3A_780 = arith.constant 1 : i32
          %dma_wait3A_781 = arith.constant 1 : i32
          %dma_wait3A_782 = arith.constant 0 : i32
          %dma_wait3A_783 = tpu.memref_slice %arg15[%dma_wait3A_780, %dma_wait3A_782] : memref<2x64xf32, #tpu.memory_space<vmem>> -> memref<1x64xf32, #tpu.memory_space<vmem>>
          %dma_wait3A_784 = tpu.memref_squeeze %dma_wait3A_783 : memref<1x64xf32, #tpu.memory_space<vmem>> -> memref<64xf32, #tpu.memory_space<vmem>>
          %dma_wait3A_785 = arith.constant 0 : i32
          %dma_wait3A_786 = tpu.memref_slice %arg16[%dma_wait3A_781, %dma_wait3A_785] : memref<2x64xi32, #tpu.memory_space<vmem>> -> memref<1x64xi32, #tpu.memory_space<vmem>>
          %dma_wait3A_787 = tpu.memref_squeeze %dma_wait3A_786 : memref<1x64xi32, #tpu.memory_space<vmem>> -> memref<64xi32, #tpu.memory_space<vmem>>
          %dma_wait3A_788 = arith.constant 0 : i32
          %dma_wait3A_789 = tpu.memref_slice %arg29[%dma_wait3A_788] : memref<10240xf32, #tpu.memory_space<vmem_shared>> -> memref<10240xf32, #tpu.memory_space<vmem_shared>>
          tpu.wait_indirect_dma semaphore(%arg26 : memref<!tpu.dma_semaphore, #tpu.memory_space<semaphore_mem>>) src(%dma_wait3A_784 : memref<64xf32, #tpu.memory_space<vmem>>) dst(%dma_wait3A_789 : memref<10240xf32, #tpu.memory_space<vmem_shared>>)
          %dma_wait3A_790 = arith.constant 1 : i32
          %dma_wait3A_791 = arith.constant 0 : i32
          %dma_wait3A_792 = tpu.memref_slice %arg16[%dma_wait3A_790, %dma_wait3A_791] : memref<2x64xi32, #tpu.memory_space<vmem>> -> memref<1x64xi32, #tpu.memory_space<vmem>>
          %dma_wait3A_793 = tpu.memref_squeeze %dma_wait3A_792 : memref<1x64xi32, #tpu.memory_space<vmem>> -> memref<64xi32, #tpu.memory_space<vmem>>
          %dma_wait3A_794 = arith.constant 0 : i32
          %dma_wait3A_795 = tpu.memref_slice %arg30[%dma_wait3A_794] : memref<10240xf32, #tpu.memory_space<vmem_shared>> -> memref<10240xf32, #tpu.memory_space<vmem_shared>>
          tpu.wait_indirect_dma semaphore(%arg26 : memref<!tpu.dma_semaphore, #tpu.memory_space<semaphore_mem>>) src(%arg17 : memref<64xf32, #tpu.memory_space<vmem>>) dst(%dma_wait3A_795 : memref<10240xf32, #tpu.memory_space<vmem_shared>>)
        } else {
        }
        %dma_start3A_745 = arith.constant 1 : i32
        %dma_start3A_746 = arith.constant 0 : i32
        %dma_start3A_747 = arith.constant 1 : i32
        %dma_start3A_748 = arith.constant 0 : i32
        %dma_start3A_749 = arith.constant 0 : i32
        %dma_start3A_750 = tpu.memref_slice %arg18[%dma_start3A_747, %dma_start3A_748, %dma_start3A_749] : memref<2x64x128xf32, #tpu.memory_space<vmem>> -> memref<1x64x128xf32, #tpu.memory_space<vmem>>
        %dma_start3A_751 = tpu.memref_squeeze %dma_start3A_750 : memref<1x64x128xf32, #tpu.memory_space<vmem>> -> memref<64x128xf32, #tpu.memory_space<vmem>>
        %dma_start3A_752 = arith.constant 0 : i32
        %dma_start3A_753 = tpu.memref_slice %arg12[%dma_start3A_745, %dma_start3A_746, %dma_start3A_752] : memref<2x2x64xi32, #tpu.memory_space<vmem>> -> memref<1x1x64xi32, #tpu.memory_space<vmem>>
        %dma_start3A_754 = tpu.memref_squeeze %dma_start3A_753 : memref<1x1x64xi32, #tpu.memory_space<vmem>> -> memref<64xi32, #tpu.memory_space<vmem>>
        %dma_start3A_755 = arith.constant 0 : i32
        %dma_start3A_756 = arith.constant 0 : i32
        %dma_start3A_757 = tpu.memref_slice %arg2[%dma_start3A_755, %dma_start3A_756] : memref<10000x128xf32, #tpu.memory_space<hbm>> -> memref<10000x128xf32, #tpu.memory_space<hbm>>
        tpu.enqueue_indirect_dma source(%dma_start3A_757 : memref<10000x128xf32, #tpu.memory_space<hbm>>) target(%dma_start3A_751 : memref<64x128xf32, #tpu.memory_space<vmem>>) offsets(%dma_start3A_754 : memref<64xi32, #tpu.memory_space<vmem>>) semaphore(%arg24 : memref<!tpu.dma_semaphore, #tpu.memory_space<semaphore_mem>>)
      } else {
      }
      %get3A = arith.constant 0 : i32
      %get3A_255 = arith.constant 0 : i32
      %get3A_256 = arith.index_cast %get3A : i32 to index
      %get3A_257 = arith.index_cast %get3A_255 : i32 to index
      %get3A_258 = arith.constant 0 : index
      %get3A_259 = tpu.vector_load %arg12[%get3A_256, %get3A_257, %get3A_258] {strides = array<i32>} : memref<2x2x64xi32, #tpu.memory_space<vmem>>, vector<16xi32>,
      %get3A_260 = arith.constant 0 : i32
      %get3A_261 = arith.constant 1 : i32
      %get3A_262 = arith.index_cast %get3A_260 : i32 to index
      %get3A_263 = arith.index_cast %get3A_261 : i32 to index
      %get3A_264 = arith.constant 0 : index
      %get3A_265 = tpu.vector_load %arg12[%get3A_262, %get3A_263, %get3A_264] {strides = array<i32>} : memref<2x2x64xi32, #tpu.memory_space<vmem>>, vector<16xi32>,
      %get3A_266 = arith.constant 0 : i32
      %get3A_267 = arith.index_cast %get3A_266 : i32 to index
      %get3A_268 = arith.constant 0 : index
      %get3A_269 = tpu.vector_load %arg13[%get3A_267, %get3A_268] {strides = array<i32>} : memref<2x64xf32, #tpu.memory_space<vmem>>, vector<16xf32>,
      %gather3A = tpu.vector_load_idx %arg19[%get3A_259] : memref<10000xf32, #tpu.memory_space<vmem>>[vector<16xi32>], vector<16xf32>,
      %gather3A_270 = tpu.vector_load_idx %arg20[%get3A_265] : memref<10008xf32, #tpu.memory_space<vmem>>[vector<16xi32>], vector<16xf32>,
      %add3A_271 = arith.addf %gather3A, %gather3A_270 : vector<16xf32>
      %add3A_272 = arith.addf %add3A_271, %get3A_269 : vector<16xf32>
      %ge3A = arith.constant 0.000000e+00 : f32
      %ge3A_273 = vector.broadcast %ge3A : f32 to vector<16xf32>
      %ge3A_274 = arith.cmpf oge, %add3A_272, %ge3A_273 : vector<16xf32>
      %mul3A_275 = arith.constant 2.000000e-01 : f32
      %mul3A_276 = vector.broadcast %mul3A_275 : f32 to vector<16xf32>
      %mul3A_277 = arith.mulf %mul3A_276, %add3A_272 : vector<16xf32>
      %select_n3A = arith.select %ge3A_274, %add3A_272, %mul3A_277 : vector<16xi1>, vector<16xf32>
      %exp3A = math.exp %select_n3A : vector<16xf32>
      %swap3A_278 = arith.constant 0 : i32
      %swap3A_279 = arith.index_cast %swap3A_278 : i32 to index
      %swap3A_280 = arith.constant 0 : index
      %swap3A_281 = tpu.vector_load %arg14[%swap3A_279, %swap3A_280] {strides = array<i32>} : memref<2x64xf32, #tpu.memory_space<vmem>>, vector<16xf32>,
      tpu.vector_store %arg14[%swap3A_279, %swap3A_280], %exp3A {strides = array<i32>} : memref<2x64xf32, #tpu.memory_space<vmem>>, vector<16xf32>,
      %swap3A_282 = arith.constant 0 : i32
      %swap3A_283 = arith.index_cast %swap3A_282 : i32 to index
      %swap3A_284 = arith.constant 0 : index
      %swap3A_285 = tpu.vector_load %arg15[%swap3A_283, %swap3A_284] {strides = array<i32>} : memref<2x64xf32, #tpu.memory_space<vmem>>, vector<16xf32>,
      tpu.vector_store %arg15[%swap3A_283, %swap3A_284], %get3A_269 {strides = array<i32>} : memref<2x64xf32, #tpu.memory_space<vmem>>, vector<16xf32>,
      %swap3A_286 = arith.constant 0 : i32
      %swap3A_287 = arith.index_cast %swap3A_286 : i32 to index
      %swap3A_288 = arith.constant 0 : index
      %swap3A_289 = tpu.vector_load %arg16[%swap3A_287, %swap3A_288] {strides = array<i32>} : memref<2x64xi32, #tpu.memory_space<vmem>>, vector<16xi32>,
      tpu.vector_store %arg16[%swap3A_287, %swap3A_288], %get3A_265 {strides = array<i32>} : memref<2x64xi32, #tpu.memory_space<vmem>>, vector<16xi32>,
      %get3A_290 = arith.constant 0 : i32
      %get3A_291 = arith.constant 0 : i32
      %get3A_292 = arith.index_cast %get3A_290 : i32 to index
      %get3A_293 = arith.index_cast %get3A_291 : i32 to index
      %get3A_294 = arith.constant 16 : index
      %get3A_295 = tpu.vector_load %arg12[%get3A_292, %get3A_293, %get3A_294] {strides = array<i32>} : memref<2x2x64xi32, #tpu.memory_space<vmem>>, vector<16xi32>,
      %get3A_296 = arith.constant 0 : i32
      %get3A_297 = arith.constant 1 : i32
      %get3A_298 = arith.index_cast %get3A_296 : i32 to index
      %get3A_299 = arith.index_cast %get3A_297 : i32 to index
      %get3A_300 = arith.constant 16 : index
      %get3A_301 = tpu.vector_load %arg12[%get3A_298, %get3A_299, %get3A_300] {strides = array<i32>} : memref<2x2x64xi32, #tpu.memory_space<vmem>>, vector<16xi32>,
      %get3A_302 = arith.constant 0 : i32
      %get3A_303 = arith.index_cast %get3A_302 : i32 to index
      %get3A_304 = arith.constant 16 : index
      %get3A_305 = tpu.vector_load %arg13[%get3A_303, %get3A_304] {strides = array<i32>} : memref<2x64xf32, #tpu.memory_space<vmem>>, vector<16xf32>,
      %gather3A_306 = tpu.vector_load_idx %arg19[%get3A_295] : memref<10000xf32, #tpu.memory_space<vmem>>[vector<16xi32>], vector<16xf32>,
      %gather3A_307 = tpu.vector_load_idx %arg20[%get3A_301] : memref<10008xf32, #tpu.memory_space<vmem>>[vector<16xi32>], vector<16xf32>,
      %add3A_308 = arith.addf %gather3A_306, %gather3A_307 : vector<16xf32>
      %add3A_309 = arith.addf %add3A_308, %get3A_305 : vector<16xf32>
      %ge3A_310 = arith.constant 0.000000e+00 : f32
      %ge3A_311 = vector.broadcast %ge3A_310 : f32 to vector<16xf32>
      %ge3A_312 = arith.cmpf oge, %add3A_309, %ge3A_311 : vector<16xf32>
      %mul3A_313 = arith.constant 2.000000e-01 : f32
      %mul3A_314 = vector.broadcast %mul3A_313 : f32 to vector<16xf32>
      %mul3A_315 = arith.mulf %mul3A_314, %add3A_309 : vector<16xf32>
      %select_n3A_316 = arith.select %ge3A_312, %add3A_309, %mul3A_315 : vector<16xi1>, vector<16xf32>
      %exp3A_317 = math.exp %select_n3A_316 : vector<16xf32>
      %swap3A_318 = arith.constant 0 : i32
      %swap3A_319 = arith.index_cast %swap3A_318 : i32 to index
      %swap3A_320 = arith.constant 16 : index
      %swap3A_321 = tpu.vector_load %arg14[%swap3A_319, %swap3A_320] {strides = array<i32>} : memref<2x64xf32, #tpu.memory_space<vmem>>, vector<16xf32>,
      tpu.vector_store %arg14[%swap3A_319, %swap3A_320], %exp3A_317 {strides = array<i32>} : memref<2x64xf32, #tpu.memory_space<vmem>>, vector<16xf32>,
      %swap3A_322 = arith.constant 0 : i32
      %swap3A_323 = arith.index_cast %swap3A_322 : i32 to index
      %swap3A_324 = arith.constant 16 : index
      %swap3A_325 = tpu.vector_load %arg15[%swap3A_323, %swap3A_324] {strides = array<i32>} : memref<2x64xf32, #tpu.memory_space<vmem>>, vector<16xf32>,
      tpu.vector_store %arg15[%swap3A_323, %swap3A_324], %get3A_305 {strides = array<i32>} : memref<2x64xf32, #tpu.memory_space<vmem>>, vector<16xf32>,
      %swap3A_326 = arith.constant 0 : i32
      %swap3A_327 = arith.index_cast %swap3A_326 : i32 to index
      %swap3A_328 = arith.constant 16 : index
      %swap3A_329 = tpu.vector_load %arg16[%swap3A_327, %swap3A_328] {strides = array<i32>} : memref<2x64xi32, #tpu.memory_space<vmem>>, vector<16xi32>,
      tpu.vector_store %arg16[%swap3A_327, %swap3A_328], %get3A_301 {strides = array<i32>} : memref<2x64xi32, #tpu.memory_space<vmem>>, vector<16xi32>,
      %get3A_330 = arith.constant 0 : i32
      %get3A_331 = arith.constant 0 : i32
      %get3A_332 = arith.index_cast %get3A_330 : i32 to index
      %get3A_333 = arith.index_cast %get3A_331 : i32 to index
      %get3A_334 = arith.constant 32 : index
      %get3A_335 = tpu.vector_load %arg12[%get3A_332, %get3A_333, %get3A_334] {strides = array<i32>} : memref<2x2x64xi32, #tpu.memory_space<vmem>>, vector<16xi32>,
      %get3A_336 = arith.constant 0 : i32
      %get3A_337 = arith.constant 1 : i32
      %get3A_338 = arith.index_cast %get3A_336 : i32 to index
      %get3A_339 = arith.index_cast %get3A_337 : i32 to index
      %get3A_340 = arith.constant 32 : index
      %get3A_341 = tpu.vector_load %arg12[%get3A_338, %get3A_339, %get3A_340] {strides = array<i32>} : memref<2x2x64xi32, #tpu.memory_space<vmem>>, vector<16xi32>,
      %get3A_342 = arith.constant 0 : i32
      %get3A_343 = arith.index_cast %get3A_342 : i32 to index
      %get3A_344 = arith.constant 32 : index
      %get3A_345 = tpu.vector_load %arg13[%get3A_343, %get3A_344] {strides = array<i32>} : memref<2x64xf32, #tpu.memory_space<vmem>>, vector<16xf32>,
      %gather3A_346 = tpu.vector_load_idx %arg19[%get3A_335] : memref<10000xf32, #tpu.memory_space<vmem>>[vector<16xi32>], vector<16xf32>,
      %gather3A_347 = tpu.vector_load_idx %arg20[%get3A_341] : memref<10008xf32, #tpu.memory_space<vmem>>[vector<16xi32>], vector<16xf32>,
      %add3A_348 = arith.addf %gather3A_346, %gather3A_347 : vector<16xf32>
      %add3A_349 = arith.addf %add3A_348, %get3A_345 : vector<16xf32>
      %ge3A_350 = arith.constant 0.000000e+00 : f32
      %ge3A_351 = vector.broadcast %ge3A_350 : f32 to vector<16xf32>
      %ge3A_352 = arith.cmpf oge, %add3A_349, %ge3A_351 : vector<16xf32>
      %mul3A_353 = arith.constant 2.000000e-01 : f32
      %mul3A_354 = vector.broadcast %mul3A_353 : f32 to vector<16xf32>
      %mul3A_355 = arith.mulf %mul3A_354, %add3A_349 : vector<16xf32>
      %select_n3A_356 = arith.select %ge3A_352, %add3A_349, %mul3A_355 : vector<16xi1>, vector<16xf32>
      %exp3A_357 = math.exp %select_n3A_356 : vector<16xf32>
      %swap3A_358 = arith.constant 0 : i32
      %swap3A_359 = arith.index_cast %swap3A_358 : i32 to index
      %swap3A_360 = arith.constant 32 : index
      %swap3A_361 = tpu.vector_load %arg14[%swap3A_359, %swap3A_360] {strides = array<i32>} : memref<2x64xf32, #tpu.memory_space<vmem>>, vector<16xf32>,
      tpu.vector_store %arg14[%swap3A_359, %swap3A_360], %exp3A_357 {strides = array<i32>} : memref<2x64xf32, #tpu.memory_space<vmem>>, vector<16xf32>,
      %swap3A_362 = arith.constant 0 : i32
      %swap3A_363 = arith.index_cast %swap3A_362 : i32 to index
      %swap3A_364 = arith.constant 32 : index
      %swap3A_365 = tpu.vector_load %arg15[%swap3A_363, %swap3A_364] {strides = array<i32>} : memref<2x64xf32, #tpu.memory_space<vmem>>, vector<16xf32>,
      tpu.vector_store %arg15[%swap3A_363, %swap3A_364], %get3A_345 {strides = array<i32>} : memref<2x64xf32, #tpu.memory_space<vmem>>, vector<16xf32>,
      %swap3A_366 = arith.constant 0 : i32
      %swap3A_367 = arith.index_cast %swap3A_366 : i32 to index
      %swap3A_368 = arith.constant 32 : index
      %swap3A_369 = tpu.vector_load %arg16[%swap3A_367, %swap3A_368] {strides = array<i32>} : memref<2x64xi32, #tpu.memory_space<vmem>>, vector<16xi32>,
      tpu.vector_store %arg16[%swap3A_367, %swap3A_368], %get3A_341 {strides = array<i32>} : memref<2x64xi32, #tpu.memory_space<vmem>>, vector<16xi32>,
      %get3A_370 = arith.constant 0 : i32
      %get3A_371 = arith.constant 0 : i32
      %get3A_372 = arith.index_cast %get3A_370 : i32 to index
      %get3A_373 = arith.index_cast %get3A_371 : i32 to index
      %get3A_374 = arith.constant 48 : index
      %get3A_375 = tpu.vector_load %arg12[%get3A_372, %get3A_373, %get3A_374] {strides = array<i32>} : memref<2x2x64xi32, #tpu.memory_space<vmem>>, vector<16xi32>,
      %get3A_376 = arith.constant 0 : i32
      %get3A_377 = arith.constant 1 : i32
      %get3A_378 = arith.index_cast %get3A_376 : i32 to index
      %get3A_379 = arith.index_cast %get3A_377 : i32 to index
      %get3A_380 = arith.constant 48 : index
      %get3A_381 = tpu.vector_load %arg12[%get3A_378, %get3A_379, %get3A_380] {strides = array<i32>} : memref<2x2x64xi32, #tpu.memory_space<vmem>>, vector<16xi32>,
      %get3A_382 = arith.constant 0 : i32
      %get3A_383 = arith.index_cast %get3A_382 : i32 to index
      %get3A_384 = arith.constant 48 : index
      %get3A_385 = tpu.vector_load %arg13[%get3A_383, %get3A_384] {strides = array<i32>} : memref<2x64xf32, #tpu.memory_space<vmem>>, vector<16xf32>,
      %gather3A_386 = tpu.vector_load_idx %arg19[%get3A_375] : memref<10000xf32, #tpu.memory_space<vmem>>[vector<16xi32>], vector<16xf32>,
      %gather3A_387 = tpu.vector_load_idx %arg20[%get3A_381] : memref<10008xf32, #tpu.memory_space<vmem>>[vector<16xi32>], vector<16xf32>,
      %add3A_388 = arith.addf %gather3A_386, %gather3A_387 : vector<16xf32>
      %add3A_389 = arith.addf %add3A_388, %get3A_385 : vector<16xf32>
      %ge3A_390 = arith.constant 0.000000e+00 : f32
      %ge3A_391 = vector.broadcast %ge3A_390 : f32 to vector<16xf32>
      %ge3A_392 = arith.cmpf oge, %add3A_389, %ge3A_391 : vector<16xf32>
      %mul3A_393 = arith.constant 2.000000e-01 : f32
      %mul3A_394 = vector.broadcast %mul3A_393 : f32 to vector<16xf32>
      %mul3A_395 = arith.mulf %mul3A_394, %add3A_389 : vector<16xf32>
      %select_n3A_396 = arith.select %ge3A_392, %add3A_389, %mul3A_395 : vector<16xi1>, vector<16xf32>
      %exp3A_397 = math.exp %select_n3A_396 : vector<16xf32>
      %swap3A_398 = arith.constant 0 : i32
      %swap3A_399 = arith.index_cast %swap3A_398 : i32 to index
      %swap3A_400 = arith.constant 48 : index
      %swap3A_401 = tpu.vector_load %arg14[%swap3A_399, %swap3A_400] {strides = array<i32>} : memref<2x64xf32, #tpu.memory_space<vmem>>, vector<16xf32>,
      tpu.vector_store %arg14[%swap3A_399, %swap3A_400], %exp3A_397 {strides = array<i32>} : memref<2x64xf32, #tpu.memory_space<vmem>>, vector<16xf32>,
      %swap3A_402 = arith.constant 0 : i32
      %swap3A_403 = arith.index_cast %swap3A_402 : i32 to index
      %swap3A_404 = arith.constant 48 : index
      %swap3A_405 = tpu.vector_load %arg15[%swap3A_403, %swap3A_404] {strides = array<i32>} : memref<2x64xf32, #tpu.memory_space<vmem>>, vector<16xf32>,
      tpu.vector_store %arg15[%swap3A_403, %swap3A_404], %get3A_385 {strides = array<i32>} : memref<2x64xf32, #tpu.memory_space<vmem>>, vector<16xf32>,
      %swap3A_406 = arith.constant 0 : i32
      %swap3A_407 = arith.index_cast %swap3A_406 : i32 to index
      %swap3A_408 = arith.constant 48 : index
      %swap3A_409 = tpu.vector_load %arg16[%swap3A_407, %swap3A_408] {strides = array<i32>} : memref<2x64xi32, #tpu.memory_space<vmem>>, vector<16xi32>,
      tpu.vector_store %arg16[%swap3A_407, %swap3A_408], %get3A_381 {strides = array<i32>} : memref<2x64xi32, #tpu.memory_space<vmem>>, vector<16xi32>,
      %dma_wait3A_410 = arith.constant 0 : i32
      %dma_wait3A_411 = arith.constant 0 : i32
      %dma_wait3A_412 = arith.constant 0 : i32
      %dma_wait3A_413 = arith.constant 0 : i32
      %dma_wait3A_414 = arith.constant 0 : i32
      %dma_wait3A_415 = tpu.memref_slice %arg18[%dma_wait3A_412, %dma_wait3A_413, %dma_wait3A_414] : memref<2x64x128xf32, #tpu.memory_space<vmem>> -> memref<1x64x128xf32, #tpu.memory_space<vmem>>
      %dma_wait3A_416 = tpu.memref_squeeze %dma_wait3A_415 : memref<1x64x128xf32, #tpu.memory_space<vmem>> -> memref<64x128xf32, #tpu.memory_space<vmem>>
      %dma_wait3A_417 = arith.constant 0 : i32
      %dma_wait3A_418 = tpu.memref_slice %arg12[%dma_wait3A_410, %dma_wait3A_411, %dma_wait3A_417] : memref<2x2x64xi32, #tpu.memory_space<vmem>> -> memref<1x1x64xi32, #tpu.memory_space<vmem>>
      %dma_wait3A_419 = tpu.memref_squeeze %dma_wait3A_418 : memref<1x1x64xi32, #tpu.memory_space<vmem>> -> memref<64xi32, #tpu.memory_space<vmem>>
      %dma_wait3A_420 = arith.constant 0 : i32
      %dma_wait3A_421 = arith.constant 0 : i32
      %dma_wait3A_422 = tpu.memref_slice %arg2[%dma_wait3A_420, %dma_wait3A_421] : memref<10000x128xf32, #tpu.memory_space<hbm>> -> memref<10000x128xf32, #tpu.memory_space<hbm>>
      tpu.wait_indirect_dma semaphore(%arg23 : memref<!tpu.dma_semaphore, #tpu.memory_space<semaphore_mem>>) src(%dma_wait3A_422 : memref<10000x128xf32, #tpu.memory_space<hbm>>) dst(%dma_wait3A_416 : memref<64x128xf32, #tpu.memory_space<vmem>>)
      %add3A_423 = arith.constant 1 : i32
      %add3A_424 = arith.addi %add3A_252, %add3A_423 : i32
      %lt3A = arith.constant 158 : i32
      %lt3A_425 = arith.cmpi slt, %add3A_424, %lt3A : i32
      %convert_element_type3A_426 = arith.extui %lt3A_425 : i1 to i32
      %cond3A_427 = arith.constant 0 : i32
      %cond3A_428 = arith.cmpi ne, %convert_element_type3A_426, %cond3A_427 : i32
      scf.if %cond3A_428 {
        %add3A_710 = arith.constant 1 : i32
        %add3A_711 = arith.addi %add3A_252, %add3A_710 : i32
        %dma_start3A_712 = arith.constant 0 : i32
        %dma_start3A_713 = arith.constant 0 : i32
        %dma_start3A_714 = arith.constant 0 : i32
        %dma_start3A_715 = tpu.memref_slice %arg12[%dma_start3A_712, %dma_start3A_713, %dma_start3A_714] : memref<2x2x64xi32, #tpu.memory_space<vmem>> -> memref<1x2x64xi32, #tpu.memory_space<vmem>>
        %dma_start3A_716 = tpu.memref_squeeze %dma_start3A_715 : memref<1x2x64xi32, #tpu.memory_space<vmem>> -> memref<2x64xi32, #tpu.memory_space<vmem>>
        %dma_start3A_717 = arith.constant 0 : i32
        %dma_start3A_718 = arith.constant 0 : i32
        %dma_start3A_719 = tpu.memref_slice %arg3[%add3A, %add3A_711, %dma_start3A_717, %dma_start3A_718] : memref<32x158x2x64xi32, #tpu.memory_space<hbm>> -> memref<1x1x2x64xi32, #tpu.memory_space<hbm>>
        %dma_start3A_720 = tpu.memref_squeeze %dma_start3A_719 : memref<1x1x2x64xi32, #tpu.memory_space<hbm>> -> memref<2x64xi32, #tpu.memory_space<hbm>>
        %dma_start3A_721 = arith.constant 0 : i32
        %dma_start3A_722 = arith.constant 0 : i32
        %dma_start3A_723 = tpu.memref_slice %arg12[%dma_start3A_712, %dma_start3A_721, %dma_start3A_722] : memref<2x2x64xi32, #tpu.memory_space<vmem>> -> memref<1x2x64xi32, #tpu.memory_space<vmem>>
        %dma_start3A_724 = tpu.memref_squeeze %dma_start3A_723 : memref<1x2x64xi32, #tpu.memory_space<vmem>> -> memref<2x64xi32, #tpu.memory_space<vmem>>
        %dma_start3A_725 = arith.constant 0 : i32
        %dma_start3A_726 = arith.constant 0 : i32
        %dma_start3A_727 = tpu.memref_slice %arg3[%add3A, %add3A_711, %dma_start3A_725, %dma_start3A_726] : memref<32x158x2x64xi32, #tpu.memory_space<hbm>> -> memref<1x1x2x64xi32, #tpu.memory_space<hbm>>
        %dma_start3A_728 = tpu.memref_squeeze %dma_start3A_727 : memref<1x1x2x64xi32, #tpu.memory_space<hbm>> -> memref<2x64xi32, #tpu.memory_space<hbm>>
        tpu.enqueue_dma source(%dma_start3A_728 : memref<2x64xi32, #tpu.memory_space<hbm>>) target(%dma_start3A_724 : memref<2x64xi32, #tpu.memory_space<vmem>>) target_semaphore(%arg21 : memref<!tpu.dma_semaphore, #tpu.memory_space<semaphore_mem>>)
        %dma_start3A_729 = arith.constant 0 : i32
        %dma_start3A_730 = arith.constant 0 : i32
        %dma_start3A_731 = tpu.memref_slice %arg13[%dma_start3A_729, %dma_start3A_730] : memref<2x64xf32, #tpu.memory_space<vmem>> -> memref<1x64xf32, #tpu.memory_space<vmem>>
        %dma_start3A_732 = tpu.memref_squeeze %dma_start3A_731 : memref<1x64xf32, #tpu.memory_space<vmem>> -> memref<64xf32, #tpu.memory_space<vmem>>
        %dma_start3A_733 = arith.constant 0 : i32
        %dma_start3A_734 = tpu.memref_slice %arg4[%add3A, %add3A_711, %dma_start3A_733] : memref<32x158x64xf32, #tpu.memory_space<hbm>> -> memref<1x1x64xf32, #tpu.memory_space<hbm>>
        %dma_start3A_735 = tpu.memref_squeeze %dma_start3A_734 : memref<1x1x64xf32, #tpu.memory_space<hbm>> -> memref<64xf32, #tpu.memory_space<hbm>>
        %dma_start3A_736 = arith.constant 0 : i32
        %dma_start3A_737 = tpu.memref_slice %arg13[%dma_start3A_729, %dma_start3A_736] : memref<2x64xf32, #tpu.memory_space<vmem>> -> memref<1x64xf32, #tpu.memory_space<vmem>>
        %dma_start3A_738 = tpu.memref_squeeze %dma_start3A_737 : memref<1x64xf32, #tpu.memory_space<vmem>> -> memref<64xf32, #tpu.memory_space<vmem>>
        %dma_start3A_739 = arith.constant 0 : i32
        %dma_start3A_740 = tpu.memref_slice %arg4[%add3A, %add3A_711, %dma_start3A_739] : memref<32x158x64xf32, #tpu.memory_space<hbm>> -> memref<1x1x64xf32, #tpu.memory_space<hbm>>
        %dma_start3A_741 = tpu.memref_squeeze %dma_start3A_740 : memref<1x1x64xf32, #tpu.memory_space<hbm>> -> memref<64xf32, #tpu.memory_space<hbm>>
        tpu.enqueue_dma source(%dma_start3A_741 : memref<64xf32, #tpu.memory_space<hbm>>) target(%dma_start3A_738 : memref<64xf32, #tpu.memory_space<vmem>>) target_semaphore(%arg21 : memref<!tpu.dma_semaphore, #tpu.memory_space<semaphore_mem>>)
      } else {
      }
      %scan3A_429 = arith.constant 0 : i32
      %scan3A_430 = arith.constant 0 : i32
      %scan3A_431 = arith.constant 64 : i32
      %scan3A_432 = arith.addi %scan3A_430, %scan3A_431 : i32
      %scan3A_433 = arith.constant 2 : i32
      scf.for %scan3A_710 = %scan3A_430 to %scan3A_432 step %scan3A_433  : i32 {
        %broadcast_in_dim3A_711 = arith.constant 0 : i32
        %broadcast_in_dim3A_712 = vector.broadcast %broadcast_in_dim3A_711 : i32 to vector<16xi32>
        %broadcast_in_dim3A_713 = vector.broadcast %scan3A_710 : i32 to vector<16xi32>
        %gather3A_714 = tpu.vector_load_idx %arg14[%broadcast_in_dim3A_712, %broadcast_in_dim3A_713] : memref<2x64xf32, #tpu.memory_space<vmem>>[vector<16xi32>, vector<16xi32>], vector<16xf32>,
        %get3A_715 = arith.constant 0 : i32
        %get3A_716 = arith.index_cast %get3A_715 : i32 to index
        %get3A_717 = arith.index_cast %scan3A_710 : i32 to index
        %get3A_718 = arith.constant 0 : index
        %get3A_719 = tpu.vector_load %arg18[%get3A_716, %get3A_717, %get3A_718] {strides = array<i32>} : memref<2x64x128xf32, #tpu.memory_space<vmem>>, vector<16xf32>,
        %mul3A_720 = arith.mulf %get3A_719, %gather3A_714 : vector<16xf32>
        %swap3A_721 = arith.constant 0 : i32
        %swap3A_722 = arith.index_cast %swap3A_721 : i32 to index
        %swap3A_723 = arith.index_cast %scan3A_710 : i32 to index
        %swap3A_724 = arith.constant 0 : index
        %swap3A_725 = tpu.vector_load %arg18[%swap3A_722, %swap3A_723, %swap3A_724] {strides = array<i32>} : memref<2x64x128xf32, #tpu.memory_space<vmem>>, vector<16xf32>,
        tpu.vector_store %arg18[%swap3A_722, %swap3A_723, %swap3A_724], %mul3A_720 {strides = array<i32>} : memref<2x64x128xf32, #tpu.memory_space<vmem>>, vector<16xf32>,
        %get3A_726 = arith.constant 0 : i32
        %get3A_727 = arith.index_cast %get3A_726 : i32 to index
        %get3A_728 = arith.index_cast %scan3A_710 : i32 to index
        %get3A_729 = arith.constant 16 : index
        %get3A_730 = tpu.vector_load %arg18[%get3A_727, %get3A_728, %get3A_729] {strides = array<i32>} : memref<2x64x128xf32, #tpu.memory_space<vmem>>, vector<16xf32>,
        %mul3A_731 = arith.mulf %get3A_730, %gather3A_714 : vector<16xf32>
        %swap3A_732 = arith.constant 0 : i32
        %swap3A_733 = arith.index_cast %swap3A_732 : i32 to index
        %swap3A_734 = arith.index_cast %scan3A_710 : i32 to index
        %swap3A_735 = arith.constant 16 : index
        %swap3A_736 = tpu.vector_load %arg18[%swap3A_733, %swap3A_734, %swap3A_735] {strides = array<i32>} : memref<2x64x128xf32, #tpu.memory_space<vmem>>, vector<16xf32>,
        tpu.vector_store %arg18[%swap3A_733, %swap3A_734, %swap3A_735], %mul3A_731 {strides = array<i32>} : memref<2x64x128xf32, #tpu.memory_space<vmem>>, vector<16xf32>,
        %get3A_737 = arith.constant 0 : i32
        %get3A_738 = arith.index_cast %get3A_737 : i32 to index
        %get3A_739 = arith.index_cast %scan3A_710 : i32 to index
        %get3A_740 = arith.constant 32 : index
        %get3A_741 = tpu.vector_load %arg18[%get3A_738, %get3A_739, %get3A_740] {strides = array<i32>} : memref<2x64x128xf32, #tpu.memory_space<vmem>>, vector<16xf32>,
        %mul3A_742 = arith.mulf %get3A_741, %gather3A_714 : vector<16xf32>
        %swap3A_743 = arith.constant 0 : i32
        %swap3A_744 = arith.index_cast %swap3A_743 : i32 to index
        %swap3A_745 = arith.index_cast %scan3A_710 : i32 to index
        %swap3A_746 = arith.constant 32 : index
        %swap3A_747 = tpu.vector_load %arg18[%swap3A_744, %swap3A_745, %swap3A_746] {strides = array<i32>} : memref<2x64x128xf32, #tpu.memory_space<vmem>>, vector<16xf32>,
        tpu.vector_store %arg18[%swap3A_744, %swap3A_745, %swap3A_746], %mul3A_742 {strides = array<i32>} : memref<2x64x128xf32, #tpu.memory_space<vmem>>, vector<16xf32>,
        %get3A_748 = arith.constant 0 : i32
        %get3A_749 = arith.index_cast %get3A_748 : i32 to index
        %get3A_750 = arith.index_cast %scan3A_710 : i32 to index
        %get3A_751 = arith.constant 48 : index
        %get3A_752 = tpu.vector_load %arg18[%get3A_749, %get3A_750, %get3A_751] {strides = array<i32>} : memref<2x64x128xf32, #tpu.memory_space<vmem>>, vector<16xf32>,
        %mul3A_753 = arith.mulf %get3A_752, %gather3A_714 : vector<16xf32>
        %swap3A_754 = arith.constant 0 : i32
        %swap3A_755 = arith.index_cast %swap3A_754 : i32 to index
        %swap3A_756 = arith.index_cast %scan3A_710 : i32 to index
        %swap3A_757 = arith.constant 48 : index
        %swap3A_758 = tpu.vector_load %arg18[%swap3A_755, %swap3A_756, %swap3A_757] {strides = array<i32>} : memref<2x64x128xf32, #tpu.memory_space<vmem>>, vector<16xf32>,
        tpu.vector_store %arg18[%swap3A_755, %swap3A_756, %swap3A_757], %mul3A_753 {strides = array<i32>} : memref<2x64x128xf32, #tpu.memory_space<vmem>>, vector<16xf32>,
        %get3A_759 = arith.constant 0 : i32
        %get3A_760 = arith.index_cast %get3A_759 : i32 to index
        %get3A_761 = arith.index_cast %scan3A_710 : i32 to index
        %get3A_762 = arith.constant 64 : index
        %get3A_763 = tpu.vector_load %arg18[%get3A_760, %get3A_761, %get3A_762] {strides = array<i32>} : memref<2x64x128xf32, #tpu.memory_space<vmem>>, vector<16xf32>,
        %mul3A_764 = arith.mulf %get3A_763, %gather3A_714 : vector<16xf32>
        %swap3A_765 = arith.constant 0 : i32
        %swap3A_766 = arith.index_cast %swap3A_765 : i32 to index
        %swap3A_767 = arith.index_cast %scan3A_710 : i32 to index
        %swap3A_768 = arith.constant 64 : index
        %swap3A_769 = tpu.vector_load %arg18[%swap3A_766, %swap3A_767, %swap3A_768] {strides = array<i32>} : memref<2x64x128xf32, #tpu.memory_space<vmem>>, vector<16xf32>,
        tpu.vector_store %arg18[%swap3A_766, %swap3A_767, %swap3A_768], %mul3A_764 {strides = array<i32>} : memref<2x64x128xf32, #tpu.memory_space<vmem>>, vector<16xf32>,
        %get3A_770 = arith.constant 0 : i32
        %get3A_771 = arith.index_cast %get3A_770 : i32 to index
        %get3A_772 = arith.index_cast %scan3A_710 : i32 to index
        %get3A_773 = arith.constant 80 : index
        %get3A_774 = tpu.vector_load %arg18[%get3A_771, %get3A_772, %get3A_773] {strides = array<i32>} : memref<2x64x128xf32, #tpu.memory_space<vmem>>, vector<16xf32>,
        %mul3A_775 = arith.mulf %get3A_774, %gather3A_714 : vector<16xf32>
        %swap3A_776 = arith.constant 0 : i32
        %swap3A_777 = arith.index_cast %swap3A_776 : i32 to index
        %swap3A_778 = arith.index_cast %scan3A_710 : i32 to index
        %swap3A_779 = arith.constant 80 : index
        %swap3A_780 = tpu.vector_load %arg18[%swap3A_777, %swap3A_778, %swap3A_779] {strides = array<i32>} : memref<2x64x128xf32, #tpu.memory_space<vmem>>, vector<16xf32>,
        tpu.vector_store %arg18[%swap3A_777, %swap3A_778, %swap3A_779], %mul3A_775 {strides = array<i32>} : memref<2x64x128xf32, #tpu.memory_space<vmem>>, vector<16xf32>,
        %get3A_781 = arith.constant 0 : i32
        %get3A_782 = arith.index_cast %get3A_781 : i32 to index
        %get3A_783 = arith.index_cast %scan3A_710 : i32 to index
        %get3A_784 = arith.constant 96 : index
        %get3A_785 = tpu.vector_load %arg18[%get3A_782, %get3A_783, %get3A_784] {strides = array<i32>} : memref<2x64x128xf32, #tpu.memory_space<vmem>>, vector<16xf32>,
        %mul3A_786 = arith.mulf %get3A_785, %gather3A_714 : vector<16xf32>
        %swap3A_787 = arith.constant 0 : i32
        %swap3A_788 = arith.index_cast %swap3A_787 : i32 to index
        %swap3A_789 = arith.index_cast %scan3A_710 : i32 to index
        %swap3A_790 = arith.constant 96 : index
        %swap3A_791 = tpu.vector_load %arg18[%swap3A_788, %swap3A_789, %swap3A_790] {strides = array<i32>} : memref<2x64x128xf32, #tpu.memory_space<vmem>>, vector<16xf32>,
        tpu.vector_store %arg18[%swap3A_788, %swap3A_789, %swap3A_790], %mul3A_786 {strides = array<i32>} : memref<2x64x128xf32, #tpu.memory_space<vmem>>, vector<16xf32>,
        %get3A_792 = arith.constant 0 : i32
        %get3A_793 = arith.index_cast %get3A_792 : i32 to index
        %get3A_794 = arith.index_cast %scan3A_710 : i32 to index
        %get3A_795 = arith.constant 112 : index
        %get3A_796 = tpu.vector_load %arg18[%get3A_793, %get3A_794, %get3A_795] {strides = array<i32>} : memref<2x64x128xf32, #tpu.memory_space<vmem>>, vector<16xf32>,
        %mul3A_797 = arith.mulf %get3A_796, %gather3A_714 : vector<16xf32>
        %swap3A_798 = arith.constant 0 : i32
        %swap3A_799 = arith.index_cast %swap3A_798 : i32 to index
        %swap3A_800 = arith.index_cast %scan3A_710 : i32 to index
        %swap3A_801 = arith.constant 112 : index
        %swap3A_802 = tpu.vector_load %arg18[%swap3A_799, %swap3A_800, %swap3A_801] {strides = array<i32>} : memref<2x64x128xf32, #tpu.memory_space<vmem>>, vector<16xf32>,
        tpu.vector_store %arg18[%swap3A_799, %swap3A_800, %swap3A_801], %mul3A_797 {strides = array<i32>} : memref<2x64x128xf32, #tpu.memory_space<vmem>>, vector<16xf32>,
        %scan3A_803 = arith.constant 1 : i32
        %scan3A_804 = arith.addi %scan3A_710, %scan3A_803 : i32
        %broadcast_in_dim3A_805 = arith.constant 0 : i32
        %broadcast_in_dim3A_806 = vector.broadcast %broadcast_in_dim3A_805 : i32 to vector<16xi32>
        %broadcast_in_dim3A_807 = vector.broadcast %scan3A_804 : i32 to vector<16xi32>
        %gather3A_808 = tpu.vector_load_idx %arg14[%broadcast_in_dim3A_806, %broadcast_in_dim3A_807] : memref<2x64xf32, #tpu.memory_space<vmem>>[vector<16xi32>, vector<16xi32>], vector<16xf32>,
        %get3A_809 = arith.constant 0 : i32
        %get3A_810 = arith.index_cast %get3A_809 : i32 to index
        %get3A_811 = arith.index_cast %scan3A_804 : i32 to index
        %get3A_812 = arith.constant 0 : index
        %get3A_813 = tpu.vector_load %arg18[%get3A_810, %get3A_811, %get3A_812] {strides = array<i32>} : memref<2x64x128xf32, #tpu.memory_space<vmem>>, vector<16xf32>,
        %mul3A_814 = arith.mulf %get3A_813, %gather3A_808 : vector<16xf32>
        %swap3A_815 = arith.constant 0 : i32
        %swap3A_816 = arith.index_cast %swap3A_815 : i32 to index
        %swap3A_817 = arith.index_cast %scan3A_804 : i32 to index
        %swap3A_818 = arith.constant 0 : index
        %swap3A_819 = tpu.vector_load %arg18[%swap3A_816, %swap3A_817, %swap3A_818] {strides = array<i32>} : memref<2x64x128xf32, #tpu.memory_space<vmem>>, vector<16xf32>,
        tpu.vector_store %arg18[%swap3A_816, %swap3A_817, %swap3A_818], %mul3A_814 {strides = array<i32>} : memref<2x64x128xf32, #tpu.memory_space<vmem>>, vector<16xf32>,
        %get3A_820 = arith.constant 0 : i32
        %get3A_821 = arith.index_cast %get3A_820 : i32 to index
        %get3A_822 = arith.index_cast %scan3A_804 : i32 to index
        %get3A_823 = arith.constant 16 : index
        %get3A_824 = tpu.vector_load %arg18[%get3A_821, %get3A_822, %get3A_823] {strides = array<i32>} : memref<2x64x128xf32, #tpu.memory_space<vmem>>, vector<16xf32>,
        %mul3A_825 = arith.mulf %get3A_824, %gather3A_808 : vector<16xf32>
        %swap3A_826 = arith.constant 0 : i32
        %swap3A_827 = arith.index_cast %swap3A_826 : i32 to index
        %swap3A_828 = arith.index_cast %scan3A_804 : i32 to index
        %swap3A_829 = arith.constant 16 : index
        %swap3A_830 = tpu.vector_load %arg18[%swap3A_827, %swap3A_828, %swap3A_829] {strides = array<i32>} : memref<2x64x128xf32, #tpu.memory_space<vmem>>, vector<16xf32>,
        tpu.vector_store %arg18[%swap3A_827, %swap3A_828, %swap3A_829], %mul3A_825 {strides = array<i32>} : memref<2x64x128xf32, #tpu.memory_space<vmem>>, vector<16xf32>,
        %get3A_831 = arith.constant 0 : i32
        %get3A_832 = arith.index_cast %get3A_831 : i32 to index
        %get3A_833 = arith.index_cast %scan3A_804 : i32 to index
        %get3A_834 = arith.constant 32 : index
        %get3A_835 = tpu.vector_load %arg18[%get3A_832, %get3A_833, %get3A_834] {strides = array<i32>} : memref<2x64x128xf32, #tpu.memory_space<vmem>>, vector<16xf32>,
        %mul3A_836 = arith.mulf %get3A_835, %gather3A_808 : vector<16xf32>
        %swap3A_837 = arith.constant 0 : i32
        %swap3A_838 = arith.index_cast %swap3A_837 : i32 to index
        %swap3A_839 = arith.index_cast %scan3A_804 : i32 to index
        %swap3A_840 = arith.constant 32 : index
        %swap3A_841 = tpu.vector_load %arg18[%swap3A_838, %swap3A_839, %swap3A_840] {strides = array<i32>} : memref<2x64x128xf32, #tpu.memory_space<vmem>>, vector<16xf32>,
        tpu.vector_store %arg18[%swap3A_838, %swap3A_839, %swap3A_840], %mul3A_836 {strides = array<i32>} : memref<2x64x128xf32, #tpu.memory_space<vmem>>, vector<16xf32>,
        %get3A_842 = arith.constant 0 : i32
        %get3A_843 = arith.index_cast %get3A_842 : i32 to index
        %get3A_844 = arith.index_cast %scan3A_804 : i32 to index
        %get3A_845 = arith.constant 48 : index
        %get3A_846 = tpu.vector_load %arg18[%get3A_843, %get3A_844, %get3A_845] {strides = array<i32>} : memref<2x64x128xf32, #tpu.memory_space<vmem>>, vector<16xf32>,
        %mul3A_847 = arith.mulf %get3A_846, %gather3A_808 : vector<16xf32>
        %swap3A_848 = arith.constant 0 : i32
        %swap3A_849 = arith.index_cast %swap3A_848 : i32 to index
        %swap3A_850 = arith.index_cast %scan3A_804 : i32 to index
        %swap3A_851 = arith.constant 48 : index
        %swap3A_852 = tpu.vector_load %arg18[%swap3A_849, %swap3A_850, %swap3A_851] {strides = array<i32>} : memref<2x64x128xf32, #tpu.memory_space<vmem>>, vector<16xf32>,
        tpu.vector_store %arg18[%swap3A_849, %swap3A_850, %swap3A_851], %mul3A_847 {strides = array<i32>} : memref<2x64x128xf32, #tpu.memory_space<vmem>>, vector<16xf32>,
        %get3A_853 = arith.constant 0 : i32
        %get3A_854 = arith.index_cast %get3A_853 : i32 to index
        %get3A_855 = arith.index_cast %scan3A_804 : i32 to index
        %get3A_856 = arith.constant 64 : index
        %get3A_857 = tpu.vector_load %arg18[%get3A_854, %get3A_855, %get3A_856] {strides = array<i32>} : memref<2x64x128xf32, #tpu.memory_space<vmem>>, vector<16xf32>,
        %mul3A_858 = arith.mulf %get3A_857, %gather3A_808 : vector<16xf32>
        %swap3A_859 = arith.constant 0 : i32
        %swap3A_860 = arith.index_cast %swap3A_859 : i32 to index
        %swap3A_861 = arith.index_cast %scan3A_804 : i32 to index
        %swap3A_862 = arith.constant 64 : index
        %swap3A_863 = tpu.vector_load %arg18[%swap3A_860, %swap3A_861, %swap3A_862] {strides = array<i32>} : memref<2x64x128xf32, #tpu.memory_space<vmem>>, vector<16xf32>,
        tpu.vector_store %arg18[%swap3A_860, %swap3A_861, %swap3A_862], %mul3A_858 {strides = array<i32>} : memref<2x64x128xf32, #tpu.memory_space<vmem>>, vector<16xf32>,
        %get3A_864 = arith.constant 0 : i32
        %get3A_865 = arith.index_cast %get3A_864 : i32 to index
        %get3A_866 = arith.index_cast %scan3A_804 : i32 to index
        %get3A_867 = arith.constant 80 : index
        %get3A_868 = tpu.vector_load %arg18[%get3A_865, %get3A_866, %get3A_867] {strides = array<i32>} : memref<2x64x128xf32, #tpu.memory_space<vmem>>, vector<16xf32>,
        %mul3A_869 = arith.mulf %get3A_868, %gather3A_808 : vector<16xf32>
        %swap3A_870 = arith.constant 0 : i32
        %swap3A_871 = arith.index_cast %swap3A_870 : i32 to index
        %swap3A_872 = arith.index_cast %scan3A_804 : i32 to index
        %swap3A_873 = arith.constant 80 : index
        %swap3A_874 = tpu.vector_load %arg18[%swap3A_871, %swap3A_872, %swap3A_873] {strides = array<i32>} : memref<2x64x128xf32, #tpu.memory_space<vmem>>, vector<16xf32>,
        tpu.vector_store %arg18[%swap3A_871, %swap3A_872, %swap3A_873], %mul3A_869 {strides = array<i32>} : memref<2x64x128xf32, #tpu.memory_space<vmem>>, vector<16xf32>,
        %get3A_875 = arith.constant 0 : i32
        %get3A_876 = arith.index_cast %get3A_875 : i32 to index
        %get3A_877 = arith.index_cast %scan3A_804 : i32 to index
        %get3A_878 = arith.constant 96 : index
        %get3A_879 = tpu.vector_load %arg18[%get3A_876, %get3A_877, %get3A_878] {strides = array<i32>} : memref<2x64x128xf32, #tpu.memory_space<vmem>>, vector<16xf32>,
        %mul3A_880 = arith.mulf %get3A_879, %gather3A_808 : vector<16xf32>
        %swap3A_881 = arith.constant 0 : i32
        %swap3A_882 = arith.index_cast %swap3A_881 : i32 to index
        %swap3A_883 = arith.index_cast %scan3A_804 : i32 to index
        %swap3A_884 = arith.constant 96 : index
        %swap3A_885 = tpu.vector_load %arg18[%swap3A_882, %swap3A_883, %swap3A_884] {strides = array<i32>} : memref<2x64x128xf32, #tpu.memory_space<vmem>>, vector<16xf32>,
        tpu.vector_store %arg18[%swap3A_882, %swap3A_883, %swap3A_884], %mul3A_880 {strides = array<i32>} : memref<2x64x128xf32, #tpu.memory_space<vmem>>, vector<16xf32>,
        %get3A_886 = arith.constant 0 : i32
        %get3A_887 = arith.index_cast %get3A_886 : i32 to index
        %get3A_888 = arith.index_cast %scan3A_804 : i32 to index
        %get3A_889 = arith.constant 112 : index
        %get3A_890 = tpu.vector_load %arg18[%get3A_887, %get3A_888, %get3A_889] {strides = array<i32>} : memref<2x64x128xf32, #tpu.memory_space<vmem>>, vector<16xf32>,
        %mul3A_891 = arith.mulf %get3A_890, %gather3A_808 : vector<16xf32>
        %swap3A_892 = arith.constant 0 : i32
        %swap3A_893 = arith.index_cast %swap3A_892 : i32 to index
        %swap3A_894 = arith.index_cast %scan3A_804 : i32 to index
        %swap3A_895 = arith.constant 112 : index
        %swap3A_896 = tpu.vector_load %arg18[%swap3A_893, %swap3A_894, %swap3A_895] {strides = array<i32>} : memref<2x64x128xf32, #tpu.memory_space<vmem>>, vector<16xf32>,
        tpu.vector_store %arg18[%swap3A_893, %swap3A_894, %swap3A_895], %mul3A_891 {strides = array<i32>} : memref<2x64x128xf32, #tpu.memory_space<vmem>>, vector<16xf32>,
      }
      %scan3A_434 = arith.constant 64 : i32
      %dma_start3A_435 = arith.constant 0 : i32
      %dma_start3A_436 = arith.constant 0 : i32
      %dma_start3A_437 = arith.constant 0 : i32
      %dma_start3A_438 = arith.constant 0 : i32
      %dma_start3A_439 = tpu.memref_slice %arg18[%dma_start3A_435, %dma_start3A_437, %dma_start3A_438] : memref<2x64x128xf32, #tpu.memory_space<vmem>> -> memref<1x64x128xf32, #tpu.memory_space<vmem>>
      %dma_start3A_440 = tpu.memref_squeeze %dma_start3A_439 : memref<1x64x128xf32, #tpu.memory_space<vmem>> -> memref<64x128xf32, #tpu.memory_space<vmem>>
      %dma_start3A_441 = arith.constant 0 : i32
      %dma_start3A_442 = tpu.memref_slice %arg16[%dma_start3A_436, %dma_start3A_441] : memref<2x64xi32, #tpu.memory_space<vmem>> -> memref<1x64xi32, #tpu.memory_space<vmem>>
      %dma_start3A_443 = tpu.memref_squeeze %dma_start3A_442 : memref<1x64xi32, #tpu.memory_space<vmem>> -> memref<64xi32, #tpu.memory_space<vmem>>
      %dma_start3A_444 = arith.constant 0 : i32
      %dma_start3A_445 = arith.constant 0 : i32
      %dma_start3A_446 = tpu.memref_slice %arg27[%dma_start3A_444, %dma_start3A_445] : memref<10240x128xf32, #tpu.memory_space<vmem_shared>> -> memref<10240x128xf32, #tpu.memory_space<vmem_shared>>
      tpu.enqueue_indirect_dma source(%dma_start3A_440 : memref<64x128xf32, #tpu.memory_space<vmem>>) target(%dma_start3A_446 : memref<10240x128xf32, #tpu.memory_space<vmem_shared>>) offsets(%dma_start3A_443 : memref<64xi32, #tpu.memory_space<vmem>>) semaphore(%arg25 : memref<!tpu.dma_semaphore, #tpu.memory_space<semaphore_mem>>) {add = true}
      %dma_start3A_447 = arith.constant 0 : i32
      %dma_start3A_448 = arith.constant 0 : i32
      %dma_start3A_449 = arith.constant 0 : i32
      %dma_start3A_450 = tpu.memref_slice %arg14[%dma_start3A_447, %dma_start3A_449] : memref<2x64xf32, #tpu.memory_space<vmem>> -> memref<1x64xf32, #tpu.memory_space<vmem>>
      %dma_start3A_451 = tpu.memref_squeeze %dma_start3A_450 : memref<1x64xf32, #tpu.memory_space<vmem>> -> memref<64xf32, #tpu.memory_space<vmem>>
      %dma_start3A_452 = arith.constant 0 : i32
      %dma_start3A_453 = tpu.memref_slice %arg16[%dma_start3A_448, %dma_start3A_452] : memref<2x64xi32, #tpu.memory_space<vmem>> -> memref<1x64xi32, #tpu.memory_space<vmem>>
      %dma_start3A_454 = tpu.memref_squeeze %dma_start3A_453 : memref<1x64xi32, #tpu.memory_space<vmem>> -> memref<64xi32, #tpu.memory_space<vmem>>
      %dma_start3A_455 = arith.constant 0 : i32
      %dma_start3A_456 = tpu.memref_slice %arg28[%dma_start3A_455] : memref<10240xf32, #tpu.memory_space<vmem_shared>> -> memref<10240xf32, #tpu.memory_space<vmem_shared>>
      tpu.enqueue_indirect_dma source(%dma_start3A_451 : memref<64xf32, #tpu.memory_space<vmem>>) target(%dma_start3A_456 : memref<10240xf32, #tpu.memory_space<vmem_shared>>) offsets(%dma_start3A_454 : memref<64xi32, #tpu.memory_space<vmem>>) semaphore(%arg25 : memref<!tpu.dma_semaphore, #tpu.memory_space<semaphore_mem>>) {add = true}
      %dma_start3A_457 = arith.constant 0 : i32
      %dma_start3A_458 = arith.constant 0 : i32
      %dma_start3A_459 = arith.constant 0 : i32
      %dma_start3A_460 = tpu.memref_slice %arg15[%dma_start3A_457, %dma_start3A_459] : memref<2x64xf32, #tpu.memory_space<vmem>> -> memref<1x64xf32, #tpu.memory_space<vmem>>
      %dma_start3A_461 = tpu.memref_squeeze %dma_start3A_460 : memref<1x64xf32, #tpu.memory_space<vmem>> -> memref<64xf32, #tpu.memory_space<vmem>>
      %dma_start3A_462 = arith.constant 0 : i32
      %dma_start3A_463 = tpu.memref_slice %arg16[%dma_start3A_458, %dma_start3A_462] : memref<2x64xi32, #tpu.memory_space<vmem>> -> memref<1x64xi32, #tpu.memory_space<vmem>>
      %dma_start3A_464 = tpu.memref_squeeze %dma_start3A_463 : memref<1x64xi32, #tpu.memory_space<vmem>> -> memref<64xi32, #tpu.memory_space<vmem>>
      %dma_start3A_465 = arith.constant 0 : i32
      %dma_start3A_466 = tpu.memref_slice %arg29[%dma_start3A_465] : memref<10240xf32, #tpu.memory_space<vmem_shared>> -> memref<10240xf32, #tpu.memory_space<vmem_shared>>
      tpu.enqueue_indirect_dma source(%dma_start3A_461 : memref<64xf32, #tpu.memory_space<vmem>>) target(%dma_start3A_466 : memref<10240xf32, #tpu.memory_space<vmem_shared>>) offsets(%dma_start3A_464 : memref<64xi32, #tpu.memory_space<vmem>>) semaphore(%arg25 : memref<!tpu.dma_semaphore, #tpu.memory_space<semaphore_mem>>) {add = true}
      %dma_start3A_467 = arith.constant 0 : i32
      %dma_start3A_468 = arith.constant 0 : i32
      %dma_start3A_469 = tpu.memref_slice %arg16[%dma_start3A_467, %dma_start3A_468] : memref<2x64xi32, #tpu.memory_space<vmem>> -> memref<1x64xi32, #tpu.memory_space<vmem>>
      %dma_start3A_470 = tpu.memref_squeeze %dma_start3A_469 : memref<1x64xi32, #tpu.memory_space<vmem>> -> memref<64xi32, #tpu.memory_space<vmem>>
      %dma_start3A_471 = arith.constant 0 : i32
      %dma_start3A_472 = tpu.memref_slice %arg30[%dma_start3A_471] : memref<10240xf32, #tpu.memory_space<vmem_shared>> -> memref<10240xf32, #tpu.memory_space<vmem_shared>>
      tpu.enqueue_indirect_dma source(%arg17 : memref<64xf32, #tpu.memory_space<vmem>>) target(%dma_start3A_472 : memref<10240xf32, #tpu.memory_space<vmem_shared>>) offsets(%dma_start3A_470 : memref<64xi32, #tpu.memory_space<vmem>>) semaphore(%arg25 : memref<!tpu.dma_semaphore, #tpu.memory_space<semaphore_mem>>) {add = true}
      %mul3A_473 = arith.constant 2 : i32
      %mul3A_474 = arith.muli %mul3A_473, %scan3A_248 : i32
      %add3A_475 = arith.constant 2 : i32
      %add3A_476 = arith.addi %mul3A_474, %add3A_475 : i32
      %mul3A_477 = arith.constant 2 : i32
      %mul3A_478 = arith.muli %mul3A_477, %scan3A_248 : i32
      %add3A_479 = arith.constant 2 : i32
      %add3A_480 = arith.addi %mul3A_478, %add3A_479 : i32
      %lt3A_481 = arith.constant 158 : i32
      %lt3A_482 = arith.cmpi slt, %add3A_480, %lt3A_481 : i32
      %convert_element_type3A_483 = arith.extui %lt3A_482 : i1 to i32
      %cond3A_484 = arith.constant 0 : i32
      %cond3A_485 = arith.cmpi ne, %convert_element_type3A_483, %cond3A_484 : i32
      scf.if %cond3A_485 {
        %dma_wait3A_710 = arith.constant 0 : i32
        %dma_wait3A_711 = arith.constant 0 : i32
        %dma_wait3A_712 = arith.constant 0 : i32
        %dma_wait3A_713 = arith.constant 0 : i32
        %dma_wait3A_714 = tpu.memref_slice %arg12[%dma_wait3A_711, %dma_wait3A_712, %dma_wait3A_713] : memref<2x2x64xi32, #tpu.memory_space<vmem>> -> memref<1x2x64xi32, #tpu.memory_space<vmem>>
        %dma_wait3A_715 = tpu.memref_squeeze %dma_wait3A_714 : memref<1x2x64xi32, #tpu.memory_space<vmem>> -> memref<2x64xi32, #tpu.memory_space<vmem>>
        %dma_wait3A_716 = arith.constant 0 : i32
        %dma_wait3A_717 = arith.constant 0 : i32
        %dma_wait3A_718 = tpu.memref_slice %arg3[%add3A, %dma_wait3A_710, %dma_wait3A_716, %dma_wait3A_717] : memref<32x158x2x64xi32, #tpu.memory_space<hbm>> -> memref<1x1x2x64xi32, #tpu.memory_space<hbm>>
        %dma_wait3A_719 = tpu.memref_squeeze %dma_wait3A_718 : memref<1x1x2x64xi32, #tpu.memory_space<hbm>> -> memref<2x64xi32, #tpu.memory_space<hbm>>
        %dma_wait3A_720 = arith.constant 0 : i32
        %dma_wait3A_721 = arith.constant 0 : i32
        %dma_wait3A_722 = tpu.memref_slice %arg12[%dma_wait3A_711, %dma_wait3A_720, %dma_wait3A_721] : memref<2x2x64xi32, #tpu.memory_space<vmem>> -> memref<1x2x64xi32, #tpu.memory_space<vmem>>
        %dma_wait3A_723 = tpu.memref_squeeze %dma_wait3A_722 : memref<1x2x64xi32, #tpu.memory_space<vmem>> -> memref<2x64xi32, #tpu.memory_space<vmem>>
        %dma_wait3A_724 = arith.constant 0 : i32
        %dma_wait3A_725 = arith.constant 0 : i32
        %dma_wait3A_726 = tpu.memref_slice %arg3[%add3A, %dma_wait3A_710, %dma_wait3A_724, %dma_wait3A_725] : memref<32x158x2x64xi32, #tpu.memory_space<hbm>> -> memref<1x1x2x64xi32, #tpu.memory_space<hbm>>
        %dma_wait3A_727 = tpu.memref_squeeze %dma_wait3A_726 : memref<1x1x2x64xi32, #tpu.memory_space<hbm>> -> memref<2x64xi32, #tpu.memory_space<hbm>>
        tpu.wait_dma2 semaphore(%arg21 : memref<!tpu.dma_semaphore, #tpu.memory_space<semaphore_mem>>) src(%dma_wait3A_727 : memref<2x64xi32, #tpu.memory_space<hbm>>) dst(%dma_wait3A_723 : memref<2x64xi32, #tpu.memory_space<vmem>>)
        %dma_wait3A_728 = arith.constant 0 : i32
        %dma_wait3A_729 = arith.constant 0 : i32
        %dma_wait3A_730 = arith.constant 0 : i32
        %dma_wait3A_731 = tpu.memref_slice %arg13[%dma_wait3A_729, %dma_wait3A_730] : memref<2x64xf32, #tpu.memory_space<vmem>> -> memref<1x64xf32, #tpu.memory_space<vmem>>
        %dma_wait3A_732 = tpu.memref_squeeze %dma_wait3A_731 : memref<1x64xf32, #tpu.memory_space<vmem>> -> memref<64xf32, #tpu.memory_space<vmem>>
        %dma_wait3A_733 = arith.constant 0 : i32
        %dma_wait3A_734 = tpu.memref_slice %arg4[%add3A, %dma_wait3A_728, %dma_wait3A_733] : memref<32x158x64xf32, #tpu.memory_space<hbm>> -> memref<1x1x64xf32, #tpu.memory_space<hbm>>
        %dma_wait3A_735 = tpu.memref_squeeze %dma_wait3A_734 : memref<1x1x64xf32, #tpu.memory_space<hbm>> -> memref<64xf32, #tpu.memory_space<hbm>>
        %dma_wait3A_736 = arith.constant 0 : i32
        %dma_wait3A_737 = tpu.memref_slice %arg13[%dma_wait3A_729, %dma_wait3A_736] : memref<2x64xf32, #tpu.memory_space<vmem>> -> memref<1x64xf32, #tpu.memory_space<vmem>>
        %dma_wait3A_738 = tpu.memref_squeeze %dma_wait3A_737 : memref<1x64xf32, #tpu.memory_space<vmem>> -> memref<64xf32, #tpu.memory_space<vmem>>
        %dma_wait3A_739 = arith.constant 0 : i32
        %dma_wait3A_740 = tpu.memref_slice %arg4[%add3A, %dma_wait3A_728, %dma_wait3A_739] : memref<32x158x64xf32, #tpu.memory_space<hbm>> -> memref<1x1x64xf32, #tpu.memory_space<hbm>>
        %dma_wait3A_741 = tpu.memref_squeeze %dma_wait3A_740 : memref<1x1x64xf32, #tpu.memory_space<hbm>> -> memref<64xf32, #tpu.memory_space<hbm>>
        tpu.wait_dma2 semaphore(%arg21 : memref<!tpu.dma_semaphore, #tpu.memory_space<semaphore_mem>>) src(%dma_wait3A_741 : memref<64xf32, #tpu.memory_space<hbm>>) dst(%dma_wait3A_738 : memref<64xf32, #tpu.memory_space<vmem>>)
        %convert_element_type3A_742 = arith.extui %scan3A_165 : i1 to i32
        %cond3A_743 = arith.constant 0 : i32
        %cond3A_744 = arith.cmpi ne, %convert_element_type3A_742, %cond3A_743 : i32
        scf.if %cond3A_744 {
          %dma_wait3A_758 = arith.constant 0 : i32
          %dma_wait3A_759 = arith.constant 0 : i32
          %dma_wait3A_760 = arith.constant 0 : i32
          %dma_wait3A_761 = arith.constant 0 : i32
          %dma_wait3A_762 = tpu.memref_slice %arg18[%dma_wait3A_758, %dma_wait3A_760, %dma_wait3A_761] : memref<2x64x128xf32, #tpu.memory_space<vmem>> -> memref<1x64x128xf32, #tpu.memory_space<vmem>>
          %dma_wait3A_763 = tpu.memref_squeeze %dma_wait3A_762 : memref<1x64x128xf32, #tpu.memory_space<vmem>> -> memref<64x128xf32, #tpu.memory_space<vmem>>
          %dma_wait3A_764 = arith.constant 0 : i32
          %dma_wait3A_765 = tpu.memref_slice %arg16[%dma_wait3A_759, %dma_wait3A_764] : memref<2x64xi32, #tpu.memory_space<vmem>> -> memref<1x64xi32, #tpu.memory_space<vmem>>
          %dma_wait3A_766 = tpu.memref_squeeze %dma_wait3A_765 : memref<1x64xi32, #tpu.memory_space<vmem>> -> memref<64xi32, #tpu.memory_space<vmem>>
          %dma_wait3A_767 = arith.constant 0 : i32
          %dma_wait3A_768 = arith.constant 0 : i32
          %dma_wait3A_769 = tpu.memref_slice %arg27[%dma_wait3A_767, %dma_wait3A_768] : memref<10240x128xf32, #tpu.memory_space<vmem_shared>> -> memref<10240x128xf32, #tpu.memory_space<vmem_shared>>
          tpu.wait_indirect_dma semaphore(%arg25 : memref<!tpu.dma_semaphore, #tpu.memory_space<semaphore_mem>>) src(%dma_wait3A_763 : memref<64x128xf32, #tpu.memory_space<vmem>>) dst(%dma_wait3A_769 : memref<10240x128xf32, #tpu.memory_space<vmem_shared>>)
          %dma_wait3A_770 = arith.constant 0 : i32
          %dma_wait3A_771 = arith.constant 0 : i32
          %dma_wait3A_772 = arith.constant 0 : i32
          %dma_wait3A_773 = tpu.memref_slice %arg14[%dma_wait3A_770, %dma_wait3A_772] : memref<2x64xf32, #tpu.memory_space<vmem>> -> memref<1x64xf32, #tpu.memory_space<vmem>>
          %dma_wait3A_774 = tpu.memref_squeeze %dma_wait3A_773 : memref<1x64xf32, #tpu.memory_space<vmem>> -> memref<64xf32, #tpu.memory_space<vmem>>
          %dma_wait3A_775 = arith.constant 0 : i32
          %dma_wait3A_776 = tpu.memref_slice %arg16[%dma_wait3A_771, %dma_wait3A_775] : memref<2x64xi32, #tpu.memory_space<vmem>> -> memref<1x64xi32, #tpu.memory_space<vmem>>
          %dma_wait3A_777 = tpu.memref_squeeze %dma_wait3A_776 : memref<1x64xi32, #tpu.memory_space<vmem>> -> memref<64xi32, #tpu.memory_space<vmem>>
          %dma_wait3A_778 = arith.constant 0 : i32
          %dma_wait3A_779 = tpu.memref_slice %arg28[%dma_wait3A_778] : memref<10240xf32, #tpu.memory_space<vmem_shared>> -> memref<10240xf32, #tpu.memory_space<vmem_shared>>
          tpu.wait_indirect_dma semaphore(%arg25 : memref<!tpu.dma_semaphore, #tpu.memory_space<semaphore_mem>>) src(%dma_wait3A_774 : memref<64xf32, #tpu.memory_space<vmem>>) dst(%dma_wait3A_779 : memref<10240xf32, #tpu.memory_space<vmem_shared>>)
          %dma_wait3A_780 = arith.constant 0 : i32
          %dma_wait3A_781 = arith.constant 0 : i32
          %dma_wait3A_782 = arith.constant 0 : i32
          %dma_wait3A_783 = tpu.memref_slice %arg15[%dma_wait3A_780, %dma_wait3A_782] : memref<2x64xf32, #tpu.memory_space<vmem>> -> memref<1x64xf32, #tpu.memory_space<vmem>>
          %dma_wait3A_784 = tpu.memref_squeeze %dma_wait3A_783 : memref<1x64xf32, #tpu.memory_space<vmem>> -> memref<64xf32, #tpu.memory_space<vmem>>
          %dma_wait3A_785 = arith.constant 0 : i32
          %dma_wait3A_786 = tpu.memref_slice %arg16[%dma_wait3A_781, %dma_wait3A_785] : memref<2x64xi32, #tpu.memory_space<vmem>> -> memref<1x64xi32, #tpu.memory_space<vmem>>
          %dma_wait3A_787 = tpu.memref_squeeze %dma_wait3A_786 : memref<1x64xi32, #tpu.memory_space<vmem>> -> memref<64xi32, #tpu.memory_space<vmem>>
          %dma_wait3A_788 = arith.constant 0 : i32
          %dma_wait3A_789 = tpu.memref_slice %arg29[%dma_wait3A_788] : memref<10240xf32, #tpu.memory_space<vmem_shared>> -> memref<10240xf32, #tpu.memory_space<vmem_shared>>
          tpu.wait_indirect_dma semaphore(%arg25 : memref<!tpu.dma_semaphore, #tpu.memory_space<semaphore_mem>>) src(%dma_wait3A_784 : memref<64xf32, #tpu.memory_space<vmem>>) dst(%dma_wait3A_789 : memref<10240xf32, #tpu.memory_space<vmem_shared>>)
          %dma_wait3A_790 = arith.constant 0 : i32
          %dma_wait3A_791 = arith.constant 0 : i32
          %dma_wait3A_792 = tpu.memref_slice %arg16[%dma_wait3A_790, %dma_wait3A_791] : memref<2x64xi32, #tpu.memory_space<vmem>> -> memref<1x64xi32, #tpu.memory_space<vmem>>
          %dma_wait3A_793 = tpu.memref_squeeze %dma_wait3A_792 : memref<1x64xi32, #tpu.memory_space<vmem>> -> memref<64xi32, #tpu.memory_space<vmem>>
          %dma_wait3A_794 = arith.constant 0 : i32
          %dma_wait3A_795 = tpu.memref_slice %arg30[%dma_wait3A_794] : memref<10240xf32, #tpu.memory_space<vmem_shared>> -> memref<10240xf32, #tpu.memory_space<vmem_shared>>
          tpu.wait_indirect_dma semaphore(%arg25 : memref<!tpu.dma_semaphore, #tpu.memory_space<semaphore_mem>>) src(%arg17 : memref<64xf32, #tpu.memory_space<vmem>>) dst(%dma_wait3A_795 : memref<10240xf32, #tpu.memory_space<vmem_shared>>)
        } else {
        }
        %dma_start3A_745 = arith.constant 0 : i32
        %dma_start3A_746 = arith.constant 0 : i32
        %dma_start3A_747 = arith.constant 0 : i32
        %dma_start3A_748 = arith.constant 0 : i32
        %dma_start3A_749 = arith.constant 0 : i32
        %dma_start3A_750 = tpu.memref_slice %arg18[%dma_start3A_747, %dma_start3A_748, %dma_start3A_749] : memref<2x64x128xf32, #tpu.memory_space<vmem>> -> memref<1x64x128xf32, #tpu.memory_space<vmem>>
        %dma_start3A_751 = tpu.memref_squeeze %dma_start3A_750 : memref<1x64x128xf32, #tpu.memory_space<vmem>> -> memref<64x128xf32, #tpu.memory_space<vmem>>
        %dma_start3A_752 = arith.constant 0 : i32
        %dma_start3A_753 = tpu.memref_slice %arg12[%dma_start3A_745, %dma_start3A_746, %dma_start3A_752] : memref<2x2x64xi32, #tpu.memory_space<vmem>> -> memref<1x1x64xi32, #tpu.memory_space<vmem>>
        %dma_start3A_754 = tpu.memref_squeeze %dma_start3A_753 : memref<1x1x64xi32, #tpu.memory_space<vmem>> -> memref<64xi32, #tpu.memory_space<vmem>>
        %dma_start3A_755 = arith.constant 0 : i32
        %dma_start3A_756 = arith.constant 0 : i32
        %dma_start3A_757 = tpu.memref_slice %arg2[%dma_start3A_755, %dma_start3A_756] : memref<10000x128xf32, #tpu.memory_space<hbm>> -> memref<10000x128xf32, #tpu.memory_space<hbm>>
        tpu.enqueue_indirect_dma source(%dma_start3A_757 : memref<10000x128xf32, #tpu.memory_space<hbm>>) target(%dma_start3A_751 : memref<64x128xf32, #tpu.memory_space<vmem>>) offsets(%dma_start3A_754 : memref<64xi32, #tpu.memory_space<vmem>>) semaphore(%arg23 : memref<!tpu.dma_semaphore, #tpu.memory_space<semaphore_mem>>)
      } else {
      }
      %get3A_486 = arith.constant 1 : i32
      %get3A_487 = arith.constant 0 : i32
      %get3A_488 = arith.index_cast %get3A_486 : i32 to index
      %get3A_489 = arith.index_cast %get3A_487 : i32 to index
      %get3A_490 = arith.constant 0 : index
      %get3A_491 = tpu.vector_load %arg12[%get3A_488, %get3A_489, %get3A_490] {strides = array<i32>} : memref<2x2x64xi32, #tpu.memory_space<vmem>>, vector<16xi32>,
      %get3A_492 = arith.constant 1 : i32
      %get3A_493 = arith.constant 1 : i32
      %get3A_494 = arith.index_cast %get3A_492 : i32 to index
      %get3A_495 = arith.index_cast %get3A_493 : i32 to index
      %get3A_496 = arith.constant 0 : index
      %get3A_497 = tpu.vector_load %arg12[%get3A_494, %get3A_495, %get3A_496] {strides = array<i32>} : memref<2x2x64xi32, #tpu.memory_space<vmem>>, vector<16xi32>,
      %get3A_498 = arith.constant 1 : i32
      %get3A_499 = arith.index_cast %get3A_498 : i32 to index
      %get3A_500 = arith.constant 0 : index
      %get3A_501 = tpu.vector_load %arg13[%get3A_499, %get3A_500] {strides = array<i32>} : memref<2x64xf32, #tpu.memory_space<vmem>>, vector<16xf32>,
      %gather3A_502 = tpu.vector_load_idx %arg19[%get3A_491] : memref<10000xf32, #tpu.memory_space<vmem>>[vector<16xi32>], vector<16xf32>,
      %gather3A_503 = tpu.vector_load_idx %arg20[%get3A_497] : memref<10008xf32, #tpu.memory_space<vmem>>[vector<16xi32>], vector<16xf32>,
      %add3A_504 = arith.addf %gather3A_502, %gather3A_503 : vector<16xf32>
      %add3A_505 = arith.addf %add3A_504, %get3A_501 : vector<16xf32>
      %ge3A_506 = arith.constant 0.000000e+00 : f32
      %ge3A_507 = vector.broadcast %ge3A_506 : f32 to vector<16xf32>
      %ge3A_508 = arith.cmpf oge, %add3A_505, %ge3A_507 : vector<16xf32>
      %mul3A_509 = arith.constant 2.000000e-01 : f32
      %mul3A_510 = vector.broadcast %mul3A_509 : f32 to vector<16xf32>
      %mul3A_511 = arith.mulf %mul3A_510, %add3A_505 : vector<16xf32>
      %select_n3A_512 = arith.select %ge3A_508, %add3A_505, %mul3A_511 : vector<16xi1>, vector<16xf32>
      %exp3A_513 = math.exp %select_n3A_512 : vector<16xf32>
      %swap3A_514 = arith.constant 1 : i32
      %swap3A_515 = arith.index_cast %swap3A_514 : i32 to index
      %swap3A_516 = arith.constant 0 : index
      %swap3A_517 = tpu.vector_load %arg14[%swap3A_515, %swap3A_516] {strides = array<i32>} : memref<2x64xf32, #tpu.memory_space<vmem>>, vector<16xf32>,
      tpu.vector_store %arg14[%swap3A_515, %swap3A_516], %exp3A_513 {strides = array<i32>} : memref<2x64xf32, #tpu.memory_space<vmem>>, vector<16xf32>,
      %swap3A_518 = arith.constant 1 : i32
      %swap3A_519 = arith.index_cast %swap3A_518 : i32 to index
      %swap3A_520 = arith.constant 0 : index
      %swap3A_521 = tpu.vector_load %arg15[%swap3A_519, %swap3A_520] {strides = array<i32>} : memref<2x64xf32, #tpu.memory_space<vmem>>, vector<16xf32>,
      tpu.vector_store %arg15[%swap3A_519, %swap3A_520], %get3A_501 {strides = array<i32>} : memref<2x64xf32, #tpu.memory_space<vmem>>, vector<16xf32>,
      %swap3A_522 = arith.constant 1 : i32
      %swap3A_523 = arith.index_cast %swap3A_522 : i32 to index
      %swap3A_524 = arith.constant 0 : index
      %swap3A_525 = tpu.vector_load %arg16[%swap3A_523, %swap3A_524] {strides = array<i32>} : memref<2x64xi32, #tpu.memory_space<vmem>>, vector<16xi32>,
      tpu.vector_store %arg16[%swap3A_523, %swap3A_524], %get3A_497 {strides = array<i32>} : memref<2x64xi32, #tpu.memory_space<vmem>>, vector<16xi32>,
      %get3A_526 = arith.constant 1 : i32
      %get3A_527 = arith.constant 0 : i32
      %get3A_528 = arith.index_cast %get3A_526 : i32 to index
      %get3A_529 = arith.index_cast %get3A_527 : i32 to index
      %get3A_530 = arith.constant 16 : index
      %get3A_531 = tpu.vector_load %arg12[%get3A_528, %get3A_529, %get3A_530] {strides = array<i32>} : memref<2x2x64xi32, #tpu.memory_space<vmem>>, vector<16xi32>,
      %get3A_532 = arith.constant 1 : i32
      %get3A_533 = arith.constant 1 : i32
      %get3A_534 = arith.index_cast %get3A_532 : i32 to index
      %get3A_535 = arith.index_cast %get3A_533 : i32 to index
      %get3A_536 = arith.constant 16 : index
      %get3A_537 = tpu.vector_load %arg12[%get3A_534, %get3A_535, %get3A_536] {strides = array<i32>} : memref<2x2x64xi32, #tpu.memory_space<vmem>>, vector<16xi32>,
      %get3A_538 = arith.constant 1 : i32
      %get3A_539 = arith.index_cast %get3A_538 : i32 to index
      %get3A_540 = arith.constant 16 : index
      %get3A_541 = tpu.vector_load %arg13[%get3A_539, %get3A_540] {strides = array<i32>} : memref<2x64xf32, #tpu.memory_space<vmem>>, vector<16xf32>,
      %gather3A_542 = tpu.vector_load_idx %arg19[%get3A_531] : memref<10000xf32, #tpu.memory_space<vmem>>[vector<16xi32>], vector<16xf32>,
      %gather3A_543 = tpu.vector_load_idx %arg20[%get3A_537] : memref<10008xf32, #tpu.memory_space<vmem>>[vector<16xi32>], vector<16xf32>,
      %add3A_544 = arith.addf %gather3A_542, %gather3A_543 : vector<16xf32>
      %add3A_545 = arith.addf %add3A_544, %get3A_541 : vector<16xf32>
      %ge3A_546 = arith.constant 0.000000e+00 : f32
      %ge3A_547 = vector.broadcast %ge3A_546 : f32 to vector<16xf32>
      %ge3A_548 = arith.cmpf oge, %add3A_545, %ge3A_547 : vector<16xf32>
      %mul3A_549 = arith.constant 2.000000e-01 : f32
      %mul3A_550 = vector.broadcast %mul3A_549 : f32 to vector<16xf32>
      %mul3A_551 = arith.mulf %mul3A_550, %add3A_545 : vector<16xf32>
      %select_n3A_552 = arith.select %ge3A_548, %add3A_545, %mul3A_551 : vector<16xi1>, vector<16xf32>
      %exp3A_553 = math.exp %select_n3A_552 : vector<16xf32>
      %swap3A_554 = arith.constant 1 : i32
      %swap3A_555 = arith.index_cast %swap3A_554 : i32 to index
      %swap3A_556 = arith.constant 16 : index
      %swap3A_557 = tpu.vector_load %arg14[%swap3A_555, %swap3A_556] {strides = array<i32>} : memref<2x64xf32, #tpu.memory_space<vmem>>, vector<16xf32>,
      tpu.vector_store %arg14[%swap3A_555, %swap3A_556], %exp3A_553 {strides = array<i32>} : memref<2x64xf32, #tpu.memory_space<vmem>>, vector<16xf32>,
      %swap3A_558 = arith.constant 1 : i32
      %swap3A_559 = arith.index_cast %swap3A_558 : i32 to index
      %swap3A_560 = arith.constant 16 : index
      %swap3A_561 = tpu.vector_load %arg15[%swap3A_559, %swap3A_560] {strides = array<i32>} : memref<2x64xf32, #tpu.memory_space<vmem>>, vector<16xf32>,
      tpu.vector_store %arg15[%swap3A_559, %swap3A_560], %get3A_541 {strides = array<i32>} : memref<2x64xf32, #tpu.memory_space<vmem>>, vector<16xf32>,
      %swap3A_562 = arith.constant 1 : i32
      %swap3A_563 = arith.index_cast %swap3A_562 : i32 to index
      %swap3A_564 = arith.constant 16 : index
      %swap3A_565 = tpu.vector_load %arg16[%swap3A_563, %swap3A_564] {strides = array<i32>} : memref<2x64xi32, #tpu.memory_space<vmem>>, vector<16xi32>,
      tpu.vector_store %arg16[%swap3A_563, %swap3A_564], %get3A_537 {strides = array<i32>} : memref<2x64xi32, #tpu.memory_space<vmem>>, vector<16xi32>,
      %get3A_566 = arith.constant 1 : i32
      %get3A_567 = arith.constant 0 : i32
      %get3A_568 = arith.index_cast %get3A_566 : i32 to index
      %get3A_569 = arith.index_cast %get3A_567 : i32 to index
      %get3A_570 = arith.constant 32 : index
      %get3A_571 = tpu.vector_load %arg12[%get3A_568, %get3A_569, %get3A_570] {strides = array<i32>} : memref<2x2x64xi32, #tpu.memory_space<vmem>>, vector<16xi32>,
      %get3A_572 = arith.constant 1 : i32
      %get3A_573 = arith.constant 1 : i32
      %get3A_574 = arith.index_cast %get3A_572 : i32 to index
      %get3A_575 = arith.index_cast %get3A_573 : i32 to index
      %get3A_576 = arith.constant 32 : index
      %get3A_577 = tpu.vector_load %arg12[%get3A_574, %get3A_575, %get3A_576] {strides = array<i32>} : memref<2x2x64xi32, #tpu.memory_space<vmem>>, vector<16xi32>,
      %get3A_578 = arith.constant 1 : i32
      %get3A_579 = arith.index_cast %get3A_578 : i32 to index
      %get3A_580 = arith.constant 32 : index
      %get3A_581 = tpu.vector_load %arg13[%get3A_579, %get3A_580] {strides = array<i32>} : memref<2x64xf32, #tpu.memory_space<vmem>>, vector<16xf32>,
      %gather3A_582 = tpu.vector_load_idx %arg19[%get3A_571] : memref<10000xf32, #tpu.memory_space<vmem>>[vector<16xi32>], vector<16xf32>,
      %gather3A_583 = tpu.vector_load_idx %arg20[%get3A_577] : memref<10008xf32, #tpu.memory_space<vmem>>[vector<16xi32>], vector<16xf32>,
      %add3A_584 = arith.addf %gather3A_582, %gather3A_583 : vector<16xf32>
      %add3A_585 = arith.addf %add3A_584, %get3A_581 : vector<16xf32>
      %ge3A_586 = arith.constant 0.000000e+00 : f32
      %ge3A_587 = vector.broadcast %ge3A_586 : f32 to vector<16xf32>
      %ge3A_588 = arith.cmpf oge, %add3A_585, %ge3A_587 : vector<16xf32>
      %mul3A_589 = arith.constant 2.000000e-01 : f32
      %mul3A_590 = vector.broadcast %mul3A_589 : f32 to vector<16xf32>
      %mul3A_591 = arith.mulf %mul3A_590, %add3A_585 : vector<16xf32>
      %select_n3A_592 = arith.select %ge3A_588, %add3A_585, %mul3A_591 : vector<16xi1>, vector<16xf32>
      %exp3A_593 = math.exp %select_n3A_592 : vector<16xf32>
      %swap3A_594 = arith.constant 1 : i32
      %swap3A_595 = arith.index_cast %swap3A_594 : i32 to index
      %swap3A_596 = arith.constant 32 : index
      %swap3A_597 = tpu.vector_load %arg14[%swap3A_595, %swap3A_596] {strides = array<i32>} : memref<2x64xf32, #tpu.memory_space<vmem>>, vector<16xf32>,
      tpu.vector_store %arg14[%swap3A_595, %swap3A_596], %exp3A_593 {strides = array<i32>} : memref<2x64xf32, #tpu.memory_space<vmem>>, vector<16xf32>,
      %swap3A_598 = arith.constant 1 : i32
      %swap3A_599 = arith.index_cast %swap3A_598 : i32 to index
      %swap3A_600 = arith.constant 32 : index
      %swap3A_601 = tpu.vector_load %arg15[%swap3A_599, %swap3A_600] {strides = array<i32>} : memref<2x64xf32, #tpu.memory_space<vmem>>, vector<16xf32>,
      tpu.vector_store %arg15[%swap3A_599, %swap3A_600], %get3A_581 {strides = array<i32>} : memref<2x64xf32, #tpu.memory_space<vmem>>, vector<16xf32>,
      %swap3A_602 = arith.constant 1 : i32
      %swap3A_603 = arith.index_cast %swap3A_602 : i32 to index
      %swap3A_604 = arith.constant 32 : index
      %swap3A_605 = tpu.vector_load %arg16[%swap3A_603, %swap3A_604] {strides = array<i32>} : memref<2x64xi32, #tpu.memory_space<vmem>>, vector<16xi32>,
      tpu.vector_store %arg16[%swap3A_603, %swap3A_604], %get3A_577 {strides = array<i32>} : memref<2x64xi32, #tpu.memory_space<vmem>>, vector<16xi32>,
      %get3A_606 = arith.constant 1 : i32
      %get3A_607 = arith.constant 0 : i32
      %get3A_608 = arith.index_cast %get3A_606 : i32 to index
      %get3A_609 = arith.index_cast %get3A_607 : i32 to index
      %get3A_610 = arith.constant 48 : index
      %get3A_611 = tpu.vector_load %arg12[%get3A_608, %get3A_609, %get3A_610] {strides = array<i32>} : memref<2x2x64xi32, #tpu.memory_space<vmem>>, vector<16xi32>,
      %get3A_612 = arith.constant 1 : i32
      %get3A_613 = arith.constant 1 : i32
      %get3A_614 = arith.index_cast %get3A_612 : i32 to index
      %get3A_615 = arith.index_cast %get3A_613 : i32 to index
      %get3A_616 = arith.constant 48 : index
      %get3A_617 = tpu.vector_load %arg12[%get3A_614, %get3A_615, %get3A_616] {strides = array<i32>} : memref<2x2x64xi32, #tpu.memory_space<vmem>>, vector<16xi32>,
      %get3A_618 = arith.constant 1 : i32
      %get3A_619 = arith.index_cast %get3A_618 : i32 to index
      %get3A_620 = arith.constant 48 : index
      %get3A_621 = tpu.vector_load %arg13[%get3A_619, %get3A_620] {strides = array<i32>} : memref<2x64xf32, #tpu.memory_space<vmem>>, vector<16xf32>,
      %gather3A_622 = tpu.vector_load_idx %arg19[%get3A_611] : memref<10000xf32, #tpu.memory_space<vmem>>[vector<16xi32>], vector<16xf32>,
      %gather3A_623 = tpu.vector_load_idx %arg20[%get3A_617] : memref<10008xf32, #tpu.memory_space<vmem>>[vector<16xi32>], vector<16xf32>,
      %add3A_624 = arith.addf %gather3A_622, %gather3A_623 : vector<16xf32>
      %add3A_625 = arith.addf %add3A_624, %get3A_621 : vector<16xf32>
      %ge3A_626 = arith.constant 0.000000e+00 : f32
      %ge3A_627 = vector.broadcast %ge3A_626 : f32 to vector<16xf32>
      %ge3A_628 = arith.cmpf oge, %add3A_625, %ge3A_627 : vector<16xf32>
      %mul3A_629 = arith.constant 2.000000e-01 : f32
      %mul3A_630 = vector.broadcast %mul3A_629 : f32 to vector<16xf32>
      %mul3A_631 = arith.mulf %mul3A_630, %add3A_625 : vector<16xf32>
      %select_n3A_632 = arith.select %ge3A_628, %add3A_625, %mul3A_631 : vector<16xi1>, vector<16xf32>
      %exp3A_633 = math.exp %select_n3A_632 : vector<16xf32>
      %swap3A_634 = arith.constant 1 : i32
      %swap3A_635 = arith.index_cast %swap3A_634 : i32 to index
      %swap3A_636 = arith.constant 48 : index
      %swap3A_637 = tpu.vector_load %arg14[%swap3A_635, %swap3A_636] {strides = array<i32>} : memref<2x64xf32, #tpu.memory_space<vmem>>, vector<16xf32>,
      tpu.vector_store %arg14[%swap3A_635, %swap3A_636], %exp3A_633 {strides = array<i32>} : memref<2x64xf32, #tpu.memory_space<vmem>>, vector<16xf32>,
      %swap3A_638 = arith.constant 1 : i32
      %swap3A_639 = arith.index_cast %swap3A_638 : i32 to index
      %swap3A_640 = arith.constant 48 : index
      %swap3A_641 = tpu.vector_load %arg15[%swap3A_639, %swap3A_640] {strides = array<i32>} : memref<2x64xf32, #tpu.memory_space<vmem>>, vector<16xf32>,
      tpu.vector_store %arg15[%swap3A_639, %swap3A_640], %get3A_621 {strides = array<i32>} : memref<2x64xf32, #tpu.memory_space<vmem>>, vector<16xf32>,
      %swap3A_642 = arith.constant 1 : i32
      %swap3A_643 = arith.index_cast %swap3A_642 : i32 to index
      %swap3A_644 = arith.constant 48 : index
      %swap3A_645 = tpu.vector_load %arg16[%swap3A_643, %swap3A_644] {strides = array<i32>} : memref<2x64xi32, #tpu.memory_space<vmem>>, vector<16xi32>,
      tpu.vector_store %arg16[%swap3A_643, %swap3A_644], %get3A_617 {strides = array<i32>} : memref<2x64xi32, #tpu.memory_space<vmem>>, vector<16xi32>,
      %dma_wait3A_646 = arith.constant 1 : i32
      %dma_wait3A_647 = arith.constant 0 : i32
      %dma_wait3A_648 = arith.constant 1 : i32
      %dma_wait3A_649 = arith.constant 0 : i32
      %dma_wait3A_650 = arith.constant 0 : i32
      %dma_wait3A_651 = tpu.memref_slice %arg18[%dma_wait3A_648, %dma_wait3A_649, %dma_wait3A_650] : memref<2x64x128xf32, #tpu.memory_space<vmem>> -> memref<1x64x128xf32, #tpu.memory_space<vmem>>
      %dma_wait3A_652 = tpu.memref_squeeze %dma_wait3A_651 : memref<1x64x128xf32, #tpu.memory_space<vmem>> -> memref<64x128xf32, #tpu.memory_space<vmem>>
      %dma_wait3A_653 = arith.constant 0 : i32
      %dma_wait3A_654 = tpu.memref_slice %arg12[%dma_wait3A_646, %dma_wait3A_647, %dma_wait3A_653] : memref<2x2x64xi32, #tpu.memory_space<vmem>> -> memref<1x1x64xi32, #tpu.memory_space<vmem>>
      %dma_wait3A_655 = tpu.memref_squeeze %dma_wait3A_654 : memref<1x1x64xi32, #tpu.memory_space<vmem>> -> memref<64xi32, #tpu.memory_space<vmem>>
      %dma_wait3A_656 = arith.constant 0 : i32
      %dma_wait3A_657 = arith.constant 0 : i32
      %dma_wait3A_658 = tpu.memref_slice %arg2[%dma_wait3A_656, %dma_wait3A_657] : memref<10000x128xf32, #tpu.memory_space<hbm>> -> memref<10000x128xf32, #tpu.memory_space<hbm>>
      tpu.wait_indirect_dma semaphore(%arg24 : memref<!tpu.dma_semaphore, #tpu.memory_space<semaphore_mem>>) src(%dma_wait3A_658 : memref<10000x128xf32, #tpu.memory_space<hbm>>) dst(%dma_wait3A_652 : memref<64x128xf32, #tpu.memory_space<vmem>>)
      %add3A_659 = arith.constant 1 : i32
      %add3A_660 = arith.addi %add3A_476, %add3A_659 : i32
      %lt3A_661 = arith.constant 158 : i32
      %lt3A_662 = arith.cmpi slt, %add3A_660, %lt3A_661 : i32
      %convert_element_type3A_663 = arith.extui %lt3A_662 : i1 to i32
      %cond3A_664 = arith.constant 0 : i32
      %cond3A_665 = arith.cmpi ne, %convert_element_type3A_663, %cond3A_664 : i32
      scf.if %cond3A_665 {
        %add3A_710 = arith.constant 1 : i32
        %add3A_711 = arith.addi %add3A_476, %add3A_710 : i32
        %dma_start3A_712 = arith.constant 1 : i32
        %dma_start3A_713 = arith.constant 0 : i32
        %dma_start3A_714 = arith.constant 0 : i32
        %dma_start3A_715 = tpu.memref_slice %arg12[%dma_start3A_712, %dma_start3A_713, %dma_start3A_714] : memref<2x2x64xi32, #tpu.memory_space<vmem>> -> memref<1x2x64xi32, #tpu.memory_space<vmem>>
        %dma_start3A_716 = tpu.memref_squeeze %dma_start3A_715 : memref<1x2x64xi32, #tpu.memory_space<vmem>> -> memref<2x64xi32, #tpu.memory_space<vmem>>
        %dma_start3A_717 = arith.constant 0 : i32
        %dma_start3A_718 = arith.constant 0 : i32
        %dma_start3A_719 = tpu.memref_slice %arg3[%add3A, %add3A_711, %dma_start3A_717, %dma_start3A_718] : memref<32x158x2x64xi32, #tpu.memory_space<hbm>> -> memref<1x1x2x64xi32, #tpu.memory_space<hbm>>
        %dma_start3A_720 = tpu.memref_squeeze %dma_start3A_719 : memref<1x1x2x64xi32, #tpu.memory_space<hbm>> -> memref<2x64xi32, #tpu.memory_space<hbm>>
        %dma_start3A_721 = arith.constant 0 : i32
        %dma_start3A_722 = arith.constant 0 : i32
        %dma_start3A_723 = tpu.memref_slice %arg12[%dma_start3A_712, %dma_start3A_721, %dma_start3A_722] : memref<2x2x64xi32, #tpu.memory_space<vmem>> -> memref<1x2x64xi32, #tpu.memory_space<vmem>>
        %dma_start3A_724 = tpu.memref_squeeze %dma_start3A_723 : memref<1x2x64xi32, #tpu.memory_space<vmem>> -> memref<2x64xi32, #tpu.memory_space<vmem>>
        %dma_start3A_725 = arith.constant 0 : i32
        %dma_start3A_726 = arith.constant 0 : i32
        %dma_start3A_727 = tpu.memref_slice %arg3[%add3A, %add3A_711, %dma_start3A_725, %dma_start3A_726] : memref<32x158x2x64xi32, #tpu.memory_space<hbm>> -> memref<1x1x2x64xi32, #tpu.memory_space<hbm>>
        %dma_start3A_728 = tpu.memref_squeeze %dma_start3A_727 : memref<1x1x2x64xi32, #tpu.memory_space<hbm>> -> memref<2x64xi32, #tpu.memory_space<hbm>>
        tpu.enqueue_dma source(%dma_start3A_728 : memref<2x64xi32, #tpu.memory_space<hbm>>) target(%dma_start3A_724 : memref<2x64xi32, #tpu.memory_space<vmem>>) target_semaphore(%arg22 : memref<!tpu.dma_semaphore, #tpu.memory_space<semaphore_mem>>)
        %dma_start3A_729 = arith.constant 1 : i32
        %dma_start3A_730 = arith.constant 0 : i32
        %dma_start3A_731 = tpu.memref_slice %arg13[%dma_start3A_729, %dma_start3A_730] : memref<2x64xf32, #tpu.memory_space<vmem>> -> memref<1x64xf32, #tpu.memory_space<vmem>>
        %dma_start3A_732 = tpu.memref_squeeze %dma_start3A_731 : memref<1x64xf32, #tpu.memory_space<vmem>> -> memref<64xf32, #tpu.memory_space<vmem>>
        %dma_start3A_733 = arith.constant 0 : i32
        %dma_start3A_734 = tpu.memref_slice %arg4[%add3A, %add3A_711, %dma_start3A_733] : memref<32x158x64xf32, #tpu.memory_space<hbm>> -> memref<1x1x64xf32, #tpu.memory_space<hbm>>
        %dma_start3A_735 = tpu.memref_squeeze %dma_start3A_734 : memref<1x1x64xf32, #tpu.memory_space<hbm>> -> memref<64xf32, #tpu.memory_space<hbm>>
        %dma_start3A_736 = arith.constant 0 : i32
        %dma_start3A_737 = tpu.memref_slice %arg13[%dma_start3A_729, %dma_start3A_736] : memref<2x64xf32, #tpu.memory_space<vmem>> -> memref<1x64xf32, #tpu.memory_space<vmem>>
        %dma_start3A_738 = tpu.memref_squeeze %dma_start3A_737 : memref<1x64xf32, #tpu.memory_space<vmem>> -> memref<64xf32, #tpu.memory_space<vmem>>
        %dma_start3A_739 = arith.constant 0 : i32
        %dma_start3A_740 = tpu.memref_slice %arg4[%add3A, %add3A_711, %dma_start3A_739] : memref<32x158x64xf32, #tpu.memory_space<hbm>> -> memref<1x1x64xf32, #tpu.memory_space<hbm>>
        %dma_start3A_741 = tpu.memref_squeeze %dma_start3A_740 : memref<1x1x64xf32, #tpu.memory_space<hbm>> -> memref<64xf32, #tpu.memory_space<hbm>>
        tpu.enqueue_dma source(%dma_start3A_741 : memref<64xf32, #tpu.memory_space<hbm>>) target(%dma_start3A_738 : memref<64xf32, #tpu.memory_space<vmem>>) target_semaphore(%arg22 : memref<!tpu.dma_semaphore, #tpu.memory_space<semaphore_mem>>)
      } else {
      }
      %scan3A_666 = arith.constant 0 : i32
      %scan3A_667 = arith.constant 0 : i32
      %scan3A_668 = arith.constant 64 : i32
      %scan3A_669 = arith.addi %scan3A_667, %scan3A_668 : i32
      %scan3A_670 = arith.constant 2 : i32
      scf.for %scan3A_710 = %scan3A_667 to %scan3A_669 step %scan3A_670  : i32 {
        %broadcast_in_dim3A_711 = arith.constant 1 : i32
        %broadcast_in_dim3A_712 = vector.broadcast %broadcast_in_dim3A_711 : i32 to vector<16xi32>
        %broadcast_in_dim3A_713 = vector.broadcast %scan3A_710 : i32 to vector<16xi32>
        %gather3A_714 = tpu.vector_load_idx %arg14[%broadcast_in_dim3A_712, %broadcast_in_dim3A_713] : memref<2x64xf32, #tpu.memory_space<vmem>>[vector<16xi32>, vector<16xi32>], vector<16xf32>,
        %get3A_715 = arith.constant 1 : i32
        %get3A_716 = arith.index_cast %get3A_715 : i32 to index
        %get3A_717 = arith.index_cast %scan3A_710 : i32 to index
        %get3A_718 = arith.constant 0 : index
        %get3A_719 = tpu.vector_load %arg18[%get3A_716, %get3A_717, %get3A_718] {strides = array<i32>} : memref<2x64x128xf32, #tpu.memory_space<vmem>>, vector<16xf32>,
        %mul3A_720 = arith.mulf %get3A_719, %gather3A_714 : vector<16xf32>
        %swap3A_721 = arith.constant 1 : i32
        %swap3A_722 = arith.index_cast %swap3A_721 : i32 to index
        %swap3A_723 = arith.index_cast %scan3A_710 : i32 to index
        %swap3A_724 = arith.constant 0 : index
        %swap3A_725 = tpu.vector_load %arg18[%swap3A_722, %swap3A_723, %swap3A_724] {strides = array<i32>} : memref<2x64x128xf32, #tpu.memory_space<vmem>>, vector<16xf32>,
        tpu.vector_store %arg18[%swap3A_722, %swap3A_723, %swap3A_724], %mul3A_720 {strides = array<i32>} : memref<2x64x128xf32, #tpu.memory_space<vmem>>, vector<16xf32>,
        %get3A_726 = arith.constant 1 : i32
        %get3A_727 = arith.index_cast %get3A_726 : i32 to index
        %get3A_728 = arith.index_cast %scan3A_710 : i32 to index
        %get3A_729 = arith.constant 16 : index
        %get3A_730 = tpu.vector_load %arg18[%get3A_727, %get3A_728, %get3A_729] {strides = array<i32>} : memref<2x64x128xf32, #tpu.memory_space<vmem>>, vector<16xf32>,
        %mul3A_731 = arith.mulf %get3A_730, %gather3A_714 : vector<16xf32>
        %swap3A_732 = arith.constant 1 : i32
        %swap3A_733 = arith.index_cast %swap3A_732 : i32 to index
        %swap3A_734 = arith.index_cast %scan3A_710 : i32 to index
        %swap3A_735 = arith.constant 16 : index
        %swap3A_736 = tpu.vector_load %arg18[%swap3A_733, %swap3A_734, %swap3A_735] {strides = array<i32>} : memref<2x64x128xf32, #tpu.memory_space<vmem>>, vector<16xf32>,
        tpu.vector_store %arg18[%swap3A_733, %swap3A_734, %swap3A_735], %mul3A_731 {strides = array<i32>} : memref<2x64x128xf32, #tpu.memory_space<vmem>>, vector<16xf32>,
        %get3A_737 = arith.constant 1 : i32
        %get3A_738 = arith.index_cast %get3A_737 : i32 to index
        %get3A_739 = arith.index_cast %scan3A_710 : i32 to index
        %get3A_740 = arith.constant 32 : index
        %get3A_741 = tpu.vector_load %arg18[%get3A_738, %get3A_739, %get3A_740] {strides = array<i32>} : memref<2x64x128xf32, #tpu.memory_space<vmem>>, vector<16xf32>,
        %mul3A_742 = arith.mulf %get3A_741, %gather3A_714 : vector<16xf32>
        %swap3A_743 = arith.constant 1 : i32
        %swap3A_744 = arith.index_cast %swap3A_743 : i32 to index
        %swap3A_745 = arith.index_cast %scan3A_710 : i32 to index
        %swap3A_746 = arith.constant 32 : index
        %swap3A_747 = tpu.vector_load %arg18[%swap3A_744, %swap3A_745, %swap3A_746] {strides = array<i32>} : memref<2x64x128xf32, #tpu.memory_space<vmem>>, vector<16xf32>,
        tpu.vector_store %arg18[%swap3A_744, %swap3A_745, %swap3A_746], %mul3A_742 {strides = array<i32>} : memref<2x64x128xf32, #tpu.memory_space<vmem>>, vector<16xf32>,
        %get3A_748 = arith.constant 1 : i32
        %get3A_749 = arith.index_cast %get3A_748 : i32 to index
        %get3A_750 = arith.index_cast %scan3A_710 : i32 to index
        %get3A_751 = arith.constant 48 : index
        %get3A_752 = tpu.vector_load %arg18[%get3A_749, %get3A_750, %get3A_751] {strides = array<i32>} : memref<2x64x128xf32, #tpu.memory_space<vmem>>, vector<16xf32>,
        %mul3A_753 = arith.mulf %get3A_752, %gather3A_714 : vector<16xf32>
        %swap3A_754 = arith.constant 1 : i32
        %swap3A_755 = arith.index_cast %swap3A_754 : i32 to index
        %swap3A_756 = arith.index_cast %scan3A_710 : i32 to index
        %swap3A_757 = arith.constant 48 : index
        %swap3A_758 = tpu.vector_load %arg18[%swap3A_755, %swap3A_756, %swap3A_757] {strides = array<i32>} : memref<2x64x128xf32, #tpu.memory_space<vmem>>, vector<16xf32>,
        tpu.vector_store %arg18[%swap3A_755, %swap3A_756, %swap3A_757], %mul3A_753 {strides = array<i32>} : memref<2x64x128xf32, #tpu.memory_space<vmem>>, vector<16xf32>,
        %get3A_759 = arith.constant 1 : i32
        %get3A_760 = arith.index_cast %get3A_759 : i32 to index
        %get3A_761 = arith.index_cast %scan3A_710 : i32 to index
        %get3A_762 = arith.constant 64 : index
        %get3A_763 = tpu.vector_load %arg18[%get3A_760, %get3A_761, %get3A_762] {strides = array<i32>} : memref<2x64x128xf32, #tpu.memory_space<vmem>>, vector<16xf32>,
        %mul3A_764 = arith.mulf %get3A_763, %gather3A_714 : vector<16xf32>
        %swap3A_765 = arith.constant 1 : i32
        %swap3A_766 = arith.index_cast %swap3A_765 : i32 to index
        %swap3A_767 = arith.index_cast %scan3A_710 : i32 to index
        %swap3A_768 = arith.constant 64 : index
        %swap3A_769 = tpu.vector_load %arg18[%swap3A_766, %swap3A_767, %swap3A_768] {strides = array<i32>} : memref<2x64x128xf32, #tpu.memory_space<vmem>>, vector<16xf32>,
        tpu.vector_store %arg18[%swap3A_766, %swap3A_767, %swap3A_768], %mul3A_764 {strides = array<i32>} : memref<2x64x128xf32, #tpu.memory_space<vmem>>, vector<16xf32>,
        %get3A_770 = arith.constant 1 : i32
        %get3A_771 = arith.index_cast %get3A_770 : i32 to index
        %get3A_772 = arith.index_cast %scan3A_710 : i32 to index
        %get3A_773 = arith.constant 80 : index
        %get3A_774 = tpu.vector_load %arg18[%get3A_771, %get3A_772, %get3A_773] {strides = array<i32>} : memref<2x64x128xf32, #tpu.memory_space<vmem>>, vector<16xf32>,
        %mul3A_775 = arith.mulf %get3A_774, %gather3A_714 : vector<16xf32>
        %swap3A_776 = arith.constant 1 : i32
        %swap3A_777 = arith.index_cast %swap3A_776 : i32 to index
        %swap3A_778 = arith.index_cast %scan3A_710 : i32 to index
        %swap3A_779 = arith.constant 80 : index
        %swap3A_780 = tpu.vector_load %arg18[%swap3A_777, %swap3A_778, %swap3A_779] {strides = array<i32>} : memref<2x64x128xf32, #tpu.memory_space<vmem>>, vector<16xf32>,
        tpu.vector_store %arg18[%swap3A_777, %swap3A_778, %swap3A_779], %mul3A_775 {strides = array<i32>} : memref<2x64x128xf32, #tpu.memory_space<vmem>>, vector<16xf32>,
        %get3A_781 = arith.constant 1 : i32
        %get3A_782 = arith.index_cast %get3A_781 : i32 to index
        %get3A_783 = arith.index_cast %scan3A_710 : i32 to index
        %get3A_784 = arith.constant 96 : index
        %get3A_785 = tpu.vector_load %arg18[%get3A_782, %get3A_783, %get3A_784] {strides = array<i32>} : memref<2x64x128xf32, #tpu.memory_space<vmem>>, vector<16xf32>,
        %mul3A_786 = arith.mulf %get3A_785, %gather3A_714 : vector<16xf32>
        %swap3A_787 = arith.constant 1 : i32
        %swap3A_788 = arith.index_cast %swap3A_787 : i32 to index
        %swap3A_789 = arith.index_cast %scan3A_710 : i32 to index
        %swap3A_790 = arith.constant 96 : index
        %swap3A_791 = tpu.vector_load %arg18[%swap3A_788, %swap3A_789, %swap3A_790] {strides = array<i32>} : memref<2x64x128xf32, #tpu.memory_space<vmem>>, vector<16xf32>,
        tpu.vector_store %arg18[%swap3A_788, %swap3A_789, %swap3A_790], %mul3A_786 {strides = array<i32>} : memref<2x64x128xf32, #tpu.memory_space<vmem>>, vector<16xf32>,
        %get3A_792 = arith.constant 1 : i32
        %get3A_793 = arith.index_cast %get3A_792 : i32 to index
        %get3A_794 = arith.index_cast %scan3A_710 : i32 to index
        %get3A_795 = arith.constant 112 : index
        %get3A_796 = tpu.vector_load %arg18[%get3A_793, %get3A_794, %get3A_795] {strides = array<i32>} : memref<2x64x128xf32, #tpu.memory_space<vmem>>, vector<16xf32>,
        %mul3A_797 = arith.mulf %get3A_796, %gather3A_714 : vector<16xf32>
        %swap3A_798 = arith.constant 1 : i32
        %swap3A_799 = arith.index_cast %swap3A_798 : i32 to index
        %swap3A_800 = arith.index_cast %scan3A_710 : i32 to index
        %swap3A_801 = arith.constant 112 : index
        %swap3A_802 = tpu.vector_load %arg18[%swap3A_799, %swap3A_800, %swap3A_801] {strides = array<i32>} : memref<2x64x128xf32, #tpu.memory_space<vmem>>, vector<16xf32>,
        tpu.vector_store %arg18[%swap3A_799, %swap3A_800, %swap3A_801], %mul3A_797 {strides = array<i32>} : memref<2x64x128xf32, #tpu.memory_space<vmem>>, vector<16xf32>,
        %scan3A_803 = arith.constant 1 : i32
        %scan3A_804 = arith.addi %scan3A_710, %scan3A_803 : i32
        %broadcast_in_dim3A_805 = arith.constant 1 : i32
        %broadcast_in_dim3A_806 = vector.broadcast %broadcast_in_dim3A_805 : i32 to vector<16xi32>
        %broadcast_in_dim3A_807 = vector.broadcast %scan3A_804 : i32 to vector<16xi32>
        %gather3A_808 = tpu.vector_load_idx %arg14[%broadcast_in_dim3A_806, %broadcast_in_dim3A_807] : memref<2x64xf32, #tpu.memory_space<vmem>>[vector<16xi32>, vector<16xi32>], vector<16xf32>,
        %get3A_809 = arith.constant 1 : i32
        %get3A_810 = arith.index_cast %get3A_809 : i32 to index
        %get3A_811 = arith.index_cast %scan3A_804 : i32 to index
        %get3A_812 = arith.constant 0 : index
        %get3A_813 = tpu.vector_load %arg18[%get3A_810, %get3A_811, %get3A_812] {strides = array<i32>} : memref<2x64x128xf32, #tpu.memory_space<vmem>>, vector<16xf32>,
        %mul3A_814 = arith.mulf %get3A_813, %gather3A_808 : vector<16xf32>
        %swap3A_815 = arith.constant 1 : i32
        %swap3A_816 = arith.index_cast %swap3A_815 : i32 to index
        %swap3A_817 = arith.index_cast %scan3A_804 : i32 to index
        %swap3A_818 = arith.constant 0 : index
        %swap3A_819 = tpu.vector_load %arg18[%swap3A_816, %swap3A_817, %swap3A_818] {strides = array<i32>} : memref<2x64x128xf32, #tpu.memory_space<vmem>>, vector<16xf32>,
        tpu.vector_store %arg18[%swap3A_816, %swap3A_817, %swap3A_818], %mul3A_814 {strides = array<i32>} : memref<2x64x128xf32, #tpu.memory_space<vmem>>, vector<16xf32>,
        %get3A_820 = arith.constant 1 : i32
        %get3A_821 = arith.index_cast %get3A_820 : i32 to index
        %get3A_822 = arith.index_cast %scan3A_804 : i32 to index
        %get3A_823 = arith.constant 16 : index
        %get3A_824 = tpu.vector_load %arg18[%get3A_821, %get3A_822, %get3A_823] {strides = array<i32>} : memref<2x64x128xf32, #tpu.memory_space<vmem>>, vector<16xf32>,
        %mul3A_825 = arith.mulf %get3A_824, %gather3A_808 : vector<16xf32>
        %swap3A_826 = arith.constant 1 : i32
        %swap3A_827 = arith.index_cast %swap3A_826 : i32 to index
        %swap3A_828 = arith.index_cast %scan3A_804 : i32 to index
        %swap3A_829 = arith.constant 16 : index
        %swap3A_830 = tpu.vector_load %arg18[%swap3A_827, %swap3A_828, %swap3A_829] {strides = array<i32>} : memref<2x64x128xf32, #tpu.memory_space<vmem>>, vector<16xf32>,
        tpu.vector_store %arg18[%swap3A_827, %swap3A_828, %swap3A_829], %mul3A_825 {strides = array<i32>} : memref<2x64x128xf32, #tpu.memory_space<vmem>>, vector<16xf32>,
        %get3A_831 = arith.constant 1 : i32
        %get3A_832 = arith.index_cast %get3A_831 : i32 to index
        %get3A_833 = arith.index_cast %scan3A_804 : i32 to index
        %get3A_834 = arith.constant 32 : index
        %get3A_835 = tpu.vector_load %arg18[%get3A_832, %get3A_833, %get3A_834] {strides = array<i32>} : memref<2x64x128xf32, #tpu.memory_space<vmem>>, vector<16xf32>,
        %mul3A_836 = arith.mulf %get3A_835, %gather3A_808 : vector<16xf32>
        %swap3A_837 = arith.constant 1 : i32
        %swap3A_838 = arith.index_cast %swap3A_837 : i32 to index
        %swap3A_839 = arith.index_cast %scan3A_804 : i32 to index
        %swap3A_840 = arith.constant 32 : index
        %swap3A_841 = tpu.vector_load %arg18[%swap3A_838, %swap3A_839, %swap3A_840] {strides = array<i32>} : memref<2x64x128xf32, #tpu.memory_space<vmem>>, vector<16xf32>,
        tpu.vector_store %arg18[%swap3A_838, %swap3A_839, %swap3A_840], %mul3A_836 {strides = array<i32>} : memref<2x64x128xf32, #tpu.memory_space<vmem>>, vector<16xf32>,
        %get3A_842 = arith.constant 1 : i32
        %get3A_843 = arith.index_cast %get3A_842 : i32 to index
        %get3A_844 = arith.index_cast %scan3A_804 : i32 to index
        %get3A_845 = arith.constant 48 : index
        %get3A_846 = tpu.vector_load %arg18[%get3A_843, %get3A_844, %get3A_845] {strides = array<i32>} : memref<2x64x128xf32, #tpu.memory_space<vmem>>, vector<16xf32>,
        %mul3A_847 = arith.mulf %get3A_846, %gather3A_808 : vector<16xf32>
        %swap3A_848 = arith.constant 1 : i32
        %swap3A_849 = arith.index_cast %swap3A_848 : i32 to index
        %swap3A_850 = arith.index_cast %scan3A_804 : i32 to index
        %swap3A_851 = arith.constant 48 : index
        %swap3A_852 = tpu.vector_load %arg18[%swap3A_849, %swap3A_850, %swap3A_851] {strides = array<i32>} : memref<2x64x128xf32, #tpu.memory_space<vmem>>, vector<16xf32>,
        tpu.vector_store %arg18[%swap3A_849, %swap3A_850, %swap3A_851], %mul3A_847 {strides = array<i32>} : memref<2x64x128xf32, #tpu.memory_space<vmem>>, vector<16xf32>,
        %get3A_853 = arith.constant 1 : i32
        %get3A_854 = arith.index_cast %get3A_853 : i32 to index
        %get3A_855 = arith.index_cast %scan3A_804 : i32 to index
        %get3A_856 = arith.constant 64 : index
        %get3A_857 = tpu.vector_load %arg18[%get3A_854, %get3A_855, %get3A_856] {strides = array<i32>} : memref<2x64x128xf32, #tpu.memory_space<vmem>>, vector<16xf32>,
        %mul3A_858 = arith.mulf %get3A_857, %gather3A_808 : vector<16xf32>
        %swap3A_859 = arith.constant 1 : i32
        %swap3A_860 = arith.index_cast %swap3A_859 : i32 to index
        %swap3A_861 = arith.index_cast %scan3A_804 : i32 to index
        %swap3A_862 = arith.constant 64 : index
        %swap3A_863 = tpu.vector_load %arg18[%swap3A_860, %swap3A_861, %swap3A_862] {strides = array<i32>} : memref<2x64x128xf32, #tpu.memory_space<vmem>>, vector<16xf32>,
        tpu.vector_store %arg18[%swap3A_860, %swap3A_861, %swap3A_862], %mul3A_858 {strides = array<i32>} : memref<2x64x128xf32, #tpu.memory_space<vmem>>, vector<16xf32>,
        %get3A_864 = arith.constant 1 : i32
        %get3A_865 = arith.index_cast %get3A_864 : i32 to index
        %get3A_866 = arith.index_cast %scan3A_804 : i32 to index
        %get3A_867 = arith.constant 80 : index
        %get3A_868 = tpu.vector_load %arg18[%get3A_865, %get3A_866, %get3A_867] {strides = array<i32>} : memref<2x64x128xf32, #tpu.memory_space<vmem>>, vector<16xf32>,
        %mul3A_869 = arith.mulf %get3A_868, %gather3A_808 : vector<16xf32>
        %swap3A_870 = arith.constant 1 : i32
        %swap3A_871 = arith.index_cast %swap3A_870 : i32 to index
        %swap3A_872 = arith.index_cast %scan3A_804 : i32 to index
        %swap3A_873 = arith.constant 80 : index
        %swap3A_874 = tpu.vector_load %arg18[%swap3A_871, %swap3A_872, %swap3A_873] {strides = array<i32>} : memref<2x64x128xf32, #tpu.memory_space<vmem>>, vector<16xf32>,
        tpu.vector_store %arg18[%swap3A_871, %swap3A_872, %swap3A_873], %mul3A_869 {strides = array<i32>} : memref<2x64x128xf32, #tpu.memory_space<vmem>>, vector<16xf32>,
        %get3A_875 = arith.constant 1 : i32
        %get3A_876 = arith.index_cast %get3A_875 : i32 to index
        %get3A_877 = arith.index_cast %scan3A_804 : i32 to index
        %get3A_878 = arith.constant 96 : index
        %get3A_879 = tpu.vector_load %arg18[%get3A_876, %get3A_877, %get3A_878] {strides = array<i32>} : memref<2x64x128xf32, #tpu.memory_space<vmem>>, vector<16xf32>,
        %mul3A_880 = arith.mulf %get3A_879, %gather3A_808 : vector<16xf32>
        %swap3A_881 = arith.constant 1 : i32
        %swap3A_882 = arith.index_cast %swap3A_881 : i32 to index
        %swap3A_883 = arith.index_cast %scan3A_804 : i32 to index
        %swap3A_884 = arith.constant 96 : index
        %swap3A_885 = tpu.vector_load %arg18[%swap3A_882, %swap3A_883, %swap3A_884] {strides = array<i32>} : memref<2x64x128xf32, #tpu.memory_space<vmem>>, vector<16xf32>,
        tpu.vector_store %arg18[%swap3A_882, %swap3A_883, %swap3A_884], %mul3A_880 {strides = array<i32>} : memref<2x64x128xf32, #tpu.memory_space<vmem>>, vector<16xf32>,
        %get3A_886 = arith.constant 1 : i32
        %get3A_887 = arith.index_cast %get3A_886 : i32 to index
        %get3A_888 = arith.index_cast %scan3A_804 : i32 to index
        %get3A_889 = arith.constant 112 : index
        %get3A_890 = tpu.vector_load %arg18[%get3A_887, %get3A_888, %get3A_889] {strides = array<i32>} : memref<2x64x128xf32, #tpu.memory_space<vmem>>, vector<16xf32>,
        %mul3A_891 = arith.mulf %get3A_890, %gather3A_808 : vector<16xf32>
        %swap3A_892 = arith.constant 1 : i32
        %swap3A_893 = arith.index_cast %swap3A_892 : i32 to index
        %swap3A_894 = arith.index_cast %scan3A_804 : i32 to index
        %swap3A_895 = arith.constant 112 : index
        %swap3A_896 = tpu.vector_load %arg18[%swap3A_893, %swap3A_894, %swap3A_895] {strides = array<i32>} : memref<2x64x128xf32, #tpu.memory_space<vmem>>, vector<16xf32>,
        tpu.vector_store %arg18[%swap3A_893, %swap3A_894, %swap3A_895], %mul3A_891 {strides = array<i32>} : memref<2x64x128xf32, #tpu.memory_space<vmem>>, vector<16xf32>,
      }
      %scan3A_671 = arith.constant 64 : i32
      %dma_start3A_672 = arith.constant 1 : i32
      %dma_start3A_673 = arith.constant 1 : i32
      %dma_start3A_674 = arith.constant 0 : i32
      %dma_start3A_675 = arith.constant 0 : i32
      %dma_start3A_676 = tpu.memref_slice %arg18[%dma_start3A_672, %dma_start3A_674, %dma_start3A_675] : memref<2x64x128xf32, #tpu.memory_space<vmem>> -> memref<1x64x128xf32, #tpu.memory_space<vmem>>
      %dma_start3A_677 = tpu.memref_squeeze %dma_start3A_676 : memref<1x64x128xf32, #tpu.memory_space<vmem>> -> memref<64x128xf32, #tpu.memory_space<vmem>>
      %dma_start3A_678 = arith.constant 0 : i32
      %dma_start3A_679 = tpu.memref_slice %arg16[%dma_start3A_673, %dma_start3A_678] : memref<2x64xi32, #tpu.memory_space<vmem>> -> memref<1x64xi32, #tpu.memory_space<vmem>>
      %dma_start3A_680 = tpu.memref_squeeze %dma_start3A_679 : memref<1x64xi32, #tpu.memory_space<vmem>> -> memref<64xi32, #tpu.memory_space<vmem>>
      %dma_start3A_681 = arith.constant 0 : i32
      %dma_start3A_682 = arith.constant 0 : i32
      %dma_start3A_683 = tpu.memref_slice %arg27[%dma_start3A_681, %dma_start3A_682] : memref<10240x128xf32, #tpu.memory_space<vmem_shared>> -> memref<10240x128xf32, #tpu.memory_space<vmem_shared>>
      tpu.enqueue_indirect_dma source(%dma_start3A_677 : memref<64x128xf32, #tpu.memory_space<vmem>>) target(%dma_start3A_683 : memref<10240x128xf32, #tpu.memory_space<vmem_shared>>) offsets(%dma_start3A_680 : memref<64xi32, #tpu.memory_space<vmem>>) semaphore(%arg26 : memref<!tpu.dma_semaphore, #tpu.memory_space<semaphore_mem>>) {add = true}
      %dma_start3A_684 = arith.constant 1 : i32
      %dma_start3A_685 = arith.constant 1 : i32
      %dma_start3A_686 = arith.constant 0 : i32
      %dma_start3A_687 = tpu.memref_slice %arg14[%dma_start3A_684, %dma_start3A_686] : memref<2x64xf32, #tpu.memory_space<vmem>> -> memref<1x64xf32, #tpu.memory_space<vmem>>
      %dma_start3A_688 = tpu.memref_squeeze %dma_start3A_687 : memref<1x64xf32, #tpu.memory_space<vmem>> -> memref<64xf32, #tpu.memory_space<vmem>>
      %dma_start3A_689 = arith.constant 0 : i32
      %dma_start3A_690 = tpu.memref_slice %arg16[%dma_start3A_685, %dma_start3A_689] : memref<2x64xi32, #tpu.memory_space<vmem>> -> memref<1x64xi32, #tpu.memory_space<vmem>>
      %dma_start3A_691 = tpu.memref_squeeze %dma_start3A_690 : memref<1x64xi32, #tpu.memory_space<vmem>> -> memref<64xi32, #tpu.memory_space<vmem>>
      %dma_start3A_692 = arith.constant 0 : i32
      %dma_start3A_693 = tpu.memref_slice %arg28[%dma_start3A_692] : memref<10240xf32, #tpu.memory_space<vmem_shared>> -> memref<10240xf32, #tpu.memory_space<vmem_shared>>
      tpu.enqueue_indirect_dma source(%dma_start3A_688 : memref<64xf32, #tpu.memory_space<vmem>>) target(%dma_start3A_693 : memref<10240xf32, #tpu.memory_space<vmem_shared>>) offsets(%dma_start3A_691 : memref<64xi32, #tpu.memory_space<vmem>>) semaphore(%arg26 : memref<!tpu.dma_semaphore, #tpu.memory_space<semaphore_mem>>) {add = true}
      %dma_start3A_694 = arith.constant 1 : i32
      %dma_start3A_695 = arith.constant 1 : i32
      %dma_start3A_696 = arith.constant 0 : i32
      %dma_start3A_697 = tpu.memref_slice %arg15[%dma_start3A_694, %dma_start3A_696] : memref<2x64xf32, #tpu.memory_space<vmem>> -> memref<1x64xf32, #tpu.memory_space<vmem>>
      %dma_start3A_698 = tpu.memref_squeeze %dma_start3A_697 : memref<1x64xf32, #tpu.memory_space<vmem>> -> memref<64xf32, #tpu.memory_space<vmem>>
      %dma_start3A_699 = arith.constant 0 : i32
      %dma_start3A_700 = tpu.memref_slice %arg16[%dma_start3A_695, %dma_start3A_699] : memref<2x64xi32, #tpu.memory_space<vmem>> -> memref<1x64xi32, #tpu.memory_space<vmem>>
      %dma_start3A_701 = tpu.memref_squeeze %dma_start3A_700 : memref<1x64xi32, #tpu.memory_space<vmem>> -> memref<64xi32, #tpu.memory_space<vmem>>
      %dma_start3A_702 = arith.constant 0 : i32
      %dma_start3A_703 = tpu.memref_slice %arg29[%dma_start3A_702] : memref<10240xf32, #tpu.memory_space<vmem_shared>> -> memref<10240xf32, #tpu.memory_space<vmem_shared>>
      tpu.enqueue_indirect_dma source(%dma_start3A_698 : memref<64xf32, #tpu.memory_space<vmem>>) target(%dma_start3A_703 : memref<10240xf32, #tpu.memory_space<vmem_shared>>) offsets(%dma_start3A_701 : memref<64xi32, #tpu.memory_space<vmem>>) semaphore(%arg26 : memref<!tpu.dma_semaphore, #tpu.memory_space<semaphore_mem>>) {add = true}
      %dma_start3A_704 = arith.constant 1 : i32
      %dma_start3A_705 = arith.constant 0 : i32
      %dma_start3A_706 = tpu.memref_slice %arg16[%dma_start3A_704, %dma_start3A_705] : memref<2x64xi32, #tpu.memory_space<vmem>> -> memref<1x64xi32, #tpu.memory_space<vmem>>
      %dma_start3A_707 = tpu.memref_squeeze %dma_start3A_706 : memref<1x64xi32, #tpu.memory_space<vmem>> -> memref<64xi32, #tpu.memory_space<vmem>>
      %dma_start3A_708 = arith.constant 0 : i32
      %dma_start3A_709 = tpu.memref_slice %arg30[%dma_start3A_708] : memref<10240xf32, #tpu.memory_space<vmem_shared>> -> memref<10240xf32, #tpu.memory_space<vmem_shared>>
      tpu.enqueue_indirect_dma source(%arg17 : memref<64xf32, #tpu.memory_space<vmem>>) target(%dma_start3A_709 : memref<10240xf32, #tpu.memory_space<vmem_shared>>) offsets(%dma_start3A_707 : memref<64xi32, #tpu.memory_space<vmem>>) semaphore(%arg26 : memref<!tpu.dma_semaphore, #tpu.memory_space<semaphore_mem>>) {add = true}
    }
    %scan3A_170 = arith.constant 79 : i32
    %dma_wait3A_171 = arith.constant 0 : i32
    %dma_wait3A_172 = arith.constant 0 : i32
    %dma_wait3A_173 = arith.constant 0 : i32
    %dma_wait3A_174 = arith.constant 0 : i32
    %dma_wait3A_175 = tpu.memref_slice %arg18[%dma_wait3A_171, %dma_wait3A_173, %dma_wait3A_174] : memref<2x64x128xf32, #tpu.memory_space<vmem>> -> memref<1x64x128xf32, #tpu.memory_space<vmem>>
    %dma_wait3A_176 = tpu.memref_squeeze %dma_wait3A_175 : memref<1x64x128xf32, #tpu.memory_space<vmem>> -> memref<64x128xf32, #tpu.memory_space<vmem>>
    %dma_wait3A_177 = arith.constant 0 : i32
    %dma_wait3A_178 = tpu.memref_slice %arg16[%dma_wait3A_172, %dma_wait3A_177] : memref<2x64xi32, #tpu.memory_space<vmem>> -> memref<1x64xi32, #tpu.memory_space<vmem>>
    %dma_wait3A_179 = tpu.memref_squeeze %dma_wait3A_178 : memref<1x64xi32, #tpu.memory_space<vmem>> -> memref<64xi32, #tpu.memory_space<vmem>>
    %dma_wait3A_180 = arith.constant 0 : i32
    %dma_wait3A_181 = arith.constant 0 : i32
    %dma_wait3A_182 = tpu.memref_slice %arg27[%dma_wait3A_180, %dma_wait3A_181] : memref<10240x128xf32, #tpu.memory_space<vmem_shared>> -> memref<10240x128xf32, #tpu.memory_space<vmem_shared>>
    tpu.wait_indirect_dma semaphore(%arg25 : memref<!tpu.dma_semaphore, #tpu.memory_space<semaphore_mem>>) src(%dma_wait3A_176 : memref<64x128xf32, #tpu.memory_space<vmem>>) dst(%dma_wait3A_182 : memref<10240x128xf32, #tpu.memory_space<vmem_shared>>)
    %dma_wait3A_183 = arith.constant 0 : i32
    %dma_wait3A_184 = arith.constant 0 : i32
    %dma_wait3A_185 = arith.constant 0 : i32
    %dma_wait3A_186 = tpu.memref_slice %arg14[%dma_wait3A_183, %dma_wait3A_185] : memref<2x64xf32, #tpu.memory_space<vmem>> -> memref<1x64xf32, #tpu.memory_space<vmem>>
    %dma_wait3A_187 = tpu.memref_squeeze %dma_wait3A_186 : memref<1x64xf32, #tpu.memory_space<vmem>> -> memref<64xf32, #tpu.memory_space<vmem>>
    %dma_wait3A_188 = arith.constant 0 : i32
    %dma_wait3A_189 = tpu.memref_slice %arg16[%dma_wait3A_184, %dma_wait3A_188] : memref<2x64xi32, #tpu.memory_space<vmem>> -> memref<1x64xi32, #tpu.memory_space<vmem>>
    %dma_wait3A_190 = tpu.memref_squeeze %dma_wait3A_189 : memref<1x64xi32, #tpu.memory_space<vmem>> -> memref<64xi32, #tpu.memory_space<vmem>>
    %dma_wait3A_191 = arith.constant 0 : i32
    %dma_wait3A_192 = tpu.memref_slice %arg28[%dma_wait3A_191] : memref<10240xf32, #tpu.memory_space<vmem_shared>> -> memref<10240xf32, #tpu.memory_space<vmem_shared>>
    tpu.wait_indirect_dma semaphore(%arg25 : memref<!tpu.dma_semaphore, #tpu.memory_space<semaphore_mem>>) src(%dma_wait3A_187 : memref<64xf32, #tpu.memory_space<vmem>>) dst(%dma_wait3A_192 : memref<10240xf32, #tpu.memory_space<vmem_shared>>)
    %dma_wait3A_193 = arith.constant 0 : i32
    %dma_wait3A_194 = arith.constant 0 : i32
    %dma_wait3A_195 = arith.constant 0 : i32
    %dma_wait3A_196 = tpu.memref_slice %arg15[%dma_wait3A_193, %dma_wait3A_195] : memref<2x64xf32, #tpu.memory_space<vmem>> -> memref<1x64xf32, #tpu.memory_space<vmem>>
    %dma_wait3A_197 = tpu.memref_squeeze %dma_wait3A_196 : memref<1x64xf32, #tpu.memory_space<vmem>> -> memref<64xf32, #tpu.memory_space<vmem>>
    %dma_wait3A_198 = arith.constant 0 : i32
    %dma_wait3A_199 = tpu.memref_slice %arg16[%dma_wait3A_194, %dma_wait3A_198] : memref<2x64xi32, #tpu.memory_space<vmem>> -> memref<1x64xi32, #tpu.memory_space<vmem>>
    %dma_wait3A_200 = tpu.memref_squeeze %dma_wait3A_199 : memref<1x64xi32, #tpu.memory_space<vmem>> -> memref<64xi32, #tpu.memory_space<vmem>>
    %dma_wait3A_201 = arith.constant 0 : i32
    %dma_wait3A_202 = tpu.memref_slice %arg29[%dma_wait3A_201] : memref<10240xf32, #tpu.memory_space<vmem_shared>> -> memref<10240xf32, #tpu.memory_space<vmem_shared>>
    tpu.wait_indirect_dma semaphore(%arg25 : memref<!tpu.dma_semaphore, #tpu.memory_space<semaphore_mem>>) src(%dma_wait3A_197 : memref<64xf32, #tpu.memory_space<vmem>>) dst(%dma_wait3A_202 : memref<10240xf32, #tpu.memory_space<vmem_shared>>)
    %dma_wait3A_203 = arith.constant 0 : i32
    %dma_wait3A_204 = arith.constant 0 : i32
    %dma_wait3A_205 = tpu.memref_slice %arg16[%dma_wait3A_203, %dma_wait3A_204] : memref<2x64xi32, #tpu.memory_space<vmem>> -> memref<1x64xi32, #tpu.memory_space<vmem>>
    %dma_wait3A_206 = tpu.memref_squeeze %dma_wait3A_205 : memref<1x64xi32, #tpu.memory_space<vmem>> -> memref<64xi32, #tpu.memory_space<vmem>>
    %dma_wait3A_207 = arith.constant 0 : i32
    %dma_wait3A_208 = tpu.memref_slice %arg30[%dma_wait3A_207] : memref<10240xf32, #tpu.memory_space<vmem_shared>> -> memref<10240xf32, #tpu.memory_space<vmem_shared>>
    tpu.wait_indirect_dma semaphore(%arg25 : memref<!tpu.dma_semaphore, #tpu.memory_space<semaphore_mem>>) src(%arg17 : memref<64xf32, #tpu.memory_space<vmem>>) dst(%dma_wait3A_208 : memref<10240xf32, #tpu.memory_space<vmem_shared>>)
    %dma_wait3A_209 = arith.constant 1 : i32
    %dma_wait3A_210 = arith.constant 1 : i32
    %dma_wait3A_211 = arith.constant 0 : i32
    %dma_wait3A_212 = arith.constant 0 : i32
    %dma_wait3A_213 = tpu.memref_slice %arg18[%dma_wait3A_209, %dma_wait3A_211, %dma_wait3A_212] : memref<2x64x128xf32, #tpu.memory_space<vmem>> -> memref<1x64x128xf32, #tpu.memory_space<vmem>>
    %dma_wait3A_214 = tpu.memref_squeeze %dma_wait3A_213 : memref<1x64x128xf32, #tpu.memory_space<vmem>> -> memref<64x128xf32, #tpu.memory_space<vmem>>
    %dma_wait3A_215 = arith.constant 0 : i32
    %dma_wait3A_216 = tpu.memref_slice %arg16[%dma_wait3A_210, %dma_wait3A_215] : memref<2x64xi32, #tpu.memory_space<vmem>> -> memref<1x64xi32, #tpu.memory_space<vmem>>
    %dma_wait3A_217 = tpu.memref_squeeze %dma_wait3A_216 : memref<1x64xi32, #tpu.memory_space<vmem>> -> memref<64xi32, #tpu.memory_space<vmem>>
    %dma_wait3A_218 = arith.constant 0 : i32
    %dma_wait3A_219 = arith.constant 0 : i32
    %dma_wait3A_220 = tpu.memref_slice %arg27[%dma_wait3A_218, %dma_wait3A_219] : memref<10240x128xf32, #tpu.memory_space<vmem_shared>> -> memref<10240x128xf32, #tpu.memory_space<vmem_shared>>
    tpu.wait_indirect_dma semaphore(%arg26 : memref<!tpu.dma_semaphore, #tpu.memory_space<semaphore_mem>>) src(%dma_wait3A_214 : memref<64x128xf32, #tpu.memory_space<vmem>>) dst(%dma_wait3A_220 : memref<10240x128xf32, #tpu.memory_space<vmem_shared>>)
    %dma_wait3A_221 = arith.constant 1 : i32
    %dma_wait3A_222 = arith.constant 1 : i32
    %dma_wait3A_223 = arith.constant 0 : i32
    %dma_wait3A_224 = tpu.memref_slice %arg14[%dma_wait3A_221, %dma_wait3A_223] : memref<2x64xf32, #tpu.memory_space<vmem>> -> memref<1x64xf32, #tpu.memory_space<vmem>>
    %dma_wait3A_225 = tpu.memref_squeeze %dma_wait3A_224 : memref<1x64xf32, #tpu.memory_space<vmem>> -> memref<64xf32, #tpu.memory_space<vmem>>
    %dma_wait3A_226 = arith.constant 0 : i32
    %dma_wait3A_227 = tpu.memref_slice %arg16[%dma_wait3A_222, %dma_wait3A_226] : memref<2x64xi32, #tpu.memory_space<vmem>> -> memref<1x64xi32, #tpu.memory_space<vmem>>
    %dma_wait3A_228 = tpu.memref_squeeze %dma_wait3A_227 : memref<1x64xi32, #tpu.memory_space<vmem>> -> memref<64xi32, #tpu.memory_space<vmem>>
    %dma_wait3A_229 = arith.constant 0 : i32
    %dma_wait3A_230 = tpu.memref_slice %arg28[%dma_wait3A_229] : memref<10240xf32, #tpu.memory_space<vmem_shared>> -> memref<10240xf32, #tpu.memory_space<vmem_shared>>
    tpu.wait_indirect_dma semaphore(%arg26 : memref<!tpu.dma_semaphore, #tpu.memory_space<semaphore_mem>>) src(%dma_wait3A_225 : memref<64xf32, #tpu.memory_space<vmem>>) dst(%dma_wait3A_230 : memref<10240xf32, #tpu.memory_space<vmem_shared>>)
    %dma_wait3A_231 = arith.constant 1 : i32
    %dma_wait3A_232 = arith.constant 1 : i32
    %dma_wait3A_233 = arith.constant 0 : i32
    %dma_wait3A_234 = tpu.memref_slice %arg15[%dma_wait3A_231, %dma_wait3A_233] : memref<2x64xf32, #tpu.memory_space<vmem>> -> memref<1x64xf32, #tpu.memory_space<vmem>>
    %dma_wait3A_235 = tpu.memref_squeeze %dma_wait3A_234 : memref<1x64xf32, #tpu.memory_space<vmem>> -> memref<64xf32, #tpu.memory_space<vmem>>
    %dma_wait3A_236 = arith.constant 0 : i32
    %dma_wait3A_237 = tpu.memref_slice %arg16[%dma_wait3A_232, %dma_wait3A_236] : memref<2x64xi32, #tpu.memory_space<vmem>> -> memref<1x64xi32, #tpu.memory_space<vmem>>
    %dma_wait3A_238 = tpu.memref_squeeze %dma_wait3A_237 : memref<1x64xi32, #tpu.memory_space<vmem>> -> memref<64xi32, #tpu.memory_space<vmem>>
    %dma_wait3A_239 = arith.constant 0 : i32
    %dma_wait3A_240 = tpu.memref_slice %arg29[%dma_wait3A_239] : memref<10240xf32, #tpu.memory_space<vmem_shared>> -> memref<10240xf32, #tpu.memory_space<vmem_shared>>
    tpu.wait_indirect_dma semaphore(%arg26 : memref<!tpu.dma_semaphore, #tpu.memory_space<semaphore_mem>>) src(%dma_wait3A_235 : memref<64xf32, #tpu.memory_space<vmem>>) dst(%dma_wait3A_240 : memref<10240xf32, #tpu.memory_space<vmem_shared>>)
    %dma_wait3A_241 = arith.constant 1 : i32
    %dma_wait3A_242 = arith.constant 0 : i32
    %dma_wait3A_243 = tpu.memref_slice %arg16[%dma_wait3A_241, %dma_wait3A_242] : memref<2x64xi32, #tpu.memory_space<vmem>> -> memref<1x64xi32, #tpu.memory_space<vmem>>
    %dma_wait3A_244 = tpu.memref_squeeze %dma_wait3A_243 : memref<1x64xi32, #tpu.memory_space<vmem>> -> memref<64xi32, #tpu.memory_space<vmem>>
    %dma_wait3A_245 = arith.constant 0 : i32
    %dma_wait3A_246 = tpu.memref_slice %arg30[%dma_wait3A_245] : memref<10240xf32, #tpu.memory_space<vmem_shared>> -> memref<10240xf32, #tpu.memory_space<vmem_shared>>
    tpu.wait_indirect_dma semaphore(%arg26 : memref<!tpu.dma_semaphore, #tpu.memory_space<semaphore_mem>>) src(%arg17 : memref<64xf32, #tpu.memory_space<vmem>>) dst(%dma_wait3A_246 : memref<10240xf32, #tpu.memory_space<vmem_shared>>)
    %barrier3A_247 = arith.constant 0 : index
    tpu.barrier barrier_id(%barrier3A_247)
    "tpu.region"() ({
      %run_scoped3A_248 = tpu.sem_alloc : memref<!tpu.dma_semaphore, #tpu.memory_space<semaphore_mem>>
      %dma_start3A_249 = arith.constant 0 : i32
      %dma_start3A_250 = tpu.memref_slice %arg8[%arg0, %mul3A_2, %dma_start3A_249] : memref<2x10240x128xf32, #tpu.memory_space<hbm>> -> memref<1x640x128xf32, #tpu.memory_space<hbm>>
      %dma_start3A_251 = tpu.memref_squeeze %dma_start3A_250 : memref<1x640x128xf32, #tpu.memory_space<hbm>> -> memref<640x128xf32, #tpu.memory_space<hbm>>
      %dma_start3A_252 = arith.constant 0 : i32
      %dma_start3A_253 = tpu.memref_slice %arg27[%mul3A_2, %dma_start3A_252] : memref<10240x128xf32, #tpu.memory_space<vmem_shared>> -> memref<640x128xf32, #tpu.memory_space<vmem_shared>>
      tpu.enqueue_dma source(%dma_start3A_253 : memref<640x128xf32, #tpu.memory_space<vmem_shared>>) target(%dma_start3A_251 : memref<640x128xf32, #tpu.memory_space<hbm>>) target_semaphore(%run_scoped3A_248 : memref<!tpu.dma_semaphore, #tpu.memory_space<semaphore_mem>>)
      %dma_wait3A_254 = arith.constant 0 : i32
      %dma_wait3A_255 = tpu.memref_slice %arg8[%arg0, %mul3A_2, %dma_wait3A_254] : memref<2x10240x128xf32, #tpu.memory_space<hbm>> -> memref<1x640x128xf32, #tpu.memory_space<hbm>>
      %dma_wait3A_256 = tpu.memref_squeeze %dma_wait3A_255 : memref<1x640x128xf32, #tpu.memory_space<hbm>> -> memref<640x128xf32, #tpu.memory_space<hbm>>
      %dma_wait3A_257 = arith.constant 0 : i32
      %dma_wait3A_258 = tpu.memref_slice %arg27[%mul3A_2, %dma_wait3A_257] : memref<10240x128xf32, #tpu.memory_space<vmem_shared>> -> memref<640x128xf32, #tpu.memory_space<vmem_shared>>
      tpu.wait_dma2 semaphore(%run_scoped3A_248 : memref<!tpu.dma_semaphore, #tpu.memory_space<semaphore_mem>>) src(%dma_wait3A_258 : memref<640x128xf32, #tpu.memory_space<vmem_shared>>) dst(%dma_wait3A_256 : memref<640x128xf32, #tpu.memory_space<hbm>>)
      tpu.yield
    }) : () -> ()
    "tpu.region"() ({
      %run_scoped3A_248 = tpu.sem_alloc : memref<!tpu.dma_semaphore, #tpu.memory_space<semaphore_mem>>
      %dma_start3A_249 = tpu.memref_slice %arg9[%arg0, %mul3A_2] : memref<2x10240xf32, #tpu.memory_space<hbm>> -> memref<1x640xf32, #tpu.memory_space<hbm>>
      %dma_start3A_250 = tpu.memref_squeeze %dma_start3A_249 : memref<1x640xf32, #tpu.memory_space<hbm>> -> memref<640xf32, #tpu.memory_space<hbm>>
      %dma_start3A_251 = tpu.memref_slice %arg28[%mul3A_2] : memref<10240xf32, #tpu.memory_space<vmem_shared>> -> memref<640xf32, #tpu.memory_space<vmem_shared>>
      tpu.enqueue_dma source(%dma_start3A_251 : memref<640xf32, #tpu.memory_space<vmem_shared>>) target(%dma_start3A_250 : memref<640xf32, #tpu.memory_space<hbm>>) target_semaphore(%run_scoped3A_248 : memref<!tpu.dma_semaphore, #tpu.memory_space<semaphore_mem>>)
      %dma_wait3A_252 = tpu.memref_slice %arg9[%arg0, %mul3A_2] : memref<2x10240xf32, #tpu.memory_space<hbm>> -> memref<1x640xf32, #tpu.memory_space<hbm>>
      %dma_wait3A_253 = tpu.memref_squeeze %dma_wait3A_252 : memref<1x640xf32, #tpu.memory_space<hbm>> -> memref<640xf32, #tpu.memory_space<hbm>>
      %dma_wait3A_254 = tpu.memref_slice %arg28[%mul3A_2] : memref<10240xf32, #tpu.memory_space<vmem_shared>> -> memref<640xf32, #tpu.memory_space<vmem_shared>>
      tpu.wait_dma2 semaphore(%run_scoped3A_248 : memref<!tpu.dma_semaphore, #tpu.memory_space<semaphore_mem>>) src(%dma_wait3A_254 : memref<640xf32, #tpu.memory_space<vmem_shared>>) dst(%dma_wait3A_253 : memref<640xf32, #tpu.memory_space<hbm>>)
      tpu.yield
    }) : () -> ()
    "tpu.region"() ({
      %run_scoped3A_248 = tpu.sem_alloc : memref<!tpu.dma_semaphore, #tpu.memory_space<semaphore_mem>>
      %dma_start3A_249 = tpu.memref_slice %arg10[%arg0, %mul3A_2] : memref<2x10240xf32, #tpu.memory_space<hbm>> -> memref<1x640xf32, #tpu.memory_space<hbm>>
      %dma_start3A_250 = tpu.memref_squeeze %dma_start3A_249 : memref<1x640xf32, #tpu.memory_space<hbm>> -> memref<640xf32, #tpu.memory_space<hbm>>
      %dma_start3A_251 = tpu.memref_slice %arg29[%mul3A_2] : memref<10240xf32, #tpu.memory_space<vmem_shared>> -> memref<640xf32, #tpu.memory_space<vmem_shared>>
      tpu.enqueue_dma source(%dma_start3A_251 : memref<640xf32, #tpu.memory_space<vmem_shared>>) target(%dma_start3A_250 : memref<640xf32, #tpu.memory_space<hbm>>) target_semaphore(%run_scoped3A_248 : memref<!tpu.dma_semaphore, #tpu.memory_space<semaphore_mem>>)
      %dma_wait3A_252 = tpu.memref_slice %arg10[%arg0, %mul3A_2] : memref<2x10240xf32, #tpu.memory_space<hbm>> -> memref<1x640xf32, #tpu.memory_space<hbm>>
      %dma_wait3A_253 = tpu.memref_squeeze %dma_wait3A_252 : memref<1x640xf32, #tpu.memory_space<hbm>> -> memref<640xf32, #tpu.memory_space<hbm>>
      %dma_wait3A_254 = tpu.memref_slice %arg29[%mul3A_2] : memref<10240xf32, #tpu.memory_space<vmem_shared>> -> memref<640xf32, #tpu.memory_space<vmem_shared>>
      tpu.wait_dma2 semaphore(%run_scoped3A_248 : memref<!tpu.dma_semaphore, #tpu.memory_space<semaphore_mem>>) src(%dma_wait3A_254 : memref<640xf32, #tpu.memory_space<vmem_shared>>) dst(%dma_wait3A_253 : memref<640xf32, #tpu.memory_space<hbm>>)
      tpu.yield
    }) : () -> ()
    "tpu.region"() ({
      %run_scoped3A_248 = tpu.sem_alloc : memref<!tpu.dma_semaphore, #tpu.memory_space<semaphore_mem>>
      %dma_start3A_249 = tpu.memref_slice %arg11[%arg0, %mul3A_2] : memref<2x10240xf32, #tpu.memory_space<hbm>> -> memref<1x640xf32, #tpu.memory_space<hbm>>
      %dma_start3A_250 = tpu.memref_squeeze %dma_start3A_249 : memref<1x640xf32, #tpu.memory_space<hbm>> -> memref<640xf32, #tpu.memory_space<hbm>>
      %dma_start3A_251 = tpu.memref_slice %arg30[%mul3A_2] : memref<10240xf32, #tpu.memory_space<vmem_shared>> -> memref<640xf32, #tpu.memory_space<vmem_shared>>
      tpu.enqueue_dma source(%dma_start3A_251 : memref<640xf32, #tpu.memory_space<vmem_shared>>) target(%dma_start3A_250 : memref<640xf32, #tpu.memory_space<hbm>>) target_semaphore(%run_scoped3A_248 : memref<!tpu.dma_semaphore, #tpu.memory_space<semaphore_mem>>)
      %dma_wait3A_252 = tpu.memref_slice %arg11[%arg0, %mul3A_2] : memref<2x10240xf32, #tpu.memory_space<hbm>> -> memref<1x640xf32, #tpu.memory_space<hbm>>
      %dma_wait3A_253 = tpu.memref_squeeze %dma_wait3A_252 : memref<1x640xf32, #tpu.memory_space<hbm>> -> memref<640xf32, #tpu.memory_space<hbm>>
      %dma_wait3A_254 = tpu.memref_slice %arg30[%mul3A_2] : memref<10240xf32, #tpu.memory_space<vmem_shared>> -> memref<640xf32, #tpu.memory_space<vmem_shared>>
      tpu.wait_dma2 semaphore(%run_scoped3A_248 : memref<!tpu.dma_semaphore, #tpu.memory_space<semaphore_mem>>) src(%dma_wait3A_254 : memref<640xf32, #tpu.memory_space<vmem_shared>>) dst(%dma_wait3A_253 : memref<640xf32, #tpu.memory_space<hbm>>)
      tpu.yield
    }) : () -> ()
    return
  }
}

#map = affine_map<(d0, d1) -> (0, 0)>
#map1 = affine_map<(d0, d1) -> (0, 0, 0, 0)>
#map2 = affine_map<(d0, d1) -> (0, 0, 0)>
#map3 = affine_map<(d0, d1) -> (0)>
module attributes {stable_mosaic.version = 14 : i64} {
  func.func @_sc_edge_pass(%arg0: i32, %arg1: i32, %arg2: memref<10000x128xf32, #tpu.memory_space<hbm>>, %arg3: memref<32x158x2x64xi32, #tpu.memory_space<hbm>>, %arg4: memref<32x158x64xf32, #tpu.memory_space<hbm>>, %arg5: memref<10000xf32, #tpu.memory_space<hbm>>, %arg6: memref<10008xf32, #tpu.memory_space<hbm>>, %arg7: memref<640xf32, #tpu.memory_space<hbm>>, %arg8: memref<2x10240x128xf32, #tpu.memory_space<hbm>>, %arg9: memref<2x10240xf32, #tpu.memory_space<hbm>>, %arg10: memref<2x10240xf32, #tpu.memory_space<hbm>>, %arg11: memref<2x10240xf32, #tpu.memory_space<hbm>>, %arg12: memref<2x2x64xi32, #tpu.memory_space<vmem>>, %arg13: memref<2x64xf32, #tpu.memory_space<vmem>>, %arg14: memref<2x64xf32, #tpu.memory_space<vmem>>, %arg15: memref<2x64xf32, #tpu.memory_space<vmem>>, %arg16: memref<2x64xi32, #tpu.memory_space<vmem>>, %arg17: memref<64xf32, #tpu.memory_space<vmem>>, %arg18: memref<2x64x128xf32, #tpu.memory_space<vmem>>, %arg19: memref<10000xf32, #tpu.memory_space<vmem>>, %arg20: memref<10008xf32, #tpu.memory_space<vmem>>, %arg21: memref<!tpu.dma_semaphore, #tpu.memory_space<semaphore_mem>>, %arg22: memref<!tpu.dma_semaphore, #tpu.memory_space<semaphore_mem>>, %arg23: memref<!tpu.dma_semaphore, #tpu.memory_space<semaphore_mem>>, %arg24: memref<!tpu.dma_semaphore, #tpu.memory_space<semaphore_mem>>, %arg25: memref<!tpu.dma_semaphore, #tpu.memory_space<semaphore_mem>>, %arg26: memref<!tpu.dma_semaphore, #tpu.memory_space<semaphore_mem>>, %arg27: memref<10240x128xf32, #tpu.memory_space<vmem_shared>>, %arg28: memref<10240xf32, #tpu.memory_space<vmem_shared>>, %arg29: memref<10240xf32, #tpu.memory_space<vmem_shared>>, %arg30: memref<10240xf32, #tpu.memory_space<vmem_shared>>) attributes {dimension_semantics = [#tpu.dimension_semantics<core_parallel>, #tpu.dimension_semantics<subcore_parallel>], iteration_bounds = array<i64: 2, 16>, scalar_prefetch = 0 : i64, scratch_operands = 19 : i64, tpu.core_type = #tpu.core_type<sc_vector_subcore>, window_params = [{transform_indices = #map}, {transform_indices = #map1}, {transform_indices = #map2}, {transform_indices = #map3}, {transform_indices = #map3}, {transform_indices = #map3}, {transform_indices = #map2}, {transform_indices = #map}, {transform_indices = #map}, {transform_indices = #map}]} {
    %mul3A = arith.constant 16 : i32
    %mul3A_0 = arith.muli %arg0, %mul3A : i32
    %add3A = arith.addi %mul3A_0, %arg1 : i32
    %mul3A_1 = arith.constant 640 : i32
    %mul3A_2 = arith.muli %arg1, %mul3A_1 : i32
    "tpu.region"() ({
      %run_scoped3A_248 = tpu.sem_alloc : memref<!tpu.dma_semaphore, #tpu.memory_space<semaphore_mem>>
      tpu.enqueue_dma source(%arg5 : memref<10000xf32, #tpu.memory_space<hbm>>) target(%arg19 : memref<10000xf32, #tpu.memory_space<vmem>>) target_semaphore(%run_scoped3A_248 : memref<!tpu.dma_semaphore, #tpu.memory_space<semaphore_mem>>)
      tpu.wait_dma2 semaphore(%run_scoped3A_248 : memref<!tpu.dma_semaphore, #tpu.memory_space<semaphore_mem>>) src(%arg5 : memref<10000xf32, #tpu.memory_space<hbm>>) dst(%arg19 : memref<10000xf32, #tpu.memory_space<vmem>>)
      tpu.yield
    }) : () -> ()
    "tpu.region"() ({
      %run_scoped3A_248 = tpu.sem_alloc : memref<!tpu.dma_semaphore, #tpu.memory_space<semaphore_mem>>
      tpu.enqueue_dma source(%arg6 : memref<10008xf32, #tpu.memory_space<hbm>>) target(%arg20 : memref<10008xf32, #tpu.memory_space<vmem>>) target_semaphore(%run_scoped3A_248 : memref<!tpu.dma_semaphore, #tpu.memory_space<semaphore_mem>>)
      tpu.wait_dma2 semaphore(%run_scoped3A_248 : memref<!tpu.dma_semaphore, #tpu.memory_space<semaphore_mem>>) src(%arg6 : memref<10008xf32, #tpu.memory_space<hbm>>) dst(%arg20 : memref<10008xf32, #tpu.memory_space<vmem>>)
      tpu.yield
    }) : () -> ()
    %broadcast_in_dim3A = arith.constant 0.000000e+00 : f32
    %broadcast_in_dim3A_3 = vector.broadcast %broadcast_in_dim3A : f32 to vector<16xf32>
    %add3A_4 = arith.constant 1.000000e+00 : f32
    %add3A_5 = vector.broadcast %add3A_4 : f32 to vector<16xf32>
    %add3A_6 = arith.addf %broadcast_in_dim3A_3, %add3A_5 : vector<16xf32>
    %swap3A = arith.constant 0 : index
    %swap3A_7 = tpu.vector_load %arg17[%swap3A] {strides = array<i32>} : memref<64xf32, #tpu.memory_space<vmem>>, vector<16xf32>,
    tpu.vector_store %arg17[%swap3A], %add3A_6 {strides = array<i32>} : memref<64xf32, #tpu.memory_space<vmem>>, vector<16xf32>,
    %add3A_8 = arith.constant 1.000000e+00 : f32
    %add3A_9 = vector.broadcast %add3A_8 : f32 to vector<16xf32>
    %add3A_10 = arith.addf %broadcast_in_dim3A_3, %add3A_9 : vector<16xf32>
    %swap3A_11 = arith.constant 16 : index
    %swap3A_12 = tpu.vector_load %arg17[%swap3A_11] {strides = array<i32>} : memref<64xf32, #tpu.memory_space<vmem>>, vector<16xf32>,
    tpu.vector_store %arg17[%swap3A_11], %add3A_10 {strides = array<i32>} : memref<64xf32, #tpu.memory_space<vmem>>, vector<16xf32>,
    %add3A_13 = arith.constant 1.000000e+00 : f32
    %add3A_14 = vector.broadcast %add3A_13 : f32 to vector<16xf32>
    %add3A_15 = arith.addf %broadcast_in_dim3A_3, %add3A_14 : vector<16xf32>
    %swap3A_16 = arith.constant 32 : index
    %swap3A_17 = tpu.vector_load %arg17[%swap3A_16] {strides = array<i32>} : memref<64xf32, #tpu.memory_space<vmem>>, vector<16xf32>,
    tpu.vector_store %arg17[%swap3A_16], %add3A_15 {strides = array<i32>} : memref<64xf32, #tpu.memory_space<vmem>>, vector<16xf32>,
    %add3A_18 = arith.constant 1.000000e+00 : f32
    %add3A_19 = vector.broadcast %add3A_18 : f32 to vector<16xf32>
    %add3A_20 = arith.addf %broadcast_in_dim3A_3, %add3A_19 : vector<16xf32>
    %swap3A_21 = arith.constant 48 : index
    %swap3A_22 = tpu.vector_load %arg17[%swap3A_21] {strides = array<i32>} : memref<64xf32, #tpu.memory_space<vmem>>, vector<16xf32>,
    tpu.vector_store %arg17[%swap3A_21], %add3A_20 {strides = array<i32>} : memref<64xf32, #tpu.memory_space<vmem>>, vector<16xf32>,
    %scan3A = arith.constant 0 : i32
    %scan3A_23 = arith.constant 0 : i32
    %scan3A_24 = arith.constant 512 : i32
    %scan3A_25 = arith.addi %scan3A_23, %scan3A_24 : i32
    %scan3A_26 = arith.constant 1 : i32
    scf.for %scan3A_248 = %scan3A_23 to %scan3A_25 step %scan3A_26  : i32 {
      %jit3A = arith.constant 8 : i32
      %div3A = arith.divsi %scan3A_248, %jit3A : i32
      %sign3A = arith.constant 0 : i32
      %sign3A_249 = arith.cmpi sgt, %scan3A_248, %sign3A : i32
      %sign3A_250 = arith.extui %sign3A_249 : i1 to i32
      %sign3A_251 = arith.constant 0 : i32
      %sign3A_252 = arith.cmpi slt, %scan3A_248, %sign3A_251 : i32
      %sign3A_253 = arith.extui %sign3A_252 : i1 to i32
      %sign3A_254 = arith.subi %sign3A_250, %sign3A_253 : i32
      %sign3A_255 = arith.constant 0 : i32
      %sign3A_256 = arith.cmpi sgt, %jit3A, %sign3A_255 : i32
      %sign3A_257 = arith.extui %sign3A_256 : i1 to i32
      %sign3A_258 = arith.constant 0 : i32
      %sign3A_259 = arith.cmpi slt, %jit3A, %sign3A_258 : i32
      %sign3A_260 = arith.extui %sign3A_259 : i1 to i32
      %sign3A_261 = arith.subi %sign3A_257, %sign3A_260 : i32
      %ne3A = arith.cmpi ne, %sign3A_254, %sign3A_261 : i32
      %rem3A = arith.remsi %scan3A_248, %jit3A : i32
      %ne3A_262 = arith.constant 0 : i32
      %ne3A_263 = arith.cmpi ne, %rem3A, %ne3A_262 : i32
      %and3A = arith.andi %ne3A, %ne3A_263 : i1
      %sub3A = arith.constant 1 : i32
      %sub3A_264 = arith.subi %div3A, %sub3A : i32
      %select_n3A = arith.select %and3A, %sub3A_264, %div3A : i32
      %jit3A_265 = arith.constant 8 : i32
      %eq3A = arith.constant 0 : i32
      %eq3A_266 = arith.cmpi eq, %jit3A_265, %eq3A : i32
      %jit3A_267 = arith.constant 1 : i32
      %select_n3A_268 = arith.select %eq3A_266, %jit3A_267, %jit3A_265 : i32
      %rem3A_269 = arith.remsi %scan3A_248, %select_n3A_268 : i32
      %ne3A_270 = arith.constant 0 : i32
      %ne3A_271 = arith.cmpi ne, %rem3A_269, %ne3A_270 : i32
      %lt3A = arith.constant 0 : i32
      %lt3A_272 = arith.cmpi slt, %rem3A_269, %lt3A : i32
      %lt3A_273 = arith.constant 0 : i32
      %lt3A_274 = arith.cmpi slt, %select_n3A_268, %lt3A_273 : i32
      %ne3A_275 = arith.xori %lt3A_272, %lt3A_274 : i1
      %and3A_276 = arith.andi %ne3A_275, %ne3A_271 : i1
      %add3A_277 = arith.addi %rem3A_269, %select_n3A_268 : i32
      %select_n3A_278 = arith.select %and3A_276, %add3A_277, %rem3A_269 : i32
      %mul3A_279 = arith.constant 16 : i32
      %mul3A_280 = arith.muli %select_n3A_278, %mul3A_279 : i32
      %swap3A_281 = arith.constant 0 : i32
      %swap3A_282 = arith.index_cast %swap3A_281 : i32 to index
      %swap3A_283 = arith.index_cast %select_n3A : i32 to index
      %swap3A_284 = arith.index_cast %mul3A_280 : i32 to index
      %swap3A_285 = tpu.vector_load %arg18[%swap3A_282, %swap3A_283, %swap3A_284] {strides = array<i32>} : memref<2x64x128xf32, #tpu.memory_space<vmem>>, vector<16xf32>,
      tpu.vector_store %arg18[%swap3A_282, %swap3A_283, %swap3A_284], %broadcast_in_dim3A_3 {strides = array<i32>} : memref<2x64x128xf32, #tpu.memory_space<vmem>>, vector<16xf32>,
    }
    %scan3A_27 = arith.constant 512 : i32
    %add3A_28 = arith.constant 0 : i32
    %add3A_29 = arith.addi %mul3A_2, %add3A_28 : i32
    %run_scoped3A = arith.constant 0 : i32
    "tpu.region"() ({
      %run_scoped3A_248 = tpu.sem_alloc : memref<!tpu.dma_semaphore, #tpu.memory_space<semaphore_mem>>
      %dma_start3A_249 = arith.constant 0 : i32
      %dma_start3A_250 = arith.constant 0 : i32
      %dma_start3A_251 = tpu.memref_slice %arg18[%run_scoped3A, %dma_start3A_249, %dma_start3A_250] : memref<2x64x128xf32, #tpu.memory_space<vmem>> -> memref<1x64x128xf32, #tpu.memory_space<vmem>>
      %dma_start3A_252 = tpu.memref_squeeze %dma_start3A_251 : memref<1x64x128xf32, #tpu.memory_space<vmem>> -> memref<64x128xf32, #tpu.memory_space<vmem>>
      %dma_start3A_253 = arith.constant 0 : i32
      %dma_start3A_254 = tpu.memref_slice %arg27[%add3A_29, %dma_start3A_253] : memref<10240x128xf32, #tpu.memory_space<vmem_shared>> -> memref<64x128xf32, #tpu.memory_space<vmem_shared>>
      %dma_start3A_255 = arith.constant 0 : i32
      %dma_start3A_256 = tpu.memref_slice %arg27[%add3A_29, %dma_start3A_255] : memref<10240x128xf32, #tpu.memory_space<vmem_shared>> -> memref<64x128xf32, #tpu.memory_space<vmem_shared>>
      %dma_start3A_257 = arith.constant 0 : i32
      %dma_start3A_258 = arith.constant 0 : i32
      %dma_start3A_259 = tpu.memref_slice %arg18[%run_scoped3A, %dma_start3A_257, %dma_start3A_258] : memref<2x64x128xf32, #tpu.memory_space<vmem>> -> memref<1x64x128xf32, #tpu.memory_space<vmem>>
      %dma_start3A_260 = tpu.memref_squeeze %dma_start3A_259 : memref<1x64x128xf32, #tpu.memory_space<vmem>> -> memref<64x128xf32, #tpu.memory_space<vmem>>
      tpu.enqueue_dma source(%dma_start3A_260 : memref<64x128xf32, #tpu.memory_space<vmem>>) target(%dma_start3A_256 : memref<64x128xf32, #tpu.memory_space<vmem_shared>>) target_semaphore(%run_scoped3A_248 : memref<!tpu.dma_semaphore, #tpu.memory_space<semaphore_mem>>)
      %dma_wait3A_261 = arith.constant 0 : i32
      %dma_wait3A_262 = arith.constant 0 : i32
      %dma_wait3A_263 = tpu.memref_slice %arg18[%run_scoped3A, %dma_wait3A_261, %dma_wait3A_262] : memref<2x64x128xf32, #tpu.memory_space<vmem>> -> memref<1x64x128xf32, #tpu.memory_space<vmem>>
      %dma_wait3A_264 = tpu.memref_squeeze %dma_wait3A_263 : memref<1x64x128xf32, #tpu.memory_space<vmem>> -> memref<64x128xf32, #tpu.memory_space<vmem>>
      %dma_wait3A_265 = arith.constant 0 : i32
      %dma_wait3A_266 = tpu.memref_slice %arg27[%add3A_29, %dma_wait3A_265] : memref<10240x128xf32, #tpu.memory_space<vmem_shared>> -> memref<64x128xf32, #tpu.memory_space<vmem_shared>>
      %dma_wait3A_267 = arith.constant 0 : i32
      %dma_wait3A_268 = tpu.memref_slice %arg27[%add3A_29, %dma_wait3A_267] : memref<10240x128xf32, #tpu.memory_space<vmem_shared>> -> memref<64x128xf32, #tpu.memory_space<vmem_shared>>
      %dma_wait3A_269 = arith.constant 0 : i32
      %dma_wait3A_270 = arith.constant 0 : i32
      %dma_wait3A_271 = tpu.memref_slice %arg18[%run_scoped3A, %dma_wait3A_269, %dma_wait3A_270] : memref<2x64x128xf32, #tpu.memory_space<vmem>> -> memref<1x64x128xf32, #tpu.memory_space<vmem>>
      %dma_wait3A_272 = tpu.memref_squeeze %dma_wait3A_271 : memref<1x64x128xf32, #tpu.memory_space<vmem>> -> memref<64x128xf32, #tpu.memory_space<vmem>>
      tpu.wait_dma2 semaphore(%run_scoped3A_248 : memref<!tpu.dma_semaphore, #tpu.memory_space<semaphore_mem>>) src(%dma_wait3A_272 : memref<64x128xf32, #tpu.memory_space<vmem>>) dst(%dma_wait3A_268 : memref<64x128xf32, #tpu.memory_space<vmem_shared>>)
      tpu.yield
    }) : () -> ()
    %add3A_30 = arith.constant 64 : i32
    %add3A_31 = arith.addi %mul3A_2, %add3A_30 : i32
    %run_scoped3A_32 = arith.constant 0 : i32
    "tpu.region"() ({
      %run_scoped3A_248 = tpu.sem_alloc : memref<!tpu.dma_semaphore, #tpu.memory_space<semaphore_mem>>
      %dma_start3A_249 = arith.constant 0 : i32
      %dma_start3A_250 = arith.constant 0 : i32
      %dma_start3A_251 = tpu.memref_slice %arg18[%run_scoped3A_32, %dma_start3A_249, %dma_start3A_250] : memref<2x64x128xf32, #tpu.memory_space<vmem>> -> memref<1x64x128xf32, #tpu.memory_space<vmem>>
      %dma_start3A_252 = tpu.memref_squeeze %dma_start3A_251 : memref<1x64x128xf32, #tpu.memory_space<vmem>> -> memref<64x128xf32, #tpu.memory_space<vmem>>
      %dma_start3A_253 = arith.constant 0 : i32
      %dma_start3A_254 = tpu.memref_slice %arg27[%add3A_31, %dma_start3A_253] : memref<10240x128xf32, #tpu.memory_space<vmem_shared>> -> memref<64x128xf32, #tpu.memory_space<vmem_shared>>
      %dma_start3A_255 = arith.constant 0 : i32
      %dma_start3A_256 = tpu.memref_slice %arg27[%add3A_31, %dma_start3A_255] : memref<10240x128xf32, #tpu.memory_space<vmem_shared>> -> memref<64x128xf32, #tpu.memory_space<vmem_shared>>
      %dma_start3A_257 = arith.constant 0 : i32
      %dma_start3A_258 = arith.constant 0 : i32
      %dma_start3A_259 = tpu.memref_slice %arg18[%run_scoped3A_32, %dma_start3A_257, %dma_start3A_258] : memref<2x64x128xf32, #tpu.memory_space<vmem>> -> memref<1x64x128xf32, #tpu.memory_space<vmem>>
      %dma_start3A_260 = tpu.memref_squeeze %dma_start3A_259 : memref<1x64x128xf32, #tpu.memory_space<vmem>> -> memref<64x128xf32, #tpu.memory_space<vmem>>
      tpu.enqueue_dma source(%dma_start3A_260 : memref<64x128xf32, #tpu.memory_space<vmem>>) target(%dma_start3A_256 : memref<64x128xf32, #tpu.memory_space<vmem_shared>>) target_semaphore(%run_scoped3A_248 : memref<!tpu.dma_semaphore, #tpu.memory_space<semaphore_mem>>)
      %dma_wait3A_261 = arith.constant 0 : i32
      %dma_wait3A_262 = arith.constant 0 : i32
      %dma_wait3A_263 = tpu.memref_slice %arg18[%run_scoped3A_32, %dma_wait3A_261, %dma_wait3A_262] : memref<2x64x128xf32, #tpu.memory_space<vmem>> -> memref<1x64x128xf32, #tpu.memory_space<vmem>>
      %dma_wait3A_264 = tpu.memref_squeeze %dma_wait3A_263 : memref<1x64x128xf32, #tpu.memory_space<vmem>> -> memref<64x128xf32, #tpu.memory_space<vmem>>
      %dma_wait3A_265 = arith.constant 0 : i32
      %dma_wait3A_266 = tpu.memref_slice %arg27[%add3A_31, %dma_wait3A_265] : memref<10240x128xf32, #tpu.memory_space<vmem_shared>> -> memref<64x128xf32, #tpu.memory_space<vmem_shared>>
      %dma_wait3A_267 = arith.constant 0 : i32
      %dma_wait3A_268 = tpu.memref_slice %arg27[%add3A_31, %dma_wait3A_267] : memref<10240x128xf32, #tpu.memory_space<vmem_shared>> -> memref<64x128xf32, #tpu.memory_space<vmem_shared>>
      %dma_wait3A_269 = arith.constant 0 : i32
      %dma_wait3A_270 = arith.constant 0 : i32
      %dma_wait3A_271 = tpu.memref_slice %arg18[%run_scoped3A_32, %dma_wait3A_269, %dma_wait3A_270] : memref<2x64x128xf32, #tpu.memory_space<vmem>> -> memref<1x64x128xf32, #tpu.memory_space<vmem>>
      %dma_wait3A_272 = tpu.memref_squeeze %dma_wait3A_271 : memref<1x64x128xf32, #tpu.memory_space<vmem>> -> memref<64x128xf32, #tpu.memory_space<vmem>>
      tpu.wait_dma2 semaphore(%run_scoped3A_248 : memref<!tpu.dma_semaphore, #tpu.memory_space<semaphore_mem>>) src(%dma_wait3A_272 : memref<64x128xf32, #tpu.memory_space<vmem>>) dst(%dma_wait3A_268 : memref<64x128xf32, #tpu.memory_space<vmem_shared>>)
      tpu.yield
    }) : () -> ()
    %add3A_33 = arith.constant 128 : i32
    %add3A_34 = arith.addi %mul3A_2, %add3A_33 : i32
    %run_scoped3A_35 = arith.constant 0 : i32
    "tpu.region"() ({
      %run_scoped3A_248 = tpu.sem_alloc : memref<!tpu.dma_semaphore, #tpu.memory_space<semaphore_mem>>
      %dma_start3A_249 = arith.constant 0 : i32
      %dma_start3A_250 = arith.constant 0 : i32
      %dma_start3A_251 = tpu.memref_slice %arg18[%run_scoped3A_35, %dma_start3A_249, %dma_start3A_250] : memref<2x64x128xf32, #tpu.memory_space<vmem>> -> memref<1x64x128xf32, #tpu.memory_space<vmem>>
      %dma_start3A_252 = tpu.memref_squeeze %dma_start3A_251 : memref<1x64x128xf32, #tpu.memory_space<vmem>> -> memref<64x128xf32, #tpu.memory_space<vmem>>
      %dma_start3A_253 = arith.constant 0 : i32
      %dma_start3A_254 = tpu.memref_slice %arg27[%add3A_34, %dma_start3A_253] : memref<10240x128xf32, #tpu.memory_space<vmem_shared>> -> memref<64x128xf32, #tpu.memory_space<vmem_shared>>
      %dma_start3A_255 = arith.constant 0 : i32
      %dma_start3A_256 = tpu.memref_slice %arg27[%add3A_34, %dma_start3A_255] : memref<10240x128xf32, #tpu.memory_space<vmem_shared>> -> memref<64x128xf32, #tpu.memory_space<vmem_shared>>
      %dma_start3A_257 = arith.constant 0 : i32
      %dma_start3A_258 = arith.constant 0 : i32
      %dma_start3A_259 = tpu.memref_slice %arg18[%run_scoped3A_35, %dma_start3A_257, %dma_start3A_258] : memref<2x64x128xf32, #tpu.memory_space<vmem>> -> memref<1x64x128xf32, #tpu.memory_space<vmem>>
      %dma_start3A_260 = tpu.memref_squeeze %dma_start3A_259 : memref<1x64x128xf32, #tpu.memory_space<vmem>> -> memref<64x128xf32, #tpu.memory_space<vmem>>
      tpu.enqueue_dma source(%dma_start3A_260 : memref<64x128xf32, #tpu.memory_space<vmem>>) target(%dma_start3A_256 : memref<64x128xf32, #tpu.memory_space<vmem_shared>>) target_semaphore(%run_scoped3A_248 : memref<!tpu.dma_semaphore, #tpu.memory_space<semaphore_mem>>)
      %dma_wait3A_261 = arith.constant 0 : i32
      %dma_wait3A_262 = arith.constant 0 : i32
      %dma_wait3A_263 = tpu.memref_slice %arg18[%run_scoped3A_35, %dma_wait3A_261, %dma_wait3A_262] : memref<2x64x128xf32, #tpu.memory_space<vmem>> -> memref<1x64x128xf32, #tpu.memory_space<vmem>>
      %dma_wait3A_264 = tpu.memref_squeeze %dma_wait3A_263 : memref<1x64x128xf32, #tpu.memory_space<vmem>> -> memref<64x128xf32, #tpu.memory_space<vmem>>
      %dma_wait3A_265 = arith.constant 0 : i32
      %dma_wait3A_266 = tpu.memref_slice %arg27[%add3A_34, %dma_wait3A_265] : memref<10240x128xf32, #tpu.memory_space<vmem_shared>> -> memref<64x128xf32, #tpu.memory_space<vmem_shared>>
      %dma_wait3A_267 = arith.constant 0 : i32
      %dma_wait3A_268 = tpu.memref_slice %arg27[%add3A_34, %dma_wait3A_267] : memref<10240x128xf32, #tpu.memory_space<vmem_shared>> -> memref<64x128xf32, #tpu.memory_space<vmem_shared>>
      %dma_wait3A_269 = arith.constant 0 : i32
      %dma_wait3A_270 = arith.constant 0 : i32
      %dma_wait3A_271 = tpu.memref_slice %arg18[%run_scoped3A_35, %dma_wait3A_269, %dma_wait3A_270] : memref<2x64x128xf32, #tpu.memory_space<vmem>> -> memref<1x64x128xf32, #tpu.memory_space<vmem>>
      %dma_wait3A_272 = tpu.memref_squeeze %dma_wait3A_271 : memref<1x64x128xf32, #tpu.memory_space<vmem>> -> memref<64x128xf32, #tpu.memory_space<vmem>>
      tpu.wait_dma2 semaphore(%run_scoped3A_248 : memref<!tpu.dma_semaphore, #tpu.memory_space<semaphore_mem>>) src(%dma_wait3A_272 : memref<64x128xf32, #tpu.memory_space<vmem>>) dst(%dma_wait3A_268 : memref<64x128xf32, #tpu.memory_space<vmem_shared>>)
      tpu.yield
    }) : () -> ()
    %add3A_36 = arith.constant 192 : i32
    %add3A_37 = arith.addi %mul3A_2, %add3A_36 : i32
    %run_scoped3A_38 = arith.constant 0 : i32
    "tpu.region"() ({
      %run_scoped3A_248 = tpu.sem_alloc : memref<!tpu.dma_semaphore, #tpu.memory_space<semaphore_mem>>
      %dma_start3A_249 = arith.constant 0 : i32
      %dma_start3A_250 = arith.constant 0 : i32
      %dma_start3A_251 = tpu.memref_slice %arg18[%run_scoped3A_38, %dma_start3A_249, %dma_start3A_250] : memref<2x64x128xf32, #tpu.memory_space<vmem>> -> memref<1x64x128xf32, #tpu.memory_space<vmem>>
      %dma_start3A_252 = tpu.memref_squeeze %dma_start3A_251 : memref<1x64x128xf32, #tpu.memory_space<vmem>> -> memref<64x128xf32, #tpu.memory_space<vmem>>
      %dma_start3A_253 = arith.constant 0 : i32
      %dma_start3A_254 = tpu.memref_slice %arg27[%add3A_37, %dma_start3A_253] : memref<10240x128xf32, #tpu.memory_space<vmem_shared>> -> memref<64x128xf32, #tpu.memory_space<vmem_shared>>
      %dma_start3A_255 = arith.constant 0 : i32
      %dma_start3A_256 = tpu.memref_slice %arg27[%add3A_37, %dma_start3A_255] : memref<10240x128xf32, #tpu.memory_space<vmem_shared>> -> memref<64x128xf32, #tpu.memory_space<vmem_shared>>
      %dma_start3A_257 = arith.constant 0 : i32
      %dma_start3A_258 = arith.constant 0 : i32
      %dma_start3A_259 = tpu.memref_slice %arg18[%run_scoped3A_38, %dma_start3A_257, %dma_start3A_258] : memref<2x64x128xf32, #tpu.memory_space<vmem>> -> memref<1x64x128xf32, #tpu.memory_space<vmem>>
      %dma_start3A_260 = tpu.memref_squeeze %dma_start3A_259 : memref<1x64x128xf32, #tpu.memory_space<vmem>> -> memref<64x128xf32, #tpu.memory_space<vmem>>
      tpu.enqueue_dma source(%dma_start3A_260 : memref<64x128xf32, #tpu.memory_space<vmem>>) target(%dma_start3A_256 : memref<64x128xf32, #tpu.memory_space<vmem_shared>>) target_semaphore(%run_scoped3A_248 : memref<!tpu.dma_semaphore, #tpu.memory_space<semaphore_mem>>)
      %dma_wait3A_261 = arith.constant 0 : i32
      %dma_wait3A_262 = arith.constant 0 : i32
      %dma_wait3A_263 = tpu.memref_slice %arg18[%run_scoped3A_38, %dma_wait3A_261, %dma_wait3A_262] : memref<2x64x128xf32, #tpu.memory_space<vmem>> -> memref<1x64x128xf32, #tpu.memory_space<vmem>>
      %dma_wait3A_264 = tpu.memref_squeeze %dma_wait3A_263 : memref<1x64x128xf32, #tpu.memory_space<vmem>> -> memref<64x128xf32, #tpu.memory_space<vmem>>
      %dma_wait3A_265 = arith.constant 0 : i32
      %dma_wait3A_266 = tpu.memref_slice %arg27[%add3A_37, %dma_wait3A_265] : memref<10240x128xf32, #tpu.memory_space<vmem_shared>> -> memref<64x128xf32, #tpu.memory_space<vmem_shared>>
      %dma_wait3A_267 = arith.constant 0 : i32
      %dma_wait3A_268 = tpu.memref_slice %arg27[%add3A_37, %dma_wait3A_267] : memref<10240x128xf32, #tpu.memory_space<vmem_shared>> -> memref<64x128xf32, #tpu.memory_space<vmem_shared>>
      %dma_wait3A_269 = arith.constant 0 : i32
      %dma_wait3A_270 = arith.constant 0 : i32
      %dma_wait3A_271 = tpu.memref_slice %arg18[%run_scoped3A_38, %dma_wait3A_269, %dma_wait3A_270] : memref<2x64x128xf32, #tpu.memory_space<vmem>> -> memref<1x64x128xf32, #tpu.memory_space<vmem>>
      %dma_wait3A_272 = tpu.memref_squeeze %dma_wait3A_271 : memref<1x64x128xf32, #tpu.memory_space<vmem>> -> memref<64x128xf32, #tpu.memory_space<vmem>>
      tpu.wait_dma2 semaphore(%run_scoped3A_248 : memref<!tpu.dma_semaphore, #tpu.memory_space<semaphore_mem>>) src(%dma_wait3A_272 : memref<64x128xf32, #tpu.memory_space<vmem>>) dst(%dma_wait3A_268 : memref<64x128xf32, #tpu.memory_space<vmem_shared>>)
      tpu.yield
    }) : () -> ()
    %add3A_39 = arith.constant 256 : i32
    %add3A_40 = arith.addi %mul3A_2, %add3A_39 : i32
    %run_scoped3A_41 = arith.constant 0 : i32
    "tpu.region"() ({
      %run_scoped3A_248 = tpu.sem_alloc : memref<!tpu.dma_semaphore, #tpu.memory_space<semaphore_mem>>
      %dma_start3A_249 = arith.constant 0 : i32
      %dma_start3A_250 = arith.constant 0 : i32
      %dma_start3A_251 = tpu.memref_slice %arg18[%run_scoped3A_41, %dma_start3A_249, %dma_start3A_250] : memref<2x64x128xf32, #tpu.memory_space<vmem>> -> memref<1x64x128xf32, #tpu.memory_space<vmem>>
      %dma_start3A_252 = tpu.memref_squeeze %dma_start3A_251 : memref<1x64x128xf32, #tpu.memory_space<vmem>> -> memref<64x128xf32, #tpu.memory_space<vmem>>
      %dma_start3A_253 = arith.constant 0 : i32
      %dma_start3A_254 = tpu.memref_slice %arg27[%add3A_40, %dma_start3A_253] : memref<10240x128xf32, #tpu.memory_space<vmem_shared>> -> memref<64x128xf32, #tpu.memory_space<vmem_shared>>
      %dma_start3A_255 = arith.constant 0 : i32
      %dma_start3A_256 = tpu.memref_slice %arg27[%add3A_40, %dma_start3A_255] : memref<10240x128xf32, #tpu.memory_space<vmem_shared>> -> memref<64x128xf32, #tpu.memory_space<vmem_shared>>
      %dma_start3A_257 = arith.constant 0 : i32
      %dma_start3A_258 = arith.constant 0 : i32
      %dma_start3A_259 = tpu.memref_slice %arg18[%run_scoped3A_41, %dma_start3A_257, %dma_start3A_258] : memref<2x64x128xf32, #tpu.memory_space<vmem>> -> memref<1x64x128xf32, #tpu.memory_space<vmem>>
      %dma_start3A_260 = tpu.memref_squeeze %dma_start3A_259 : memref<1x64x128xf32, #tpu.memory_space<vmem>> -> memref<64x128xf32, #tpu.memory_space<vmem>>
      tpu.enqueue_dma source(%dma_start3A_260 : memref<64x128xf32, #tpu.memory_space<vmem>>) target(%dma_start3A_256 : memref<64x128xf32, #tpu.memory_space<vmem_shared>>) target_semaphore(%run_scoped3A_248 : memref<!tpu.dma_semaphore, #tpu.memory_space<semaphore_mem>>)
      %dma_wait3A_261 = arith.constant 0 : i32
      %dma_wait3A_262 = arith.constant 0 : i32
      %dma_wait3A_263 = tpu.memref_slice %arg18[%run_scoped3A_41, %dma_wait3A_261, %dma_wait3A_262] : memref<2x64x128xf32, #tpu.memory_space<vmem>> -> memref<1x64x128xf32, #tpu.memory_space<vmem>>
      %dma_wait3A_264 = tpu.memref_squeeze %dma_wait3A_263 : memref<1x64x128xf32, #tpu.memory_space<vmem>> -> memref<64x128xf32, #tpu.memory_space<vmem>>
      %dma_wait3A_265 = arith.constant 0 : i32
      %dma_wait3A_266 = tpu.memref_slice %arg27[%add3A_40, %dma_wait3A_265] : memref<10240x128xf32, #tpu.memory_space<vmem_shared>> -> memref<64x128xf32, #tpu.memory_space<vmem_shared>>
      %dma_wait3A_267 = arith.constant 0 : i32
      %dma_wait3A_268 = tpu.memref_slice %arg27[%add3A_40, %dma_wait3A_267] : memref<10240x128xf32, #tpu.memory_space<vmem_shared>> -> memref<64x128xf32, #tpu.memory_space<vmem_shared>>
      %dma_wait3A_269 = arith.constant 0 : i32
      %dma_wait3A_270 = arith.constant 0 : i32
      %dma_wait3A_271 = tpu.memref_slice %arg18[%run_scoped3A_41, %dma_wait3A_269, %dma_wait3A_270] : memref<2x64x128xf32, #tpu.memory_space<vmem>> -> memref<1x64x128xf32, #tpu.memory_space<vmem>>
      %dma_wait3A_272 = tpu.memref_squeeze %dma_wait3A_271 : memref<1x64x128xf32, #tpu.memory_space<vmem>> -> memref<64x128xf32, #tpu.memory_space<vmem>>
      tpu.wait_dma2 semaphore(%run_scoped3A_248 : memref<!tpu.dma_semaphore, #tpu.memory_space<semaphore_mem>>) src(%dma_wait3A_272 : memref<64x128xf32, #tpu.memory_space<vmem>>) dst(%dma_wait3A_268 : memref<64x128xf32, #tpu.memory_space<vmem_shared>>)
      tpu.yield
    }) : () -> ()
    %add3A_42 = arith.constant 320 : i32
    %add3A_43 = arith.addi %mul3A_2, %add3A_42 : i32
    %run_scoped3A_44 = arith.constant 0 : i32
    "tpu.region"() ({
      %run_scoped3A_248 = tpu.sem_alloc : memref<!tpu.dma_semaphore, #tpu.memory_space<semaphore_mem>>
      %dma_start3A_249 = arith.constant 0 : i32
      %dma_start3A_250 = arith.constant 0 : i32
      %dma_start3A_251 = tpu.memref_slice %arg18[%run_scoped3A_44, %dma_start3A_249, %dma_start3A_250] : memref<2x64x128xf32, #tpu.memory_space<vmem>> -> memref<1x64x128xf32, #tpu.memory_space<vmem>>
      %dma_start3A_252 = tpu.memref_squeeze %dma_start3A_251 : memref<1x64x128xf32, #tpu.memory_space<vmem>> -> memref<64x128xf32, #tpu.memory_space<vmem>>
      %dma_start3A_253 = arith.constant 0 : i32
      %dma_start3A_254 = tpu.memref_slice %arg27[%add3A_43, %dma_start3A_253] : memref<10240x128xf32, #tpu.memory_space<vmem_shared>> -> memref<64x128xf32, #tpu.memory_space<vmem_shared>>
      %dma_start3A_255 = arith.constant 0 : i32
      %dma_start3A_256 = tpu.memref_slice %arg27[%add3A_43, %dma_start3A_255] : memref<10240x128xf32, #tpu.memory_space<vmem_shared>> -> memref<64x128xf32, #tpu.memory_space<vmem_shared>>
      %dma_start3A_257 = arith.constant 0 : i32
      %dma_start3A_258 = arith.constant 0 : i32
      %dma_start3A_259 = tpu.memref_slice %arg18[%run_scoped3A_44, %dma_start3A_257, %dma_start3A_258] : memref<2x64x128xf32, #tpu.memory_space<vmem>> -> memref<1x64x128xf32, #tpu.memory_space<vmem>>
      %dma_start3A_260 = tpu.memref_squeeze %dma_start3A_259 : memref<1x64x128xf32, #tpu.memory_space<vmem>> -> memref<64x128xf32, #tpu.memory_space<vmem>>
      tpu.enqueue_dma source(%dma_start3A_260 : memref<64x128xf32, #tpu.memory_space<vmem>>) target(%dma_start3A_256 : memref<64x128xf32, #tpu.memory_space<vmem_shared>>) target_semaphore(%run_scoped3A_248 : memref<!tpu.dma_semaphore, #tpu.memory_space<semaphore_mem>>)
      %dma_wait3A_261 = arith.constant 0 : i32
      %dma_wait3A_262 = arith.constant 0 : i32
      %dma_wait3A_263 = tpu.memref_slice %arg18[%run_scoped3A_44, %dma_wait3A_261, %dma_wait3A_262] : memref<2x64x128xf32, #tpu.memory_space<vmem>> -> memref<1x64x128xf32, #tpu.memory_space<vmem>>
      %dma_wait3A_264 = tpu.memref_squeeze %dma_wait3A_263 : memref<1x64x128xf32, #tpu.memory_space<vmem>> -> memref<64x128xf32, #tpu.memory_space<vmem>>
      %dma_wait3A_265 = arith.constant 0 : i32
      %dma_wait3A_266 = tpu.memref_slice %arg27[%add3A_43, %dma_wait3A_265] : memref<10240x128xf32, #tpu.memory_space<vmem_shared>> -> memref<64x128xf32, #tpu.memory_space<vmem_shared>>
      %dma_wait3A_267 = arith.constant 0 : i32
      %dma_wait3A_268 = tpu.memref_slice %arg27[%add3A_43, %dma_wait3A_267] : memref<10240x128xf32, #tpu.memory_space<vmem_shared>> -> memref<64x128xf32, #tpu.memory_space<vmem_shared>>
      %dma_wait3A_269 = arith.constant 0 : i32
      %dma_wait3A_270 = arith.constant 0 : i32
      %dma_wait3A_271 = tpu.memref_slice %arg18[%run_scoped3A_44, %dma_wait3A_269, %dma_wait3A_270] : memref<2x64x128xf32, #tpu.memory_space<vmem>> -> memref<1x64x128xf32, #tpu.memory_space<vmem>>
      %dma_wait3A_272 = tpu.memref_squeeze %dma_wait3A_271 : memref<1x64x128xf32, #tpu.memory_space<vmem>> -> memref<64x128xf32, #tpu.memory_space<vmem>>
      tpu.wait_dma2 semaphore(%run_scoped3A_248 : memref<!tpu.dma_semaphore, #tpu.memory_space<semaphore_mem>>) src(%dma_wait3A_272 : memref<64x128xf32, #tpu.memory_space<vmem>>) dst(%dma_wait3A_268 : memref<64x128xf32, #tpu.memory_space<vmem_shared>>)
      tpu.yield
    }) : () -> ()
    %add3A_45 = arith.constant 384 : i32
    %add3A_46 = arith.addi %mul3A_2, %add3A_45 : i32
    %run_scoped3A_47 = arith.constant 0 : i32
    "tpu.region"() ({
      %run_scoped3A_248 = tpu.sem_alloc : memref<!tpu.dma_semaphore, #tpu.memory_space<semaphore_mem>>
      %dma_start3A_249 = arith.constant 0 : i32
      %dma_start3A_250 = arith.constant 0 : i32
      %dma_start3A_251 = tpu.memref_slice %arg18[%run_scoped3A_47, %dma_start3A_249, %dma_start3A_250] : memref<2x64x128xf32, #tpu.memory_space<vmem>> -> memref<1x64x128xf32, #tpu.memory_space<vmem>>
      %dma_start3A_252 = tpu.memref_squeeze %dma_start3A_251 : memref<1x64x128xf32, #tpu.memory_space<vmem>> -> memref<64x128xf32, #tpu.memory_space<vmem>>
      %dma_start3A_253 = arith.constant 0 : i32
      %dma_start3A_254 = tpu.memref_slice %arg27[%add3A_46, %dma_start3A_253] : memref<10240x128xf32, #tpu.memory_space<vmem_shared>> -> memref<64x128xf32, #tpu.memory_space<vmem_shared>>
      %dma_start3A_255 = arith.constant 0 : i32
      %dma_start3A_256 = tpu.memref_slice %arg27[%add3A_46, %dma_start3A_255] : memref<10240x128xf32, #tpu.memory_space<vmem_shared>> -> memref<64x128xf32, #tpu.memory_space<vmem_shared>>
      %dma_start3A_257 = arith.constant 0 : i32
      %dma_start3A_258 = arith.constant 0 : i32
      %dma_start3A_259 = tpu.memref_slice %arg18[%run_scoped3A_47, %dma_start3A_257, %dma_start3A_258] : memref<2x64x128xf32, #tpu.memory_space<vmem>> -> memref<1x64x128xf32, #tpu.memory_space<vmem>>
      %dma_start3A_260 = tpu.memref_squeeze %dma_start3A_259 : memref<1x64x128xf32, #tpu.memory_space<vmem>> -> memref<64x128xf32, #tpu.memory_space<vmem>>
      tpu.enqueue_dma source(%dma_start3A_260 : memref<64x128xf32, #tpu.memory_space<vmem>>) target(%dma_start3A_256 : memref<64x128xf32, #tpu.memory_space<vmem_shared>>) target_semaphore(%run_scoped3A_248 : memref<!tpu.dma_semaphore, #tpu.memory_space<semaphore_mem>>)
      %dma_wait3A_261 = arith.constant 0 : i32
      %dma_wait3A_262 = arith.constant 0 : i32
      %dma_wait3A_263 = tpu.memref_slice %arg18[%run_scoped3A_47, %dma_wait3A_261, %dma_wait3A_262] : memref<2x64x128xf32, #tpu.memory_space<vmem>> -> memref<1x64x128xf32, #tpu.memory_space<vmem>>
      %dma_wait3A_264 = tpu.memref_squeeze %dma_wait3A_263 : memref<1x64x128xf32, #tpu.memory_space<vmem>> -> memref<64x128xf32, #tpu.memory_space<vmem>>
      %dma_wait3A_265 = arith.constant 0 : i32
      %dma_wait3A_266 = tpu.memref_slice %arg27[%add3A_46, %dma_wait3A_265] : memref<10240x128xf32, #tpu.memory_space<vmem_shared>> -> memref<64x128xf32, #tpu.memory_space<vmem_shared>>
      %dma_wait3A_267 = arith.constant 0 : i32
      %dma_wait3A_268 = tpu.memref_slice %arg27[%add3A_46, %dma_wait3A_267] : memref<10240x128xf32, #tpu.memory_space<vmem_shared>> -> memref<64x128xf32, #tpu.memory_space<vmem_shared>>
      %dma_wait3A_269 = arith.constant 0 : i32
      %dma_wait3A_270 = arith.constant 0 : i32
      %dma_wait3A_271 = tpu.memref_slice %arg18[%run_scoped3A_47, %dma_wait3A_269, %dma_wait3A_270] : memref<2x64x128xf32, #tpu.memory_space<vmem>> -> memref<1x64x128xf32, #tpu.memory_space<vmem>>
      %dma_wait3A_272 = tpu.memref_squeeze %dma_wait3A_271 : memref<1x64x128xf32, #tpu.memory_space<vmem>> -> memref<64x128xf32, #tpu.memory_space<vmem>>
      tpu.wait_dma2 semaphore(%run_scoped3A_248 : memref<!tpu.dma_semaphore, #tpu.memory_space<semaphore_mem>>) src(%dma_wait3A_272 : memref<64x128xf32, #tpu.memory_space<vmem>>) dst(%dma_wait3A_268 : memref<64x128xf32, #tpu.memory_space<vmem_shared>>)
      tpu.yield
    }) : () -> ()
    %add3A_48 = arith.constant 448 : i32
    %add3A_49 = arith.addi %mul3A_2, %add3A_48 : i32
    %run_scoped3A_50 = arith.constant 0 : i32
    "tpu.region"() ({
      %run_scoped3A_248 = tpu.sem_alloc : memref<!tpu.dma_semaphore, #tpu.memory_space<semaphore_mem>>
      %dma_start3A_249 = arith.constant 0 : i32
      %dma_start3A_250 = arith.constant 0 : i32
      %dma_start3A_251 = tpu.memref_slice %arg18[%run_scoped3A_50, %dma_start3A_249, %dma_start3A_250] : memref<2x64x128xf32, #tpu.memory_space<vmem>> -> memref<1x64x128xf32, #tpu.memory_space<vmem>>
      %dma_start3A_252 = tpu.memref_squeeze %dma_start3A_251 : memref<1x64x128xf32, #tpu.memory_space<vmem>> -> memref<64x128xf32, #tpu.memory_space<vmem>>
      %dma_start3A_253 = arith.constant 0 : i32
      %dma_start3A_254 = tpu.memref_slice %arg27[%add3A_49, %dma_start3A_253] : memref<10240x128xf32, #tpu.memory_space<vmem_shared>> -> memref<64x128xf32, #tpu.memory_space<vmem_shared>>
      %dma_start3A_255 = arith.constant 0 : i32
      %dma_start3A_256 = tpu.memref_slice %arg27[%add3A_49, %dma_start3A_255] : memref<10240x128xf32, #tpu.memory_space<vmem_shared>> -> memref<64x128xf32, #tpu.memory_space<vmem_shared>>
      %dma_start3A_257 = arith.constant 0 : i32
      %dma_start3A_258 = arith.constant 0 : i32
      %dma_start3A_259 = tpu.memref_slice %arg18[%run_scoped3A_50, %dma_start3A_257, %dma_start3A_258] : memref<2x64x128xf32, #tpu.memory_space<vmem>> -> memref<1x64x128xf32, #tpu.memory_space<vmem>>
      %dma_start3A_260 = tpu.memref_squeeze %dma_start3A_259 : memref<1x64x128xf32, #tpu.memory_space<vmem>> -> memref<64x128xf32, #tpu.memory_space<vmem>>
      tpu.enqueue_dma source(%dma_start3A_260 : memref<64x128xf32, #tpu.memory_space<vmem>>) target(%dma_start3A_256 : memref<64x128xf32, #tpu.memory_space<vmem_shared>>) target_semaphore(%run_scoped3A_248 : memref<!tpu.dma_semaphore, #tpu.memory_space<semaphore_mem>>)
      %dma_wait3A_261 = arith.constant 0 : i32
      %dma_wait3A_262 = arith.constant 0 : i32
      %dma_wait3A_263 = tpu.memref_slice %arg18[%run_scoped3A_50, %dma_wait3A_261, %dma_wait3A_262] : memref<2x64x128xf32, #tpu.memory_space<vmem>> -> memref<1x64x128xf32, #tpu.memory_space<vmem>>
      %dma_wait3A_264 = tpu.memref_squeeze %dma_wait3A_263 : memref<1x64x128xf32, #tpu.memory_space<vmem>> -> memref<64x128xf32, #tpu.memory_space<vmem>>
      %dma_wait3A_265 = arith.constant 0 : i32
      %dma_wait3A_266 = tpu.memref_slice %arg27[%add3A_49, %dma_wait3A_265] : memref<10240x128xf32, #tpu.memory_space<vmem_shared>> -> memref<64x128xf32, #tpu.memory_space<vmem_shared>>
      %dma_wait3A_267 = arith.constant 0 : i32
      %dma_wait3A_268 = tpu.memref_slice %arg27[%add3A_49, %dma_wait3A_267] : memref<10240x128xf32, #tpu.memory_space<vmem_shared>> -> memref<64x128xf32, #tpu.memory_space<vmem_shared>>
      %dma_wait3A_269 = arith.constant 0 : i32
      %dma_wait3A_270 = arith.constant 0 : i32
      %dma_wait3A_271 = tpu.memref_slice %arg18[%run_scoped3A_50, %dma_wait3A_269, %dma_wait3A_270] : memref<2x64x128xf32, #tpu.memory_space<vmem>> -> memref<1x64x128xf32, #tpu.memory_space<vmem>>
      %dma_wait3A_272 = tpu.memref_squeeze %dma_wait3A_271 : memref<1x64x128xf32, #tpu.memory_space<vmem>> -> memref<64x128xf32, #tpu.memory_space<vmem>>
      tpu.wait_dma2 semaphore(%run_scoped3A_248 : memref<!tpu.dma_semaphore, #tpu.memory_space<semaphore_mem>>) src(%dma_wait3A_272 : memref<64x128xf32, #tpu.memory_space<vmem>>) dst(%dma_wait3A_268 : memref<64x128xf32, #tpu.memory_space<vmem_shared>>)
      tpu.yield
    }) : () -> ()
    %add3A_51 = arith.constant 512 : i32
    %add3A_52 = arith.addi %mul3A_2, %add3A_51 : i32
    %run_scoped3A_53 = arith.constant 0 : i32
    "tpu.region"() ({
      %run_scoped3A_248 = tpu.sem_alloc : memref<!tpu.dma_semaphore, #tpu.memory_space<semaphore_mem>>
      %dma_start3A_249 = arith.constant 0 : i32
      %dma_start3A_250 = arith.constant 0 : i32
      %dma_start3A_251 = tpu.memref_slice %arg18[%run_scoped3A_53, %dma_start3A_249, %dma_start3A_250] : memref<2x64x128xf32, #tpu.memory_space<vmem>> -> memref<1x64x128xf32, #tpu.memory_space<vmem>>
      %dma_start3A_252 = tpu.memref_squeeze %dma_start3A_251 : memref<1x64x128xf32, #tpu.memory_space<vmem>> -> memref<64x128xf32, #tpu.memory_space<vmem>>
      %dma_start3A_253 = arith.constant 0 : i32
      %dma_start3A_254 = tpu.memref_slice %arg27[%add3A_52, %dma_start3A_253] : memref<10240x128xf32, #tpu.memory_space<vmem_shared>> -> memref<64x128xf32, #tpu.memory_space<vmem_shared>>
      %dma_start3A_255 = arith.constant 0 : i32
      %dma_start3A_256 = tpu.memref_slice %arg27[%add3A_52, %dma_start3A_255] : memref<10240x128xf32, #tpu.memory_space<vmem_shared>> -> memref<64x128xf32, #tpu.memory_space<vmem_shared>>
      %dma_start3A_257 = arith.constant 0 : i32
      %dma_start3A_258 = arith.constant 0 : i32
      %dma_start3A_259 = tpu.memref_slice %arg18[%run_scoped3A_53, %dma_start3A_257, %dma_start3A_258] : memref<2x64x128xf32, #tpu.memory_space<vmem>> -> memref<1x64x128xf32, #tpu.memory_space<vmem>>
      %dma_start3A_260 = tpu.memref_squeeze %dma_start3A_259 : memref<1x64x128xf32, #tpu.memory_space<vmem>> -> memref<64x128xf32, #tpu.memory_space<vmem>>
      tpu.enqueue_dma source(%dma_start3A_260 : memref<64x128xf32, #tpu.memory_space<vmem>>) target(%dma_start3A_256 : memref<64x128xf32, #tpu.memory_space<vmem_shared>>) target_semaphore(%run_scoped3A_248 : memref<!tpu.dma_semaphore, #tpu.memory_space<semaphore_mem>>)
      %dma_wait3A_261 = arith.constant 0 : i32
      %dma_wait3A_262 = arith.constant 0 : i32
      %dma_wait3A_263 = tpu.memref_slice %arg18[%run_scoped3A_53, %dma_wait3A_261, %dma_wait3A_262] : memref<2x64x128xf32, #tpu.memory_space<vmem>> -> memref<1x64x128xf32, #tpu.memory_space<vmem>>
      %dma_wait3A_264 = tpu.memref_squeeze %dma_wait3A_263 : memref<1x64x128xf32, #tpu.memory_space<vmem>> -> memref<64x128xf32, #tpu.memory_space<vmem>>
      %dma_wait3A_265 = arith.constant 0 : i32
      %dma_wait3A_266 = tpu.memref_slice %arg27[%add3A_52, %dma_wait3A_265] : memref<10240x128xf32, #tpu.memory_space<vmem_shared>> -> memref<64x128xf32, #tpu.memory_space<vmem_shared>>
      %dma_wait3A_267 = arith.constant 0 : i32
      %dma_wait3A_268 = tpu.memref_slice %arg27[%add3A_52, %dma_wait3A_267] : memref<10240x128xf32, #tpu.memory_space<vmem_shared>> -> memref<64x128xf32, #tpu.memory_space<vmem_shared>>
      %dma_wait3A_269 = arith.constant 0 : i32
      %dma_wait3A_270 = arith.constant 0 : i32
      %dma_wait3A_271 = tpu.memref_slice %arg18[%run_scoped3A_53, %dma_wait3A_269, %dma_wait3A_270] : memref<2x64x128xf32, #tpu.memory_space<vmem>> -> memref<1x64x128xf32, #tpu.memory_space<vmem>>
      %dma_wait3A_272 = tpu.memref_squeeze %dma_wait3A_271 : memref<1x64x128xf32, #tpu.memory_space<vmem>> -> memref<64x128xf32, #tpu.memory_space<vmem>>
      tpu.wait_dma2 semaphore(%run_scoped3A_248 : memref<!tpu.dma_semaphore, #tpu.memory_space<semaphore_mem>>) src(%dma_wait3A_272 : memref<64x128xf32, #tpu.memory_space<vmem>>) dst(%dma_wait3A_268 : memref<64x128xf32, #tpu.memory_space<vmem_shared>>)
      tpu.yield
    }) : () -> ()
    %add3A_54 = arith.constant 576 : i32
    %add3A_55 = arith.addi %mul3A_2, %add3A_54 : i32
    %run_scoped3A_56 = arith.constant 0 : i32
    "tpu.region"() ({
      %run_scoped3A_248 = tpu.sem_alloc : memref<!tpu.dma_semaphore, #tpu.memory_space<semaphore_mem>>
      %dma_start3A_249 = arith.constant 0 : i32
      %dma_start3A_250 = arith.constant 0 : i32
      %dma_start3A_251 = tpu.memref_slice %arg18[%run_scoped3A_56, %dma_start3A_249, %dma_start3A_250] : memref<2x64x128xf32, #tpu.memory_space<vmem>> -> memref<1x64x128xf32, #tpu.memory_space<vmem>>
      %dma_start3A_252 = tpu.memref_squeeze %dma_start3A_251 : memref<1x64x128xf32, #tpu.memory_space<vmem>> -> memref<64x128xf32, #tpu.memory_space<vmem>>
      %dma_start3A_253 = arith.constant 0 : i32
      %dma_start3A_254 = tpu.memref_slice %arg27[%add3A_55, %dma_start3A_253] : memref<10240x128xf32, #tpu.memory_space<vmem_shared>> -> memref<64x128xf32, #tpu.memory_space<vmem_shared>>
      %dma_start3A_255 = arith.constant 0 : i32
      %dma_start3A_256 = tpu.memref_slice %arg27[%add3A_55, %dma_start3A_255] : memref<10240x128xf32, #tpu.memory_space<vmem_shared>> -> memref<64x128xf32, #tpu.memory_space<vmem_shared>>
      %dma_start3A_257 = arith.constant 0 : i32
      %dma_start3A_258 = arith.constant 0 : i32
      %dma_start3A_259 = tpu.memref_slice %arg18[%run_scoped3A_56, %dma_start3A_257, %dma_start3A_258] : memref<2x64x128xf32, #tpu.memory_space<vmem>> -> memref<1x64x128xf32, #tpu.memory_space<vmem>>
      %dma_start3A_260 = tpu.memref_squeeze %dma_start3A_259 : memref<1x64x128xf32, #tpu.memory_space<vmem>> -> memref<64x128xf32, #tpu.memory_space<vmem>>
      tpu.enqueue_dma source(%dma_start3A_260 : memref<64x128xf32, #tpu.memory_space<vmem>>) target(%dma_start3A_256 : memref<64x128xf32, #tpu.memory_space<vmem_shared>>) target_semaphore(%run_scoped3A_248 : memref<!tpu.dma_semaphore, #tpu.memory_space<semaphore_mem>>)
      %dma_wait3A_261 = arith.constant 0 : i32
      %dma_wait3A_262 = arith.constant 0 : i32
      %dma_wait3A_263 = tpu.memref_slice %arg18[%run_scoped3A_56, %dma_wait3A_261, %dma_wait3A_262] : memref<2x64x128xf32, #tpu.memory_space<vmem>> -> memref<1x64x128xf32, #tpu.memory_space<vmem>>
      %dma_wait3A_264 = tpu.memref_squeeze %dma_wait3A_263 : memref<1x64x128xf32, #tpu.memory_space<vmem>> -> memref<64x128xf32, #tpu.memory_space<vmem>>
      %dma_wait3A_265 = arith.constant 0 : i32
      %dma_wait3A_266 = tpu.memref_slice %arg27[%add3A_55, %dma_wait3A_265] : memref<10240x128xf32, #tpu.memory_space<vmem_shared>> -> memref<64x128xf32, #tpu.memory_space<vmem_shared>>
      %dma_wait3A_267 = arith.constant 0 : i32
      %dma_wait3A_268 = tpu.memref_slice %arg27[%add3A_55, %dma_wait3A_267] : memref<10240x128xf32, #tpu.memory_space<vmem_shared>> -> memref<64x128xf32, #tpu.memory_space<vmem_shared>>
      %dma_wait3A_269 = arith.constant 0 : i32
      %dma_wait3A_270 = arith.constant 0 : i32
      %dma_wait3A_271 = tpu.memref_slice %arg18[%run_scoped3A_56, %dma_wait3A_269, %dma_wait3A_270] : memref<2x64x128xf32, #tpu.memory_space<vmem>> -> memref<1x64x128xf32, #tpu.memory_space<vmem>>
      %dma_wait3A_272 = tpu.memref_squeeze %dma_wait3A_271 : memref<1x64x128xf32, #tpu.memory_space<vmem>> -> memref<64x128xf32, #tpu.memory_space<vmem>>
      tpu.wait_dma2 semaphore(%run_scoped3A_248 : memref<!tpu.dma_semaphore, #tpu.memory_space<semaphore_mem>>) src(%dma_wait3A_272 : memref<64x128xf32, #tpu.memory_space<vmem>>) dst(%dma_wait3A_268 : memref<64x128xf32, #tpu.memory_space<vmem_shared>>)
      tpu.yield
    }) : () -> ()
    "tpu.region"() ({
      %run_scoped3A_248 = tpu.sem_alloc : memref<!tpu.dma_semaphore, #tpu.memory_space<semaphore_mem>>
      %dma_start3A_249 = tpu.memref_slice %arg28[%mul3A_2] : memref<10240xf32, #tpu.memory_space<vmem_shared>> -> memref<640xf32, #tpu.memory_space<vmem_shared>>
      tpu.enqueue_dma source(%arg7 : memref<640xf32, #tpu.memory_space<hbm>>) target(%dma_start3A_249 : memref<640xf32, #tpu.memory_space<vmem_shared>>) target_semaphore(%run_scoped3A_248 : memref<!tpu.dma_semaphore, #tpu.memory_space<semaphore_mem>>)
      %dma_wait3A_250 = tpu.memref_slice %arg28[%mul3A_2] : memref<10240xf32, #tpu.memory_space<vmem_shared>> -> memref<640xf32, #tpu.memory_space<vmem_shared>>
      tpu.wait_dma2 semaphore(%run_scoped3A_248 : memref<!tpu.dma_semaphore, #tpu.memory_space<semaphore_mem>>) src(%arg7 : memref<640xf32, #tpu.memory_space<hbm>>) dst(%dma_wait3A_250 : memref<640xf32, #tpu.memory_space<vmem_shared>>)
      tpu.yield
    }) : () -> ()
    "tpu.region"() ({
      %run_scoped3A_248 = tpu.sem_alloc : memref<!tpu.dma_semaphore, #tpu.memory_space<semaphore_mem>>
      %dma_start3A_249 = tpu.memref_slice %arg29[%mul3A_2] : memref<10240xf32, #tpu.memory_space<vmem_shared>> -> memref<640xf32, #tpu.memory_space<vmem_shared>>
      tpu.enqueue_dma source(%arg7 : memref<640xf32, #tpu.memory_space<hbm>>) target(%dma_start3A_249 : memref<640xf32, #tpu.memory_space<vmem_shared>>) target_semaphore(%run_scoped3A_248 : memref<!tpu.dma_semaphore, #tpu.memory_space<semaphore_mem>>)
      %dma_wait3A_250 = tpu.memref_slice %arg29[%mul3A_2] : memref<10240xf32, #tpu.memory_space<vmem_shared>> -> memref<640xf32, #tpu.memory_space<vmem_shared>>
      tpu.wait_dma2 semaphore(%run_scoped3A_248 : memref<!tpu.dma_semaphore, #tpu.memory_space<semaphore_mem>>) src(%arg7 : memref<640xf32, #tpu.memory_space<hbm>>) dst(%dma_wait3A_250 : memref<640xf32, #tpu.memory_space<vmem_shared>>)
      tpu.yield
    }) : () -> ()
    "tpu.region"() ({
      %run_scoped3A_248 = tpu.sem_alloc : memref<!tpu.dma_semaphore, #tpu.memory_space<semaphore_mem>>
      %dma_start3A_249 = tpu.memref_slice %arg30[%mul3A_2] : memref<10240xf32, #tpu.memory_space<vmem_shared>> -> memref<640xf32, #tpu.memory_space<vmem_shared>>
      tpu.enqueue_dma source(%arg7 : memref<640xf32, #tpu.memory_space<hbm>>) target(%dma_start3A_249 : memref<640xf32, #tpu.memory_space<vmem_shared>>) target_semaphore(%run_scoped3A_248 : memref<!tpu.dma_semaphore, #tpu.memory_space<semaphore_mem>>)
      %dma_wait3A_250 = tpu.memref_slice %arg30[%mul3A_2] : memref<10240xf32, #tpu.memory_space<vmem_shared>> -> memref<640xf32, #tpu.memory_space<vmem_shared>>
      tpu.wait_dma2 semaphore(%run_scoped3A_248 : memref<!tpu.dma_semaphore, #tpu.memory_space<semaphore_mem>>) src(%arg7 : memref<640xf32, #tpu.memory_space<hbm>>) dst(%dma_wait3A_250 : memref<640xf32, #tpu.memory_space<vmem_shared>>)
      tpu.yield
    }) : () -> ()
    %barrier3A = arith.constant 0 : index
    tpu.barrier barrier_id(%barrier3A)
    %dma_start3A = arith.constant 0 : i32
    %dma_start3A_57 = arith.constant 0 : i32
    %dma_start3A_58 = arith.constant 0 : i32
    %dma_start3A_59 = arith.constant 0 : i32
    %dma_start3A_60 = tpu.memref_slice %arg12[%dma_start3A_57, %dma_start3A_58, %dma_start3A_59] : memref<2x2x64xi32, #tpu.memory_space<vmem>> -> memref<1x2x64xi32, #tpu.memory_space<vmem>>
    %dma_start3A_61 = tpu.memref_squeeze %dma_start3A_60 : memref<1x2x64xi32, #tpu.memory_space<vmem>> -> memref<2x64xi32, #tpu.memory_space<vmem>>
    %dma_start3A_62 = arith.constant 0 : i32
    %dma_start3A_63 = arith.constant 0 : i32
    %dma_start3A_64 = tpu.memref_slice %arg3[%add3A, %dma_start3A, %dma_start3A_62, %dma_start3A_63] : memref<32x158x2x64xi32, #tpu.memory_space<hbm>> -> memref<1x1x2x64xi32, #tpu.memory_space<hbm>>
    %dma_start3A_65 = tpu.memref_squeeze %dma_start3A_64 : memref<1x1x2x64xi32, #tpu.memory_space<hbm>> -> memref<2x64xi32, #tpu.memory_space<hbm>>
    %dma_start3A_66 = arith.constant 0 : i32
    %dma_start3A_67 = arith.constant 0 : i32
    %dma_start3A_68 = tpu.memref_slice %arg12[%dma_start3A_57, %dma_start3A_66, %dma_start3A_67] : memref<2x2x64xi32, #tpu.memory_space<vmem>> -> memref<1x2x64xi32, #tpu.memory_space<vmem>>
    %dma_start3A_69 = tpu.memref_squeeze %dma_start3A_68 : memref<1x2x64xi32, #tpu.memory_space<vmem>> -> memref<2x64xi32, #tpu.memory_space<vmem>>
    %dma_start3A_70 = arith.constant 0 : i32
    %dma_start3A_71 = arith.constant 0 : i32
    %dma_start3A_72 = tpu.memref_slice %arg3[%add3A, %dma_start3A, %dma_start3A_70, %dma_start3A_71] : memref<32x158x2x64xi32, #tpu.memory_space<hbm>> -> memref<1x1x2x64xi32, #tpu.memory_space<hbm>>
    %dma_start3A_73 = tpu.memref_squeeze %dma_start3A_72 : memref<1x1x2x64xi32, #tpu.memory_space<hbm>> -> memref<2x64xi32, #tpu.memory_space<hbm>>
    tpu.enqueue_dma source(%dma_start3A_73 : memref<2x64xi32, #tpu.memory_space<hbm>>) target(%dma_start3A_69 : memref<2x64xi32, #tpu.memory_space<vmem>>) target_semaphore(%arg21 : memref<!tpu.dma_semaphore, #tpu.memory_space<semaphore_mem>>)
    %dma_start3A_74 = arith.constant 0 : i32
    %dma_start3A_75 = arith.constant 0 : i32
    %dma_start3A_76 = arith.constant 0 : i32
    %dma_start3A_77 = tpu.memref_slice %arg13[%dma_start3A_75, %dma_start3A_76] : memref<2x64xf32, #tpu.memory_space<vmem>> -> memref<1x64xf32, #tpu.memory_space<vmem>>
    %dma_start3A_78 = tpu.memref_squeeze %dma_start3A_77 : memref<1x64xf32, #tpu.memory_space<vmem>> -> memref<64xf32, #tpu.memory_space<vmem>>
    %dma_start3A_79 = arith.constant 0 : i32
    %dma_start3A_80 = tpu.memref_slice %arg4[%add3A, %dma_start3A_74, %dma_start3A_79] : memref<32x158x64xf32, #tpu.memory_space<hbm>> -> memref<1x1x64xf32, #tpu.memory_space<hbm>>
    %dma_start3A_81 = tpu.memref_squeeze %dma_start3A_80 : memref<1x1x64xf32, #tpu.memory_space<hbm>> -> memref<64xf32, #tpu.memory_space<hbm>>
    %dma_start3A_82 = arith.constant 0 : i32
    %dma_start3A_83 = tpu.memref_slice %arg13[%dma_start3A_75, %dma_start3A_82] : memref<2x64xf32, #tpu.memory_space<vmem>> -> memref<1x64xf32, #tpu.memory_space<vmem>>
    %dma_start3A_84 = tpu.memref_squeeze %dma_start3A_83 : memref<1x64xf32, #tpu.memory_space<vmem>> -> memref<64xf32, #tpu.memory_space<vmem>>
    %dma_start3A_85 = arith.constant 0 : i32
    %dma_start3A_86 = tpu.memref_slice %arg4[%add3A, %dma_start3A_74, %dma_start3A_85] : memref<32x158x64xf32, #tpu.memory_space<hbm>> -> memref<1x1x64xf32, #tpu.memory_space<hbm>>
    %dma_start3A_87 = tpu.memref_squeeze %dma_start3A_86 : memref<1x1x64xf32, #tpu.memory_space<hbm>> -> memref<64xf32, #tpu.memory_space<hbm>>
    tpu.enqueue_dma source(%dma_start3A_87 : memref<64xf32, #tpu.memory_space<hbm>>) target(%dma_start3A_84 : memref<64xf32, #tpu.memory_space<vmem>>) target_semaphore(%arg21 : memref<!tpu.dma_semaphore, #tpu.memory_space<semaphore_mem>>)
    %dma_start3A_88 = arith.constant 1 : i32
    %dma_start3A_89 = arith.constant 1 : i32
    %dma_start3A_90 = arith.constant 0 : i32
    %dma_start3A_91 = arith.constant 0 : i32
    %dma_start3A_92 = tpu.memref_slice %arg12[%dma_start3A_89, %dma_start3A_90, %dma_start3A_91] : memref<2x2x64xi32, #tpu.memory_space<vmem>> -> memref<1x2x64xi32, #tpu.memory_space<vmem>>
    %dma_start3A_93 = tpu.memref_squeeze %dma_start3A_92 : memref<1x2x64xi32, #tpu.memory_space<vmem>> -> memref<2x64xi32, #tpu.memory_space<vmem>>
    %dma_start3A_94 = arith.constant 0 : i32
    %dma_start3A_95 = arith.constant 0 : i32
    %dma_start3A_96 = tpu.memref_slice %arg3[%add3A, %dma_start3A_88, %dma_start3A_94, %dma_start3A_95] : memref<32x158x2x64xi32, #tpu.memory_space<hbm>> -> memref<1x1x2x64xi32, #tpu.memory_space<hbm>>
    %dma_start3A_97 = tpu.memref_squeeze %dma_start3A_96 : memref<1x1x2x64xi32, #tpu.memory_space<hbm>> -> memref<2x64xi32, #tpu.memory_space<hbm>>
    %dma_start3A_98 = arith.constant 0 : i32
    %dma_start3A_99 = arith.constant 0 : i32
    %dma_start3A_100 = tpu.memref_slice %arg12[%dma_start3A_89, %dma_start3A_98, %dma_start3A_99] : memref<2x2x64xi32, #tpu.memory_space<vmem>> -> memref<1x2x64xi32, #tpu.memory_space<vmem>>
    %dma_start3A_101 = tpu.memref_squeeze %dma_start3A_100 : memref<1x2x64xi32, #tpu.memory_space<vmem>> -> memref<2x64xi32, #tpu.memory_space<vmem>>
    %dma_start3A_102 = arith.constant 0 : i32
    %dma_start3A_103 = arith.constant 0 : i32
    %dma_start3A_104 = tpu.memref_slice %arg3[%add3A, %dma_start3A_88, %dma_start3A_102, %dma_start3A_103] : memref<32x158x2x64xi32, #tpu.memory_space<hbm>> -> memref<1x1x2x64xi32, #tpu.memory_space<hbm>>
    %dma_start3A_105 = tpu.memref_squeeze %dma_start3A_104 : memref<1x1x2x64xi32, #tpu.memory_space<hbm>> -> memref<2x64xi32, #tpu.memory_space<hbm>>
    tpu.enqueue_dma source(%dma_start3A_105 : memref<2x64xi32, #tpu.memory_space<hbm>>) target(%dma_start3A_101 : memref<2x64xi32, #tpu.memory_space<vmem>>) target_semaphore(%arg22 : memref<!tpu.dma_semaphore, #tpu.memory_space<semaphore_mem>>)
    %dma_start3A_106 = arith.constant 1 : i32
    %dma_start3A_107 = arith.constant 1 : i32
    %dma_start3A_108 = arith.constant 0 : i32
    %dma_start3A_109 = tpu.memref_slice %arg13[%dma_start3A_107, %dma_start3A_108] : memref<2x64xf32, #tpu.memory_space<vmem>> -> memref<1x64xf32, #tpu.memory_space<vmem>>
    %dma_start3A_110 = tpu.memref_squeeze %dma_start3A_109 : memref<1x64xf32, #tpu.memory_space<vmem>> -> memref<64xf32, #tpu.memory_space<vmem>>
    %dma_start3A_111 = arith.constant 0 : i32
    %dma_start3A_112 = tpu.memref_slice %arg4[%add3A, %dma_start3A_106, %dma_start3A_111] : memref<32x158x64xf32, #tpu.memory_space<hbm>> -> memref<1x1x64xf32, #tpu.memory_space<hbm>>
    %dma_start3A_113 = tpu.memref_squeeze %dma_start3A_112 : memref<1x1x64xf32, #tpu.memory_space<hbm>> -> memref<64xf32, #tpu.memory_space<hbm>>
    %dma_start3A_114 = arith.constant 0 : i32
    %dma_start3A_115 = tpu.memref_slice %arg13[%dma_start3A_107, %dma_start3A_114] : memref<2x64xf32, #tpu.memory_space<vmem>> -> memref<1x64xf32, #tpu.memory_space<vmem>>
    %dma_start3A_116 = tpu.memref_squeeze %dma_start3A_115 : memref<1x64xf32, #tpu.memory_space<vmem>> -> memref<64xf32, #tpu.memory_space<vmem>>
    %dma_start3A_117 = arith.constant 0 : i32
    %dma_start3A_118 = tpu.memref_slice %arg4[%add3A, %dma_start3A_106, %dma_start3A_117] : memref<32x158x64xf32, #tpu.memory_space<hbm>> -> memref<1x1x64xf32, #tpu.memory_space<hbm>>
    %dma_start3A_119 = tpu.memref_squeeze %dma_start3A_118 : memref<1x1x64xf32, #tpu.memory_space<hbm>> -> memref<64xf32, #tpu.memory_space<hbm>>
    tpu.enqueue_dma source(%dma_start3A_119 : memref<64xf32, #tpu.memory_space<hbm>>) target(%dma_start3A_116 : memref<64xf32, #tpu.memory_space<vmem>>) target_semaphore(%arg22 : memref<!tpu.dma_semaphore, #tpu.memory_space<semaphore_mem>>)
    %dma_wait3A = arith.constant 0 : i32
    %dma_wait3A_120 = arith.constant 0 : i32
    %dma_wait3A_121 = arith.constant 0 : i32
    %dma_wait3A_122 = arith.constant 0 : i32
    %dma_wait3A_123 = tpu.memref_slice %arg12[%dma_wait3A_120, %dma_wait3A_121, %dma_wait3A_122] : memref<2x2x64xi32, #tpu.memory_space<vmem>> -> memref<1x2x64xi32, #tpu.memory_space<vmem>>
    %dma_wait3A_124 = tpu.memref_squeeze %dma_wait3A_123 : memref<1x2x64xi32, #tpu.memory_space<vmem>> -> memref<2x64xi32, #tpu.memory_space<vmem>>
    %dma_wait3A_125 = arith.constant 0 : i32
    %dma_wait3A_126 = arith.constant 0 : i32
    %dma_wait3A_127 = tpu.memref_slice %arg3[%add3A, %dma_wait3A, %dma_wait3A_125, %dma_wait3A_126] : memref<32x158x2x64xi32, #tpu.memory_space<hbm>> -> memref<1x1x2x64xi32, #tpu.memory_space<hbm>>
    %dma_wait3A_128 = tpu.memref_squeeze %dma_wait3A_127 : memref<1x1x2x64xi32, #tpu.memory_space<hbm>> -> memref<2x64xi32, #tpu.memory_space<hbm>>
    %dma_wait3A_129 = arith.constant 0 : i32
    %dma_wait3A_130 = arith.constant 0 : i32
    %dma_wait3A_131 = tpu.memref_slice %arg12[%dma_wait3A_120, %dma_wait3A_129, %dma_wait3A_130] : memref<2x2x64xi32, #tpu.memory_space<vmem>> -> memref<1x2x64xi32, #tpu.memory_space<vmem>>
    %dma_wait3A_132 = tpu.memref_squeeze %dma_wait3A_131 : memref<1x2x64xi32, #tpu.memory_space<vmem>> -> memref<2x64xi32, #tpu.memory_space<vmem>>
    %dma_wait3A_133 = arith.constant 0 : i32
    %dma_wait3A_134 = arith.constant 0 : i32
    %dma_wait3A_135 = tpu.memref_slice %arg3[%add3A, %dma_wait3A, %dma_wait3A_133, %dma_wait3A_134] : memref<32x158x2x64xi32, #tpu.memory_space<hbm>> -> memref<1x1x2x64xi32, #tpu.memory_space<hbm>>
    %dma_wait3A_136 = tpu.memref_squeeze %dma_wait3A_135 : memref<1x1x2x64xi32, #tpu.memory_space<hbm>> -> memref<2x64xi32, #tpu.memory_space<hbm>>
    tpu.wait_dma2 semaphore(%arg21 : memref<!tpu.dma_semaphore, #tpu.memory_space<semaphore_mem>>) src(%dma_wait3A_136 : memref<2x64xi32, #tpu.memory_space<hbm>>) dst(%dma_wait3A_132 : memref<2x64xi32, #tpu.memory_space<vmem>>)
    %dma_wait3A_137 = arith.constant 0 : i32
    %dma_wait3A_138 = arith.constant 0 : i32
    %dma_wait3A_139 = arith.constant 0 : i32
    %dma_wait3A_140 = tpu.memref_slice %arg13[%dma_wait3A_138, %dma_wait3A_139] : memref<2x64xf32, #tpu.memory_space<vmem>> -> memref<1x64xf32, #tpu.memory_space<vmem>>
    %dma_wait3A_141 = tpu.memref_squeeze %dma_wait3A_140 : memref<1x64xf32, #tpu.memory_space<vmem>> -> memref<64xf32, #tpu.memory_space<vmem>>
    %dma_wait3A_142 = arith.constant 0 : i32
    %dma_wait3A_143 = tpu.memref_slice %arg4[%add3A, %dma_wait3A_137, %dma_wait3A_142] : memref<32x158x64xf32, #tpu.memory_space<hbm>> -> memref<1x1x64xf32, #tpu.memory_space<hbm>>
    %dma_wait3A_144 = tpu.memref_squeeze %dma_wait3A_143 : memref<1x1x64xf32, #tpu.memory_space<hbm>> -> memref<64xf32, #tpu.memory_space<hbm>>
    %dma_wait3A_145 = arith.constant 0 : i32
    %dma_wait3A_146 = tpu.memref_slice %arg13[%dma_wait3A_138, %dma_wait3A_145] : memref<2x64xf32, #tpu.memory_space<vmem>> -> memref<1x64xf32, #tpu.memory_space<vmem>>
    %dma_wait3A_147 = tpu.memref_squeeze %dma_wait3A_146 : memref<1x64xf32, #tpu.memory_space<vmem>> -> memref<64xf32, #tpu.memory_space<vmem>>
    %dma_wait3A_148 = arith.constant 0 : i32
    %dma_wait3A_149 = tpu.memref_slice %arg4[%add3A, %dma_wait3A_137, %dma_wait3A_148] : memref<32x158x64xf32, #tpu.memory_space<hbm>> -> memref<1x1x64xf32, #tpu.memory_space<hbm>>
    %dma_wait3A_150 = tpu.memref_squeeze %dma_wait3A_149 : memref<1x1x64xf32, #tpu.memory_space<hbm>> -> memref<64xf32, #tpu.memory_space<hbm>>
    tpu.wait_dma2 semaphore(%arg21 : memref<!tpu.dma_semaphore, #tpu.memory_space<semaphore_mem>>) src(%dma_wait3A_150 : memref<64xf32, #tpu.memory_space<hbm>>) dst(%dma_wait3A_147 : memref<64xf32, #tpu.memory_space<vmem>>)
    %dma_start3A_151 = arith.constant 0 : i32
    %dma_start3A_152 = arith.constant 0 : i32
    %dma_start3A_153 = arith.constant 0 : i32
    %dma_start3A_154 = arith.constant 0 : i32
    %dma_start3A_155 = arith.constant 0 : i32
    %dma_start3A_156 = tpu.memref_slice %arg18[%dma_start3A_153, %dma_start3A_154, %dma_start3A_155] : memref<2x64x128xf32, #tpu.memory_space<vmem>> -> memref<1x64x128xf32, #tpu.memory_space<vmem>>
    %dma_start3A_157 = tpu.memref_squeeze %dma_start3A_156 : memref<1x64x128xf32, #tpu.memory_space<vmem>> -> memref<64x128xf32, #tpu.memory_space<vmem>>
    %dma_start3A_158 = arith.constant 0 : i32
    %dma_start3A_159 = tpu.memref_slice %arg12[%dma_start3A_151, %dma_start3A_152, %dma_start3A_158] : memref<2x2x64xi32, #tpu.memory_space<vmem>> -> memref<1x1x64xi32, #tpu.memory_space<vmem>>
    %dma_start3A_160 = tpu.memref_squeeze %dma_start3A_159 : memref<1x1x64xi32, #tpu.memory_space<vmem>> -> memref<64xi32, #tpu.memory_space<vmem>>
    %dma_start3A_161 = arith.constant 0 : i32
    %dma_start3A_162 = arith.constant 0 : i32
    %dma_start3A_163 = tpu.memref_slice %arg2[%dma_start3A_161, %dma_start3A_162] : memref<10000x128xf32, #tpu.memory_space<hbm>> -> memref<10000x128xf32, #tpu.memory_space<hbm>>
    tpu.enqueue_indirect_dma source(%dma_start3A_163 : memref<10000x128xf32, #tpu.memory_space<hbm>>) target(%dma_start3A_157 : memref<64x128xf32, #tpu.memory_space<vmem>>) offsets(%dma_start3A_160 : memref<64xi32, #tpu.memory_space<vmem>>) semaphore(%arg23 : memref<!tpu.dma_semaphore, #tpu.memory_space<semaphore_mem>>)
    %scan3A_164 = arith.constant 0 : i32
    %scan3A_165 = arith.constant true
    %scan3A_166 = arith.constant 0 : i32
    %scan3A_167 = arith.constant 79 : i32
    %scan3A_168 = arith.addi %scan3A_166, %scan3A_167 : i32
    %scan3A_169 = arith.constant 1 : i32
    scf.for %scan3A_248 = %scan3A_166 to %scan3A_168 step %scan3A_169  : i32 {
      %mul3A_249 = arith.constant 2 : i32
      %mul3A_250 = arith.muli %mul3A_249, %scan3A_248 : i32
      %add3A_251 = arith.constant 1 : i32
      %add3A_252 = arith.addi %mul3A_250, %add3A_251 : i32
      %gt3A = arith.constant 0 : i32
      %gt3A_253 = arith.cmpi sgt, %scan3A_248, %gt3A : i32
      %convert_element_type3A = arith.extui %scan3A_165 : i1 to i32
      %cond3A = arith.constant 0 : i32
      %cond3A_254 = arith.cmpi ne, %convert_element_type3A, %cond3A : i32
      scf.if %cond3A_254 {
        %dma_wait3A_710 = arith.constant 0 : i32
        %dma_wait3A_711 = arith.constant 1 : i32
        %dma_wait3A_712 = arith.constant 0 : i32
        %dma_wait3A_713 = arith.constant 0 : i32
        %dma_wait3A_714 = tpu.memref_slice %arg12[%dma_wait3A_711, %dma_wait3A_712, %dma_wait3A_713] : memref<2x2x64xi32, #tpu.memory_space<vmem>> -> memref<1x2x64xi32, #tpu.memory_space<vmem>>
        %dma_wait3A_715 = tpu.memref_squeeze %dma_wait3A_714 : memref<1x2x64xi32, #tpu.memory_space<vmem>> -> memref<2x64xi32, #tpu.memory_space<vmem>>
        %dma_wait3A_716 = arith.constant 0 : i32
        %dma_wait3A_717 = arith.constant 0 : i32
        %dma_wait3A_718 = tpu.memref_slice %arg3[%add3A, %dma_wait3A_710, %dma_wait3A_716, %dma_wait3A_717] : memref<32x158x2x64xi32, #tpu.memory_space<hbm>> -> memref<1x1x2x64xi32, #tpu.memory_space<hbm>>
        %dma_wait3A_719 = tpu.memref_squeeze %dma_wait3A_718 : memref<1x1x2x64xi32, #tpu.memory_space<hbm>> -> memref<2x64xi32, #tpu.memory_space<hbm>>
        %dma_wait3A_720 = arith.constant 0 : i32
        %dma_wait3A_721 = arith.constant 0 : i32
        %dma_wait3A_722 = tpu.memref_slice %arg12[%dma_wait3A_711, %dma_wait3A_720, %dma_wait3A_721] : memref<2x2x64xi32, #tpu.memory_space<vmem>> -> memref<1x2x64xi32, #tpu.memory_space<vmem>>
        %dma_wait3A_723 = tpu.memref_squeeze %dma_wait3A_722 : memref<1x2x64xi32, #tpu.memory_space<vmem>> -> memref<2x64xi32, #tpu.memory_space<vmem>>
        %dma_wait3A_724 = arith.constant 0 : i32
        %dma_wait3A_725 = arith.constant 0 : i32
        %dma_wait3A_726 = tpu.memref_slice %arg3[%add3A, %dma_wait3A_710, %dma_wait3A_724, %dma_wait3A_725] : memref<32x158x2x64xi32, #tpu.memory_space<hbm>> -> memref<1x1x2x64xi32, #tpu.memory_space<hbm>>
        %dma_wait3A_727 = tpu.memref_squeeze %dma_wait3A_726 : memref<1x1x2x64xi32, #tpu.memory_space<hbm>> -> memref<2x64xi32, #tpu.memory_space<hbm>>
        tpu.wait_dma2 semaphore(%arg22 : memref<!tpu.dma_semaphore, #tpu.memory_space<semaphore_mem>>) src(%dma_wait3A_727 : memref<2x64xi32, #tpu.memory_space<hbm>>) dst(%dma_wait3A_723 : memref<2x64xi32, #tpu.memory_space<vmem>>)
        %dma_wait3A_728 = arith.constant 0 : i32
        %dma_wait3A_729 = arith.constant 1 : i32
        %dma_wait3A_730 = arith.constant 0 : i32
        %dma_wait3A_731 = tpu.memref_slice %arg13[%dma_wait3A_729, %dma_wait3A_730] : memref<2x64xf32, #tpu.memory_space<vmem>> -> memref<1x64xf32, #tpu.memory_space<vmem>>
        %dma_wait3A_732 = tpu.memref_squeeze %dma_wait3A_731 : memref<1x64xf32, #tpu.memory_space<vmem>> -> memref<64xf32, #tpu.memory_space<vmem>>
        %dma_wait3A_733 = arith.constant 0 : i32
        %dma_wait3A_734 = tpu.memref_slice %arg4[%add3A, %dma_wait3A_728, %dma_wait3A_733] : memref<32x158x64xf32, #tpu.memory_space<hbm>> -> memref<1x1x64xf32, #tpu.memory_space<hbm>>
        %dma_wait3A_735 = tpu.memref_squeeze %dma_wait3A_734 : memref<1x1x64xf32, #tpu.memory_space<hbm>> -> memref<64xf32, #tpu.memory_space<hbm>>
        %dma_wait3A_736 = arith.constant 0 : i32
        %dma_wait3A_737 = tpu.memref_slice %arg13[%dma_wait3A_729, %dma_wait3A_736] : memref<2x64xf32, #tpu.memory_space<vmem>> -> memref<1x64xf32, #tpu.memory_space<vmem>>
        %dma_wait3A_738 = tpu.memref_squeeze %dma_wait3A_737 : memref<1x64xf32, #tpu.memory_space<vmem>> -> memref<64xf32, #tpu.memory_space<vmem>>
        %dma_wait3A_739 = arith.constant 0 : i32
        %dma_wait3A_740 = tpu.memref_slice %arg4[%add3A, %dma_wait3A_728, %dma_wait3A_739] : memref<32x158x64xf32, #tpu.memory_space<hbm>> -> memref<1x1x64xf32, #tpu.memory_space<hbm>>
        %dma_wait3A_741 = tpu.memref_squeeze %dma_wait3A_740 : memref<1x1x64xf32, #tpu.memory_space<hbm>> -> memref<64xf32, #tpu.memory_space<hbm>>
        tpu.wait_dma2 semaphore(%arg22 : memref<!tpu.dma_semaphore, #tpu.memory_space<semaphore_mem>>) src(%dma_wait3A_741 : memref<64xf32, #tpu.memory_space<hbm>>) dst(%dma_wait3A_738 : memref<64xf32, #tpu.memory_space<vmem>>)
        %convert_element_type3A_742 = arith.extui %gt3A_253 : i1 to i32
        %cond3A_743 = arith.constant 0 : i32
        %cond3A_744 = arith.cmpi ne, %convert_element_type3A_742, %cond3A_743 : i32
        scf.if %cond3A_744 {
          %dma_wait3A_758 = arith.constant 1 : i32
          %dma_wait3A_759 = arith.constant 1 : i32
          %dma_wait3A_760 = arith.constant 0 : i32
          %dma_wait3A_761 = arith.constant 0 : i32
          %dma_wait3A_762 = tpu.memref_slice %arg18[%dma_wait3A_758, %dma_wait3A_760, %dma_wait3A_761] : memref<2x64x128xf32, #tpu.memory_space<vmem>> -> memref<1x64x128xf32, #tpu.memory_space<vmem>>
          %dma_wait3A_763 = tpu.memref_squeeze %dma_wait3A_762 : memref<1x64x128xf32, #tpu.memory_space<vmem>> -> memref<64x128xf32, #tpu.memory_space<vmem>>
          %dma_wait3A_764 = arith.constant 0 : i32
          %dma_wait3A_765 = tpu.memref_slice %arg16[%dma_wait3A_759, %dma_wait3A_764] : memref<2x64xi32, #tpu.memory_space<vmem>> -> memref<1x64xi32, #tpu.memory_space<vmem>>
          %dma_wait3A_766 = tpu.memref_squeeze %dma_wait3A_765 : memref<1x64xi32, #tpu.memory_space<vmem>> -> memref<64xi32, #tpu.memory_space<vmem>>
          %dma_wait3A_767 = arith.constant 0 : i32
          %dma_wait3A_768 = arith.constant 0 : i32
          %dma_wait3A_769 = tpu.memref_slice %arg27[%dma_wait3A_767, %dma_wait3A_768] : memref<10240x128xf32, #tpu.memory_space<vmem_shared>> -> memref<10240x128xf32, #tpu.memory_space<vmem_shared>>
          tpu.wait_indirect_dma semaphore(%arg26 : memref<!tpu.dma_semaphore, #tpu.memory_space<semaphore_mem>>) src(%dma_wait3A_763 : memref<64x128xf32, #tpu.memory_space<vmem>>) dst(%dma_wait3A_769 : memref<10240x128xf32, #tpu.memory_space<vmem_shared>>)
          %dma_wait3A_770 = arith.constant 1 : i32
          %dma_wait3A_771 = arith.constant 1 : i32
          %dma_wait3A_772 = arith.constant 0 : i32
          %dma_wait3A_773 = tpu.memref_slice %arg14[%dma_wait3A_770, %dma_wait3A_772] : memref<2x64xf32, #tpu.memory_space<vmem>> -> memref<1x64xf32, #tpu.memory_space<vmem>>
          %dma_wait3A_774 = tpu.memref_squeeze %dma_wait3A_773 : memref<1x64xf32, #tpu.memory_space<vmem>> -> memref<64xf32, #tpu.memory_space<vmem>>
          %dma_wait3A_775 = arith.constant 0 : i32
          %dma_wait3A_776 = tpu.memref_slice %arg16[%dma_wait3A_771, %dma_wait3A_775] : memref<2x64xi32, #tpu.memory_space<vmem>> -> memref<1x64xi32, #tpu.memory_space<vmem>>
          %dma_wait3A_777 = tpu.memref_squeeze %dma_wait3A_776 : memref<1x64xi32, #tpu.memory_space<vmem>> -> memref<64xi32, #tpu.memory_space<vmem>>
          %dma_wait3A_778 = arith.constant 0 : i32
          %dma_wait3A_779 = tpu.memref_slice %arg28[%dma_wait3A_778] : memref<10240xf32, #tpu.memory_space<vmem_shared>> -> memref<10240xf32, #tpu.memory_space<vmem_shared>>
          tpu.wait_indirect_dma semaphore(%arg26 : memref<!tpu.dma_semaphore, #tpu.memory_space<semaphore_mem>>) src(%dma_wait3A_774 : memref<64xf32, #tpu.memory_space<vmem>>) dst(%dma_wait3A_779 : memref<10240xf32, #tpu.memory_space<vmem_shared>>)
          %dma_wait3A_780 = arith.constant 1 : i32
          %dma_wait3A_781 = arith.constant 1 : i32
          %dma_wait3A_782 = arith.constant 0 : i32
          %dma_wait3A_783 = tpu.memref_slice %arg15[%dma_wait3A_780, %dma_wait3A_782] : memref<2x64xf32, #tpu.memory_space<vmem>> -> memref<1x64xf32, #tpu.memory_space<vmem>>
          %dma_wait3A_784 = tpu.memref_squeeze %dma_wait3A_783 : memref<1x64xf32, #tpu.memory_space<vmem>> -> memref<64xf32, #tpu.memory_space<vmem>>
          %dma_wait3A_785 = arith.constant 0 : i32
          %dma_wait3A_786 = tpu.memref_slice %arg16[%dma_wait3A_781, %dma_wait3A_785] : memref<2x64xi32, #tpu.memory_space<vmem>> -> memref<1x64xi32, #tpu.memory_space<vmem>>
          %dma_wait3A_787 = tpu.memref_squeeze %dma_wait3A_786 : memref<1x64xi32, #tpu.memory_space<vmem>> -> memref<64xi32, #tpu.memory_space<vmem>>
          %dma_wait3A_788 = arith.constant 0 : i32
          %dma_wait3A_789 = tpu.memref_slice %arg29[%dma_wait3A_788] : memref<10240xf32, #tpu.memory_space<vmem_shared>> -> memref<10240xf32, #tpu.memory_space<vmem_shared>>
          tpu.wait_indirect_dma semaphore(%arg26 : memref<!tpu.dma_semaphore, #tpu.memory_space<semaphore_mem>>) src(%dma_wait3A_784 : memref<64xf32, #tpu.memory_space<vmem>>) dst(%dma_wait3A_789 : memref<10240xf32, #tpu.memory_space<vmem_shared>>)
          %dma_wait3A_790 = arith.constant 1 : i32
          %dma_wait3A_791 = arith.constant 0 : i32
          %dma_wait3A_792 = tpu.memref_slice %arg16[%dma_wait3A_790, %dma_wait3A_791] : memref<2x64xi32, #tpu.memory_space<vmem>> -> memref<1x64xi32, #tpu.memory_space<vmem>>
          %dma_wait3A_793 = tpu.memref_squeeze %dma_wait3A_792 : memref<1x64xi32, #tpu.memory_space<vmem>> -> memref<64xi32, #tpu.memory_space<vmem>>
          %dma_wait3A_794 = arith.constant 0 : i32
          %dma_wait3A_795 = tpu.memref_slice %arg30[%dma_wait3A_794] : memref<10240xf32, #tpu.memory_space<vmem_shared>> -> memref<10240xf32, #tpu.memory_space<vmem_shared>>
          tpu.wait_indirect_dma semaphore(%arg26 : memref<!tpu.dma_semaphore, #tpu.memory_space<semaphore_mem>>) src(%arg17 : memref<64xf32, #tpu.memory_space<vmem>>) dst(%dma_wait3A_795 : memref<10240xf32, #tpu.memory_space<vmem_shared>>)
        } else {
        }
        %dma_start3A_745 = arith.constant 1 : i32
        %dma_start3A_746 = arith.constant 0 : i32
        %dma_start3A_747 = arith.constant 1 : i32
        %dma_start3A_748 = arith.constant 0 : i32
        %dma_start3A_749 = arith.constant 0 : i32
        %dma_start3A_750 = tpu.memref_slice %arg18[%dma_start3A_747, %dma_start3A_748, %dma_start3A_749] : memref<2x64x128xf32, #tpu.memory_space<vmem>> -> memref<1x64x128xf32, #tpu.memory_space<vmem>>
        %dma_start3A_751 = tpu.memref_squeeze %dma_start3A_750 : memref<1x64x128xf32, #tpu.memory_space<vmem>> -> memref<64x128xf32, #tpu.memory_space<vmem>>
        %dma_start3A_752 = arith.constant 0 : i32
        %dma_start3A_753 = tpu.memref_slice %arg12[%dma_start3A_745, %dma_start3A_746, %dma_start3A_752] : memref<2x2x64xi32, #tpu.memory_space<vmem>> -> memref<1x1x64xi32, #tpu.memory_space<vmem>>
        %dma_start3A_754 = tpu.memref_squeeze %dma_start3A_753 : memref<1x1x64xi32, #tpu.memory_space<vmem>> -> memref<64xi32, #tpu.memory_space<vmem>>
        %dma_start3A_755 = arith.constant 0 : i32
        %dma_start3A_756 = arith.constant 0 : i32
        %dma_start3A_757 = tpu.memref_slice %arg2[%dma_start3A_755, %dma_start3A_756] : memref<10000x128xf32, #tpu.memory_space<hbm>> -> memref<10000x128xf32, #tpu.memory_space<hbm>>
        tpu.enqueue_indirect_dma source(%dma_start3A_757 : memref<10000x128xf32, #tpu.memory_space<hbm>>) target(%dma_start3A_751 : memref<64x128xf32, #tpu.memory_space<vmem>>) offsets(%dma_start3A_754 : memref<64xi32, #tpu.memory_space<vmem>>) semaphore(%arg24 : memref<!tpu.dma_semaphore, #tpu.memory_space<semaphore_mem>>)
      } else {
      }
      %get3A = arith.constant 0 : i32
      %get3A_255 = arith.constant 0 : i32
      %get3A_256 = arith.index_cast %get3A : i32 to index
      %get3A_257 = arith.index_cast %get3A_255 : i32 to index
      %get3A_258 = arith.constant 0 : index
      %get3A_259 = tpu.vector_load %arg12[%get3A_256, %get3A_257, %get3A_258] {strides = array<i32>} : memref<2x2x64xi32, #tpu.memory_space<vmem>>, vector<16xi32>,
      %get3A_260 = arith.constant 0 : i32
      %get3A_261 = arith.constant 1 : i32
      %get3A_262 = arith.index_cast %get3A_260 : i32 to index
      %get3A_263 = arith.index_cast %get3A_261 : i32 to index
      %get3A_264 = arith.constant 0 : index
      %get3A_265 = tpu.vector_load %arg12[%get3A_262, %get3A_263, %get3A_264] {strides = array<i32>} : memref<2x2x64xi32, #tpu.memory_space<vmem>>, vector<16xi32>,
      %get3A_266 = arith.constant 0 : i32
      %get3A_267 = arith.index_cast %get3A_266 : i32 to index
      %get3A_268 = arith.constant 0 : index
      %get3A_269 = tpu.vector_load %arg13[%get3A_267, %get3A_268] {strides = array<i32>} : memref<2x64xf32, #tpu.memory_space<vmem>>, vector<16xf32>,
      %gather3A = tpu.vector_load_idx %arg19[%get3A_259] : memref<10000xf32, #tpu.memory_space<vmem>>[vector<16xi32>], vector<16xf32>,
      %gather3A_270 = tpu.vector_load_idx %arg20[%get3A_265] : memref<10008xf32, #tpu.memory_space<vmem>>[vector<16xi32>], vector<16xf32>,
      %add3A_271 = arith.addf %gather3A, %gather3A_270 : vector<16xf32>
      %add3A_272 = arith.addf %add3A_271, %get3A_269 : vector<16xf32>
      %ge3A = arith.constant 0.000000e+00 : f32
      %ge3A_273 = vector.broadcast %ge3A : f32 to vector<16xf32>
      %ge3A_274 = arith.cmpf oge, %add3A_272, %ge3A_273 : vector<16xf32>
      %mul3A_275 = arith.constant 2.000000e-01 : f32
      %mul3A_276 = vector.broadcast %mul3A_275 : f32 to vector<16xf32>
      %mul3A_277 = arith.mulf %mul3A_276, %add3A_272 : vector<16xf32>
      %select_n3A = arith.select %ge3A_274, %add3A_272, %mul3A_277 : vector<16xi1>, vector<16xf32>
      %exp3A = math.exp %select_n3A : vector<16xf32>
      %swap3A_278 = arith.constant 0 : i32
      %swap3A_279 = arith.index_cast %swap3A_278 : i32 to index
      %swap3A_280 = arith.constant 0 : index
      %swap3A_281 = tpu.vector_load %arg14[%swap3A_279, %swap3A_280] {strides = array<i32>} : memref<2x64xf32, #tpu.memory_space<vmem>>, vector<16xf32>,
      tpu.vector_store %arg14[%swap3A_279, %swap3A_280], %exp3A {strides = array<i32>} : memref<2x64xf32, #tpu.memory_space<vmem>>, vector<16xf32>,
      %swap3A_282 = arith.constant 0 : i32
      %swap3A_283 = arith.index_cast %swap3A_282 : i32 to index
      %swap3A_284 = arith.constant 0 : index
      %swap3A_285 = tpu.vector_load %arg15[%swap3A_283, %swap3A_284] {strides = array<i32>} : memref<2x64xf32, #tpu.memory_space<vmem>>, vector<16xf32>,
      tpu.vector_store %arg15[%swap3A_283, %swap3A_284], %get3A_269 {strides = array<i32>} : memref<2x64xf32, #tpu.memory_space<vmem>>, vector<16xf32>,
      %swap3A_286 = arith.constant 0 : i32
      %swap3A_287 = arith.index_cast %swap3A_286 : i32 to index
      %swap3A_288 = arith.constant 0 : index
      %swap3A_289 = tpu.vector_load %arg16[%swap3A_287, %swap3A_288] {strides = array<i32>} : memref<2x64xi32, #tpu.memory_space<vmem>>, vector<16xi32>,
      tpu.vector_store %arg16[%swap3A_287, %swap3A_288], %get3A_265 {strides = array<i32>} : memref<2x64xi32, #tpu.memory_space<vmem>>, vector<16xi32>,
      %get3A_290 = arith.constant 0 : i32
      %get3A_291 = arith.constant 0 : i32
      %get3A_292 = arith.index_cast %get3A_290 : i32 to index
      %get3A_293 = arith.index_cast %get3A_291 : i32 to index
      %get3A_294 = arith.constant 16 : index
      %get3A_295 = tpu.vector_load %arg12[%get3A_292, %get3A_293, %get3A_294] {strides = array<i32>} : memref<2x2x64xi32, #tpu.memory_space<vmem>>, vector<16xi32>,
      %get3A_296 = arith.constant 0 : i32
      %get3A_297 = arith.constant 1 : i32
      %get3A_298 = arith.index_cast %get3A_296 : i32 to index
      %get3A_299 = arith.index_cast %get3A_297 : i32 to index
      %get3A_300 = arith.constant 16 : index
      %get3A_301 = tpu.vector_load %arg12[%get3A_298, %get3A_299, %get3A_300] {strides = array<i32>} : memref<2x2x64xi32, #tpu.memory_space<vmem>>, vector<16xi32>,
      %get3A_302 = arith.constant 0 : i32
      %get3A_303 = arith.index_cast %get3A_302 : i32 to index
      %get3A_304 = arith.constant 16 : index
      %get3A_305 = tpu.vector_load %arg13[%get3A_303, %get3A_304] {strides = array<i32>} : memref<2x64xf32, #tpu.memory_space<vmem>>, vector<16xf32>,
      %gather3A_306 = tpu.vector_load_idx %arg19[%get3A_295] : memref<10000xf32, #tpu.memory_space<vmem>>[vector<16xi32>], vector<16xf32>,
      %gather3A_307 = tpu.vector_load_idx %arg20[%get3A_301] : memref<10008xf32, #tpu.memory_space<vmem>>[vector<16xi32>], vector<16xf32>,
      %add3A_308 = arith.addf %gather3A_306, %gather3A_307 : vector<16xf32>
      %add3A_309 = arith.addf %add3A_308, %get3A_305 : vector<16xf32>
      %ge3A_310 = arith.constant 0.000000e+00 : f32
      %ge3A_311 = vector.broadcast %ge3A_310 : f32 to vector<16xf32>
      %ge3A_312 = arith.cmpf oge, %add3A_309, %ge3A_311 : vector<16xf32>
      %mul3A_313 = arith.constant 2.000000e-01 : f32
      %mul3A_314 = vector.broadcast %mul3A_313 : f32 to vector<16xf32>
      %mul3A_315 = arith.mulf %mul3A_314, %add3A_309 : vector<16xf32>
      %select_n3A_316 = arith.select %ge3A_312, %add3A_309, %mul3A_315 : vector<16xi1>, vector<16xf32>
      %exp3A_317 = math.exp %select_n3A_316 : vector<16xf32>
      %swap3A_318 = arith.constant 0 : i32
      %swap3A_319 = arith.index_cast %swap3A_318 : i32 to index
      %swap3A_320 = arith.constant 16 : index
      %swap3A_321 = tpu.vector_load %arg14[%swap3A_319, %swap3A_320] {strides = array<i32>} : memref<2x64xf32, #tpu.memory_space<vmem>>, vector<16xf32>,
      tpu.vector_store %arg14[%swap3A_319, %swap3A_320], %exp3A_317 {strides = array<i32>} : memref<2x64xf32, #tpu.memory_space<vmem>>, vector<16xf32>,
      %swap3A_322 = arith.constant 0 : i32
      %swap3A_323 = arith.index_cast %swap3A_322 : i32 to index
      %swap3A_324 = arith.constant 16 : index
      %swap3A_325 = tpu.vector_load %arg15[%swap3A_323, %swap3A_324] {strides = array<i32>} : memref<2x64xf32, #tpu.memory_space<vmem>>, vector<16xf32>,
      tpu.vector_store %arg15[%swap3A_323, %swap3A_324], %get3A_305 {strides = array<i32>} : memref<2x64xf32, #tpu.memory_space<vmem>>, vector<16xf32>,
      %swap3A_326 = arith.constant 0 : i32
      %swap3A_327 = arith.index_cast %swap3A_326 : i32 to index
      %swap3A_328 = arith.constant 16 : index
      %swap3A_329 = tpu.vector_load %arg16[%swap3A_327, %swap3A_328] {strides = array<i32>} : memref<2x64xi32, #tpu.memory_space<vmem>>, vector<16xi32>,
      tpu.vector_store %arg16[%swap3A_327, %swap3A_328], %get3A_301 {strides = array<i32>} : memref<2x64xi32, #tpu.memory_space<vmem>>, vector<16xi32>,
      %get3A_330 = arith.constant 0 : i32
      %get3A_331 = arith.constant 0 : i32
      %get3A_332 = arith.index_cast %get3A_330 : i32 to index
      %get3A_333 = arith.index_cast %get3A_331 : i32 to index
      %get3A_334 = arith.constant 32 : index
      %get3A_335 = tpu.vector_load %arg12[%get3A_332, %get3A_333, %get3A_334] {strides = array<i32>} : memref<2x2x64xi32, #tpu.memory_space<vmem>>, vector<16xi32>,
      %get3A_336 = arith.constant 0 : i32
      %get3A_337 = arith.constant 1 : i32
      %get3A_338 = arith.index_cast %get3A_336 : i32 to index
      %get3A_339 = arith.index_cast %get3A_337 : i32 to index
      %get3A_340 = arith.constant 32 : index
      %get3A_341 = tpu.vector_load %arg12[%get3A_338, %get3A_339, %get3A_340] {strides = array<i32>} : memref<2x2x64xi32, #tpu.memory_space<vmem>>, vector<16xi32>,
      %get3A_342 = arith.constant 0 : i32
      %get3A_343 = arith.index_cast %get3A_342 : i32 to index
      %get3A_344 = arith.constant 32 : index
      %get3A_345 = tpu.vector_load %arg13[%get3A_343, %get3A_344] {strides = array<i32>} : memref<2x64xf32, #tpu.memory_space<vmem>>, vector<16xf32>,
      %gather3A_346 = tpu.vector_load_idx %arg19[%get3A_335] : memref<10000xf32, #tpu.memory_space<vmem>>[vector<16xi32>], vector<16xf32>,
      %gather3A_347 = tpu.vector_load_idx %arg20[%get3A_341] : memref<10008xf32, #tpu.memory_space<vmem>>[vector<16xi32>], vector<16xf32>,
      %add3A_348 = arith.addf %gather3A_346, %gather3A_347 : vector<16xf32>
      %add3A_349 = arith.addf %add3A_348, %get3A_345 : vector<16xf32>
      %ge3A_350 = arith.constant 0.000000e+00 : f32
      %ge3A_351 = vector.broadcast %ge3A_350 : f32 to vector<16xf32>
      %ge3A_352 = arith.cmpf oge, %add3A_349, %ge3A_351 : vector<16xf32>
      %mul3A_353 = arith.constant 2.000000e-01 : f32
      %mul3A_354 = vector.broadcast %mul3A_353 : f32 to vector<16xf32>
      %mul3A_355 = arith.mulf %mul3A_354, %add3A_349 : vector<16xf32>
      %select_n3A_356 = arith.select %ge3A_352, %add3A_349, %mul3A_355 : vector<16xi1>, vector<16xf32>
      %exp3A_357 = math.exp %select_n3A_356 : vector<16xf32>
      %swap3A_358 = arith.constant 0 : i32
      %swap3A_359 = arith.index_cast %swap3A_358 : i32 to index
      %swap3A_360 = arith.constant 32 : index
      %swap3A_361 = tpu.vector_load %arg14[%swap3A_359, %swap3A_360] {strides = array<i32>} : memref<2x64xf32, #tpu.memory_space<vmem>>, vector<16xf32>,
      tpu.vector_store %arg14[%swap3A_359, %swap3A_360], %exp3A_357 {strides = array<i32>} : memref<2x64xf32, #tpu.memory_space<vmem>>, vector<16xf32>,
      %swap3A_362 = arith.constant 0 : i32
      %swap3A_363 = arith.index_cast %swap3A_362 : i32 to index
      %swap3A_364 = arith.constant 32 : index
      %swap3A_365 = tpu.vector_load %arg15[%swap3A_363, %swap3A_364] {strides = array<i32>} : memref<2x64xf32, #tpu.memory_space<vmem>>, vector<16xf32>,
      tpu.vector_store %arg15[%swap3A_363, %swap3A_364], %get3A_345 {strides = array<i32>} : memref<2x64xf32, #tpu.memory_space<vmem>>, vector<16xf32>,
      %swap3A_366 = arith.constant 0 : i32
      %swap3A_367 = arith.index_cast %swap3A_366 : i32 to index
      %swap3A_368 = arith.constant 32 : index
      %swap3A_369 = tpu.vector_load %arg16[%swap3A_367, %swap3A_368] {strides = array<i32>} : memref<2x64xi32, #tpu.memory_space<vmem>>, vector<16xi32>,
      tpu.vector_store %arg16[%swap3A_367, %swap3A_368], %get3A_341 {strides = array<i32>} : memref<2x64xi32, #tpu.memory_space<vmem>>, vector<16xi32>,
      %get3A_370 = arith.constant 0 : i32
      %get3A_371 = arith.constant 0 : i32
      %get3A_372 = arith.index_cast %get3A_370 : i32 to index
      %get3A_373 = arith.index_cast %get3A_371 : i32 to index
      %get3A_374 = arith.constant 48 : index
      %get3A_375 = tpu.vector_load %arg12[%get3A_372, %get3A_373, %get3A_374] {strides = array<i32>} : memref<2x2x64xi32, #tpu.memory_space<vmem>>, vector<16xi32>,
      %get3A_376 = arith.constant 0 : i32
      %get3A_377 = arith.constant 1 : i32
      %get3A_378 = arith.index_cast %get3A_376 : i32 to index
      %get3A_379 = arith.index_cast %get3A_377 : i32 to index
      %get3A_380 = arith.constant 48 : index
      %get3A_381 = tpu.vector_load %arg12[%get3A_378, %get3A_379, %get3A_380] {strides = array<i32>} : memref<2x2x64xi32, #tpu.memory_space<vmem>>, vector<16xi32>,
      %get3A_382 = arith.constant 0 : i32
      %get3A_383 = arith.index_cast %get3A_382 : i32 to index
      %get3A_384 = arith.constant 48 : index
      %get3A_385 = tpu.vector_load %arg13[%get3A_383, %get3A_384] {strides = array<i32>} : memref<2x64xf32, #tpu.memory_space<vmem>>, vector<16xf32>,
      %gather3A_386 = tpu.vector_load_idx %arg19[%get3A_375] : memref<10000xf32, #tpu.memory_space<vmem>>[vector<16xi32>], vector<16xf32>,
      %gather3A_387 = tpu.vector_load_idx %arg20[%get3A_381] : memref<10008xf32, #tpu.memory_space<vmem>>[vector<16xi32>], vector<16xf32>,
      %add3A_388 = arith.addf %gather3A_386, %gather3A_387 : vector<16xf32>
      %add3A_389 = arith.addf %add3A_388, %get3A_385 : vector<16xf32>
      %ge3A_390 = arith.constant 0.000000e+00 : f32
      %ge3A_391 = vector.broadcast %ge3A_390 : f32 to vector<16xf32>
      %ge3A_392 = arith.cmpf oge, %add3A_389, %ge3A_391 : vector<16xf32>
      %mul3A_393 = arith.constant 2.000000e-01 : f32
      %mul3A_394 = vector.broadcast %mul3A_393 : f32 to vector<16xf32>
      %mul3A_395 = arith.mulf %mul3A_394, %add3A_389 : vector<16xf32>
      %select_n3A_396 = arith.select %ge3A_392, %add3A_389, %mul3A_395 : vector<16xi1>, vector<16xf32>
      %exp3A_397 = math.exp %select_n3A_396 : vector<16xf32>
      %swap3A_398 = arith.constant 0 : i32
      %swap3A_399 = arith.index_cast %swap3A_398 : i32 to index
      %swap3A_400 = arith.constant 48 : index
      %swap3A_401 = tpu.vector_load %arg14[%swap3A_399, %swap3A_400] {strides = array<i32>} : memref<2x64xf32, #tpu.memory_space<vmem>>, vector<16xf32>,
      tpu.vector_store %arg14[%swap3A_399, %swap3A_400], %exp3A_397 {strides = array<i32>} : memref<2x64xf32, #tpu.memory_space<vmem>>, vector<16xf32>,
      %swap3A_402 = arith.constant 0 : i32
      %swap3A_403 = arith.index_cast %swap3A_402 : i32 to index
      %swap3A_404 = arith.constant 48 : index
      %swap3A_405 = tpu.vector_load %arg15[%swap3A_403, %swap3A_404] {strides = array<i32>} : memref<2x64xf32, #tpu.memory_space<vmem>>, vector<16xf32>,
      tpu.vector_store %arg15[%swap3A_403, %swap3A_404], %get3A_385 {strides = array<i32>} : memref<2x64xf32, #tpu.memory_space<vmem>>, vector<16xf32>,
      %swap3A_406 = arith.constant 0 : i32
      %swap3A_407 = arith.index_cast %swap3A_406 : i32 to index
      %swap3A_408 = arith.constant 48 : index
      %swap3A_409 = tpu.vector_load %arg16[%swap3A_407, %swap3A_408] {strides = array<i32>} : memref<2x64xi32, #tpu.memory_space<vmem>>, vector<16xi32>,
      tpu.vector_store %arg16[%swap3A_407, %swap3A_408], %get3A_381 {strides = array<i32>} : memref<2x64xi32, #tpu.memory_space<vmem>>, vector<16xi32>,
      %dma_wait3A_410 = arith.constant 0 : i32
      %dma_wait3A_411 = arith.constant 0 : i32
      %dma_wait3A_412 = arith.constant 0 : i32
      %dma_wait3A_413 = arith.constant 0 : i32
      %dma_wait3A_414 = arith.constant 0 : i32
      %dma_wait3A_415 = tpu.memref_slice %arg18[%dma_wait3A_412, %dma_wait3A_413, %dma_wait3A_414] : memref<2x64x128xf32, #tpu.memory_space<vmem>> -> memref<1x64x128xf32, #tpu.memory_space<vmem>>
      %dma_wait3A_416 = tpu.memref_squeeze %dma_wait3A_415 : memref<1x64x128xf32, #tpu.memory_space<vmem>> -> memref<64x128xf32, #tpu.memory_space<vmem>>
      %dma_wait3A_417 = arith.constant 0 : i32
      %dma_wait3A_418 = tpu.memref_slice %arg12[%dma_wait3A_410, %dma_wait3A_411, %dma_wait3A_417] : memref<2x2x64xi32, #tpu.memory_space<vmem>> -> memref<1x1x64xi32, #tpu.memory_space<vmem>>
      %dma_wait3A_419 = tpu.memref_squeeze %dma_wait3A_418 : memref<1x1x64xi32, #tpu.memory_space<vmem>> -> memref<64xi32, #tpu.memory_space<vmem>>
      %dma_wait3A_420 = arith.constant 0 : i32
      %dma_wait3A_421 = arith.constant 0 : i32
      %dma_wait3A_422 = tpu.memref_slice %arg2[%dma_wait3A_420, %dma_wait3A_421] : memref<10000x128xf32, #tpu.memory_space<hbm>> -> memref<10000x128xf32, #tpu.memory_space<hbm>>
      tpu.wait_indirect_dma semaphore(%arg23 : memref<!tpu.dma_semaphore, #tpu.memory_space<semaphore_mem>>) src(%dma_wait3A_422 : memref<10000x128xf32, #tpu.memory_space<hbm>>) dst(%dma_wait3A_416 : memref<64x128xf32, #tpu.memory_space<vmem>>)
      %add3A_423 = arith.constant 1 : i32
      %add3A_424 = arith.addi %add3A_252, %add3A_423 : i32
      %lt3A = arith.constant 158 : i32
      %lt3A_425 = arith.cmpi slt, %add3A_424, %lt3A : i32
      %convert_element_type3A_426 = arith.extui %lt3A_425 : i1 to i32
      %cond3A_427 = arith.constant 0 : i32
      %cond3A_428 = arith.cmpi ne, %convert_element_type3A_426, %cond3A_427 : i32
      scf.if %cond3A_428 {
        %add3A_710 = arith.constant 1 : i32
        %add3A_711 = arith.addi %add3A_252, %add3A_710 : i32
        %dma_start3A_712 = arith.constant 0 : i32
        %dma_start3A_713 = arith.constant 0 : i32
        %dma_start3A_714 = arith.constant 0 : i32
        %dma_start3A_715 = tpu.memref_slice %arg12[%dma_start3A_712, %dma_start3A_713, %dma_start3A_714] : memref<2x2x64xi32, #tpu.memory_space<vmem>> -> memref<1x2x64xi32, #tpu.memory_space<vmem>>
        %dma_start3A_716 = tpu.memref_squeeze %dma_start3A_715 : memref<1x2x64xi32, #tpu.memory_space<vmem>> -> memref<2x64xi32, #tpu.memory_space<vmem>>
        %dma_start3A_717 = arith.constant 0 : i32
        %dma_start3A_718 = arith.constant 0 : i32
        %dma_start3A_719 = tpu.memref_slice %arg3[%add3A, %add3A_711, %dma_start3A_717, %dma_start3A_718] : memref<32x158x2x64xi32, #tpu.memory_space<hbm>> -> memref<1x1x2x64xi32, #tpu.memory_space<hbm>>
        %dma_start3A_720 = tpu.memref_squeeze %dma_start3A_719 : memref<1x1x2x64xi32, #tpu.memory_space<hbm>> -> memref<2x64xi32, #tpu.memory_space<hbm>>
        %dma_start3A_721 = arith.constant 0 : i32
        %dma_start3A_722 = arith.constant 0 : i32
        %dma_start3A_723 = tpu.memref_slice %arg12[%dma_start3A_712, %dma_start3A_721, %dma_start3A_722] : memref<2x2x64xi32, #tpu.memory_space<vmem>> -> memref<1x2x64xi32, #tpu.memory_space<vmem>>
        %dma_start3A_724 = tpu.memref_squeeze %dma_start3A_723 : memref<1x2x64xi32, #tpu.memory_space<vmem>> -> memref<2x64xi32, #tpu.memory_space<vmem>>
        %dma_start3A_725 = arith.constant 0 : i32
        %dma_start3A_726 = arith.constant 0 : i32
        %dma_start3A_727 = tpu.memref_slice %arg3[%add3A, %add3A_711, %dma_start3A_725, %dma_start3A_726] : memref<32x158x2x64xi32, #tpu.memory_space<hbm>> -> memref<1x1x2x64xi32, #tpu.memory_space<hbm>>
        %dma_start3A_728 = tpu.memref_squeeze %dma_start3A_727 : memref<1x1x2x64xi32, #tpu.memory_space<hbm>> -> memref<2x64xi32, #tpu.memory_space<hbm>>
        tpu.enqueue_dma source(%dma_start3A_728 : memref<2x64xi32, #tpu.memory_space<hbm>>) target(%dma_start3A_724 : memref<2x64xi32, #tpu.memory_space<vmem>>) target_semaphore(%arg21 : memref<!tpu.dma_semaphore, #tpu.memory_space<semaphore_mem>>)
        %dma_start3A_729 = arith.constant 0 : i32
        %dma_start3A_730 = arith.constant 0 : i32
        %dma_start3A_731 = tpu.memref_slice %arg13[%dma_start3A_729, %dma_start3A_730] : memref<2x64xf32, #tpu.memory_space<vmem>> -> memref<1x64xf32, #tpu.memory_space<vmem>>
        %dma_start3A_732 = tpu.memref_squeeze %dma_start3A_731 : memref<1x64xf32, #tpu.memory_space<vmem>> -> memref<64xf32, #tpu.memory_space<vmem>>
        %dma_start3A_733 = arith.constant 0 : i32
        %dma_start3A_734 = tpu.memref_slice %arg4[%add3A, %add3A_711, %dma_start3A_733] : memref<32x158x64xf32, #tpu.memory_space<hbm>> -> memref<1x1x64xf32, #tpu.memory_space<hbm>>
        %dma_start3A_735 = tpu.memref_squeeze %dma_start3A_734 : memref<1x1x64xf32, #tpu.memory_space<hbm>> -> memref<64xf32, #tpu.memory_space<hbm>>
        %dma_start3A_736 = arith.constant 0 : i32
        %dma_start3A_737 = tpu.memref_slice %arg13[%dma_start3A_729, %dma_start3A_736] : memref<2x64xf32, #tpu.memory_space<vmem>> -> memref<1x64xf32, #tpu.memory_space<vmem>>
        %dma_start3A_738 = tpu.memref_squeeze %dma_start3A_737 : memref<1x64xf32, #tpu.memory_space<vmem>> -> memref<64xf32, #tpu.memory_space<vmem>>
        %dma_start3A_739 = arith.constant 0 : i32
        %dma_start3A_740 = tpu.memref_slice %arg4[%add3A, %add3A_711, %dma_start3A_739] : memref<32x158x64xf32, #tpu.memory_space<hbm>> -> memref<1x1x64xf32, #tpu.memory_space<hbm>>
        %dma_start3A_741 = tpu.memref_squeeze %dma_start3A_740 : memref<1x1x64xf32, #tpu.memory_space<hbm>> -> memref<64xf32, #tpu.memory_space<hbm>>
        tpu.enqueue_dma source(%dma_start3A_741 : memref<64xf32, #tpu.memory_space<hbm>>) target(%dma_start3A_738 : memref<64xf32, #tpu.memory_space<vmem>>) target_semaphore(%arg21 : memref<!tpu.dma_semaphore, #tpu.memory_space<semaphore_mem>>)
      } else {
      }
      %scan3A_429 = arith.constant 0 : i32
      %scan3A_430 = arith.constant 0 : i32
      %scan3A_431 = arith.constant 64 : i32
      %scan3A_432 = arith.addi %scan3A_430, %scan3A_431 : i32
      %scan3A_433 = arith.constant 2 : i32
      scf.for %scan3A_710 = %scan3A_430 to %scan3A_432 step %scan3A_433  : i32 {
        %broadcast_in_dim3A_711 = arith.constant 0 : i32
        %broadcast_in_dim3A_712 = vector.broadcast %broadcast_in_dim3A_711 : i32 to vector<16xi32>
        %broadcast_in_dim3A_713 = vector.broadcast %scan3A_710 : i32 to vector<16xi32>
        %gather3A_714 = tpu.vector_load_idx %arg14[%broadcast_in_dim3A_712, %broadcast_in_dim3A_713] : memref<2x64xf32, #tpu.memory_space<vmem>>[vector<16xi32>, vector<16xi32>], vector<16xf32>,
        %get3A_715 = arith.constant 0 : i32
        %get3A_716 = arith.index_cast %get3A_715 : i32 to index
        %get3A_717 = arith.index_cast %scan3A_710 : i32 to index
        %get3A_718 = arith.constant 0 : index
        %get3A_719 = tpu.vector_load %arg18[%get3A_716, %get3A_717, %get3A_718] {strides = array<i32>} : memref<2x64x128xf32, #tpu.memory_space<vmem>>, vector<16xf32>,
        %mul3A_720 = arith.mulf %get3A_719, %gather3A_714 : vector<16xf32>
        %swap3A_721 = arith.constant 0 : i32
        %swap3A_722 = arith.index_cast %swap3A_721 : i32 to index
        %swap3A_723 = arith.index_cast %scan3A_710 : i32 to index
        %swap3A_724 = arith.constant 0 : index
        %swap3A_725 = tpu.vector_load %arg18[%swap3A_722, %swap3A_723, %swap3A_724] {strides = array<i32>} : memref<2x64x128xf32, #tpu.memory_space<vmem>>, vector<16xf32>,
        tpu.vector_store %arg18[%swap3A_722, %swap3A_723, %swap3A_724], %mul3A_720 {strides = array<i32>} : memref<2x64x128xf32, #tpu.memory_space<vmem>>, vector<16xf32>,
        %get3A_726 = arith.constant 0 : i32
        %get3A_727 = arith.index_cast %get3A_726 : i32 to index
        %get3A_728 = arith.index_cast %scan3A_710 : i32 to index
        %get3A_729 = arith.constant 16 : index
        %get3A_730 = tpu.vector_load %arg18[%get3A_727, %get3A_728, %get3A_729] {strides = array<i32>} : memref<2x64x128xf32, #tpu.memory_space<vmem>>, vector<16xf32>,
        %mul3A_731 = arith.mulf %get3A_730, %gather3A_714 : vector<16xf32>
        %swap3A_732 = arith.constant 0 : i32
        %swap3A_733 = arith.index_cast %swap3A_732 : i32 to index
        %swap3A_734 = arith.index_cast %scan3A_710 : i32 to index
        %swap3A_735 = arith.constant 16 : index
        %swap3A_736 = tpu.vector_load %arg18[%swap3A_733, %swap3A_734, %swap3A_735] {strides = array<i32>} : memref<2x64x128xf32, #tpu.memory_space<vmem>>, vector<16xf32>,
        tpu.vector_store %arg18[%swap3A_733, %swap3A_734, %swap3A_735], %mul3A_731 {strides = array<i32>} : memref<2x64x128xf32, #tpu.memory_space<vmem>>, vector<16xf32>,
        %get3A_737 = arith.constant 0 : i32
        %get3A_738 = arith.index_cast %get3A_737 : i32 to index
        %get3A_739 = arith.index_cast %scan3A_710 : i32 to index
        %get3A_740 = arith.constant 32 : index
        %get3A_741 = tpu.vector_load %arg18[%get3A_738, %get3A_739, %get3A_740] {strides = array<i32>} : memref<2x64x128xf32, #tpu.memory_space<vmem>>, vector<16xf32>,
        %mul3A_742 = arith.mulf %get3A_741, %gather3A_714 : vector<16xf32>
        %swap3A_743 = arith.constant 0 : i32
        %swap3A_744 = arith.index_cast %swap3A_743 : i32 to index
        %swap3A_745 = arith.index_cast %scan3A_710 : i32 to index
        %swap3A_746 = arith.constant 32 : index
        %swap3A_747 = tpu.vector_load %arg18[%swap3A_744, %swap3A_745, %swap3A_746] {strides = array<i32>} : memref<2x64x128xf32, #tpu.memory_space<vmem>>, vector<16xf32>,
        tpu.vector_store %arg18[%swap3A_744, %swap3A_745, %swap3A_746], %mul3A_742 {strides = array<i32>} : memref<2x64x128xf32, #tpu.memory_space<vmem>>, vector<16xf32>,
        %get3A_748 = arith.constant 0 : i32
        %get3A_749 = arith.index_cast %get3A_748 : i32 to index
        %get3A_750 = arith.index_cast %scan3A_710 : i32 to index
        %get3A_751 = arith.constant 48 : index
        %get3A_752 = tpu.vector_load %arg18[%get3A_749, %get3A_750, %get3A_751] {strides = array<i32>} : memref<2x64x128xf32, #tpu.memory_space<vmem>>, vector<16xf32>,
        %mul3A_753 = arith.mulf %get3A_752, %gather3A_714 : vector<16xf32>
        %swap3A_754 = arith.constant 0 : i32
        %swap3A_755 = arith.index_cast %swap3A_754 : i32 to index
        %swap3A_756 = arith.index_cast %scan3A_710 : i32 to index
        %swap3A_757 = arith.constant 48 : index
        %swap3A_758 = tpu.vector_load %arg18[%swap3A_755, %swap3A_756, %swap3A_757] {strides = array<i32>} : memref<2x64x128xf32, #tpu.memory_space<vmem>>, vector<16xf32>,
        tpu.vector_store %arg18[%swap3A_755, %swap3A_756, %swap3A_757], %mul3A_753 {strides = array<i32>} : memref<2x64x128xf32, #tpu.memory_space<vmem>>, vector<16xf32>,
        %get3A_759 = arith.constant 0 : i32
        %get3A_760 = arith.index_cast %get3A_759 : i32 to index
        %get3A_761 = arith.index_cast %scan3A_710 : i32 to index
        %get3A_762 = arith.constant 64 : index
        %get3A_763 = tpu.vector_load %arg18[%get3A_760, %get3A_761, %get3A_762] {strides = array<i32>} : memref<2x64x128xf32, #tpu.memory_space<vmem>>, vector<16xf32>,
        %mul3A_764 = arith.mulf %get3A_763, %gather3A_714 : vector<16xf32>
        %swap3A_765 = arith.constant 0 : i32
        %swap3A_766 = arith.index_cast %swap3A_765 : i32 to index
        %swap3A_767 = arith.index_cast %scan3A_710 : i32 to index
        %swap3A_768 = arith.constant 64 : index
        %swap3A_769 = tpu.vector_load %arg18[%swap3A_766, %swap3A_767, %swap3A_768] {strides = array<i32>} : memref<2x64x128xf32, #tpu.memory_space<vmem>>, vector<16xf32>,
        tpu.vector_store %arg18[%swap3A_766, %swap3A_767, %swap3A_768], %mul3A_764 {strides = array<i32>} : memref<2x64x128xf32, #tpu.memory_space<vmem>>, vector<16xf32>,
        %get3A_770 = arith.constant 0 : i32
        %get3A_771 = arith.index_cast %get3A_770 : i32 to index
        %get3A_772 = arith.index_cast %scan3A_710 : i32 to index
        %get3A_773 = arith.constant 80 : index
        %get3A_774 = tpu.vector_load %arg18[%get3A_771, %get3A_772, %get3A_773] {strides = array<i32>} : memref<2x64x128xf32, #tpu.memory_space<vmem>>, vector<16xf32>,
        %mul3A_775 = arith.mulf %get3A_774, %gather3A_714 : vector<16xf32>
        %swap3A_776 = arith.constant 0 : i32
        %swap3A_777 = arith.index_cast %swap3A_776 : i32 to index
        %swap3A_778 = arith.index_cast %scan3A_710 : i32 to index
        %swap3A_779 = arith.constant 80 : index
        %swap3A_780 = tpu.vector_load %arg18[%swap3A_777, %swap3A_778, %swap3A_779] {strides = array<i32>} : memref<2x64x128xf32, #tpu.memory_space<vmem>>, vector<16xf32>,
        tpu.vector_store %arg18[%swap3A_777, %swap3A_778, %swap3A_779], %mul3A_775 {strides = array<i32>} : memref<2x64x128xf32, #tpu.memory_space<vmem>>, vector<16xf32>,
        %get3A_781 = arith.constant 0 : i32
        %get3A_782 = arith.index_cast %get3A_781 : i32 to index
        %get3A_783 = arith.index_cast %scan3A_710 : i32 to index
        %get3A_784 = arith.constant 96 : index
        %get3A_785 = tpu.vector_load %arg18[%get3A_782, %get3A_783, %get3A_784] {strides = array<i32>} : memref<2x64x128xf32, #tpu.memory_space<vmem>>, vector<16xf32>,
        %mul3A_786 = arith.mulf %get3A_785, %gather3A_714 : vector<16xf32>
        %swap3A_787 = arith.constant 0 : i32
        %swap3A_788 = arith.index_cast %swap3A_787 : i32 to index
        %swap3A_789 = arith.index_cast %scan3A_710 : i32 to index
        %swap3A_790 = arith.constant 96 : index
        %swap3A_791 = tpu.vector_load %arg18[%swap3A_788, %swap3A_789, %swap3A_790] {strides = array<i32>} : memref<2x64x128xf32, #tpu.memory_space<vmem>>, vector<16xf32>,
        tpu.vector_store %arg18[%swap3A_788, %swap3A_789, %swap3A_790], %mul3A_786 {strides = array<i32>} : memref<2x64x128xf32, #tpu.memory_space<vmem>>, vector<16xf32>,
        %get3A_792 = arith.constant 0 : i32
        %get3A_793 = arith.index_cast %get3A_792 : i32 to index
        %get3A_794 = arith.index_cast %scan3A_710 : i32 to index
        %get3A_795 = arith.constant 112 : index
        %get3A_796 = tpu.vector_load %arg18[%get3A_793, %get3A_794, %get3A_795] {strides = array<i32>} : memref<2x64x128xf32, #tpu.memory_space<vmem>>, vector<16xf32>,
        %mul3A_797 = arith.mulf %get3A_796, %gather3A_714 : vector<16xf32>
        %swap3A_798 = arith.constant 0 : i32
        %swap3A_799 = arith.index_cast %swap3A_798 : i32 to index
        %swap3A_800 = arith.index_cast %scan3A_710 : i32 to index
        %swap3A_801 = arith.constant 112 : index
        %swap3A_802 = tpu.vector_load %arg18[%swap3A_799, %swap3A_800, %swap3A_801] {strides = array<i32>} : memref<2x64x128xf32, #tpu.memory_space<vmem>>, vector<16xf32>,
        tpu.vector_store %arg18[%swap3A_799, %swap3A_800, %swap3A_801], %mul3A_797 {strides = array<i32>} : memref<2x64x128xf32, #tpu.memory_space<vmem>>, vector<16xf32>,
        %scan3A_803 = arith.constant 1 : i32
        %scan3A_804 = arith.addi %scan3A_710, %scan3A_803 : i32
        %broadcast_in_dim3A_805 = arith.constant 0 : i32
        %broadcast_in_dim3A_806 = vector.broadcast %broadcast_in_dim3A_805 : i32 to vector<16xi32>
        %broadcast_in_dim3A_807 = vector.broadcast %scan3A_804 : i32 to vector<16xi32>
        %gather3A_808 = tpu.vector_load_idx %arg14[%broadcast_in_dim3A_806, %broadcast_in_dim3A_807] : memref<2x64xf32, #tpu.memory_space<vmem>>[vector<16xi32>, vector<16xi32>], vector<16xf32>,
        %get3A_809 = arith.constant 0 : i32
        %get3A_810 = arith.index_cast %get3A_809 : i32 to index
        %get3A_811 = arith.index_cast %scan3A_804 : i32 to index
        %get3A_812 = arith.constant 0 : index
        %get3A_813 = tpu.vector_load %arg18[%get3A_810, %get3A_811, %get3A_812] {strides = array<i32>} : memref<2x64x128xf32, #tpu.memory_space<vmem>>, vector<16xf32>,
        %mul3A_814 = arith.mulf %get3A_813, %gather3A_808 : vector<16xf32>
        %swap3A_815 = arith.constant 0 : i32
        %swap3A_816 = arith.index_cast %swap3A_815 : i32 to index
        %swap3A_817 = arith.index_cast %scan3A_804 : i32 to index
        %swap3A_818 = arith.constant 0 : index
        %swap3A_819 = tpu.vector_load %arg18[%swap3A_816, %swap3A_817, %swap3A_818] {strides = array<i32>} : memref<2x64x128xf32, #tpu.memory_space<vmem>>, vector<16xf32>,
        tpu.vector_store %arg18[%swap3A_816, %swap3A_817, %swap3A_818], %mul3A_814 {strides = array<i32>} : memref<2x64x128xf32, #tpu.memory_space<vmem>>, vector<16xf32>,
        %get3A_820 = arith.constant 0 : i32
        %get3A_821 = arith.index_cast %get3A_820 : i32 to index
        %get3A_822 = arith.index_cast %scan3A_804 : i32 to index
        %get3A_823 = arith.constant 16 : index
        %get3A_824 = tpu.vector_load %arg18[%get3A_821, %get3A_822, %get3A_823] {strides = array<i32>} : memref<2x64x128xf32, #tpu.memory_space<vmem>>, vector<16xf32>,
        %mul3A_825 = arith.mulf %get3A_824, %gather3A_808 : vector<16xf32>
        %swap3A_826 = arith.constant 0 : i32
        %swap3A_827 = arith.index_cast %swap3A_826 : i32 to index
        %swap3A_828 = arith.index_cast %scan3A_804 : i32 to index
        %swap3A_829 = arith.constant 16 : index
        %swap3A_830 = tpu.vector_load %arg18[%swap3A_827, %swap3A_828, %swap3A_829] {strides = array<i32>} : memref<2x64x128xf32, #tpu.memory_space<vmem>>, vector<16xf32>,
        tpu.vector_store %arg18[%swap3A_827, %swap3A_828, %swap3A_829], %mul3A_825 {strides = array<i32>} : memref<2x64x128xf32, #tpu.memory_space<vmem>>, vector<16xf32>,
        %get3A_831 = arith.constant 0 : i32
        %get3A_832 = arith.index_cast %get3A_831 : i32 to index
        %get3A_833 = arith.index_cast %scan3A_804 : i32 to index
        %get3A_834 = arith.constant 32 : index
        %get3A_835 = tpu.vector_load %arg18[%get3A_832, %get3A_833, %get3A_834] {strides = array<i32>} : memref<2x64x128xf32, #tpu.memory_space<vmem>>, vector<16xf32>,
        %mul3A_836 = arith.mulf %get3A_835, %gather3A_808 : vector<16xf32>
        %swap3A_837 = arith.constant 0 : i32
        %swap3A_838 = arith.index_cast %swap3A_837 : i32 to index
        %swap3A_839 = arith.index_cast %scan3A_804 : i32 to index
        %swap3A_840 = arith.constant 32 : index
        %swap3A_841 = tpu.vector_load %arg18[%swap3A_838, %swap3A_839, %swap3A_840] {strides = array<i32>} : memref<2x64x128xf32, #tpu.memory_space<vmem>>, vector<16xf32>,
        tpu.vector_store %arg18[%swap3A_838, %swap3A_839, %swap3A_840], %mul3A_836 {strides = array<i32>} : memref<2x64x128xf32, #tpu.memory_space<vmem>>, vector<16xf32>,
        %get3A_842 = arith.constant 0 : i32
        %get3A_843 = arith.index_cast %get3A_842 : i32 to index
        %get3A_844 = arith.index_cast %scan3A_804 : i32 to index
        %get3A_845 = arith.constant 48 : index
        %get3A_846 = tpu.vector_load %arg18[%get3A_843, %get3A_844, %get3A_845] {strides = array<i32>} : memref<2x64x128xf32, #tpu.memory_space<vmem>>, vector<16xf32>,
        %mul3A_847 = arith.mulf %get3A_846, %gather3A_808 : vector<16xf32>
        %swap3A_848 = arith.constant 0 : i32
        %swap3A_849 = arith.index_cast %swap3A_848 : i32 to index
        %swap3A_850 = arith.index_cast %scan3A_804 : i32 to index
        %swap3A_851 = arith.constant 48 : index
        %swap3A_852 = tpu.vector_load %arg18[%swap3A_849, %swap3A_850, %swap3A_851] {strides = array<i32>} : memref<2x64x128xf32, #tpu.memory_space<vmem>>, vector<16xf32>,
        tpu.vector_store %arg18[%swap3A_849, %swap3A_850, %swap3A_851], %mul3A_847 {strides = array<i32>} : memref<2x64x128xf32, #tpu.memory_space<vmem>>, vector<16xf32>,
        %get3A_853 = arith.constant 0 : i32
        %get3A_854 = arith.index_cast %get3A_853 : i32 to index
        %get3A_855 = arith.index_cast %scan3A_804 : i32 to index
        %get3A_856 = arith.constant 64 : index
        %get3A_857 = tpu.vector_load %arg18[%get3A_854, %get3A_855, %get3A_856] {strides = array<i32>} : memref<2x64x128xf32, #tpu.memory_space<vmem>>, vector<16xf32>,
        %mul3A_858 = arith.mulf %get3A_857, %gather3A_808 : vector<16xf32>
        %swap3A_859 = arith.constant 0 : i32
        %swap3A_860 = arith.index_cast %swap3A_859 : i32 to index
        %swap3A_861 = arith.index_cast %scan3A_804 : i32 to index
        %swap3A_862 = arith.constant 64 : index
        %swap3A_863 = tpu.vector_load %arg18[%swap3A_860, %swap3A_861, %swap3A_862] {strides = array<i32>} : memref<2x64x128xf32, #tpu.memory_space<vmem>>, vector<16xf32>,
        tpu.vector_store %arg18[%swap3A_860, %swap3A_861, %swap3A_862], %mul3A_858 {strides = array<i32>} : memref<2x64x128xf32, #tpu.memory_space<vmem>>, vector<16xf32>,
        %get3A_864 = arith.constant 0 : i32
        %get3A_865 = arith.index_cast %get3A_864 : i32 to index
        %get3A_866 = arith.index_cast %scan3A_804 : i32 to index
        %get3A_867 = arith.constant 80 : index
        %get3A_868 = tpu.vector_load %arg18[%get3A_865, %get3A_866, %get3A_867] {strides = array<i32>} : memref<2x64x128xf32, #tpu.memory_space<vmem>>, vector<16xf32>,
        %mul3A_869 = arith.mulf %get3A_868, %gather3A_808 : vector<16xf32>
        %swap3A_870 = arith.constant 0 : i32
        %swap3A_871 = arith.index_cast %swap3A_870 : i32 to index
        %swap3A_872 = arith.index_cast %scan3A_804 : i32 to index
        %swap3A_873 = arith.constant 80 : index
        %swap3A_874 = tpu.vector_load %arg18[%swap3A_871, %swap3A_872, %swap3A_873] {strides = array<i32>} : memref<2x64x128xf32, #tpu.memory_space<vmem>>, vector<16xf32>,
        tpu.vector_store %arg18[%swap3A_871, %swap3A_872, %swap3A_873], %mul3A_869 {strides = array<i32>} : memref<2x64x128xf32, #tpu.memory_space<vmem>>, vector<16xf32>,
        %get3A_875 = arith.constant 0 : i32
        %get3A_876 = arith.index_cast %get3A_875 : i32 to index
        %get3A_877 = arith.index_cast %scan3A_804 : i32 to index
        %get3A_878 = arith.constant 96 : index
        %get3A_879 = tpu.vector_load %arg18[%get3A_876, %get3A_877, %get3A_878] {strides = array<i32>} : memref<2x64x128xf32, #tpu.memory_space<vmem>>, vector<16xf32>,
        %mul3A_880 = arith.mulf %get3A_879, %gather3A_808 : vector<16xf32>
        %swap3A_881 = arith.constant 0 : i32
        %swap3A_882 = arith.index_cast %swap3A_881 : i32 to index
        %swap3A_883 = arith.index_cast %scan3A_804 : i32 to index
        %swap3A_884 = arith.constant 96 : index
        %swap3A_885 = tpu.vector_load %arg18[%swap3A_882, %swap3A_883, %swap3A_884] {strides = array<i32>} : memref<2x64x128xf32, #tpu.memory_space<vmem>>, vector<16xf32>,
        tpu.vector_store %arg18[%swap3A_882, %swap3A_883, %swap3A_884], %mul3A_880 {strides = array<i32>} : memref<2x64x128xf32, #tpu.memory_space<vmem>>, vector<16xf32>,
        %get3A_886 = arith.constant 0 : i32
        %get3A_887 = arith.index_cast %get3A_886 : i32 to index
        %get3A_888 = arith.index_cast %scan3A_804 : i32 to index
        %get3A_889 = arith.constant 112 : index
        %get3A_890 = tpu.vector_load %arg18[%get3A_887, %get3A_888, %get3A_889] {strides = array<i32>} : memref<2x64x128xf32, #tpu.memory_space<vmem>>, vector<16xf32>,
        %mul3A_891 = arith.mulf %get3A_890, %gather3A_808 : vector<16xf32>
        %swap3A_892 = arith.constant 0 : i32
        %swap3A_893 = arith.index_cast %swap3A_892 : i32 to index
        %swap3A_894 = arith.index_cast %scan3A_804 : i32 to index
        %swap3A_895 = arith.constant 112 : index
        %swap3A_896 = tpu.vector_load %arg18[%swap3A_893, %swap3A_894, %swap3A_895] {strides = array<i32>} : memref<2x64x128xf32, #tpu.memory_space<vmem>>, vector<16xf32>,
        tpu.vector_store %arg18[%swap3A_893, %swap3A_894, %swap3A_895], %mul3A_891 {strides = array<i32>} : memref<2x64x128xf32, #tpu.memory_space<vmem>>, vector<16xf32>,
      }
      %scan3A_434 = arith.constant 64 : i32
      %dma_start3A_435 = arith.constant 0 : i32
      %dma_start3A_436 = arith.constant 0 : i32
      %dma_start3A_437 = arith.constant 0 : i32
      %dma_start3A_438 = arith.constant 0 : i32
      %dma_start3A_439 = tpu.memref_slice %arg18[%dma_start3A_435, %dma_start3A_437, %dma_start3A_438] : memref<2x64x128xf32, #tpu.memory_space<vmem>> -> memref<1x64x128xf32, #tpu.memory_space<vmem>>
      %dma_start3A_440 = tpu.memref_squeeze %dma_start3A_439 : memref<1x64x128xf32, #tpu.memory_space<vmem>> -> memref<64x128xf32, #tpu.memory_space<vmem>>
      %dma_start3A_441 = arith.constant 0 : i32
      %dma_start3A_442 = tpu.memref_slice %arg16[%dma_start3A_436, %dma_start3A_441] : memref<2x64xi32, #tpu.memory_space<vmem>> -> memref<1x64xi32, #tpu.memory_space<vmem>>
      %dma_start3A_443 = tpu.memref_squeeze %dma_start3A_442 : memref<1x64xi32, #tpu.memory_space<vmem>> -> memref<64xi32, #tpu.memory_space<vmem>>
      %dma_start3A_444 = arith.constant 0 : i32
      %dma_start3A_445 = arith.constant 0 : i32
      %dma_start3A_446 = tpu.memref_slice %arg27[%dma_start3A_444, %dma_start3A_445] : memref<10240x128xf32, #tpu.memory_space<vmem_shared>> -> memref<10240x128xf32, #tpu.memory_space<vmem_shared>>
      tpu.enqueue_indirect_dma source(%dma_start3A_440 : memref<64x128xf32, #tpu.memory_space<vmem>>) target(%dma_start3A_446 : memref<10240x128xf32, #tpu.memory_space<vmem_shared>>) offsets(%dma_start3A_443 : memref<64xi32, #tpu.memory_space<vmem>>) semaphore(%arg25 : memref<!tpu.dma_semaphore, #tpu.memory_space<semaphore_mem>>) {add = true}
      %dma_start3A_447 = arith.constant 0 : i32
      %dma_start3A_448 = arith.constant 0 : i32
      %dma_start3A_449 = arith.constant 0 : i32
      %dma_start3A_450 = tpu.memref_slice %arg14[%dma_start3A_447, %dma_start3A_449] : memref<2x64xf32, #tpu.memory_space<vmem>> -> memref<1x64xf32, #tpu.memory_space<vmem>>
      %dma_start3A_451 = tpu.memref_squeeze %dma_start3A_450 : memref<1x64xf32, #tpu.memory_space<vmem>> -> memref<64xf32, #tpu.memory_space<vmem>>
      %dma_start3A_452 = arith.constant 0 : i32
      %dma_start3A_453 = tpu.memref_slice %arg16[%dma_start3A_448, %dma_start3A_452] : memref<2x64xi32, #tpu.memory_space<vmem>> -> memref<1x64xi32, #tpu.memory_space<vmem>>
      %dma_start3A_454 = tpu.memref_squeeze %dma_start3A_453 : memref<1x64xi32, #tpu.memory_space<vmem>> -> memref<64xi32, #tpu.memory_space<vmem>>
      %dma_start3A_455 = arith.constant 0 : i32
      %dma_start3A_456 = tpu.memref_slice %arg28[%dma_start3A_455] : memref<10240xf32, #tpu.memory_space<vmem_shared>> -> memref<10240xf32, #tpu.memory_space<vmem_shared>>
      tpu.enqueue_indirect_dma source(%dma_start3A_451 : memref<64xf32, #tpu.memory_space<vmem>>) target(%dma_start3A_456 : memref<10240xf32, #tpu.memory_space<vmem_shared>>) offsets(%dma_start3A_454 : memref<64xi32, #tpu.memory_space<vmem>>) semaphore(%arg25 : memref<!tpu.dma_semaphore, #tpu.memory_space<semaphore_mem>>) {add = true}
      %dma_start3A_457 = arith.constant 0 : i32
      %dma_start3A_458 = arith.constant 0 : i32
      %dma_start3A_459 = arith.constant 0 : i32
      %dma_start3A_460 = tpu.memref_slice %arg15[%dma_start3A_457, %dma_start3A_459] : memref<2x64xf32, #tpu.memory_space<vmem>> -> memref<1x64xf32, #tpu.memory_space<vmem>>
      %dma_start3A_461 = tpu.memref_squeeze %dma_start3A_460 : memref<1x64xf32, #tpu.memory_space<vmem>> -> memref<64xf32, #tpu.memory_space<vmem>>
      %dma_start3A_462 = arith.constant 0 : i32
      %dma_start3A_463 = tpu.memref_slice %arg16[%dma_start3A_458, %dma_start3A_462] : memref<2x64xi32, #tpu.memory_space<vmem>> -> memref<1x64xi32, #tpu.memory_space<vmem>>
      %dma_start3A_464 = tpu.memref_squeeze %dma_start3A_463 : memref<1x64xi32, #tpu.memory_space<vmem>> -> memref<64xi32, #tpu.memory_space<vmem>>
      %dma_start3A_465 = arith.constant 0 : i32
      %dma_start3A_466 = tpu.memref_slice %arg29[%dma_start3A_465] : memref<10240xf32, #tpu.memory_space<vmem_shared>> -> memref<10240xf32, #tpu.memory_space<vmem_shared>>
      tpu.enqueue_indirect_dma source(%dma_start3A_461 : memref<64xf32, #tpu.memory_space<vmem>>) target(%dma_start3A_466 : memref<10240xf32, #tpu.memory_space<vmem_shared>>) offsets(%dma_start3A_464 : memref<64xi32, #tpu.memory_space<vmem>>) semaphore(%arg25 : memref<!tpu.dma_semaphore, #tpu.memory_space<semaphore_mem>>) {add = true}
      %dma_start3A_467 = arith.constant 0 : i32
      %dma_start3A_468 = arith.constant 0 : i32
      %dma_start3A_469 = tpu.memref_slice %arg16[%dma_start3A_467, %dma_start3A_468] : memref<2x64xi32, #tpu.memory_space<vmem>> -> memref<1x64xi32, #tpu.memory_space<vmem>>
      %dma_start3A_470 = tpu.memref_squeeze %dma_start3A_469 : memref<1x64xi32, #tpu.memory_space<vmem>> -> memref<64xi32, #tpu.memory_space<vmem>>
      %dma_start3A_471 = arith.constant 0 : i32
      %dma_start3A_472 = tpu.memref_slice %arg30[%dma_start3A_471] : memref<10240xf32, #tpu.memory_space<vmem_shared>> -> memref<10240xf32, #tpu.memory_space<vmem_shared>>
      tpu.enqueue_indirect_dma source(%arg17 : memref<64xf32, #tpu.memory_space<vmem>>) target(%dma_start3A_472 : memref<10240xf32, #tpu.memory_space<vmem_shared>>) offsets(%dma_start3A_470 : memref<64xi32, #tpu.memory_space<vmem>>) semaphore(%arg25 : memref<!tpu.dma_semaphore, #tpu.memory_space<semaphore_mem>>) {add = true}
      %mul3A_473 = arith.constant 2 : i32
      %mul3A_474 = arith.muli %mul3A_473, %scan3A_248 : i32
      %add3A_475 = arith.constant 2 : i32
      %add3A_476 = arith.addi %mul3A_474, %add3A_475 : i32
      %mul3A_477 = arith.constant 2 : i32
      %mul3A_478 = arith.muli %mul3A_477, %scan3A_248 : i32
      %add3A_479 = arith.constant 2 : i32
      %add3A_480 = arith.addi %mul3A_478, %add3A_479 : i32
      %lt3A_481 = arith.constant 158 : i32
      %lt3A_482 = arith.cmpi slt, %add3A_480, %lt3A_481 : i32
      %convert_element_type3A_483 = arith.extui %lt3A_482 : i1 to i32
      %cond3A_484 = arith.constant 0 : i32
      %cond3A_485 = arith.cmpi ne, %convert_element_type3A_483, %cond3A_484 : i32
      scf.if %cond3A_485 {
        %dma_wait3A_710 = arith.constant 0 : i32
        %dma_wait3A_711 = arith.constant 0 : i32
        %dma_wait3A_712 = arith.constant 0 : i32
        %dma_wait3A_713 = arith.constant 0 : i32
        %dma_wait3A_714 = tpu.memref_slice %arg12[%dma_wait3A_711, %dma_wait3A_712, %dma_wait3A_713] : memref<2x2x64xi32, #tpu.memory_space<vmem>> -> memref<1x2x64xi32, #tpu.memory_space<vmem>>
        %dma_wait3A_715 = tpu.memref_squeeze %dma_wait3A_714 : memref<1x2x64xi32, #tpu.memory_space<vmem>> -> memref<2x64xi32, #tpu.memory_space<vmem>>
        %dma_wait3A_716 = arith.constant 0 : i32
        %dma_wait3A_717 = arith.constant 0 : i32
        %dma_wait3A_718 = tpu.memref_slice %arg3[%add3A, %dma_wait3A_710, %dma_wait3A_716, %dma_wait3A_717] : memref<32x158x2x64xi32, #tpu.memory_space<hbm>> -> memref<1x1x2x64xi32, #tpu.memory_space<hbm>>
        %dma_wait3A_719 = tpu.memref_squeeze %dma_wait3A_718 : memref<1x1x2x64xi32, #tpu.memory_space<hbm>> -> memref<2x64xi32, #tpu.memory_space<hbm>>
        %dma_wait3A_720 = arith.constant 0 : i32
        %dma_wait3A_721 = arith.constant 0 : i32
        %dma_wait3A_722 = tpu.memref_slice %arg12[%dma_wait3A_711, %dma_wait3A_720, %dma_wait3A_721] : memref<2x2x64xi32, #tpu.memory_space<vmem>> -> memref<1x2x64xi32, #tpu.memory_space<vmem>>
        %dma_wait3A_723 = tpu.memref_squeeze %dma_wait3A_722 : memref<1x2x64xi32, #tpu.memory_space<vmem>> -> memref<2x64xi32, #tpu.memory_space<vmem>>
        %dma_wait3A_724 = arith.constant 0 : i32
        %dma_wait3A_725 = arith.constant 0 : i32
        %dma_wait3A_726 = tpu.memref_slice %arg3[%add3A, %dma_wait3A_710, %dma_wait3A_724, %dma_wait3A_725] : memref<32x158x2x64xi32, #tpu.memory_space<hbm>> -> memref<1x1x2x64xi32, #tpu.memory_space<hbm>>
        %dma_wait3A_727 = tpu.memref_squeeze %dma_wait3A_726 : memref<1x1x2x64xi32, #tpu.memory_space<hbm>> -> memref<2x64xi32, #tpu.memory_space<hbm>>
        tpu.wait_dma2 semaphore(%arg21 : memref<!tpu.dma_semaphore, #tpu.memory_space<semaphore_mem>>) src(%dma_wait3A_727 : memref<2x64xi32, #tpu.memory_space<hbm>>) dst(%dma_wait3A_723 : memref<2x64xi32, #tpu.memory_space<vmem>>)
        %dma_wait3A_728 = arith.constant 0 : i32
        %dma_wait3A_729 = arith.constant 0 : i32
        %dma_wait3A_730 = arith.constant 0 : i32
        %dma_wait3A_731 = tpu.memref_slice %arg13[%dma_wait3A_729, %dma_wait3A_730] : memref<2x64xf32, #tpu.memory_space<vmem>> -> memref<1x64xf32, #tpu.memory_space<vmem>>
        %dma_wait3A_732 = tpu.memref_squeeze %dma_wait3A_731 : memref<1x64xf32, #tpu.memory_space<vmem>> -> memref<64xf32, #tpu.memory_space<vmem>>
        %dma_wait3A_733 = arith.constant 0 : i32
        %dma_wait3A_734 = tpu.memref_slice %arg4[%add3A, %dma_wait3A_728, %dma_wait3A_733] : memref<32x158x64xf32, #tpu.memory_space<hbm>> -> memref<1x1x64xf32, #tpu.memory_space<hbm>>
        %dma_wait3A_735 = tpu.memref_squeeze %dma_wait3A_734 : memref<1x1x64xf32, #tpu.memory_space<hbm>> -> memref<64xf32, #tpu.memory_space<hbm>>
        %dma_wait3A_736 = arith.constant 0 : i32
        %dma_wait3A_737 = tpu.memref_slice %arg13[%dma_wait3A_729, %dma_wait3A_736] : memref<2x64xf32, #tpu.memory_space<vmem>> -> memref<1x64xf32, #tpu.memory_space<vmem>>
        %dma_wait3A_738 = tpu.memref_squeeze %dma_wait3A_737 : memref<1x64xf32, #tpu.memory_space<vmem>> -> memref<64xf32, #tpu.memory_space<vmem>>
        %dma_wait3A_739 = arith.constant 0 : i32
        %dma_wait3A_740 = tpu.memref_slice %arg4[%add3A, %dma_wait3A_728, %dma_wait3A_739] : memref<32x158x64xf32, #tpu.memory_space<hbm>> -> memref<1x1x64xf32, #tpu.memory_space<hbm>>
        %dma_wait3A_741 = tpu.memref_squeeze %dma_wait3A_740 : memref<1x1x64xf32, #tpu.memory_space<hbm>> -> memref<64xf32, #tpu.memory_space<hbm>>
        tpu.wait_dma2 semaphore(%arg21 : memref<!tpu.dma_semaphore, #tpu.memory_space<semaphore_mem>>) src(%dma_wait3A_741 : memref<64xf32, #tpu.memory_space<hbm>>) dst(%dma_wait3A_738 : memref<64xf32, #tpu.memory_space<vmem>>)
        %convert_element_type3A_742 = arith.extui %scan3A_165 : i1 to i32
        %cond3A_743 = arith.constant 0 : i32
        %cond3A_744 = arith.cmpi ne, %convert_element_type3A_742, %cond3A_743 : i32
        scf.if %cond3A_744 {
          %dma_wait3A_758 = arith.constant 0 : i32
          %dma_wait3A_759 = arith.constant 0 : i32
          %dma_wait3A_760 = arith.constant 0 : i32
          %dma_wait3A_761 = arith.constant 0 : i32
          %dma_wait3A_762 = tpu.memref_slice %arg18[%dma_wait3A_758, %dma_wait3A_760, %dma_wait3A_761] : memref<2x64x128xf32, #tpu.memory_space<vmem>> -> memref<1x64x128xf32, #tpu.memory_space<vmem>>
          %dma_wait3A_763 = tpu.memref_squeeze %dma_wait3A_762 : memref<1x64x128xf32, #tpu.memory_space<vmem>> -> memref<64x128xf32, #tpu.memory_space<vmem>>
          %dma_wait3A_764 = arith.constant 0 : i32
          %dma_wait3A_765 = tpu.memref_slice %arg16[%dma_wait3A_759, %dma_wait3A_764] : memref<2x64xi32, #tpu.memory_space<vmem>> -> memref<1x64xi32, #tpu.memory_space<vmem>>
          %dma_wait3A_766 = tpu.memref_squeeze %dma_wait3A_765 : memref<1x64xi32, #tpu.memory_space<vmem>> -> memref<64xi32, #tpu.memory_space<vmem>>
          %dma_wait3A_767 = arith.constant 0 : i32
          %dma_wait3A_768 = arith.constant 0 : i32
          %dma_wait3A_769 = tpu.memref_slice %arg27[%dma_wait3A_767, %dma_wait3A_768] : memref<10240x128xf32, #tpu.memory_space<vmem_shared>> -> memref<10240x128xf32, #tpu.memory_space<vmem_shared>>
          tpu.wait_indirect_dma semaphore(%arg25 : memref<!tpu.dma_semaphore, #tpu.memory_space<semaphore_mem>>) src(%dma_wait3A_763 : memref<64x128xf32, #tpu.memory_space<vmem>>) dst(%dma_wait3A_769 : memref<10240x128xf32, #tpu.memory_space<vmem_shared>>)
          %dma_wait3A_770 = arith.constant 0 : i32
          %dma_wait3A_771 = arith.constant 0 : i32
          %dma_wait3A_772 = arith.constant 0 : i32
          %dma_wait3A_773 = tpu.memref_slice %arg14[%dma_wait3A_770, %dma_wait3A_772] : memref<2x64xf32, #tpu.memory_space<vmem>> -> memref<1x64xf32, #tpu.memory_space<vmem>>
          %dma_wait3A_774 = tpu.memref_squeeze %dma_wait3A_773 : memref<1x64xf32, #tpu.memory_space<vmem>> -> memref<64xf32, #tpu.memory_space<vmem>>
          %dma_wait3A_775 = arith.constant 0 : i32
          %dma_wait3A_776 = tpu.memref_slice %arg16[%dma_wait3A_771, %dma_wait3A_775] : memref<2x64xi32, #tpu.memory_space<vmem>> -> memref<1x64xi32, #tpu.memory_space<vmem>>
          %dma_wait3A_777 = tpu.memref_squeeze %dma_wait3A_776 : memref<1x64xi32, #tpu.memory_space<vmem>> -> memref<64xi32, #tpu.memory_space<vmem>>
          %dma_wait3A_778 = arith.constant 0 : i32
          %dma_wait3A_779 = tpu.memref_slice %arg28[%dma_wait3A_778] : memref<10240xf32, #tpu.memory_space<vmem_shared>> -> memref<10240xf32, #tpu.memory_space<vmem_shared>>
          tpu.wait_indirect_dma semaphore(%arg25 : memref<!tpu.dma_semaphore, #tpu.memory_space<semaphore_mem>>) src(%dma_wait3A_774 : memref<64xf32, #tpu.memory_space<vmem>>) dst(%dma_wait3A_779 : memref<10240xf32, #tpu.memory_space<vmem_shared>>)
          %dma_wait3A_780 = arith.constant 0 : i32
          %dma_wait3A_781 = arith.constant 0 : i32
          %dma_wait3A_782 = arith.constant 0 : i32
          %dma_wait3A_783 = tpu.memref_slice %arg15[%dma_wait3A_780, %dma_wait3A_782] : memref<2x64xf32, #tpu.memory_space<vmem>> -> memref<1x64xf32, #tpu.memory_space<vmem>>
          %dma_wait3A_784 = tpu.memref_squeeze %dma_wait3A_783 : memref<1x64xf32, #tpu.memory_space<vmem>> -> memref<64xf32, #tpu.memory_space<vmem>>
          %dma_wait3A_785 = arith.constant 0 : i32
          %dma_wait3A_786 = tpu.memref_slice %arg16[%dma_wait3A_781, %dma_wait3A_785] : memref<2x64xi32, #tpu.memory_space<vmem>> -> memref<1x64xi32, #tpu.memory_space<vmem>>
          %dma_wait3A_787 = tpu.memref_squeeze %dma_wait3A_786 : memref<1x64xi32, #tpu.memory_space<vmem>> -> memref<64xi32, #tpu.memory_space<vmem>>
          %dma_wait3A_788 = arith.constant 0 : i32
          %dma_wait3A_789 = tpu.memref_slice %arg29[%dma_wait3A_788] : memref<10240xf32, #tpu.memory_space<vmem_shared>> -> memref<10240xf32, #tpu.memory_space<vmem_shared>>
          tpu.wait_indirect_dma semaphore(%arg25 : memref<!tpu.dma_semaphore, #tpu.memory_space<semaphore_mem>>) src(%dma_wait3A_784 : memref<64xf32, #tpu.memory_space<vmem>>) dst(%dma_wait3A_789 : memref<10240xf32, #tpu.memory_space<vmem_shared>>)
          %dma_wait3A_790 = arith.constant 0 : i32
          %dma_wait3A_791 = arith.constant 0 : i32
          %dma_wait3A_792 = tpu.memref_slice %arg16[%dma_wait3A_790, %dma_wait3A_791] : memref<2x64xi32, #tpu.memory_space<vmem>> -> memref<1x64xi32, #tpu.memory_space<vmem>>
          %dma_wait3A_793 = tpu.memref_squeeze %dma_wait3A_792 : memref<1x64xi32, #tpu.memory_space<vmem>> -> memref<64xi32, #tpu.memory_space<vmem>>
          %dma_wait3A_794 = arith.constant 0 : i32
          %dma_wait3A_795 = tpu.memref_slice %arg30[%dma_wait3A_794] : memref<10240xf32, #tpu.memory_space<vmem_shared>> -> memref<10240xf32, #tpu.memory_space<vmem_shared>>
          tpu.wait_indirect_dma semaphore(%arg25 : memref<!tpu.dma_semaphore, #tpu.memory_space<semaphore_mem>>) src(%arg17 : memref<64xf32, #tpu.memory_space<vmem>>) dst(%dma_wait3A_795 : memref<10240xf32, #tpu.memory_space<vmem_shared>>)
        } else {
        }
        %dma_start3A_745 = arith.constant 0 : i32
        %dma_start3A_746 = arith.constant 0 : i32
        %dma_start3A_747 = arith.constant 0 : i32
        %dma_start3A_748 = arith.constant 0 : i32
        %dma_start3A_749 = arith.constant 0 : i32
        %dma_start3A_750 = tpu.memref_slice %arg18[%dma_start3A_747, %dma_start3A_748, %dma_start3A_749] : memref<2x64x128xf32, #tpu.memory_space<vmem>> -> memref<1x64x128xf32, #tpu.memory_space<vmem>>
        %dma_start3A_751 = tpu.memref_squeeze %dma_start3A_750 : memref<1x64x128xf32, #tpu.memory_space<vmem>> -> memref<64x128xf32, #tpu.memory_space<vmem>>
        %dma_start3A_752 = arith.constant 0 : i32
        %dma_start3A_753 = tpu.memref_slice %arg12[%dma_start3A_745, %dma_start3A_746, %dma_start3A_752] : memref<2x2x64xi32, #tpu.memory_space<vmem>> -> memref<1x1x64xi32, #tpu.memory_space<vmem>>
        %dma_start3A_754 = tpu.memref_squeeze %dma_start3A_753 : memref<1x1x64xi32, #tpu.memory_space<vmem>> -> memref<64xi32, #tpu.memory_space<vmem>>
        %dma_start3A_755 = arith.constant 0 : i32
        %dma_start3A_756 = arith.constant 0 : i32
        %dma_start3A_757 = tpu.memref_slice %arg2[%dma_start3A_755, %dma_start3A_756] : memref<10000x128xf32, #tpu.memory_space<hbm>> -> memref<10000x128xf32, #tpu.memory_space<hbm>>
        tpu.enqueue_indirect_dma source(%dma_start3A_757 : memref<10000x128xf32, #tpu.memory_space<hbm>>) target(%dma_start3A_751 : memref<64x128xf32, #tpu.memory_space<vmem>>) offsets(%dma_start3A_754 : memref<64xi32, #tpu.memory_space<vmem>>) semaphore(%arg23 : memref<!tpu.dma_semaphore, #tpu.memory_space<semaphore_mem>>)
      } else {
      }
      %get3A_486 = arith.constant 1 : i32
      %get3A_487 = arith.constant 0 : i32
      %get3A_488 = arith.index_cast %get3A_486 : i32 to index
      %get3A_489 = arith.index_cast %get3A_487 : i32 to index
      %get3A_490 = arith.constant 0 : index
      %get3A_491 = tpu.vector_load %arg12[%get3A_488, %get3A_489, %get3A_490] {strides = array<i32>} : memref<2x2x64xi32, #tpu.memory_space<vmem>>, vector<16xi32>,
      %get3A_492 = arith.constant 1 : i32
      %get3A_493 = arith.constant 1 : i32
      %get3A_494 = arith.index_cast %get3A_492 : i32 to index
      %get3A_495 = arith.index_cast %get3A_493 : i32 to index
      %get3A_496 = arith.constant 0 : index
      %get3A_497 = tpu.vector_load %arg12[%get3A_494, %get3A_495, %get3A_496] {strides = array<i32>} : memref<2x2x64xi32, #tpu.memory_space<vmem>>, vector<16xi32>,
      %get3A_498 = arith.constant 1 : i32
      %get3A_499 = arith.index_cast %get3A_498 : i32 to index
      %get3A_500 = arith.constant 0 : index
      %get3A_501 = tpu.vector_load %arg13[%get3A_499, %get3A_500] {strides = array<i32>} : memref<2x64xf32, #tpu.memory_space<vmem>>, vector<16xf32>,
      %gather3A_502 = tpu.vector_load_idx %arg19[%get3A_491] : memref<10000xf32, #tpu.memory_space<vmem>>[vector<16xi32>], vector<16xf32>,
      %gather3A_503 = tpu.vector_load_idx %arg20[%get3A_497] : memref<10008xf32, #tpu.memory_space<vmem>>[vector<16xi32>], vector<16xf32>,
      %add3A_504 = arith.addf %gather3A_502, %gather3A_503 : vector<16xf32>
      %add3A_505 = arith.addf %add3A_504, %get3A_501 : vector<16xf32>
      %ge3A_506 = arith.constant 0.000000e+00 : f32
      %ge3A_507 = vector.broadcast %ge3A_506 : f32 to vector<16xf32>
      %ge3A_508 = arith.cmpf oge, %add3A_505, %ge3A_507 : vector<16xf32>
      %mul3A_509 = arith.constant 2.000000e-01 : f32
      %mul3A_510 = vector.broadcast %mul3A_509 : f32 to vector<16xf32>
      %mul3A_511 = arith.mulf %mul3A_510, %add3A_505 : vector<16xf32>
      %select_n3A_512 = arith.select %ge3A_508, %add3A_505, %mul3A_511 : vector<16xi1>, vector<16xf32>
      %exp3A_513 = math.exp %select_n3A_512 : vector<16xf32>
      %swap3A_514 = arith.constant 1 : i32
      %swap3A_515 = arith.index_cast %swap3A_514 : i32 to index
      %swap3A_516 = arith.constant 0 : index
      %swap3A_517 = tpu.vector_load %arg14[%swap3A_515, %swap3A_516] {strides = array<i32>} : memref<2x64xf32, #tpu.memory_space<vmem>>, vector<16xf32>,
      tpu.vector_store %arg14[%swap3A_515, %swap3A_516], %exp3A_513 {strides = array<i32>} : memref<2x64xf32, #tpu.memory_space<vmem>>, vector<16xf32>,
      %swap3A_518 = arith.constant 1 : i32
      %swap3A_519 = arith.index_cast %swap3A_518 : i32 to index
      %swap3A_520 = arith.constant 0 : index
      %swap3A_521 = tpu.vector_load %arg15[%swap3A_519, %swap3A_520] {strides = array<i32>} : memref<2x64xf32, #tpu.memory_space<vmem>>, vector<16xf32>,
      tpu.vector_store %arg15[%swap3A_519, %swap3A_520], %get3A_501 {strides = array<i32>} : memref<2x64xf32, #tpu.memory_space<vmem>>, vector<16xf32>,
      %swap3A_522 = arith.constant 1 : i32
      %swap3A_523 = arith.index_cast %swap3A_522 : i32 to index
      %swap3A_524 = arith.constant 0 : index
      %swap3A_525 = tpu.vector_load %arg16[%swap3A_523, %swap3A_524] {strides = array<i32>} : memref<2x64xi32, #tpu.memory_space<vmem>>, vector<16xi32>,
      tpu.vector_store %arg16[%swap3A_523, %swap3A_524], %get3A_497 {strides = array<i32>} : memref<2x64xi32, #tpu.memory_space<vmem>>, vector<16xi32>,
      %get3A_526 = arith.constant 1 : i32
      %get3A_527 = arith.constant 0 : i32
      %get3A_528 = arith.index_cast %get3A_526 : i32 to index
      %get3A_529 = arith.index_cast %get3A_527 : i32 to index
      %get3A_530 = arith.constant 16 : index
      %get3A_531 = tpu.vector_load %arg12[%get3A_528, %get3A_529, %get3A_530] {strides = array<i32>} : memref<2x2x64xi32, #tpu.memory_space<vmem>>, vector<16xi32>,
      %get3A_532 = arith.constant 1 : i32
      %get3A_533 = arith.constant 1 : i32
      %get3A_534 = arith.index_cast %get3A_532 : i32 to index
      %get3A_535 = arith.index_cast %get3A_533 : i32 to index
      %get3A_536 = arith.constant 16 : index
      %get3A_537 = tpu.vector_load %arg12[%get3A_534, %get3A_535, %get3A_536] {strides = array<i32>} : memref<2x2x64xi32, #tpu.memory_space<vmem>>, vector<16xi32>,
      %get3A_538 = arith.constant 1 : i32
      %get3A_539 = arith.index_cast %get3A_538 : i32 to index
      %get3A_540 = arith.constant 16 : index
      %get3A_541 = tpu.vector_load %arg13[%get3A_539, %get3A_540] {strides = array<i32>} : memref<2x64xf32, #tpu.memory_space<vmem>>, vector<16xf32>,
      %gather3A_542 = tpu.vector_load_idx %arg19[%get3A_531] : memref<10000xf32, #tpu.memory_space<vmem>>[vector<16xi32>], vector<16xf32>,
      %gather3A_543 = tpu.vector_load_idx %arg20[%get3A_537] : memref<10008xf32, #tpu.memory_space<vmem>>[vector<16xi32>], vector<16xf32>,
      %add3A_544 = arith.addf %gather3A_542, %gather3A_543 : vector<16xf32>
      %add3A_545 = arith.addf %add3A_544, %get3A_541 : vector<16xf32>
      %ge3A_546 = arith.constant 0.000000e+00 : f32
      %ge3A_547 = vector.broadcast %ge3A_546 : f32 to vector<16xf32>
      %ge3A_548 = arith.cmpf oge, %add3A_545, %ge3A_547 : vector<16xf32>
      %mul3A_549 = arith.constant 2.000000e-01 : f32
      %mul3A_550 = vector.broadcast %mul3A_549 : f32 to vector<16xf32>
      %mul3A_551 = arith.mulf %mul3A_550, %add3A_545 : vector<16xf32>
      %select_n3A_552 = arith.select %ge3A_548, %add3A_545, %mul3A_551 : vector<16xi1>, vector<16xf32>
      %exp3A_553 = math.exp %select_n3A_552 : vector<16xf32>
      %swap3A_554 = arith.constant 1 : i32
      %swap3A_555 = arith.index_cast %swap3A_554 : i32 to index
      %swap3A_556 = arith.constant 16 : index
      %swap3A_557 = tpu.vector_load %arg14[%swap3A_555, %swap3A_556] {strides = array<i32>} : memref<2x64xf32, #tpu.memory_space<vmem>>, vector<16xf32>,
      tpu.vector_store %arg14[%swap3A_555, %swap3A_556], %exp3A_553 {strides = array<i32>} : memref<2x64xf32, #tpu.memory_space<vmem>>, vector<16xf32>,
      %swap3A_558 = arith.constant 1 : i32
      %swap3A_559 = arith.index_cast %swap3A_558 : i32 to index
      %swap3A_560 = arith.constant 16 : index
      %swap3A_561 = tpu.vector_load %arg15[%swap3A_559, %swap3A_560] {strides = array<i32>} : memref<2x64xf32, #tpu.memory_space<vmem>>, vector<16xf32>,
      tpu.vector_store %arg15[%swap3A_559, %swap3A_560], %get3A_541 {strides = array<i32>} : memref<2x64xf32, #tpu.memory_space<vmem>>, vector<16xf32>,
      %swap3A_562 = arith.constant 1 : i32
      %swap3A_563 = arith.index_cast %swap3A_562 : i32 to index
      %swap3A_564 = arith.constant 16 : index
      %swap3A_565 = tpu.vector_load %arg16[%swap3A_563, %swap3A_564] {strides = array<i32>} : memref<2x64xi32, #tpu.memory_space<vmem>>, vector<16xi32>,
      tpu.vector_store %arg16[%swap3A_563, %swap3A_564], %get3A_537 {strides = array<i32>} : memref<2x64xi32, #tpu.memory_space<vmem>>, vector<16xi32>,
      %get3A_566 = arith.constant 1 : i32
      %get3A_567 = arith.constant 0 : i32
      %get3A_568 = arith.index_cast %get3A_566 : i32 to index
      %get3A_569 = arith.index_cast %get3A_567 : i32 to index
      %get3A_570 = arith.constant 32 : index
      %get3A_571 = tpu.vector_load %arg12[%get3A_568, %get3A_569, %get3A_570] {strides = array<i32>} : memref<2x2x64xi32, #tpu.memory_space<vmem>>, vector<16xi32>,
      %get3A_572 = arith.constant 1 : i32
      %get3A_573 = arith.constant 1 : i32
      %get3A_574 = arith.index_cast %get3A_572 : i32 to index
      %get3A_575 = arith.index_cast %get3A_573 : i32 to index
      %get3A_576 = arith.constant 32 : index
      %get3A_577 = tpu.vector_load %arg12[%get3A_574, %get3A_575, %get3A_576] {strides = array<i32>} : memref<2x2x64xi32, #tpu.memory_space<vmem>>, vector<16xi32>,
      %get3A_578 = arith.constant 1 : i32
      %get3A_579 = arith.index_cast %get3A_578 : i32 to index
      %get3A_580 = arith.constant 32 : index
      %get3A_581 = tpu.vector_load %arg13[%get3A_579, %get3A_580] {strides = array<i32>} : memref<2x64xf32, #tpu.memory_space<vmem>>, vector<16xf32>,
      %gather3A_582 = tpu.vector_load_idx %arg19[%get3A_571] : memref<10000xf32, #tpu.memory_space<vmem>>[vector<16xi32>], vector<16xf32>,
      %gather3A_583 = tpu.vector_load_idx %arg20[%get3A_577] : memref<10008xf32, #tpu.memory_space<vmem>>[vector<16xi32>], vector<16xf32>,
      %add3A_584 = arith.addf %gather3A_582, %gather3A_583 : vector<16xf32>
      %add3A_585 = arith.addf %add3A_584, %get3A_581 : vector<16xf32>
      %ge3A_586 = arith.constant 0.000000e+00 : f32
      %ge3A_587 = vector.broadcast %ge3A_586 : f32 to vector<16xf32>
      %ge3A_588 = arith.cmpf oge, %add3A_585, %ge3A_587 : vector<16xf32>
      %mul3A_589 = arith.constant 2.000000e-01 : f32
      %mul3A_590 = vector.broadcast %mul3A_589 : f32 to vector<16xf32>
      %mul3A_591 = arith.mulf %mul3A_590, %add3A_585 : vector<16xf32>
      %select_n3A_592 = arith.select %ge3A_588, %add3A_585, %mul3A_591 : vector<16xi1>, vector<16xf32>
      %exp3A_593 = math.exp %select_n3A_592 : vector<16xf32>
      %swap3A_594 = arith.constant 1 : i32
      %swap3A_595 = arith.index_cast %swap3A_594 : i32 to index
      %swap3A_596 = arith.constant 32 : index
      %swap3A_597 = tpu.vector_load %arg14[%swap3A_595, %swap3A_596] {strides = array<i32>} : memref<2x64xf32, #tpu.memory_space<vmem>>, vector<16xf32>,
      tpu.vector_store %arg14[%swap3A_595, %swap3A_596], %exp3A_593 {strides = array<i32>} : memref<2x64xf32, #tpu.memory_space<vmem>>, vector<16xf32>,
      %swap3A_598 = arith.constant 1 : i32
      %swap3A_599 = arith.index_cast %swap3A_598 : i32 to index
      %swap3A_600 = arith.constant 32 : index
      %swap3A_601 = tpu.vector_load %arg15[%swap3A_599, %swap3A_600] {strides = array<i32>} : memref<2x64xf32, #tpu.memory_space<vmem>>, vector<16xf32>,
      tpu.vector_store %arg15[%swap3A_599, %swap3A_600], %get3A_581 {strides = array<i32>} : memref<2x64xf32, #tpu.memory_space<vmem>>, vector<16xf32>,
      %swap3A_602 = arith.constant 1 : i32
      %swap3A_603 = arith.index_cast %swap3A_602 : i32 to index
      %swap3A_604 = arith.constant 32 : index
      %swap3A_605 = tpu.vector_load %arg16[%swap3A_603, %swap3A_604] {strides = array<i32>} : memref<2x64xi32, #tpu.memory_space<vmem>>, vector<16xi32>,
      tpu.vector_store %arg16[%swap3A_603, %swap3A_604], %get3A_577 {strides = array<i32>} : memref<2x64xi32, #tpu.memory_space<vmem>>, vector<16xi32>,
      %get3A_606 = arith.constant 1 : i32
      %get3A_607 = arith.constant 0 : i32
      %get3A_608 = arith.index_cast %get3A_606 : i32 to index
      %get3A_609 = arith.index_cast %get3A_607 : i32 to index
      %get3A_610 = arith.constant 48 : index
      %get3A_611 = tpu.vector_load %arg12[%get3A_608, %get3A_609, %get3A_610] {strides = array<i32>} : memref<2x2x64xi32, #tpu.memory_space<vmem>>, vector<16xi32>,
      %get3A_612 = arith.constant 1 : i32
      %get3A_613 = arith.constant 1 : i32
      %get3A_614 = arith.index_cast %get3A_612 : i32 to index
      %get3A_615 = arith.index_cast %get3A_613 : i32 to index
      %get3A_616 = arith.constant 48 : index
      %get3A_617 = tpu.vector_load %arg12[%get3A_614, %get3A_615, %get3A_616] {strides = array<i32>} : memref<2x2x64xi32, #tpu.memory_space<vmem>>, vector<16xi32>,
      %get3A_618 = arith.constant 1 : i32
      %get3A_619 = arith.index_cast %get3A_618 : i32 to index
      %get3A_620 = arith.constant 48 : index
      %get3A_621 = tpu.vector_load %arg13[%get3A_619, %get3A_620] {strides = array<i32>} : memref<2x64xf32, #tpu.memory_space<vmem>>, vector<16xf32>,
      %gather3A_622 = tpu.vector_load_idx %arg19[%get3A_611] : memref<10000xf32, #tpu.memory_space<vmem>>[vector<16xi32>], vector<16xf32>,
      %gather3A_623 = tpu.vector_load_idx %arg20[%get3A_617] : memref<10008xf32, #tpu.memory_space<vmem>>[vector<16xi32>], vector<16xf32>,
      %add3A_624 = arith.addf %gather3A_622, %gather3A_623 : vector<16xf32>
      %add3A_625 = arith.addf %add3A_624, %get3A_621 : vector<16xf32>
      %ge3A_626 = arith.constant 0.000000e+00 : f32
      %ge3A_627 = vector.broadcast %ge3A_626 : f32 to vector<16xf32>
      %ge3A_628 = arith.cmpf oge, %add3A_625, %ge3A_627 : vector<16xf32>
      %mul3A_629 = arith.constant 2.000000e-01 : f32
      %mul3A_630 = vector.broadcast %mul3A_629 : f32 to vector<16xf32>
      %mul3A_631 = arith.mulf %mul3A_630, %add3A_625 : vector<16xf32>
      %select_n3A_632 = arith.select %ge3A_628, %add3A_625, %mul3A_631 : vector<16xi1>, vector<16xf32>
      %exp3A_633 = math.exp %select_n3A_632 : vector<16xf32>
      %swap3A_634 = arith.constant 1 : i32
      %swap3A_635 = arith.index_cast %swap3A_634 : i32 to index
      %swap3A_636 = arith.constant 48 : index
      %swap3A_637 = tpu.vector_load %arg14[%swap3A_635, %swap3A_636] {strides = array<i32>} : memref<2x64xf32, #tpu.memory_space<vmem>>, vector<16xf32>,
      tpu.vector_store %arg14[%swap3A_635, %swap3A_636], %exp3A_633 {strides = array<i32>} : memref<2x64xf32, #tpu.memory_space<vmem>>, vector<16xf32>,
      %swap3A_638 = arith.constant 1 : i32
      %swap3A_639 = arith.index_cast %swap3A_638 : i32 to index
      %swap3A_640 = arith.constant 48 : index
      %swap3A_641 = tpu.vector_load %arg15[%swap3A_639, %swap3A_640] {strides = array<i32>} : memref<2x64xf32, #tpu.memory_space<vmem>>, vector<16xf32>,
      tpu.vector_store %arg15[%swap3A_639, %swap3A_640], %get3A_621 {strides = array<i32>} : memref<2x64xf32, #tpu.memory_space<vmem>>, vector<16xf32>,
      %swap3A_642 = arith.constant 1 : i32
      %swap3A_643 = arith.index_cast %swap3A_642 : i32 to index
      %swap3A_644 = arith.constant 48 : index
      %swap3A_645 = tpu.vector_load %arg16[%swap3A_643, %swap3A_644] {strides = array<i32>} : memref<2x64xi32, #tpu.memory_space<vmem>>, vector<16xi32>,
      tpu.vector_store %arg16[%swap3A_643, %swap3A_644], %get3A_617 {strides = array<i32>} : memref<2x64xi32, #tpu.memory_space<vmem>>, vector<16xi32>,
      %dma_wait3A_646 = arith.constant 1 : i32
      %dma_wait3A_647 = arith.constant 0 : i32
      %dma_wait3A_648 = arith.constant 1 : i32
      %dma_wait3A_649 = arith.constant 0 : i32
      %dma_wait3A_650 = arith.constant 0 : i32
      %dma_wait3A_651 = tpu.memref_slice %arg18[%dma_wait3A_648, %dma_wait3A_649, %dma_wait3A_650] : memref<2x64x128xf32, #tpu.memory_space<vmem>> -> memref<1x64x128xf32, #tpu.memory_space<vmem>>
      %dma_wait3A_652 = tpu.memref_squeeze %dma_wait3A_651 : memref<1x64x128xf32, #tpu.memory_space<vmem>> -> memref<64x128xf32, #tpu.memory_space<vmem>>
      %dma_wait3A_653 = arith.constant 0 : i32
      %dma_wait3A_654 = tpu.memref_slice %arg12[%dma_wait3A_646, %dma_wait3A_647, %dma_wait3A_653] : memref<2x2x64xi32, #tpu.memory_space<vmem>> -> memref<1x1x64xi32, #tpu.memory_space<vmem>>
      %dma_wait3A_655 = tpu.memref_squeeze %dma_wait3A_654 : memref<1x1x64xi32, #tpu.memory_space<vmem>> -> memref<64xi32, #tpu.memory_space<vmem>>
      %dma_wait3A_656 = arith.constant 0 : i32
      %dma_wait3A_657 = arith.constant 0 : i32
      %dma_wait3A_658 = tpu.memref_slice %arg2[%dma_wait3A_656, %dma_wait3A_657] : memref<10000x128xf32, #tpu.memory_space<hbm>> -> memref<10000x128xf32, #tpu.memory_space<hbm>>
      tpu.wait_indirect_dma semaphore(%arg24 : memref<!tpu.dma_semaphore, #tpu.memory_space<semaphore_mem>>) src(%dma_wait3A_658 : memref<10000x128xf32, #tpu.memory_space<hbm>>) dst(%dma_wait3A_652 : memref<64x128xf32, #tpu.memory_space<vmem>>)
      %add3A_659 = arith.constant 1 : i32
      %add3A_660 = arith.addi %add3A_476, %add3A_659 : i32
      %lt3A_661 = arith.constant 158 : i32
      %lt3A_662 = arith.cmpi slt, %add3A_660, %lt3A_661 : i32
      %convert_element_type3A_663 = arith.extui %lt3A_662 : i1 to i32
      %cond3A_664 = arith.constant 0 : i32
      %cond3A_665 = arith.cmpi ne, %convert_element_type3A_663, %cond3A_664 : i32
      scf.if %cond3A_665 {
        %add3A_710 = arith.constant 1 : i32
        %add3A_711 = arith.addi %add3A_476, %add3A_710 : i32
        %dma_start3A_712 = arith.constant 1 : i32
        %dma_start3A_713 = arith.constant 0 : i32
        %dma_start3A_714 = arith.constant 0 : i32
        %dma_start3A_715 = tpu.memref_slice %arg12[%dma_start3A_712, %dma_start3A_713, %dma_start3A_714] : memref<2x2x64xi32, #tpu.memory_space<vmem>> -> memref<1x2x64xi32, #tpu.memory_space<vmem>>
        %dma_start3A_716 = tpu.memref_squeeze %dma_start3A_715 : memref<1x2x64xi32, #tpu.memory_space<vmem>> -> memref<2x64xi32, #tpu.memory_space<vmem>>
        %dma_start3A_717 = arith.constant 0 : i32
        %dma_start3A_718 = arith.constant 0 : i32
        %dma_start3A_719 = tpu.memref_slice %arg3[%add3A, %add3A_711, %dma_start3A_717, %dma_start3A_718] : memref<32x158x2x64xi32, #tpu.memory_space<hbm>> -> memref<1x1x2x64xi32, #tpu.memory_space<hbm>>
        %dma_start3A_720 = tpu.memref_squeeze %dma_start3A_719 : memref<1x1x2x64xi32, #tpu.memory_space<hbm>> -> memref<2x64xi32, #tpu.memory_space<hbm>>
        %dma_start3A_721 = arith.constant 0 : i32
        %dma_start3A_722 = arith.constant 0 : i32
        %dma_start3A_723 = tpu.memref_slice %arg12[%dma_start3A_712, %dma_start3A_721, %dma_start3A_722] : memref<2x2x64xi32, #tpu.memory_space<vmem>> -> memref<1x2x64xi32, #tpu.memory_space<vmem>>
        %dma_start3A_724 = tpu.memref_squeeze %dma_start3A_723 : memref<1x2x64xi32, #tpu.memory_space<vmem>> -> memref<2x64xi32, #tpu.memory_space<vmem>>
        %dma_start3A_725 = arith.constant 0 : i32
        %dma_start3A_726 = arith.constant 0 : i32
        %dma_start3A_727 = tpu.memref_slice %arg3[%add3A, %add3A_711, %dma_start3A_725, %dma_start3A_726] : memref<32x158x2x64xi32, #tpu.memory_space<hbm>> -> memref<1x1x2x64xi32, #tpu.memory_space<hbm>>
        %dma_start3A_728 = tpu.memref_squeeze %dma_start3A_727 : memref<1x1x2x64xi32, #tpu.memory_space<hbm>> -> memref<2x64xi32, #tpu.memory_space<hbm>>
        tpu.enqueue_dma source(%dma_start3A_728 : memref<2x64xi32, #tpu.memory_space<hbm>>) target(%dma_start3A_724 : memref<2x64xi32, #tpu.memory_space<vmem>>) target_semaphore(%arg22 : memref<!tpu.dma_semaphore, #tpu.memory_space<semaphore_mem>>)
        %dma_start3A_729 = arith.constant 1 : i32
        %dma_start3A_730 = arith.constant 0 : i32
        %dma_start3A_731 = tpu.memref_slice %arg13[%dma_start3A_729, %dma_start3A_730] : memref<2x64xf32, #tpu.memory_space<vmem>> -> memref<1x64xf32, #tpu.memory_space<vmem>>
        %dma_start3A_732 = tpu.memref_squeeze %dma_start3A_731 : memref<1x64xf32, #tpu.memory_space<vmem>> -> memref<64xf32, #tpu.memory_space<vmem>>
        %dma_start3A_733 = arith.constant 0 : i32
        %dma_start3A_734 = tpu.memref_slice %arg4[%add3A, %add3A_711, %dma_start3A_733] : memref<32x158x64xf32, #tpu.memory_space<hbm>> -> memref<1x1x64xf32, #tpu.memory_space<hbm>>
        %dma_start3A_735 = tpu.memref_squeeze %dma_start3A_734 : memref<1x1x64xf32, #tpu.memory_space<hbm>> -> memref<64xf32, #tpu.memory_space<hbm>>
        %dma_start3A_736 = arith.constant 0 : i32
        %dma_start3A_737 = tpu.memref_slice %arg13[%dma_start3A_729, %dma_start3A_736] : memref<2x64xf32, #tpu.memory_space<vmem>> -> memref<1x64xf32, #tpu.memory_space<vmem>>
        %dma_start3A_738 = tpu.memref_squeeze %dma_start3A_737 : memref<1x64xf32, #tpu.memory_space<vmem>> -> memref<64xf32, #tpu.memory_space<vmem>>
        %dma_start3A_739 = arith.constant 0 : i32
        %dma_start3A_740 = tpu.memref_slice %arg4[%add3A, %add3A_711, %dma_start3A_739] : memref<32x158x64xf32, #tpu.memory_space<hbm>> -> memref<1x1x64xf32, #tpu.memory_space<hbm>>
        %dma_start3A_741 = tpu.memref_squeeze %dma_start3A_740 : memref<1x1x64xf32, #tpu.memory_space<hbm>> -> memref<64xf32, #tpu.memory_space<hbm>>
        tpu.enqueue_dma source(%dma_start3A_741 : memref<64xf32, #tpu.memory_space<hbm>>) target(%dma_start3A_738 : memref<64xf32, #tpu.memory_space<vmem>>) target_semaphore(%arg22 : memref<!tpu.dma_semaphore, #tpu.memory_space<semaphore_mem>>)
      } else {
      }
      %scan3A_666 = arith.constant 0 : i32
      %scan3A_667 = arith.constant 0 : i32
      %scan3A_668 = arith.constant 64 : i32
      %scan3A_669 = arith.addi %scan3A_667, %scan3A_668 : i32
      %scan3A_670 = arith.constant 2 : i32
      scf.for %scan3A_710 = %scan3A_667 to %scan3A_669 step %scan3A_670  : i32 {
        %broadcast_in_dim3A_711 = arith.constant 1 : i32
        %broadcast_in_dim3A_712 = vector.broadcast %broadcast_in_dim3A_711 : i32 to vector<16xi32>
        %broadcast_in_dim3A_713 = vector.broadcast %scan3A_710 : i32 to vector<16xi32>
        %gather3A_714 = tpu.vector_load_idx %arg14[%broadcast_in_dim3A_712, %broadcast_in_dim3A_713] : memref<2x64xf32, #tpu.memory_space<vmem>>[vector<16xi32>, vector<16xi32>], vector<16xf32>,
        %get3A_715 = arith.constant 1 : i32
        %get3A_716 = arith.index_cast %get3A_715 : i32 to index
        %get3A_717 = arith.index_cast %scan3A_710 : i32 to index
        %get3A_718 = arith.constant 0 : index
        %get3A_719 = tpu.vector_load %arg18[%get3A_716, %get3A_717, %get3A_718] {strides = array<i32>} : memref<2x64x128xf32, #tpu.memory_space<vmem>>, vector<16xf32>,
        %mul3A_720 = arith.mulf %get3A_719, %gather3A_714 : vector<16xf32>
        %swap3A_721 = arith.constant 1 : i32
        %swap3A_722 = arith.index_cast %swap3A_721 : i32 to index
        %swap3A_723 = arith.index_cast %scan3A_710 : i32 to index
        %swap3A_724 = arith.constant 0 : index
        %swap3A_725 = tpu.vector_load %arg18[%swap3A_722, %swap3A_723, %swap3A_724] {strides = array<i32>} : memref<2x64x128xf32, #tpu.memory_space<vmem>>, vector<16xf32>,
        tpu.vector_store %arg18[%swap3A_722, %swap3A_723, %swap3A_724], %mul3A_720 {strides = array<i32>} : memref<2x64x128xf32, #tpu.memory_space<vmem>>, vector<16xf32>,
        %get3A_726 = arith.constant 1 : i32
        %get3A_727 = arith.index_cast %get3A_726 : i32 to index
        %get3A_728 = arith.index_cast %scan3A_710 : i32 to index
        %get3A_729 = arith.constant 16 : index
        %get3A_730 = tpu.vector_load %arg18[%get3A_727, %get3A_728, %get3A_729] {strides = array<i32>} : memref<2x64x128xf32, #tpu.memory_space<vmem>>, vector<16xf32>,
        %mul3A_731 = arith.mulf %get3A_730, %gather3A_714 : vector<16xf32>
        %swap3A_732 = arith.constant 1 : i32
        %swap3A_733 = arith.index_cast %swap3A_732 : i32 to index
        %swap3A_734 = arith.index_cast %scan3A_710 : i32 to index
        %swap3A_735 = arith.constant 16 : index
        %swap3A_736 = tpu.vector_load %arg18[%swap3A_733, %swap3A_734, %swap3A_735] {strides = array<i32>} : memref<2x64x128xf32, #tpu.memory_space<vmem>>, vector<16xf32>,
        tpu.vector_store %arg18[%swap3A_733, %swap3A_734, %swap3A_735], %mul3A_731 {strides = array<i32>} : memref<2x64x128xf32, #tpu.memory_space<vmem>>, vector<16xf32>,
        %get3A_737 = arith.constant 1 : i32
        %get3A_738 = arith.index_cast %get3A_737 : i32 to index
        %get3A_739 = arith.index_cast %scan3A_710 : i32 to index
        %get3A_740 = arith.constant 32 : index
        %get3A_741 = tpu.vector_load %arg18[%get3A_738, %get3A_739, %get3A_740] {strides = array<i32>} : memref<2x64x128xf32, #tpu.memory_space<vmem>>, vector<16xf32>,
        %mul3A_742 = arith.mulf %get3A_741, %gather3A_714 : vector<16xf32>
        %swap3A_743 = arith.constant 1 : i32
        %swap3A_744 = arith.index_cast %swap3A_743 : i32 to index
        %swap3A_745 = arith.index_cast %scan3A_710 : i32 to index
        %swap3A_746 = arith.constant 32 : index
        %swap3A_747 = tpu.vector_load %arg18[%swap3A_744, %swap3A_745, %swap3A_746] {strides = array<i32>} : memref<2x64x128xf32, #tpu.memory_space<vmem>>, vector<16xf32>,
        tpu.vector_store %arg18[%swap3A_744, %swap3A_745, %swap3A_746], %mul3A_742 {strides = array<i32>} : memref<2x64x128xf32, #tpu.memory_space<vmem>>, vector<16xf32>,
        %get3A_748 = arith.constant 1 : i32
        %get3A_749 = arith.index_cast %get3A_748 : i32 to index
        %get3A_750 = arith.index_cast %scan3A_710 : i32 to index
        %get3A_751 = arith.constant 48 : index
        %get3A_752 = tpu.vector_load %arg18[%get3A_749, %get3A_750, %get3A_751] {strides = array<i32>} : memref<2x64x128xf32, #tpu.memory_space<vmem>>, vector<16xf32>,
        %mul3A_753 = arith.mulf %get3A_752, %gather3A_714 : vector<16xf32>
        %swap3A_754 = arith.constant 1 : i32
        %swap3A_755 = arith.index_cast %swap3A_754 : i32 to index
        %swap3A_756 = arith.index_cast %scan3A_710 : i32 to index
        %swap3A_757 = arith.constant 48 : index
        %swap3A_758 = tpu.vector_load %arg18[%swap3A_755, %swap3A_756, %swap3A_757] {strides = array<i32>} : memref<2x64x128xf32, #tpu.memory_space<vmem>>, vector<16xf32>,
        tpu.vector_store %arg18[%swap3A_755, %swap3A_756, %swap3A_757], %mul3A_753 {strides = array<i32>} : memref<2x64x128xf32, #tpu.memory_space<vmem>>, vector<16xf32>,
        %get3A_759 = arith.constant 1 : i32
        %get3A_760 = arith.index_cast %get3A_759 : i32 to index
        %get3A_761 = arith.index_cast %scan3A_710 : i32 to index
        %get3A_762 = arith.constant 64 : index
        %get3A_763 = tpu.vector_load %arg18[%get3A_760, %get3A_761, %get3A_762] {strides = array<i32>} : memref<2x64x128xf32, #tpu.memory_space<vmem>>, vector<16xf32>,
        %mul3A_764 = arith.mulf %get3A_763, %gather3A_714 : vector<16xf32>
        %swap3A_765 = arith.constant 1 : i32
        %swap3A_766 = arith.index_cast %swap3A_765 : i32 to index
        %swap3A_767 = arith.index_cast %scan3A_710 : i32 to index
        %swap3A_768 = arith.constant 64 : index
        %swap3A_769 = tpu.vector_load %arg18[%swap3A_766, %swap3A_767, %swap3A_768] {strides = array<i32>} : memref<2x64x128xf32, #tpu.memory_space<vmem>>, vector<16xf32>,
        tpu.vector_store %arg18[%swap3A_766, %swap3A_767, %swap3A_768], %mul3A_764 {strides = array<i32>} : memref<2x64x128xf32, #tpu.memory_space<vmem>>, vector<16xf32>,
        %get3A_770 = arith.constant 1 : i32
        %get3A_771 = arith.index_cast %get3A_770 : i32 to index
        %get3A_772 = arith.index_cast %scan3A_710 : i32 to index
        %get3A_773 = arith.constant 80 : index
        %get3A_774 = tpu.vector_load %arg18[%get3A_771, %get3A_772, %get3A_773] {strides = array<i32>} : memref<2x64x128xf32, #tpu.memory_space<vmem>>, vector<16xf32>,
        %mul3A_775 = arith.mulf %get3A_774, %gather3A_714 : vector<16xf32>
        %swap3A_776 = arith.constant 1 : i32
        %swap3A_777 = arith.index_cast %swap3A_776 : i32 to index
        %swap3A_778 = arith.index_cast %scan3A_710 : i32 to index
        %swap3A_779 = arith.constant 80 : index
        %swap3A_780 = tpu.vector_load %arg18[%swap3A_777, %swap3A_778, %swap3A_779] {strides = array<i32>} : memref<2x64x128xf32, #tpu.memory_space<vmem>>, vector<16xf32>,
        tpu.vector_store %arg18[%swap3A_777, %swap3A_778, %swap3A_779], %mul3A_775 {strides = array<i32>} : memref<2x64x128xf32, #tpu.memory_space<vmem>>, vector<16xf32>,
        %get3A_781 = arith.constant 1 : i32
        %get3A_782 = arith.index_cast %get3A_781 : i32 to index
        %get3A_783 = arith.index_cast %scan3A_710 : i32 to index
        %get3A_784 = arith.constant 96 : index
        %get3A_785 = tpu.vector_load %arg18[%get3A_782, %get3A_783, %get3A_784] {strides = array<i32>} : memref<2x64x128xf32, #tpu.memory_space<vmem>>, vector<16xf32>,
        %mul3A_786 = arith.mulf %get3A_785, %gather3A_714 : vector<16xf32>
        %swap3A_787 = arith.constant 1 : i32
        %swap3A_788 = arith.index_cast %swap3A_787 : i32 to index
        %swap3A_789 = arith.index_cast %scan3A_710 : i32 to index
        %swap3A_790 = arith.constant 96 : index
        %swap3A_791 = tpu.vector_load %arg18[%swap3A_788, %swap3A_789, %swap3A_790] {strides = array<i32>} : memref<2x64x128xf32, #tpu.memory_space<vmem>>, vector<16xf32>,
        tpu.vector_store %arg18[%swap3A_788, %swap3A_789, %swap3A_790], %mul3A_786 {strides = array<i32>} : memref<2x64x128xf32, #tpu.memory_space<vmem>>, vector<16xf32>,
        %get3A_792 = arith.constant 1 : i32
        %get3A_793 = arith.index_cast %get3A_792 : i32 to index
        %get3A_794 = arith.index_cast %scan3A_710 : i32 to index
        %get3A_795 = arith.constant 112 : index
        %get3A_796 = tpu.vector_load %arg18[%get3A_793, %get3A_794, %get3A_795] {strides = array<i32>} : memref<2x64x128xf32, #tpu.memory_space<vmem>>, vector<16xf32>,
        %mul3A_797 = arith.mulf %get3A_796, %gather3A_714 : vector<16xf32>
        %swap3A_798 = arith.constant 1 : i32
        %swap3A_799 = arith.index_cast %swap3A_798 : i32 to index
        %swap3A_800 = arith.index_cast %scan3A_710 : i32 to index
        %swap3A_801 = arith.constant 112 : index
        %swap3A_802 = tpu.vector_load %arg18[%swap3A_799, %swap3A_800, %swap3A_801] {strides = array<i32>} : memref<2x64x128xf32, #tpu.memory_space<vmem>>, vector<16xf32>,
        tpu.vector_store %arg18[%swap3A_799, %swap3A_800, %swap3A_801], %mul3A_797 {strides = array<i32>} : memref<2x64x128xf32, #tpu.memory_space<vmem>>, vector<16xf32>,
        %scan3A_803 = arith.constant 1 : i32
        %scan3A_804 = arith.addi %scan3A_710, %scan3A_803 : i32
        %broadcast_in_dim3A_805 = arith.constant 1 : i32
        %broadcast_in_dim3A_806 = vector.broadcast %broadcast_in_dim3A_805 : i32 to vector<16xi32>
        %broadcast_in_dim3A_807 = vector.broadcast %scan3A_804 : i32 to vector<16xi32>
        %gather3A_808 = tpu.vector_load_idx %arg14[%broadcast_in_dim3A_806, %broadcast_in_dim3A_807] : memref<2x64xf32, #tpu.memory_space<vmem>>[vector<16xi32>, vector<16xi32>], vector<16xf32>,
        %get3A_809 = arith.constant 1 : i32
        %get3A_810 = arith.index_cast %get3A_809 : i32 to index
        %get3A_811 = arith.index_cast %scan3A_804 : i32 to index
        %get3A_812 = arith.constant 0 : index
        %get3A_813 = tpu.vector_load %arg18[%get3A_810, %get3A_811, %get3A_812] {strides = array<i32>} : memref<2x64x128xf32, #tpu.memory_space<vmem>>, vector<16xf32>,
        %mul3A_814 = arith.mulf %get3A_813, %gather3A_808 : vector<16xf32>
        %swap3A_815 = arith.constant 1 : i32
        %swap3A_816 = arith.index_cast %swap3A_815 : i32 to index
        %swap3A_817 = arith.index_cast %scan3A_804 : i32 to index
        %swap3A_818 = arith.constant 0 : index
        %swap3A_819 = tpu.vector_load %arg18[%swap3A_816, %swap3A_817, %swap3A_818] {strides = array<i32>} : memref<2x64x128xf32, #tpu.memory_space<vmem>>, vector<16xf32>,
        tpu.vector_store %arg18[%swap3A_816, %swap3A_817, %swap3A_818], %mul3A_814 {strides = array<i32>} : memref<2x64x128xf32, #tpu.memory_space<vmem>>, vector<16xf32>,
        %get3A_820 = arith.constant 1 : i32
        %get3A_821 = arith.index_cast %get3A_820 : i32 to index
        %get3A_822 = arith.index_cast %scan3A_804 : i32 to index
        %get3A_823 = arith.constant 16 : index
        %get3A_824 = tpu.vector_load %arg18[%get3A_821, %get3A_822, %get3A_823] {strides = array<i32>} : memref<2x64x128xf32, #tpu.memory_space<vmem>>, vector<16xf32>,
        %mul3A_825 = arith.mulf %get3A_824, %gather3A_808 : vector<16xf32>
        %swap3A_826 = arith.constant 1 : i32
        %swap3A_827 = arith.index_cast %swap3A_826 : i32 to index
        %swap3A_828 = arith.index_cast %scan3A_804 : i32 to index
        %swap3A_829 = arith.constant 16 : index
        %swap3A_830 = tpu.vector_load %arg18[%swap3A_827, %swap3A_828, %swap3A_829] {strides = array<i32>} : memref<2x64x128xf32, #tpu.memory_space<vmem>>, vector<16xf32>,
        tpu.vector_store %arg18[%swap3A_827, %swap3A_828, %swap3A_829], %mul3A_825 {strides = array<i32>} : memref<2x64x128xf32, #tpu.memory_space<vmem>>, vector<16xf32>,
        %get3A_831 = arith.constant 1 : i32
        %get3A_832 = arith.index_cast %get3A_831 : i32 to index
        %get3A_833 = arith.index_cast %scan3A_804 : i32 to index
        %get3A_834 = arith.constant 32 : index
        %get3A_835 = tpu.vector_load %arg18[%get3A_832, %get3A_833, %get3A_834] {strides = array<i32>} : memref<2x64x128xf32, #tpu.memory_space<vmem>>, vector<16xf32>,
        %mul3A_836 = arith.mulf %get3A_835, %gather3A_808 : vector<16xf32>
        %swap3A_837 = arith.constant 1 : i32
        %swap3A_838 = arith.index_cast %swap3A_837 : i32 to index
        %swap3A_839 = arith.index_cast %scan3A_804 : i32 to index
        %swap3A_840 = arith.constant 32 : index
        %swap3A_841 = tpu.vector_load %arg18[%swap3A_838, %swap3A_839, %swap3A_840] {strides = array<i32>} : memref<2x64x128xf32, #tpu.memory_space<vmem>>, vector<16xf32>,
        tpu.vector_store %arg18[%swap3A_838, %swap3A_839, %swap3A_840], %mul3A_836 {strides = array<i32>} : memref<2x64x128xf32, #tpu.memory_space<vmem>>, vector<16xf32>,
        %get3A_842 = arith.constant 1 : i32
        %get3A_843 = arith.index_cast %get3A_842 : i32 to index
        %get3A_844 = arith.index_cast %scan3A_804 : i32 to index
        %get3A_845 = arith.constant 48 : index
        %get3A_846 = tpu.vector_load %arg18[%get3A_843, %get3A_844, %get3A_845] {strides = array<i32>} : memref<2x64x128xf32, #tpu.memory_space<vmem>>, vector<16xf32>,
        %mul3A_847 = arith.mulf %get3A_846, %gather3A_808 : vector<16xf32>
        %swap3A_848 = arith.constant 1 : i32
        %swap3A_849 = arith.index_cast %swap3A_848 : i32 to index
        %swap3A_850 = arith.index_cast %scan3A_804 : i32 to index
        %swap3A_851 = arith.constant 48 : index
        %swap3A_852 = tpu.vector_load %arg18[%swap3A_849, %swap3A_850, %swap3A_851] {strides = array<i32>} : memref<2x64x128xf32, #tpu.memory_space<vmem>>, vector<16xf32>,
        tpu.vector_store %arg18[%swap3A_849, %swap3A_850, %swap3A_851], %mul3A_847 {strides = array<i32>} : memref<2x64x128xf32, #tpu.memory_space<vmem>>, vector<16xf32>,
        %get3A_853 = arith.constant 1 : i32
        %get3A_854 = arith.index_cast %get3A_853 : i32 to index
        %get3A_855 = arith.index_cast %scan3A_804 : i32 to index
        %get3A_856 = arith.constant 64 : index
        %get3A_857 = tpu.vector_load %arg18[%get3A_854, %get3A_855, %get3A_856] {strides = array<i32>} : memref<2x64x128xf32, #tpu.memory_space<vmem>>, vector<16xf32>,
        %mul3A_858 = arith.mulf %get3A_857, %gather3A_808 : vector<16xf32>
        %swap3A_859 = arith.constant 1 : i32
        %swap3A_860 = arith.index_cast %swap3A_859 : i32 to index
        %swap3A_861 = arith.index_cast %scan3A_804 : i32 to index
        %swap3A_862 = arith.constant 64 : index
        %swap3A_863 = tpu.vector_load %arg18[%swap3A_860, %swap3A_861, %swap3A_862] {strides = array<i32>} : memref<2x64x128xf32, #tpu.memory_space<vmem>>, vector<16xf32>,
        tpu.vector_store %arg18[%swap3A_860, %swap3A_861, %swap3A_862], %mul3A_858 {strides = array<i32>} : memref<2x64x128xf32, #tpu.memory_space<vmem>>, vector<16xf32>,
        %get3A_864 = arith.constant 1 : i32
        %get3A_865 = arith.index_cast %get3A_864 : i32 to index
        %get3A_866 = arith.index_cast %scan3A_804 : i32 to index
        %get3A_867 = arith.constant 80 : index
        %get3A_868 = tpu.vector_load %arg18[%get3A_865, %get3A_866, %get3A_867] {strides = array<i32>} : memref<2x64x128xf32, #tpu.memory_space<vmem>>, vector<16xf32>,
        %mul3A_869 = arith.mulf %get3A_868, %gather3A_808 : vector<16xf32>
        %swap3A_870 = arith.constant 1 : i32
        %swap3A_871 = arith.index_cast %swap3A_870 : i32 to index
        %swap3A_872 = arith.index_cast %scan3A_804 : i32 to index
        %swap3A_873 = arith.constant 80 : index
        %swap3A_874 = tpu.vector_load %arg18[%swap3A_871, %swap3A_872, %swap3A_873] {strides = array<i32>} : memref<2x64x128xf32, #tpu.memory_space<vmem>>, vector<16xf32>,
        tpu.vector_store %arg18[%swap3A_871, %swap3A_872, %swap3A_873], %mul3A_869 {strides = array<i32>} : memref<2x64x128xf32, #tpu.memory_space<vmem>>, vector<16xf32>,
        %get3A_875 = arith.constant 1 : i32
        %get3A_876 = arith.index_cast %get3A_875 : i32 to index
        %get3A_877 = arith.index_cast %scan3A_804 : i32 to index
        %get3A_878 = arith.constant 96 : index
        %get3A_879 = tpu.vector_load %arg18[%get3A_876, %get3A_877, %get3A_878] {strides = array<i32>} : memref<2x64x128xf32, #tpu.memory_space<vmem>>, vector<16xf32>,
        %mul3A_880 = arith.mulf %get3A_879, %gather3A_808 : vector<16xf32>
        %swap3A_881 = arith.constant 1 : i32
        %swap3A_882 = arith.index_cast %swap3A_881 : i32 to index
        %swap3A_883 = arith.index_cast %scan3A_804 : i32 to index
        %swap3A_884 = arith.constant 96 : index
        %swap3A_885 = tpu.vector_load %arg18[%swap3A_882, %swap3A_883, %swap3A_884] {strides = array<i32>} : memref<2x64x128xf32, #tpu.memory_space<vmem>>, vector<16xf32>,
        tpu.vector_store %arg18[%swap3A_882, %swap3A_883, %swap3A_884], %mul3A_880 {strides = array<i32>} : memref<2x64x128xf32, #tpu.memory_space<vmem>>, vector<16xf32>,
        %get3A_886 = arith.constant 1 : i32
        %get3A_887 = arith.index_cast %get3A_886 : i32 to index
        %get3A_888 = arith.index_cast %scan3A_804 : i32 to index
        %get3A_889 = arith.constant 112 : index
        %get3A_890 = tpu.vector_load %arg18[%get3A_887, %get3A_888, %get3A_889] {strides = array<i32>} : memref<2x64x128xf32, #tpu.memory_space<vmem>>, vector<16xf32>,
        %mul3A_891 = arith.mulf %get3A_890, %gather3A_808 : vector<16xf32>
        %swap3A_892 = arith.constant 1 : i32
        %swap3A_893 = arith.index_cast %swap3A_892 : i32 to index
        %swap3A_894 = arith.index_cast %scan3A_804 : i32 to index
        %swap3A_895 = arith.constant 112 : index
        %swap3A_896 = tpu.vector_load %arg18[%swap3A_893, %swap3A_894, %swap3A_895] {strides = array<i32>} : memref<2x64x128xf32, #tpu.memory_space<vmem>>, vector<16xf32>,
        tpu.vector_store %arg18[%swap3A_893, %swap3A_894, %swap3A_895], %mul3A_891 {strides = array<i32>} : memref<2x64x128xf32, #tpu.memory_space<vmem>>, vector<16xf32>,
      }
      %scan3A_671 = arith.constant 64 : i32
      %dma_start3A_672 = arith.constant 1 : i32
      %dma_start3A_673 = arith.constant 1 : i32
      %dma_start3A_674 = arith.constant 0 : i32
      %dma_start3A_675 = arith.constant 0 : i32
      %dma_start3A_676 = tpu.memref_slice %arg18[%dma_start3A_672, %dma_start3A_674, %dma_start3A_675] : memref<2x64x128xf32, #tpu.memory_space<vmem>> -> memref<1x64x128xf32, #tpu.memory_space<vmem>>
      %dma_start3A_677 = tpu.memref_squeeze %dma_start3A_676 : memref<1x64x128xf32, #tpu.memory_space<vmem>> -> memref<64x128xf32, #tpu.memory_space<vmem>>
      %dma_start3A_678 = arith.constant 0 : i32
      %dma_start3A_679 = tpu.memref_slice %arg16[%dma_start3A_673, %dma_start3A_678] : memref<2x64xi32, #tpu.memory_space<vmem>> -> memref<1x64xi32, #tpu.memory_space<vmem>>
      %dma_start3A_680 = tpu.memref_squeeze %dma_start3A_679 : memref<1x64xi32, #tpu.memory_space<vmem>> -> memref<64xi32, #tpu.memory_space<vmem>>
      %dma_start3A_681 = arith.constant 0 : i32
      %dma_start3A_682 = arith.constant 0 : i32
      %dma_start3A_683 = tpu.memref_slice %arg27[%dma_start3A_681, %dma_start3A_682] : memref<10240x128xf32, #tpu.memory_space<vmem_shared>> -> memref<10240x128xf32, #tpu.memory_space<vmem_shared>>
      tpu.enqueue_indirect_dma source(%dma_start3A_677 : memref<64x128xf32, #tpu.memory_space<vmem>>) target(%dma_start3A_683 : memref<10240x128xf32, #tpu.memory_space<vmem_shared>>) offsets(%dma_start3A_680 : memref<64xi32, #tpu.memory_space<vmem>>) semaphore(%arg26 : memref<!tpu.dma_semaphore, #tpu.memory_space<semaphore_mem>>) {add = true}
      %dma_start3A_684 = arith.constant 1 : i32
      %dma_start3A_685 = arith.constant 1 : i32
      %dma_start3A_686 = arith.constant 0 : i32
      %dma_start3A_687 = tpu.memref_slice %arg14[%dma_start3A_684, %dma_start3A_686] : memref<2x64xf32, #tpu.memory_space<vmem>> -> memref<1x64xf32, #tpu.memory_space<vmem>>
      %dma_start3A_688 = tpu.memref_squeeze %dma_start3A_687 : memref<1x64xf32, #tpu.memory_space<vmem>> -> memref<64xf32, #tpu.memory_space<vmem>>
      %dma_start3A_689 = arith.constant 0 : i32
      %dma_start3A_690 = tpu.memref_slice %arg16[%dma_start3A_685, %dma_start3A_689] : memref<2x64xi32, #tpu.memory_space<vmem>> -> memref<1x64xi32, #tpu.memory_space<vmem>>
      %dma_start3A_691 = tpu.memref_squeeze %dma_start3A_690 : memref<1x64xi32, #tpu.memory_space<vmem>> -> memref<64xi32, #tpu.memory_space<vmem>>
      %dma_start3A_692 = arith.constant 0 : i32
      %dma_start3A_693 = tpu.memref_slice %arg28[%dma_start3A_692] : memref<10240xf32, #tpu.memory_space<vmem_shared>> -> memref<10240xf32, #tpu.memory_space<vmem_shared>>
      tpu.enqueue_indirect_dma source(%dma_start3A_688 : memref<64xf32, #tpu.memory_space<vmem>>) target(%dma_start3A_693 : memref<10240xf32, #tpu.memory_space<vmem_shared>>) offsets(%dma_start3A_691 : memref<64xi32, #tpu.memory_space<vmem>>) semaphore(%arg26 : memref<!tpu.dma_semaphore, #tpu.memory_space<semaphore_mem>>) {add = true}
      %dma_start3A_694 = arith.constant 1 : i32
      %dma_start3A_695 = arith.constant 1 : i32
      %dma_start3A_696 = arith.constant 0 : i32
      %dma_start3A_697 = tpu.memref_slice %arg15[%dma_start3A_694, %dma_start3A_696] : memref<2x64xf32, #tpu.memory_space<vmem>> -> memref<1x64xf32, #tpu.memory_space<vmem>>
      %dma_start3A_698 = tpu.memref_squeeze %dma_start3A_697 : memref<1x64xf32, #tpu.memory_space<vmem>> -> memref<64xf32, #tpu.memory_space<vmem>>
      %dma_start3A_699 = arith.constant 0 : i32
      %dma_start3A_700 = tpu.memref_slice %arg16[%dma_start3A_695, %dma_start3A_699] : memref<2x64xi32, #tpu.memory_space<vmem>> -> memref<1x64xi32, #tpu.memory_space<vmem>>
      %dma_start3A_701 = tpu.memref_squeeze %dma_start3A_700 : memref<1x64xi32, #tpu.memory_space<vmem>> -> memref<64xi32, #tpu.memory_space<vmem>>
      %dma_start3A_702 = arith.constant 0 : i32
      %dma_start3A_703 = tpu.memref_slice %arg29[%dma_start3A_702] : memref<10240xf32, #tpu.memory_space<vmem_shared>> -> memref<10240xf32, #tpu.memory_space<vmem_shared>>
      tpu.enqueue_indirect_dma source(%dma_start3A_698 : memref<64xf32, #tpu.memory_space<vmem>>) target(%dma_start3A_703 : memref<10240xf32, #tpu.memory_space<vmem_shared>>) offsets(%dma_start3A_701 : memref<64xi32, #tpu.memory_space<vmem>>) semaphore(%arg26 : memref<!tpu.dma_semaphore, #tpu.memory_space<semaphore_mem>>) {add = true}
      %dma_start3A_704 = arith.constant 1 : i32
      %dma_start3A_705 = arith.constant 0 : i32
      %dma_start3A_706 = tpu.memref_slice %arg16[%dma_start3A_704, %dma_start3A_705] : memref<2x64xi32, #tpu.memory_space<vmem>> -> memref<1x64xi32, #tpu.memory_space<vmem>>
      %dma_start3A_707 = tpu.memref_squeeze %dma_start3A_706 : memref<1x64xi32, #tpu.memory_space<vmem>> -> memref<64xi32, #tpu.memory_space<vmem>>
      %dma_start3A_708 = arith.constant 0 : i32
      %dma_start3A_709 = tpu.memref_slice %arg30[%dma_start3A_708] : memref<10240xf32, #tpu.memory_space<vmem_shared>> -> memref<10240xf32, #tpu.memory_space<vmem_shared>>
      tpu.enqueue_indirect_dma source(%arg17 : memref<64xf32, #tpu.memory_space<vmem>>) target(%dma_start3A_709 : memref<10240xf32, #tpu.memory_space<vmem_shared>>) offsets(%dma_start3A_707 : memref<64xi32, #tpu.memory_space<vmem>>) semaphore(%arg26 : memref<!tpu.dma_semaphore, #tpu.memory_space<semaphore_mem>>) {add = true}
    }
    %scan3A_170 = arith.constant 79 : i32
    %dma_wait3A_171 = arith.constant 0 : i32
    %dma_wait3A_172 = arith.constant 0 : i32
    %dma_wait3A_173 = arith.constant 0 : i32
    %dma_wait3A_174 = arith.constant 0 : i32
    %dma_wait3A_175 = tpu.memref_slice %arg18[%dma_wait3A_171, %dma_wait3A_173, %dma_wait3A_174] : memref<2x64x128xf32, #tpu.memory_space<vmem>> -> memref<1x64x128xf32, #tpu.memory_space<vmem>>
    %dma_wait3A_176 = tpu.memref_squeeze %dma_wait3A_175 : memref<1x64x128xf32, #tpu.memory_space<vmem>> -> memref<64x128xf32, #tpu.memory_space<vmem>>
    %dma_wait3A_177 = arith.constant 0 : i32
    %dma_wait3A_178 = tpu.memref_slice %arg16[%dma_wait3A_172, %dma_wait3A_177] : memref<2x64xi32, #tpu.memory_space<vmem>> -> memref<1x64xi32, #tpu.memory_space<vmem>>
    %dma_wait3A_179 = tpu.memref_squeeze %dma_wait3A_178 : memref<1x64xi32, #tpu.memory_space<vmem>> -> memref<64xi32, #tpu.memory_space<vmem>>
    %dma_wait3A_180 = arith.constant 0 : i32
    %dma_wait3A_181 = arith.constant 0 : i32
    %dma_wait3A_182 = tpu.memref_slice %arg27[%dma_wait3A_180, %dma_wait3A_181] : memref<10240x128xf32, #tpu.memory_space<vmem_shared>> -> memref<10240x128xf32, #tpu.memory_space<vmem_shared>>
    tpu.wait_indirect_dma semaphore(%arg25 : memref<!tpu.dma_semaphore, #tpu.memory_space<semaphore_mem>>) src(%dma_wait3A_176 : memref<64x128xf32, #tpu.memory_space<vmem>>) dst(%dma_wait3A_182 : memref<10240x128xf32, #tpu.memory_space<vmem_shared>>)
    %dma_wait3A_183 = arith.constant 0 : i32
    %dma_wait3A_184 = arith.constant 0 : i32
    %dma_wait3A_185 = arith.constant 0 : i32
    %dma_wait3A_186 = tpu.memref_slice %arg14[%dma_wait3A_183, %dma_wait3A_185] : memref<2x64xf32, #tpu.memory_space<vmem>> -> memref<1x64xf32, #tpu.memory_space<vmem>>
    %dma_wait3A_187 = tpu.memref_squeeze %dma_wait3A_186 : memref<1x64xf32, #tpu.memory_space<vmem>> -> memref<64xf32, #tpu.memory_space<vmem>>
    %dma_wait3A_188 = arith.constant 0 : i32
    %dma_wait3A_189 = tpu.memref_slice %arg16[%dma_wait3A_184, %dma_wait3A_188] : memref<2x64xi32, #tpu.memory_space<vmem>> -> memref<1x64xi32, #tpu.memory_space<vmem>>
    %dma_wait3A_190 = tpu.memref_squeeze %dma_wait3A_189 : memref<1x64xi32, #tpu.memory_space<vmem>> -> memref<64xi32, #tpu.memory_space<vmem>>
    %dma_wait3A_191 = arith.constant 0 : i32
    %dma_wait3A_192 = tpu.memref_slice %arg28[%dma_wait3A_191] : memref<10240xf32, #tpu.memory_space<vmem_shared>> -> memref<10240xf32, #tpu.memory_space<vmem_shared>>
    tpu.wait_indirect_dma semaphore(%arg25 : memref<!tpu.dma_semaphore, #tpu.memory_space<semaphore_mem>>) src(%dma_wait3A_187 : memref<64xf32, #tpu.memory_space<vmem>>) dst(%dma_wait3A_192 : memref<10240xf32, #tpu.memory_space<vmem_shared>>)
    %dma_wait3A_193 = arith.constant 0 : i32
    %dma_wait3A_194 = arith.constant 0 : i32
    %dma_wait3A_195 = arith.constant 0 : i32
    %dma_wait3A_196 = tpu.memref_slice %arg15[%dma_wait3A_193, %dma_wait3A_195] : memref<2x64xf32, #tpu.memory_space<vmem>> -> memref<1x64xf32, #tpu.memory_space<vmem>>
    %dma_wait3A_197 = tpu.memref_squeeze %dma_wait3A_196 : memref<1x64xf32, #tpu.memory_space<vmem>> -> memref<64xf32, #tpu.memory_space<vmem>>
    %dma_wait3A_198 = arith.constant 0 : i32
    %dma_wait3A_199 = tpu.memref_slice %arg16[%dma_wait3A_194, %dma_wait3A_198] : memref<2x64xi32, #tpu.memory_space<vmem>> -> memref<1x64xi32, #tpu.memory_space<vmem>>
    %dma_wait3A_200 = tpu.memref_squeeze %dma_wait3A_199 : memref<1x64xi32, #tpu.memory_space<vmem>> -> memref<64xi32, #tpu.memory_space<vmem>>
    %dma_wait3A_201 = arith.constant 0 : i32
    %dma_wait3A_202 = tpu.memref_slice %arg29[%dma_wait3A_201] : memref<10240xf32, #tpu.memory_space<vmem_shared>> -> memref<10240xf32, #tpu.memory_space<vmem_shared>>
    tpu.wait_indirect_dma semaphore(%arg25 : memref<!tpu.dma_semaphore, #tpu.memory_space<semaphore_mem>>) src(%dma_wait3A_197 : memref<64xf32, #tpu.memory_space<vmem>>) dst(%dma_wait3A_202 : memref<10240xf32, #tpu.memory_space<vmem_shared>>)
    %dma_wait3A_203 = arith.constant 0 : i32
    %dma_wait3A_204 = arith.constant 0 : i32
    %dma_wait3A_205 = tpu.memref_slice %arg16[%dma_wait3A_203, %dma_wait3A_204] : memref<2x64xi32, #tpu.memory_space<vmem>> -> memref<1x64xi32, #tpu.memory_space<vmem>>
    %dma_wait3A_206 = tpu.memref_squeeze %dma_wait3A_205 : memref<1x64xi32, #tpu.memory_space<vmem>> -> memref<64xi32, #tpu.memory_space<vmem>>
    %dma_wait3A_207 = arith.constant 0 : i32
    %dma_wait3A_208 = tpu.memref_slice %arg30[%dma_wait3A_207] : memref<10240xf32, #tpu.memory_space<vmem_shared>> -> memref<10240xf32, #tpu.memory_space<vmem_shared>>
    tpu.wait_indirect_dma semaphore(%arg25 : memref<!tpu.dma_semaphore, #tpu.memory_space<semaphore_mem>>) src(%arg17 : memref<64xf32, #tpu.memory_space<vmem>>) dst(%dma_wait3A_208 : memref<10240xf32, #tpu.memory_space<vmem_shared>>)
    %dma_wait3A_209 = arith.constant 1 : i32
    %dma_wait3A_210 = arith.constant 1 : i32
    %dma_wait3A_211 = arith.constant 0 : i32
    %dma_wait3A_212 = arith.constant 0 : i32
    %dma_wait3A_213 = tpu.memref_slice %arg18[%dma_wait3A_209, %dma_wait3A_211, %dma_wait3A_212] : memref<2x64x128xf32, #tpu.memory_space<vmem>> -> memref<1x64x128xf32, #tpu.memory_space<vmem>>
    %dma_wait3A_214 = tpu.memref_squeeze %dma_wait3A_213 : memref<1x64x128xf32, #tpu.memory_space<vmem>> -> memref<64x128xf32, #tpu.memory_space<vmem>>
    %dma_wait3A_215 = arith.constant 0 : i32
    %dma_wait3A_216 = tpu.memref_slice %arg16[%dma_wait3A_210, %dma_wait3A_215] : memref<2x64xi32, #tpu.memory_space<vmem>> -> memref<1x64xi32, #tpu.memory_space<vmem>>
    %dma_wait3A_217 = tpu.memref_squeeze %dma_wait3A_216 : memref<1x64xi32, #tpu.memory_space<vmem>> -> memref<64xi32, #tpu.memory_space<vmem>>
    %dma_wait3A_218 = arith.constant 0 : i32
    %dma_wait3A_219 = arith.constant 0 : i32
    %dma_wait3A_220 = tpu.memref_slice %arg27[%dma_wait3A_218, %dma_wait3A_219] : memref<10240x128xf32, #tpu.memory_space<vmem_shared>> -> memref<10240x128xf32, #tpu.memory_space<vmem_shared>>
    tpu.wait_indirect_dma semaphore(%arg26 : memref<!tpu.dma_semaphore, #tpu.memory_space<semaphore_mem>>) src(%dma_wait3A_214 : memref<64x128xf32, #tpu.memory_space<vmem>>) dst(%dma_wait3A_220 : memref<10240x128xf32, #tpu.memory_space<vmem_shared>>)
    %dma_wait3A_221 = arith.constant 1 : i32
    %dma_wait3A_222 = arith.constant 1 : i32
    %dma_wait3A_223 = arith.constant 0 : i32
    %dma_wait3A_224 = tpu.memref_slice %arg14[%dma_wait3A_221, %dma_wait3A_223] : memref<2x64xf32, #tpu.memory_space<vmem>> -> memref<1x64xf32, #tpu.memory_space<vmem>>
    %dma_wait3A_225 = tpu.memref_squeeze %dma_wait3A_224 : memref<1x64xf32, #tpu.memory_space<vmem>> -> memref<64xf32, #tpu.memory_space<vmem>>
    %dma_wait3A_226 = arith.constant 0 : i32
    %dma_wait3A_227 = tpu.memref_slice %arg16[%dma_wait3A_222, %dma_wait3A_226] : memref<2x64xi32, #tpu.memory_space<vmem>> -> memref<1x64xi32, #tpu.memory_space<vmem>>
    %dma_wait3A_228 = tpu.memref_squeeze %dma_wait3A_227 : memref<1x64xi32, #tpu.memory_space<vmem>> -> memref<64xi32, #tpu.memory_space<vmem>>
    %dma_wait3A_229 = arith.constant 0 : i32
    %dma_wait3A_230 = tpu.memref_slice %arg28[%dma_wait3A_229] : memref<10240xf32, #tpu.memory_space<vmem_shared>> -> memref<10240xf32, #tpu.memory_space<vmem_shared>>
    tpu.wait_indirect_dma semaphore(%arg26 : memref<!tpu.dma_semaphore, #tpu.memory_space<semaphore_mem>>) src(%dma_wait3A_225 : memref<64xf32, #tpu.memory_space<vmem>>) dst(%dma_wait3A_230 : memref<10240xf32, #tpu.memory_space<vmem_shared>>)
    %dma_wait3A_231 = arith.constant 1 : i32
    %dma_wait3A_232 = arith.constant 1 : i32
    %dma_wait3A_233 = arith.constant 0 : i32
    %dma_wait3A_234 = tpu.memref_slice %arg15[%dma_wait3A_231, %dma_wait3A_233] : memref<2x64xf32, #tpu.memory_space<vmem>> -> memref<1x64xf32, #tpu.memory_space<vmem>>
    %dma_wait3A_235 = tpu.memref_squeeze %dma_wait3A_234 : memref<1x64xf32, #tpu.memory_space<vmem>> -> memref<64xf32, #tpu.memory_space<vmem>>
    %dma_wait3A_236 = arith.constant 0 : i32
    %dma_wait3A_237 = tpu.memref_slice %arg16[%dma_wait3A_232, %dma_wait3A_236] : memref<2x64xi32, #tpu.memory_space<vmem>> -> memref<1x64xi32, #tpu.memory_space<vmem>>
    %dma_wait3A_238 = tpu.memref_squeeze %dma_wait3A_237 : memref<1x64xi32, #tpu.memory_space<vmem>> -> memref<64xi32, #tpu.memory_space<vmem>>
    %dma_wait3A_239 = arith.constant 0 : i32
    %dma_wait3A_240 = tpu.memref_slice %arg29[%dma_wait3A_239] : memref<10240xf32, #tpu.memory_space<vmem_shared>> -> memref<10240xf32, #tpu.memory_space<vmem_shared>>
    tpu.wait_indirect_dma semaphore(%arg26 : memref<!tpu.dma_semaphore, #tpu.memory_space<semaphore_mem>>) src(%dma_wait3A_235 : memref<64xf32, #tpu.memory_space<vmem>>) dst(%dma_wait3A_240 : memref<10240xf32, #tpu.memory_space<vmem_shared>>)
    %dma_wait3A_241 = arith.constant 1 : i32
    %dma_wait3A_242 = arith.constant 0 : i32
    %dma_wait3A_243 = tpu.memref_slice %arg16[%dma_wait3A_241, %dma_wait3A_242] : memref<2x64xi32, #tpu.memory_space<vmem>> -> memref<1x64xi32, #tpu.memory_space<vmem>>
    %dma_wait3A_244 = tpu.memref_squeeze %dma_wait3A_243 : memref<1x64xi32, #tpu.memory_space<vmem>> -> memref<64xi32, #tpu.memory_space<vmem>>
    %dma_wait3A_245 = arith.constant 0 : i32
    %dma_wait3A_246 = tpu.memref_slice %arg30[%dma_wait3A_245] : memref<10240xf32, #tpu.memory_space<vmem_shared>> -> memref<10240xf32, #tpu.memory_space<vmem_shared>>
    tpu.wait_indirect_dma semaphore(%arg26 : memref<!tpu.dma_semaphore, #tpu.memory_space<semaphore_mem>>) src(%arg17 : memref<64xf32, #tpu.memory_space<vmem>>) dst(%dma_wait3A_246 : memref<10240xf32, #tpu.memory_space<vmem_shared>>)
    %barrier3A_247 = arith.constant 0 : index
    tpu.barrier barrier_id(%barrier3A_247)
    "tpu.region"() ({
      %run_scoped3A_248 = tpu.sem_alloc : memref<!tpu.dma_semaphore, #tpu.memory_space<semaphore_mem>>
      %dma_start3A_249 = arith.constant 0 : i32
      %dma_start3A_250 = tpu.memref_slice %arg8[%arg0, %mul3A_2, %dma_start3A_249] : memref<2x10240x128xf32, #tpu.memory_space<hbm>> -> memref<1x640x128xf32, #tpu.memory_space<hbm>>
      %dma_start3A_251 = tpu.memref_squeeze %dma_start3A_250 : memref<1x640x128xf32, #tpu.memory_space<hbm>> -> memref<640x128xf32, #tpu.memory_space<hbm>>
      %dma_start3A_252 = arith.constant 0 : i32
      %dma_start3A_253 = tpu.memref_slice %arg27[%mul3A_2, %dma_start3A_252] : memref<10240x128xf32, #tpu.memory_space<vmem_shared>> -> memref<640x128xf32, #tpu.memory_space<vmem_shared>>
      tpu.enqueue_dma source(%dma_start3A_253 : memref<640x128xf32, #tpu.memory_space<vmem_shared>>) target(%dma_start3A_251 : memref<640x128xf32, #tpu.memory_space<hbm>>) target_semaphore(%run_scoped3A_248 : memref<!tpu.dma_semaphore, #tpu.memory_space<semaphore_mem>>)
      %dma_wait3A_254 = arith.constant 0 : i32
      %dma_wait3A_255 = tpu.memref_slice %arg8[%arg0, %mul3A_2, %dma_wait3A_254] : memref<2x10240x128xf32, #tpu.memory_space<hbm>> -> memref<1x640x128xf32, #tpu.memory_space<hbm>>
      %dma_wait3A_256 = tpu.memref_squeeze %dma_wait3A_255 : memref<1x640x128xf32, #tpu.memory_space<hbm>> -> memref<640x128xf32, #tpu.memory_space<hbm>>
      %dma_wait3A_257 = arith.constant 0 : i32
      %dma_wait3A_258 = tpu.memref_slice %arg27[%mul3A_2, %dma_wait3A_257] : memref<10240x128xf32, #tpu.memory_space<vmem_shared>> -> memref<640x128xf32, #tpu.memory_space<vmem_shared>>
      tpu.wait_dma2 semaphore(%run_scoped3A_248 : memref<!tpu.dma_semaphore, #tpu.memory_space<semaphore_mem>>) src(%dma_wait3A_258 : memref<640x128xf32, #tpu.memory_space<vmem_shared>>) dst(%dma_wait3A_256 : memref<640x128xf32, #tpu.memory_space<hbm>>)
      tpu.yield
    }) : () -> ()
    "tpu.region"() ({
      %run_scoped3A_248 = tpu.sem_alloc : memref<!tpu.dma_semaphore, #tpu.memory_space<semaphore_mem>>
      %dma_start3A_249 = tpu.memref_slice %arg9[%arg0, %mul3A_2] : memref<2x10240xf32, #tpu.memory_space<hbm>> -> memref<1x640xf32, #tpu.memory_space<hbm>>
      %dma_start3A_250 = tpu.memref_squeeze %dma_start3A_249 : memref<1x640xf32, #tpu.memory_space<hbm>> -> memref<640xf32, #tpu.memory_space<hbm>>
      %dma_start3A_251 = tpu.memref_slice %arg28[%mul3A_2] : memref<10240xf32, #tpu.memory_space<vmem_shared>> -> memref<640xf32, #tpu.memory_space<vmem_shared>>
      tpu.enqueue_dma source(%dma_start3A_251 : memref<640xf32, #tpu.memory_space<vmem_shared>>) target(%dma_start3A_250 : memref<640xf32, #tpu.memory_space<hbm>>) target_semaphore(%run_scoped3A_248 : memref<!tpu.dma_semaphore, #tpu.memory_space<semaphore_mem>>)
      %dma_wait3A_252 = tpu.memref_slice %arg9[%arg0, %mul3A_2] : memref<2x10240xf32, #tpu.memory_space<hbm>> -> memref<1x640xf32, #tpu.memory_space<hbm>>
      %dma_wait3A_253 = tpu.memref_squeeze %dma_wait3A_252 : memref<1x640xf32, #tpu.memory_space<hbm>> -> memref<640xf32, #tpu.memory_space<hbm>>
      %dma_wait3A_254 = tpu.memref_slice %arg28[%mul3A_2] : memref<10240xf32, #tpu.memory_space<vmem_shared>> -> memref<640xf32, #tpu.memory_space<vmem_shared>>
      tpu.wait_dma2 semaphore(%run_scoped3A_248 : memref<!tpu.dma_semaphore, #tpu.memory_space<semaphore_mem>>) src(%dma_wait3A_254 : memref<640xf32, #tpu.memory_space<vmem_shared>>) dst(%dma_wait3A_253 : memref<640xf32, #tpu.memory_space<hbm>>)
      tpu.yield
    }) : () -> ()
    "tpu.region"() ({
      %run_scoped3A_248 = tpu.sem_alloc : memref<!tpu.dma_semaphore, #tpu.memory_space<semaphore_mem>>
      %dma_start3A_249 = tpu.memref_slice %arg10[%arg0, %mul3A_2] : memref<2x10240xf32, #tpu.memory_space<hbm>> -> memref<1x640xf32, #tpu.memory_space<hbm>>
      %dma_start3A_250 = tpu.memref_squeeze %dma_start3A_249 : memref<1x640xf32, #tpu.memory_space<hbm>> -> memref<640xf32, #tpu.memory_space<hbm>>
      %dma_start3A_251 = tpu.memref_slice %arg29[%mul3A_2] : memref<10240xf32, #tpu.memory_space<vmem_shared>> -> memref<640xf32, #tpu.memory_space<vmem_shared>>
      tpu.enqueue_dma source(%dma_start3A_251 : memref<640xf32, #tpu.memory_space<vmem_shared>>) target(%dma_start3A_250 : memref<640xf32, #tpu.memory_space<hbm>>) target_semaphore(%run_scoped3A_248 : memref<!tpu.dma_semaphore, #tpu.memory_space<semaphore_mem>>)
      %dma_wait3A_252 = tpu.memref_slice %arg10[%arg0, %mul3A_2] : memref<2x10240xf32, #tpu.memory_space<hbm>> -> memref<1x640xf32, #tpu.memory_space<hbm>>
      %dma_wait3A_253 = tpu.memref_squeeze %dma_wait3A_252 : memref<1x640xf32, #tpu.memory_space<hbm>> -> memref<640xf32, #tpu.memory_space<hbm>>
      %dma_wait3A_254 = tpu.memref_slice %arg29[%mul3A_2] : memref<10240xf32, #tpu.memory_space<vmem_shared>> -> memref<640xf32, #tpu.memory_space<vmem_shared>>
      tpu.wait_dma2 semaphore(%run_scoped3A_248 : memref<!tpu.dma_semaphore, #tpu.memory_space<semaphore_mem>>) src(%dma_wait3A_254 : memref<640xf32, #tpu.memory_space<vmem_shared>>) dst(%dma_wait3A_253 : memref<640xf32, #tpu.memory_space<hbm>>)
      tpu.yield
    }) : () -> ()
    "tpu.region"() ({
      %run_scoped3A_248 = tpu.sem_alloc : memref<!tpu.dma_semaphore, #tpu.memory_space<semaphore_mem>>
      %dma_start3A_249 = tpu.memref_slice %arg11[%arg0, %mul3A_2] : memref<2x10240xf32, #tpu.memory_space<hbm>> -> memref<1x640xf32, #tpu.memory_space<hbm>>
      %dma_start3A_250 = tpu.memref_squeeze %dma_start3A_249 : memref<1x640xf32, #tpu.memory_space<hbm>> -> memref<640xf32, #tpu.memory_space<hbm>>
      %dma_start3A_251 = tpu.memref_slice %arg30[%mul3A_2] : memref<10240xf32, #tpu.memory_space<vmem_shared>> -> memref<640xf32, #tpu.memory_space<vmem_shared>>
      tpu.enqueue_dma source(%dma_start3A_251 : memref<640xf32, #tpu.memory_space<vmem_shared>>) target(%dma_start3A_250 : memref<640xf32, #tpu.memory_space<hbm>>) target_semaphore(%run_scoped3A_248 : memref<!tpu.dma_semaphore, #tpu.memory_space<semaphore_mem>>)
      %dma_wait3A_252 = tpu.memref_slice %arg11[%arg0, %mul3A_2] : memref<2x10240xf32, #tpu.memory_space<hbm>> -> memref<1x640xf32, #tpu.memory_space<hbm>>
      %dma_wait3A_253 = tpu.memref_squeeze %dma_wait3A_252 : memref<1x640xf32, #tpu.memory_space<hbm>> -> memref<640xf32, #tpu.memory_space<hbm>>
      %dma_wait3A_254 = tpu.memref_slice %arg30[%mul3A_2] : memref<10240xf32, #tpu.memory_space<vmem_shared>> -> memref<640xf32, #tpu.memory_space<vmem_shared>>
      tpu.wait_dma2 semaphore(%run_scoped3A_248 : memref<!tpu.dma_semaphore, #tpu.memory_space<semaphore_mem>>) src(%dma_wait3A_254 : memref<640xf32, #tpu.memory_space<vmem_shared>>) dst(%dma_wait3A_253 : memref<640xf32, #tpu.memory_space<hbm>>)
      tpu.yield
    }) : () -> ()
    return
  }
}

module attributes {stable_mosaic.version = 14 : i64} {
  func.func @_proj_body(%arg0: memref<10000x128xf32, #tpu.memory_space<vmem>>, %arg1: memref<128x128xf32, #tpu.memory_space<vmem>>, %arg2: memref<128x1xf32, #tpu.memory_space<vmem>>, %arg3: memref<128x1xf32, #tpu.memory_space<vmem>>, %arg4: memref<10000x128xf32, #tpu.memory_space<vmem>>, %arg5: memref<10000x1xf32, #tpu.memory_space<vmem>>, %arg6: memref<10000x1xf32, #tpu.memory_space<vmem>>) attributes {dimension_semantics = [], scalar_prefetch = 0 : i64, scratch_operands = 0 : i64, tpu.core_type = #tpu.core_type<tc>} {
    %get3A = arith.constant 0 : index
    %get3A_0 = arith.constant 0 : index
    %get3A_1 = vector.load %arg0[%get3A, %get3A_0] : memref<10000x128xf32, #tpu.memory_space<vmem>>, vector<10000x128xf32>
    %get3A_2 = arith.constant 0 : index
    %get3A_3 = arith.constant 0 : index
    %get3A_4 = vector.load %arg1[%get3A_2, %get3A_3] : memref<128x128xf32, #tpu.memory_space<vmem>>, vector<128x128xf32>
    %dot_general3A = arith.constant dense<0.000000e+00> : vector<10000x128xf32>
    %dot_general3A_5 = tpu.matmul %get3A_1, %get3A_4, %dot_general3A {dimension_numbers = #tpu.dot_dimension_numbers<[1], [0], [0], [1], [0, 0, 1, 1], [], []>, transpose_lhs_hint = false} : vector<10000x128xf32>, vector<128x128xf32>, vector<10000x128xf32> -> vector<10000x128xf32>
    %swap3A = arith.constant 0 : index
    %swap3A_6 = arith.constant 0 : index
    %swap3A_7 = vector.load %arg4[%swap3A, %swap3A_6] : memref<10000x128xf32, #tpu.memory_space<vmem>>, vector<10000x128xf32>
    tpu.vector_store %arg4[%swap3A, %swap3A_6], %dot_general3A_5 {strides = array<i32>} : memref<10000x128xf32, #tpu.memory_space<vmem>>, vector<10000x128xf32>,
    %get3A_8 = arith.constant 0 : index
    %get3A_9 = arith.constant 0 : index
    %get3A_10 = vector.load %arg2[%get3A_8, %get3A_9] : memref<128x1xf32, #tpu.memory_space<vmem>>, vector<128x1xf32>
    %dot_general3A_11 = arith.constant dense<0.000000e+00> : vector<10000x1xf32>
    %dot_general3A_12 = tpu.matmul %dot_general3A_5, %get3A_10, %dot_general3A_11 {dimension_numbers = #tpu.dot_dimension_numbers<[1], [0], [0], [1], [0, 0, 1, 1], [], []>, transpose_lhs_hint = false} : vector<10000x128xf32>, vector<128x1xf32>, vector<10000x1xf32> -> vector<10000x1xf32>
    %swap3A_13 = arith.constant 0 : index
    %swap3A_14 = arith.constant 0 : index
    %swap3A_15 = vector.load %arg5[%swap3A_13, %swap3A_14] : memref<10000x1xf32, #tpu.memory_space<vmem>>, vector<10000x1xf32>
    tpu.vector_store %arg5[%swap3A_13, %swap3A_14], %dot_general3A_12 {strides = array<i32>} : memref<10000x1xf32, #tpu.memory_space<vmem>>, vector<10000x1xf32>,
    %get3A_16 = arith.constant 0 : index
    %get3A_17 = arith.constant 0 : index
    %get3A_18 = vector.load %arg3[%get3A_16, %get3A_17] : memref<128x1xf32, #tpu.memory_space<vmem>>, vector<128x1xf32>
    %dot_general3A_19 = arith.constant dense<0.000000e+00> : vector<10000x1xf32>
    %dot_general3A_20 = tpu.matmul %dot_general3A_5, %get3A_18, %dot_general3A_19 {dimension_numbers = #tpu.dot_dimension_numbers<[1], [0], [0], [1], [0, 0, 1, 1], [], []>, transpose_lhs_hint = false} : vector<10000x128xf32>, vector<128x1xf32>, vector<10000x1xf32> -> vector<10000x1xf32>
    %swap3A_21 = arith.constant 0 : index
    %swap3A_22 = arith.constant 0 : index
    %swap3A_23 = vector.load %arg6[%swap3A_21, %swap3A_22] : memref<10000x1xf32, #tpu.memory_space<vmem>>, vector<10000x1xf32>
    tpu.vector_store %arg6[%swap3A_21, %swap3A_22], %dot_general3A_20 {strides = array<i32>} : memref<10000x1xf32, #tpu.memory_space<vmem>>, vector<10000x1xf32>,
    return
  }
}

module attributes {stable_mosaic.version = 14 : i64} {
  func.func @_escore_body(%arg0: i32, %arg1: memref<8000x128xf32, #tpu.memory_space<vmem>>, %arg2: memref<16x128xf32, #tpu.memory_space<vmem>>, %arg3: memref<128x1xf32, #tpu.memory_space<vmem>>, %arg4: memref<16x128xf32, #tpu.memory_space<vmem>>, %arg5: memref<128x1xf32, #tpu.memory_space<vmem>>, %arg6: memref<8000x128xf32, #tpu.memory_space<vmem>>, %arg7: memref<8000x128xf32, #tpu.memory_space<vmem>>) attributes {dimension_semantics = [#tpu.dimension_semantics<arbitrary>], iteration_bounds = array<i64: 5>, scalar_prefetch = 0 : i64, scratch_operands = 0 : i64, tpu.core_type = #tpu.core_type<tc>, window_params = [{transform_indices = @transform_0, window_bounds = array<i64: 8000, 128>}, {pipeline_mode = #tpu.pipeline_mode<synchronous>, transform_indices = @transform_1, window_bounds = array<i64: 16, 128>}, {pipeline_mode = #tpu.pipeline_mode<synchronous>, transform_indices = @transform_2, window_bounds = array<i64: 128, 1>}, {pipeline_mode = #tpu.pipeline_mode<synchronous>, transform_indices = @transform_3, window_bounds = array<i64: 16, 128>}, {pipeline_mode = #tpu.pipeline_mode<synchronous>, transform_indices = @transform_4, window_bounds = array<i64: 128, 1>}, {transform_indices = @transform_5, window_bounds = array<i64: 8000, 128>}, {transform_indices = @transform_6, window_bounds = array<i64: 8000, 128>}]} {
    %iota3A = tpu.iota {dimensions = array<i32: 0>} : vector<128x128xi32>
    %iota3A_0 = tpu.iota {dimensions = array<i32: 1>} : vector<128x128xi32>
    %jit3A = arith.constant 16 : i32
    %div3A = vector.broadcast %jit3A : i32 to vector<128x128xi32>
    %div3A_1 = arith.divsi %iota3A, %div3A : vector<128x128xi32>
    %sign3A = arith.constant 0 : i32
    %sign3A_2 = vector.broadcast %sign3A : i32 to vector<128x128xi32>
    %sign3A_3 = arith.cmpi sgt, %iota3A, %sign3A_2 : vector<128x128xi32>
    %sign3A_4 = arith.extui %sign3A_3 : vector<128x128xi1> to vector<128x128xi32>
    %sign3A_5 = arith.constant 0 : i32
    %sign3A_6 = vector.broadcast %sign3A_5 : i32 to vector<128x128xi32>
    %sign3A_7 = arith.cmpi slt, %iota3A, %sign3A_6 : vector<128x128xi32>
    %sign3A_8 = arith.extui %sign3A_7 : vector<128x128xi1> to vector<128x128xi32>
    %sign3A_9 = arith.subi %sign3A_4, %sign3A_8 : vector<128x128xi32>
    %sign3A_10 = arith.constant 0 : i32
    %sign3A_11 = arith.cmpi sgt, %jit3A, %sign3A_10 : i32
    %sign3A_12 = arith.extui %sign3A_11 : i1 to i32
    %sign3A_13 = arith.constant 0 : i32
    %sign3A_14 = arith.cmpi slt, %jit3A, %sign3A_13 : i32
    %sign3A_15 = arith.extui %sign3A_14 : i1 to i32
    %sign3A_16 = arith.subi %sign3A_12, %sign3A_15 : i32
    %ne3A = vector.broadcast %sign3A_16 : i32 to vector<128x128xi32>
    %ne3A_17 = arith.cmpi ne, %sign3A_9, %ne3A : vector<128x128xi32>
    %rem3A = vector.broadcast %jit3A : i32 to vector<128x128xi32>
    %rem3A_18 = arith.remsi %iota3A, %rem3A : vector<128x128xi32>
    %ne3A_19 = arith.constant 0 : i32
    %ne3A_20 = vector.broadcast %ne3A_19 : i32 to vector<128x128xi32>
    %ne3A_21 = arith.cmpi ne, %rem3A_18, %ne3A_20 : vector<128x128xi32>
    %and3A = arith.andi %ne3A_17, %ne3A_21 : vector<128x128xi1>
    %sub3A = arith.constant 1 : i32
    %sub3A_22 = vector.broadcast %sub3A : i32 to vector<128x128xi32>
    %sub3A_23 = arith.subi %div3A_1, %sub3A_22 : vector<128x128xi32>
    %select_n3A = arith.select %and3A, %sub3A_23, %div3A_1 : vector<128x128xi1>, vector<128x128xi32>
    %eq3A = arith.cmpi eq, %select_n3A, %iota3A_0 : vector<128x128xi32>
    %convert_element_type3A = arith.extui %eq3A : vector<128x128xi1> to vector<128x128xi32>
    %convert_element_type3A_24 = arith.sitofp %convert_element_type3A : vector<128x128xi32> to vector<128x128xf32>
    %get3A = arith.constant 0 : index
    %get3A_25 = arith.constant 0 : index
    %get3A_26 = vector.load %arg2[%get3A, %get3A_25] : memref<16x128xf32, #tpu.memory_space<vmem>>, vector<16x128xf32>
    %get3A_27 = arith.constant 0 : index
    %get3A_28 = arith.constant 0 : index
    %get3A_29 = vector.load %arg3[%get3A_27, %get3A_28] : memref<128x1xf32, #tpu.memory_space<vmem>>, vector<128x1xf32>
    %dot_general3A = arith.constant dense<0.000000e+00> : vector<16x1xf32>
    %dot_general3A_30 = tpu.matmul %get3A_26, %get3A_29, %dot_general3A {dimension_numbers = #tpu.dot_dimension_numbers<[1], [0], [0], [1], [0, 0, 1, 1], [], []>, transpose_lhs_hint = false} : vector<16x128xf32>, vector<128x1xf32>, vector<16x1xf32> -> vector<16x1xf32>
    %get3A_31 = arith.constant 0 : index
    %get3A_32 = arith.constant 0 : index
    %get3A_33 = vector.load %arg4[%get3A_31, %get3A_32] : memref<16x128xf32, #tpu.memory_space<vmem>>, vector<16x128xf32>
    %get3A_34 = arith.constant 0 : index
    %get3A_35 = arith.constant 0 : index
    %get3A_36 = vector.load %arg5[%get3A_34, %get3A_35] : memref<128x1xf32, #tpu.memory_space<vmem>>, vector<128x1xf32>
    %dot_general3A_37 = arith.constant dense<0.000000e+00> : vector<16x1xf32>
    %dot_general3A_38 = tpu.matmul %get3A_33, %get3A_36, %dot_general3A_37 {dimension_numbers = #tpu.dot_dimension_numbers<[1], [0], [0], [1], [0, 0, 1, 1], [], []>, transpose_lhs_hint = false} : vector<16x128xf32>, vector<128x1xf32>, vector<16x1xf32> -> vector<16x1xf32>
    %concatenate3A = tpu.concatenate %dot_general3A_30, %dot_general3A_30, %dot_general3A_30, %dot_general3A_30, %dot_general3A_30, %dot_general3A_30, %dot_general3A_30, %dot_general3A_30 in 0 : vector<16x1xf32>, vector<16x1xf32>, vector<16x1xf32>, vector<16x1xf32>, vector<16x1xf32>, vector<16x1xf32>, vector<16x1xf32>, vector<16x1xf32> -> vector<128x1xf32>
    %mul3A = vector.broadcast %concatenate3A : vector<128x1xf32> to vector<128x128xf32>
    %mul3A_39 = arith.mulf %convert_element_type3A_24, %mul3A : vector<128x128xf32>
    %concatenate3A_40 = tpu.concatenate %dot_general3A_38, %dot_general3A_38, %dot_general3A_38, %dot_general3A_38, %dot_general3A_38, %dot_general3A_38, %dot_general3A_38, %dot_general3A_38 in 0 : vector<16x1xf32>, vector<16x1xf32>, vector<16x1xf32>, vector<16x1xf32>, vector<16x1xf32>, vector<16x1xf32>, vector<16x1xf32>, vector<16x1xf32> -> vector<128x1xf32>
    %mul3A_41 = vector.broadcast %concatenate3A_40 : vector<128x1xf32> to vector<128x128xf32>
    %mul3A_42 = arith.mulf %convert_element_type3A_24, %mul3A_41 : vector<128x128xf32>
    %get3A_43 = arith.constant 0 : index
    %get3A_44 = arith.constant 0 : index
    %get3A_45 = vector.load %arg1[%get3A_43, %get3A_44] : memref<8000x128xf32, #tpu.memory_space<vmem>>, vector<8000x128xf32>
    %dot_general3A_46 = arith.constant dense<0.000000e+00> : vector<8000x128xf32>
    %dot_general3A_47 = tpu.matmul %get3A_45, %mul3A_39, %dot_general3A_46 {dimension_numbers = #tpu.dot_dimension_numbers<[1], [0], [0], [1], [0, 0, 1, 1], [], []>, transpose_lhs_hint = false} : vector<8000x128xf32>, vector<128x128xf32>, vector<8000x128xf32> -> vector<8000x128xf32>
    %swap3A = arith.constant 0 : index
    %swap3A_48 = arith.constant 0 : index
    %swap3A_49 = vector.load %arg6[%swap3A, %swap3A_48] : memref<8000x128xf32, #tpu.memory_space<vmem>>, vector<8000x128xf32>
    tpu.vector_store %arg6[%swap3A, %swap3A_48], %dot_general3A_47 {strides = array<i32>} : memref<8000x128xf32, #tpu.memory_space<vmem>>, vector<8000x128xf32>,
    %dot_general3A_50 = arith.constant dense<0.000000e+00> : vector<8000x128xf32>
    %dot_general3A_51 = tpu.matmul %get3A_45, %mul3A_42, %dot_general3A_50 {dimension_numbers = #tpu.dot_dimension_numbers<[1], [0], [0], [1], [0, 0, 1, 1], [], []>, transpose_lhs_hint = false} : vector<8000x128xf32>, vector<128x128xf32>, vector<8000x128xf32> -> vector<8000x128xf32>
    %swap3A_52 = arith.constant 0 : index
    %swap3A_53 = arith.constant 0 : index
    %swap3A_54 = vector.load %arg7[%swap3A_52, %swap3A_53] : memref<8000x128xf32, #tpu.memory_space<vmem>>, vector<8000x128xf32>
    tpu.vector_store %arg7[%swap3A_52, %swap3A_53], %dot_general3A_51 {strides = array<i32>} : memref<8000x128xf32, #tpu.memory_space<vmem>>, vector<8000x128xf32>,
    return
  }
  func.func @transform_0(%arg0: i32) -> (i32, i32) {
    %c0_i32 = arith.constant 0 : i32
    %c0_i32_0 = arith.constant 0 : i32
    return %arg0, %c0_i32 : i32, i32
  }
  func.func @transform_1(%arg0: i32) -> (i32, i32) {
    %c0_i32 = arith.constant 0 : i32
    %c0_i32_0 = arith.constant 0 : i32
    %c0_i32_1 = arith.constant 0 : i32
    return %c0_i32, %c0_i32_0 : i32, i32
  }
  func.func @transform_2(%arg0: i32) -> (i32, i32) {
    %c0_i32 = arith.constant 0 : i32
    %c0_i32_0 = arith.constant 0 : i32
    %c0_i32_1 = arith.constant 0 : i32
    return %c0_i32, %c0_i32_0 : i32, i32
  }
  func.func @transform_3(%arg0: i32) -> (i32, i32) {
    %c0_i32 = arith.constant 0 : i32
    %c0_i32_0 = arith.constant 0 : i32
    %c0_i32_1 = arith.constant 0 : i32
    return %c0_i32, %c0_i32_0 : i32, i32
  }
  func.func @transform_4(%arg0: i32) -> (i32, i32) {
    %c0_i32 = arith.constant 0 : i32
    %c0_i32_0 = arith.constant 0 : i32
    %c0_i32_1 = arith.constant 0 : i32
    return %c0_i32, %c0_i32_0 : i32, i32
  }
  func.func @transform_5(%arg0: i32) -> (i32, i32) {
    %c0_i32 = arith.constant 0 : i32
    %c0_i32_0 = arith.constant 0 : i32
    return %arg0, %c0_i32 : i32, i32
  }
  func.func @transform_6(%arg0: i32) -> (i32, i32) {
    %c0_i32 = arith.constant 0 : i32
    %c0_i32_0 = arith.constant 0 : i32
    return %arg0, %c0_i32 : i32, i32
  }
}

module attributes {stable_mosaic.version = 14 : i64} {
  func.func @_scal_body(%arg0: memref<2x80x128xf32, #tpu.memory_space<vmem>>, %arg1: memref<2x80x128xf32, #tpu.memory_space<vmem>>, %arg2: memref<2x80x128xf32, #tpu.memory_space<vmem>>, %arg3: memref<80x128xf32, #tpu.memory_space<vmem>>, %arg4: memref<80x128xf32, #tpu.memory_space<vmem>>, %arg5: memref<80x128xf32, #tpu.memory_space<vmem>>, %arg6: memref<80x128xf32, #tpu.memory_space<vmem>>) attributes {dimension_semantics = [], scalar_prefetch = 0 : i64, scratch_operands = 0 : i64, tpu.core_type = #tpu.core_type<tc>} {
    %get3A = arith.constant 0 : index
    %get3A_0 = arith.constant 0 : index
    %get3A_1 = arith.constant 0 : index
    %get3A_2 = vector.load %arg0[%get3A, %get3A_0, %get3A_1] : memref<2x80x128xf32, #tpu.memory_space<vmem>>, vector<1x80x128xf32>
    %get3A_3 = vector.shape_cast %get3A_2 : vector<1x80x128xf32> to vector<80x128xf32>
    %get3A_4 = arith.constant 1 : index
    %get3A_5 = arith.constant 0 : index
    %get3A_6 = arith.constant 0 : index
    %get3A_7 = vector.load %arg0[%get3A_4, %get3A_5, %get3A_6] : memref<2x80x128xf32, #tpu.memory_space<vmem>>, vector<1x80x128xf32>
    %get3A_8 = vector.shape_cast %get3A_7 : vector<1x80x128xf32> to vector<80x128xf32>
    %add3A = arith.addf %get3A_3, %get3A_8 : vector<80x128xf32>
    %get3A_9 = arith.constant 0 : index
    %get3A_10 = arith.constant 0 : index
    %get3A_11 = arith.constant 0 : index
    %get3A_12 = vector.load %arg1[%get3A_9, %get3A_10, %get3A_11] : memref<2x80x128xf32, #tpu.memory_space<vmem>>, vector<1x80x128xf32>
    %get3A_13 = vector.shape_cast %get3A_12 : vector<1x80x128xf32> to vector<80x128xf32>
    %get3A_14 = arith.constant 1 : index
    %get3A_15 = arith.constant 0 : index
    %get3A_16 = arith.constant 0 : index
    %get3A_17 = vector.load %arg1[%get3A_14, %get3A_15, %get3A_16] : memref<2x80x128xf32, #tpu.memory_space<vmem>>, vector<1x80x128xf32>
    %get3A_18 = vector.shape_cast %get3A_17 : vector<1x80x128xf32> to vector<80x128xf32>
    %add3A_19 = arith.addf %get3A_13, %get3A_18 : vector<80x128xf32>
    %get3A_20 = arith.constant 0 : index
    %get3A_21 = arith.constant 0 : index
    %get3A_22 = arith.constant 0 : index
    %get3A_23 = vector.load %arg2[%get3A_20, %get3A_21, %get3A_22] : memref<2x80x128xf32, #tpu.memory_space<vmem>>, vector<1x80x128xf32>
    %get3A_24 = vector.shape_cast %get3A_23 : vector<1x80x128xf32> to vector<80x128xf32>
    %get3A_25 = arith.constant 1 : index
    %get3A_26 = arith.constant 0 : index
    %get3A_27 = arith.constant 0 : index
    %get3A_28 = vector.load %arg2[%get3A_25, %get3A_26, %get3A_27] : memref<2x80x128xf32, #tpu.memory_space<vmem>>, vector<1x80x128xf32>
    %get3A_29 = vector.shape_cast %get3A_28 : vector<1x80x128xf32> to vector<80x128xf32>
    %add3A_30 = arith.addf %get3A_24, %get3A_29 : vector<80x128xf32>
    %max3A = arith.constant 1.000000e+00 : f32
    %max3A_31 = vector.broadcast %max3A : f32 to vector<80x128xf32>
    %max3A_32 = arith.maximumf %add3A_30, %max3A_31 : vector<80x128xf32>
    %div3A = arith.divf %add3A_19, %max3A_32 : vector<80x128xf32>
    %get3A_33 = arith.constant 0 : index
    %get3A_34 = arith.constant 0 : index
    %get3A_35 = vector.load %arg3[%get3A_33, %get3A_34] : memref<80x128xf32, #tpu.memory_space<vmem>>, vector<80x128xf32>
    %get3A_36 = arith.constant 0 : index
    %get3A_37 = arith.constant 0 : index
    %get3A_38 = vector.load %arg4[%get3A_36, %get3A_37] : memref<80x128xf32, #tpu.memory_space<vmem>>, vector<80x128xf32>
    %add3A_39 = arith.addf %get3A_35, %get3A_38 : vector<80x128xf32>
    %add3A_40 = arith.addf %add3A_39, %div3A : vector<80x128xf32>
    %ge3A = arith.constant 0.000000e+00 : f32
    %ge3A_41 = vector.broadcast %ge3A : f32 to vector<80x128xf32>
    %ge3A_42 = arith.cmpf oge, %add3A_40, %ge3A_41 : vector<80x128xf32>
    %mul3A = arith.constant 2.000000e-01 : f32
    %mul3A_43 = vector.broadcast %mul3A : f32 to vector<80x128xf32>
    %mul3A_44 = arith.mulf %mul3A_43, %add3A_40 : vector<80x128xf32>
    %select_n3A = arith.select %ge3A_42, %add3A_40, %mul3A_44 : vector<80x128xi1>, vector<80x128xf32>
    %exp3A = math.exp %select_n3A : vector<80x128xf32>
    %swap3A = arith.constant 0 : index
    %swap3A_45 = arith.constant 0 : index
    %swap3A_46 = vector.load %arg5[%swap3A, %swap3A_45] : memref<80x128xf32, #tpu.memory_space<vmem>>, vector<80x128xf32>
    tpu.vector_store %arg5[%swap3A, %swap3A_45], %exp3A {strides = array<i32>} : memref<80x128xf32, #tpu.memory_space<vmem>>, vector<80x128xf32>,
    %add3A_47 = arith.addf %add3A, %exp3A : vector<80x128xf32>
    %add3A_48 = arith.constant 1.000000e-16 : f32
    %add3A_49 = vector.broadcast %add3A_48 : f32 to vector<80x128xf32>
    %add3A_50 = arith.addf %add3A_47, %add3A_49 : vector<80x128xf32>
    %div3A_51 = arith.constant 1.000000e+00 : f32
    %div3A_52 = vector.broadcast %div3A_51 : f32 to vector<80x128xf32>
    %div3A_53 = arith.divf %div3A_52, %add3A_50 : vector<80x128xf32>
    %swap3A_54 = arith.constant 0 : index
    %swap3A_55 = arith.constant 0 : index
    %swap3A_56 = vector.load %arg6[%swap3A_54, %swap3A_55] : memref<80x128xf32, #tpu.memory_space<vmem>>, vector<80x128xf32>
    tpu.vector_store %arg6[%swap3A_54, %swap3A_55], %div3A_53 {strides = array<i32>} : memref<80x128xf32, #tpu.memory_space<vmem>>, vector<80x128xf32>,
    return
  }
}

module attributes {stable_mosaic.version = 14 : i64} {
  func.func @_applyproj_body(%arg0: memref<2x10240x128xf32, #tpu.memory_space<vmem>>, %arg1: memref<10000x128xf32, #tpu.memory_space<vmem>>, %arg2: memref<10240x1xf32, #tpu.memory_space<vmem>>, %arg3: memref<10240x1xf32, #tpu.memory_space<vmem>>, %arg4: memref<1x128xf32, #tpu.memory_space<vmem>>, %arg5: memref<1x128xf32, #tpu.memory_space<vmem>>, %arg6: memref<1x128xf32, #tpu.memory_space<vmem>>, %arg7: memref<128x128xf32, #tpu.memory_space<vmem>>, %arg8: memref<128x1xf32, #tpu.memory_space<vmem>>, %arg9: memref<128x1xf32, #tpu.memory_space<vmem>>, %arg10: memref<10000x128xf32, #tpu.memory_space<vmem>>, %arg11: memref<10000x1xf32, #tpu.memory_space<vmem>>, %arg12: memref<10000x1xf32, #tpu.memory_space<vmem>>) attributes {dimension_semantics = [], scalar_prefetch = 0 : i64, scratch_operands = 0 : i64, tpu.core_type = #tpu.core_type<tc>} {
    %get3A = arith.constant 0 : index
    %get3A_0 = arith.constant 0 : index
    %get3A_1 = arith.constant 0 : index
    %get3A_2 = vector.load %arg0[%get3A, %get3A_0, %get3A_1] : memref<2x10240x128xf32, #tpu.memory_space<vmem>>, vector<1x10000x128xf32>
    %get3A_3 = vector.shape_cast %get3A_2 : vector<1x10000x128xf32> to vector<10000x128xf32>
    %get3A_4 = arith.constant 1 : index
    %get3A_5 = arith.constant 0 : index
    %get3A_6 = arith.constant 0 : index
    %get3A_7 = vector.load %arg0[%get3A_4, %get3A_5, %get3A_6] : memref<2x10240x128xf32, #tpu.memory_space<vmem>>, vector<1x10000x128xf32>
    %get3A_8 = vector.shape_cast %get3A_7 : vector<1x10000x128xf32> to vector<10000x128xf32>
    %add3A = arith.addf %get3A_3, %get3A_8 : vector<10000x128xf32>
    %get3A_9 = arith.constant 0 : index
    %get3A_10 = arith.constant 0 : index
    %get3A_11 = vector.load %arg1[%get3A_9, %get3A_10] : memref<10000x128xf32, #tpu.memory_space<vmem>>, vector<10000x128xf32>
    %get3A_12 = arith.constant 0 : index
    %get3A_13 = arith.constant 0 : index
    %get3A_14 = vector.load %arg2[%get3A_12, %get3A_13] : memref<10240x1xf32, #tpu.memory_space<vmem>>, vector<10000x1xf32>
    %mul3A = vector.broadcast %get3A_14 : vector<10000x1xf32> to vector<10000x128xf32>
    %mul3A_15 = arith.mulf %get3A_11, %mul3A : vector<10000x128xf32>
    %add3A_16 = arith.addf %add3A, %mul3A_15 : vector<10000x128xf32>
    %get3A_17 = arith.constant 0 : index
    %get3A_18 = arith.constant 0 : index
    %get3A_19 = vector.load %arg3[%get3A_17, %get3A_18] : memref<10240x1xf32, #tpu.memory_space<vmem>>, vector<10000x1xf32>
    %mul3A_20 = vector.broadcast %get3A_19 : vector<10000x1xf32> to vector<10000x128xf32>
    %mul3A_21 = arith.mulf %add3A_16, %mul3A_20 : vector<10000x128xf32>
    %get3A_22 = arith.constant 0 : index
    %get3A_23 = arith.constant 0 : index
    %get3A_24 = vector.load %arg4[%get3A_22, %get3A_23] : memref<1x128xf32, #tpu.memory_space<vmem>>, vector<1x128xf32>
    %add3A_25 = vector.broadcast %get3A_24 : vector<1x128xf32> to vector<10000x128xf32>
    %add3A_26 = arith.addf %mul3A_21, %add3A_25 : vector<10000x128xf32>
    %get3A_27 = arith.constant 0 : index
    %get3A_28 = arith.constant 0 : index
    %get3A_29 = vector.load %arg5[%get3A_27, %get3A_28] : memref<1x128xf32, #tpu.memory_space<vmem>>, vector<1x128xf32>
    %get3A_30 = arith.constant 0 : index
    %get3A_31 = arith.constant 0 : index
    %get3A_32 = vector.load %arg6[%get3A_30, %get3A_31] : memref<1x128xf32, #tpu.memory_space<vmem>>, vector<1x128xf32>
    %reduce_sum3A = arith.constant dense<0.000000e+00> : vector<128xf32>
    %reduce_sum3A_33 = vector.multi_reduction <add>, %add3A_26, %reduce_sum3A [0] : vector<10000x128xf32> to vector<128xf32>
    %broadcast_in_dim3A = vector.shape_cast %reduce_sum3A_33 : vector<128xf32> to vector<1x128xf32>
    %div3A = arith.constant 1.000000e+04 : f32
    %div3A_34 = vector.broadcast %div3A : f32 to vector<1x128xf32>
    %div3A_35 = arith.divf %broadcast_in_dim3A, %div3A_34 : vector<1x128xf32>
    %sub3A = vector.broadcast %div3A_35 : vector<1x128xf32> to vector<10000x128xf32>
    %sub3A_36 = arith.subf %add3A_26, %sub3A : vector<10000x128xf32>
    %integer_pow3A = arith.mulf %sub3A_36, %sub3A_36 : vector<10000x128xf32>
    %reduce_sum3A_37 = arith.constant dense<0.000000e+00> : vector<128xf32>
    %reduce_sum3A_38 = vector.multi_reduction <add>, %integer_pow3A, %reduce_sum3A_37 [0] : vector<10000x128xf32> to vector<128xf32>
    %broadcast_in_dim3A_39 = vector.shape_cast %reduce_sum3A_38 : vector<128xf32> to vector<1x128xf32>
    %div3A_40 = arith.constant 1.000000e+04 : f32
    %div3A_41 = vector.broadcast %div3A_40 : f32 to vector<1x128xf32>
    %div3A_42 = arith.divf %broadcast_in_dim3A_39, %div3A_41 : vector<1x128xf32>
    %sub3A_43 = vector.broadcast %div3A_35 : vector<1x128xf32> to vector<10000x128xf32>
    %sub3A_44 = arith.subf %add3A_26, %sub3A_43 : vector<10000x128xf32>
    %add3A_45 = arith.constant 9.99999974E-6 : f32
    %add3A_46 = vector.broadcast %add3A_45 : f32 to vector<1x128xf32>
    %add3A_47 = arith.addf %div3A_42, %add3A_46 : vector<1x128xf32>
    %sqrt3A = math.sqrt %add3A_47 : vector<1x128xf32>
    %div3A_48 = vector.broadcast %sqrt3A : vector<1x128xf32> to vector<10000x128xf32>
    %div3A_49 = arith.divf %sub3A_44, %div3A_48 : vector<10000x128xf32>
    %mul3A_50 = vector.broadcast %get3A_29 : vector<1x128xf32> to vector<10000x128xf32>
    %mul3A_51 = arith.mulf %div3A_49, %mul3A_50 : vector<10000x128xf32>
    %add3A_52 = vector.broadcast %get3A_32 : vector<1x128xf32> to vector<10000x128xf32>
    %add3A_53 = arith.addf %mul3A_51, %add3A_52 : vector<10000x128xf32>
    %max3A = arith.constant 0.000000e+00 : f32
    %max3A_54 = vector.broadcast %max3A : f32 to vector<10000x128xf32>
    %max3A_55 = arith.maximumf %add3A_53, %max3A_54 : vector<10000x128xf32>
    %get3A_56 = arith.constant 0 : index
    %get3A_57 = arith.constant 0 : index
    %get3A_58 = vector.load %arg7[%get3A_56, %get3A_57] : memref<128x128xf32, #tpu.memory_space<vmem>>, vector<128x128xf32>
    %dot_general3A = arith.constant dense<0.000000e+00> : vector<10000x128xf32>
    %dot_general3A_59 = tpu.matmul %max3A_55, %get3A_58, %dot_general3A {dimension_numbers = #tpu.dot_dimension_numbers<[1], [0], [0], [1], [0, 0, 1, 1], [], []>, transpose_lhs_hint = false} : vector<10000x128xf32>, vector<128x128xf32>, vector<10000x128xf32> -> vector<10000x128xf32>
    %swap3A = arith.constant 0 : index
    %swap3A_60 = arith.constant 0 : index
    %swap3A_61 = vector.load %arg10[%swap3A, %swap3A_60] : memref<10000x128xf32, #tpu.memory_space<vmem>>, vector<10000x128xf32>
    tpu.vector_store %arg10[%swap3A, %swap3A_60], %dot_general3A_59 {strides = array<i32>} : memref<10000x128xf32, #tpu.memory_space<vmem>>, vector<10000x128xf32>,
    %get3A_62 = arith.constant 0 : index
    %get3A_63 = arith.constant 0 : index
    %get3A_64 = vector.load %arg8[%get3A_62, %get3A_63] : memref<128x1xf32, #tpu.memory_space<vmem>>, vector<128x1xf32>
    %dot_general3A_65 = arith.constant dense<0.000000e+00> : vector<10000x1xf32>
    %dot_general3A_66 = tpu.matmul %dot_general3A_59, %get3A_64, %dot_general3A_65 {dimension_numbers = #tpu.dot_dimension_numbers<[1], [0], [0], [1], [0, 0, 1, 1], [], []>, transpose_lhs_hint = false} : vector<10000x128xf32>, vector<128x1xf32>, vector<10000x1xf32> -> vector<10000x1xf32>
    %swap3A_67 = arith.constant 0 : index
    %swap3A_68 = arith.constant 0 : index
    %swap3A_69 = vector.load %arg11[%swap3A_67, %swap3A_68] : memref<10000x1xf32, #tpu.memory_space<vmem>>, vector<10000x1xf32>
    tpu.vector_store %arg11[%swap3A_67, %swap3A_68], %dot_general3A_66 {strides = array<i32>} : memref<10000x1xf32, #tpu.memory_space<vmem>>, vector<10000x1xf32>,
    %get3A_70 = arith.constant 0 : index
    %get3A_71 = arith.constant 0 : index
    %get3A_72 = vector.load %arg9[%get3A_70, %get3A_71] : memref<128x1xf32, #tpu.memory_space<vmem>>, vector<128x1xf32>
    %dot_general3A_73 = arith.constant dense<0.000000e+00> : vector<10000x1xf32>
    %dot_general3A_74 = tpu.matmul %dot_general3A_59, %get3A_72, %dot_general3A_73 {dimension_numbers = #tpu.dot_dimension_numbers<[1], [0], [0], [1], [0, 0, 1, 1], [], []>, transpose_lhs_hint = false} : vector<10000x128xf32>, vector<128x1xf32>, vector<10000x1xf32> -> vector<10000x1xf32>
    %swap3A_75 = arith.constant 0 : index
    %swap3A_76 = arith.constant 0 : index
    %swap3A_77 = vector.load %arg12[%swap3A_75, %swap3A_76] : memref<10000x1xf32, #tpu.memory_space<vmem>>, vector<10000x1xf32>
    tpu.vector_store %arg12[%swap3A_75, %swap3A_76], %dot_general3A_74 {strides = array<i32>} : memref<10000x1xf32, #tpu.memory_space<vmem>>, vector<10000x1xf32>,
    return
  }
}

module attributes {stable_mosaic.version = 14 : i64} {
  func.func @_apply_body(%arg0: memref<2x10240x128xf32, #tpu.memory_space<vmem>>, %arg1: memref<10000x128xf32, #tpu.memory_space<vmem>>, %arg2: memref<10240x1xf32, #tpu.memory_space<vmem>>, %arg3: memref<10240x1xf32, #tpu.memory_space<vmem>>, %arg4: memref<1x128xf32, #tpu.memory_space<vmem>>, %arg5: memref<1x128xf32, #tpu.memory_space<vmem>>, %arg6: memref<1x128xf32, #tpu.memory_space<vmem>>, %arg7: memref<10000x128xf32, #tpu.memory_space<vmem>>) attributes {dimension_semantics = [], scalar_prefetch = 0 : i64, scratch_operands = 0 : i64, tpu.core_type = #tpu.core_type<tc>} {
    %get3A = arith.constant 0 : index
    %get3A_0 = arith.constant 0 : index
    %get3A_1 = arith.constant 0 : index
    %get3A_2 = vector.load %arg0[%get3A, %get3A_0, %get3A_1] : memref<2x10240x128xf32, #tpu.memory_space<vmem>>, vector<1x10000x128xf32>
    %get3A_3 = vector.shape_cast %get3A_2 : vector<1x10000x128xf32> to vector<10000x128xf32>
    %get3A_4 = arith.constant 1 : index
    %get3A_5 = arith.constant 0 : index
    %get3A_6 = arith.constant 0 : index
    %get3A_7 = vector.load %arg0[%get3A_4, %get3A_5, %get3A_6] : memref<2x10240x128xf32, #tpu.memory_space<vmem>>, vector<1x10000x128xf32>
    %get3A_8 = vector.shape_cast %get3A_7 : vector<1x10000x128xf32> to vector<10000x128xf32>
    %add3A = arith.addf %get3A_3, %get3A_8 : vector<10000x128xf32>
    %get3A_9 = arith.constant 0 : index
    %get3A_10 = arith.constant 0 : index
    %get3A_11 = vector.load %arg1[%get3A_9, %get3A_10] : memref<10000x128xf32, #tpu.memory_space<vmem>>, vector<10000x128xf32>
    %get3A_12 = arith.constant 0 : index
    %get3A_13 = arith.constant 0 : index
    %get3A_14 = vector.load %arg2[%get3A_12, %get3A_13] : memref<10240x1xf32, #tpu.memory_space<vmem>>, vector<10000x1xf32>
    %mul3A = vector.broadcast %get3A_14 : vector<10000x1xf32> to vector<10000x128xf32>
    %mul3A_15 = arith.mulf %get3A_11, %mul3A : vector<10000x128xf32>
    %add3A_16 = arith.addf %add3A, %mul3A_15 : vector<10000x128xf32>
    %get3A_17 = arith.constant 0 : index
    %get3A_18 = arith.constant 0 : index
    %get3A_19 = vector.load %arg3[%get3A_17, %get3A_18] : memref<10240x1xf32, #tpu.memory_space<vmem>>, vector<10000x1xf32>
    %mul3A_20 = vector.broadcast %get3A_19 : vector<10000x1xf32> to vector<10000x128xf32>
    %mul3A_21 = arith.mulf %add3A_16, %mul3A_20 : vector<10000x128xf32>
    %get3A_22 = arith.constant 0 : index
    %get3A_23 = arith.constant 0 : index
    %get3A_24 = vector.load %arg4[%get3A_22, %get3A_23] : memref<1x128xf32, #tpu.memory_space<vmem>>, vector<1x128xf32>
    %add3A_25 = vector.broadcast %get3A_24 : vector<1x128xf32> to vector<10000x128xf32>
    %add3A_26 = arith.addf %mul3A_21, %add3A_25 : vector<10000x128xf32>
    %get3A_27 = arith.constant 0 : index
    %get3A_28 = arith.constant 0 : index
    %get3A_29 = vector.load %arg5[%get3A_27, %get3A_28] : memref<1x128xf32, #tpu.memory_space<vmem>>, vector<1x128xf32>
    %get3A_30 = arith.constant 0 : index
    %get3A_31 = arith.constant 0 : index
    %get3A_32 = vector.load %arg6[%get3A_30, %get3A_31] : memref<1x128xf32, #tpu.memory_space<vmem>>, vector<1x128xf32>
    %reduce_sum3A = arith.constant dense<0.000000e+00> : vector<128xf32>
    %reduce_sum3A_33 = vector.multi_reduction <add>, %add3A_26, %reduce_sum3A [0] : vector<10000x128xf32> to vector<128xf32>
    %broadcast_in_dim3A = vector.shape_cast %reduce_sum3A_33 : vector<128xf32> to vector<1x128xf32>
    %div3A = arith.constant 1.000000e+04 : f32
    %div3A_34 = vector.broadcast %div3A : f32 to vector<1x128xf32>
    %div3A_35 = arith.divf %broadcast_in_dim3A, %div3A_34 : vector<1x128xf32>
    %sub3A = vector.broadcast %div3A_35 : vector<1x128xf32> to vector<10000x128xf32>
    %sub3A_36 = arith.subf %add3A_26, %sub3A : vector<10000x128xf32>
    %integer_pow3A = arith.mulf %sub3A_36, %sub3A_36 : vector<10000x128xf32>
    %reduce_sum3A_37 = arith.constant dense<0.000000e+00> : vector<128xf32>
    %reduce_sum3A_38 = vector.multi_reduction <add>, %integer_pow3A, %reduce_sum3A_37 [0] : vector<10000x128xf32> to vector<128xf32>
    %broadcast_in_dim3A_39 = vector.shape_cast %reduce_sum3A_38 : vector<128xf32> to vector<1x128xf32>
    %div3A_40 = arith.constant 1.000000e+04 : f32
    %div3A_41 = vector.broadcast %div3A_40 : f32 to vector<1x128xf32>
    %div3A_42 = arith.divf %broadcast_in_dim3A_39, %div3A_41 : vector<1x128xf32>
    %sub3A_43 = vector.broadcast %div3A_35 : vector<1x128xf32> to vector<10000x128xf32>
    %sub3A_44 = arith.subf %add3A_26, %sub3A_43 : vector<10000x128xf32>
    %add3A_45 = arith.constant 9.99999974E-6 : f32
    %add3A_46 = vector.broadcast %add3A_45 : f32 to vector<1x128xf32>
    %add3A_47 = arith.addf %div3A_42, %add3A_46 : vector<1x128xf32>
    %sqrt3A = math.sqrt %add3A_47 : vector<1x128xf32>
    %div3A_48 = vector.broadcast %sqrt3A : vector<1x128xf32> to vector<10000x128xf32>
    %div3A_49 = arith.divf %sub3A_44, %div3A_48 : vector<10000x128xf32>
    %mul3A_50 = vector.broadcast %get3A_29 : vector<1x128xf32> to vector<10000x128xf32>
    %mul3A_51 = arith.mulf %div3A_49, %mul3A_50 : vector<10000x128xf32>
    %add3A_52 = vector.broadcast %get3A_32 : vector<1x128xf32> to vector<10000x128xf32>
    %add3A_53 = arith.addf %mul3A_51, %add3A_52 : vector<10000x128xf32>
    %max3A = arith.constant 0.000000e+00 : f32
    %max3A_54 = vector.broadcast %max3A : f32 to vector<10000x128xf32>
    %max3A_55 = arith.maximumf %add3A_53, %max3A_54 : vector<10000x128xf32>
    %swap3A = arith.constant 0 : index
    %swap3A_56 = arith.constant 0 : index
    %swap3A_57 = vector.load %arg7[%swap3A, %swap3A_56] : memref<10000x128xf32, #tpu.memory_space<vmem>>, vector<10000x128xf32>
    tpu.vector_store %arg7[%swap3A, %swap3A_56], %max3A_55 {strides = array<i32>} : memref<10000x128xf32, #tpu.memory_space<vmem>>, vector<10000x128xf32>,
    return
  }
}

</mosaic_0001>

<sc_bundles>
// kernel: kernel.10.cloned.1.call-start
scs
__scs_entry_jumppad:
0x0: {  	(pc) =	sbr.rel $0x88, $3  }
0x1: {  	(tag) =	ssettag $0x0;
	lr =	simm.s32 $0x1  }
0x2: {  	[smem:$0x3F8E] =	sst lr;
	_ =	strace $0xD0000000  }
0x3: {  	_ = 	snop  }
0x4: {  	_ = 	snop  }
0x5: {  	_ = 	snop  }
0x6: {  	_ = 	snop  }
0x7: {  	_ = 	snop  }
__scs_overlays_trampoline_lowered:
0x8: {  	[smem:$0x3F9D] =	sst s0  }
0x9: {  	[smem:$0x3F9E] =	sst s1  }
0xa: {  	[smem:$0x3F9F] =	sst s2  }
0xb: {  	[smem:$0x3FA0] =	sst s3  }
0xc: {  	[smem:$0x3FA1] =	sst s4  }
0xd: {  	[smem:$0x3FA2] =	sst s5  }
0xe: {  	[smem:$0x3FA3] =	sst s6  }
0xf: {  	[smem:$0x3FA4] =	sst s7  }
0x10: {  	[smem:$0x3FA5] =	sst s8  }
0x11: {  	[smem:$0x3FA6] =	sst s9;
	s0 =	simm.s32 @!p0 $0x0  }
0x12: {  	s1 =	sld [smem:$0x3F8C];
	s0 =	simm.s32 @p0 $0x1  }
0x13: {  	[smem:$0x3FA7] =	sst s0;
	s0 =	simm.s32 @!p1 $0x0  }
0x14: {  	s2 =	sld [smem:$0x3F8B];
	s0 =	simm.s32 @p1 $0x1  }
0x15: {  	[smem:$0x3FA8] =	sst s0;
	s0 =	simm.s32 @!p2 $0x0  }
0x16: {  	s3 =	sld [smem:$0x3FDB];
	s0 =	simm.s32 @p2 $0x1  }
0x17: {  	s4 =	simm.s32 $0x1BF5;
	[smem:$0x3FAA] =	sst s0  }
0x18: {  	s0 =	sld [smem:$0x3F8D];
	_ =	swait.ge [sflag:s4], $0x0  }
0x19: {  	s7 =	sld [smem:$0x3F8E]  }
0x1a: {  	s8 =	sadd.s32 $0xFFFFE003, lr  }
0x1b: {  	s9 =	sadd.s32 $0xFFFFFEF7, lr;
	s5 =	simm.s32 $0xFFFFFFFF;
	p2 =	slt.u32 s8, $0xFFFFF086  }
0x1c: {  	p1 =	slt.u32 s9, $0xF7A;
	s5 =	simm.s32 @!p2 $0x0  }
0x1d: {  	s5 =	simm.s32 @p1 $0x1;
	p0 =	seq.s32 s7, s2  }
0x1e: {  	s7 =	smul.u32 @!p0 $0xF7A, s2;
	p2 =	seq.s32 @!p0 s5, $0x0  }
0x1f: {  	s9 =	smul.u32 $0xF7A, s1;
	s8 =	simm.s32 @!p0 $0x1BF5;
	p2 =	por !p2, p0  }
0x20: {  	[sflag:s8] =	ssyncset.s32 @!p0 $0xFFFFF086;
	s6 =	sadd.s32 @!p0 s3, s7;
	s7 =	simm.s32 @!p0 $0x108  }
0x21: {  	s3 =	sadd.s32 s3, s9;
	s6 =	sadd.s32 @!p0 $0x88, s6;
	s7 =	simm.s32 @p2 $0x1082  }
0x22: {  	[simem:s7], [sflag:s8] =	dma.local @!p0 [hbm:s6], $0xF7A  }
0x23: {  	s9 =	sor.u32 $0xD0000000, s2;
	s6 =	simm.s32 $0x108;
	_ =	swait.ge @!p0 [sflag:s8], $0x0  }
0x24: {  	s3 =	sadd.s32 $0x88, s3;
	s6 =	simm.s32 @!p1 $0x1082;
	[sflag:s4] =	ssyncset.s32 $0xFFFFF086  }
0x25: {  	[simem:s6], [sflag:s4] =	dma.local [hbm:s3], $0xF7A  }
0x26: {  	[smem:$0x3F8E] =	sst s1;
	(tag) =	ssettag s2;
	_ =	strace s9  }
0x27: {  	s1 =	sld [smem:$0x3F9E]  }
0x28: {  	s2 =	sld [smem:$0x3F9F]  }
0x29: {  	s4 =	sld [smem:$0x3FA1]  }
0x2a: {  	p0 =	seq.s32 s5, $0x0;
	s5 =	sld [smem:$0x3FA2]  }
0x2b: {  	s6 =	sld [smem:$0x3FA3]  }
0x2c: {  	s7 =	sld [smem:$0x3FA4]  }
0x2d: {  	s3 =	simm.s32 $0x108;
	s8 =	sld [smem:$0x3FA5]  }
0x2e: {  	s3 =	simm.s32 @!p0 $0x1082;
	s9 =	sld [smem:$0x3FA6]  }
0x2f: {  	lr =	sadd.s32 s0, s3;
	s0 =	sld [smem:$0x3F9D]  }
0x30: {  	s3 =	sld [smem:$0x3FA0]  }
0x31: {  	[smem:$0x3FA9] =	sst s10  }
0x32: {  	s10 =	sld [smem:$0x3FA7];
	_ =	sdelay $0x3  }
0x33: {  	p0 =	seq.s32 s10, $0x1;
	s10 =	sld [smem:$0x3FA9];
	_ =	sdelay $0x3  }
0x34: {  	[smem:$0x3FA9] =	sst s10  }
0x35: {  	s10 =	sld [smem:$0x3FA8];
	_ =	sdelay $0x3  }
0x36: {  	p1 =	seq.s32 s10, $0x1;
	s10 =	sld [smem:$0x3FA9];
	_ =	sdelay $0x3  }
0x37: {  	[smem:$0x3FA9] =	sst s10  }
0x38: {  	s10 =	sld [smem:$0x3FAA]  }
0x39: {  	_ = 	snop;
	(pc) =	sbr.ind lr, $3  }
0x3a: {  	_ = 	snop  }
0x3b: {  	_ = 	snop  }
0x3c: {  	p2 =	seq.s32 s10, $0x1;
	s10 =	sld [smem:$0x3FA9]  }
0x3d: {  	_ =	shalt  }
0x3e: {  	_ =	shalt  }
0x3f: {  	_ =	shalt  }
0x40: {  	_ =	shalt  }
0x41: {  	_ =	shalt  }
0x42: {  	_ =	shalt  }
0x43: {  	_ =	shalt  }
0x44: {  	_ =	shalt  }
0x45: {  	_ =	shalt  }
0x46: {  	_ =	shalt  }
0x47: {  	_ =	shalt  }
0x48: {  	_ =	shalt  }
0x49: {  	_ =	shalt  }
0x4a: {  	_ =	shalt  }
0x4b: {  	_ =	shalt  }
0x4c: {  	_ =	shalt  }
0x4d: {  	_ =	shalt  }
0x4e: {  	_ =	shalt  }
0x4f: {  	_ =	shalt  }
0x50: {  	_ =	shalt  }
0x51: {  	_ =	shalt  }
0x52: {  	_ =	shalt  }
0x53: {  	_ =	shalt  }
0x54: {  	_ =	shalt  }
0x55: {  	_ =	shalt  }
0x56: {  	_ =	shalt  }
0x57: {  	_ =	shalt  }
0x58: {  	_ =	shalt  }
0x59: {  	_ =	shalt  }
0x5a: {  	_ =	shalt  }
0x5b: {  	_ =	shalt  }
0x5c: {  	_ =	shalt  }
0x5d: {  	_ =	shalt  }
0x5e: {  	_ =	shalt  }
0x5f: {  	_ =	shalt  }
0x60: {  	_ =	shalt  }
0x61: {  	_ =	shalt  }
0x62: {  	_ =	shalt  }
0x63: {  	_ =	shalt  }
0x64: {  	_ =	shalt  }
0x65: {  	_ =	shalt  }
0x66: {  	_ =	shalt  }
0x67: {  	_ =	shalt  }
0x68: {  	_ =	shalt  }
0x69: {  	_ =	shalt  }
0x6a: {  	_ =	shalt  }
0x6b: {  	_ =	shalt  }
0x6c: {  	_ =	shalt  }
0x6d: {  	_ =	shalt  }
0x6e: {  	_ =	shalt  }
0x6f: {  	_ =	shalt  }
0x70: {  	_ =	shalt  }
0x71: {  	_ =	shalt  }
0x72: {  	_ =	shalt  }
0x73: {  	_ =	shalt  }
0x74: {  	_ =	shalt  }
0x75: {  	_ =	shalt  }
0x76: {  	_ =	shalt  }
0x77: {  	_ =	shalt  }
0x78: {  	_ =	shalt  }
0x79: {  	_ =	shalt  }
0x7a: {  	_ =	shalt  }
0x7b: {  	_ =	shalt  }
0x7c: {  	_ =	shalt  }
0x7d: {  	_ =	shalt  }
0x7e: {  	_ =	shalt  }
0x7f: {  	_ =	shalt  }
0x80: {  	_ =	shalt  }
0x81: {  	_ =	shalt  }
0x82: {  	_ =	shalt  }
0x83: {  	_ =	shalt  }
0x84: {  	_ =	shalt  }
0x85: {  	_ =	shalt  }
0x86: {  	_ =	shalt  }
0x87: {  	_ =	shalt  }
.Lfunc_end0:
.L_simem_size_0:
called_computation_lowered:
.L_overlay_start_0:
0x88: {  	s2 =	sld [smem:$0x3FD9]  }
0x89: {  	s3 =	sld [smem:$0x3FFE];
	_ =	sdelay $0x1  }
0x8a: {  	s1 =	srdreg.scid  }
0x8b: {  	s0 =	sand.u32 $0x1, s1  }
0x8c: {  	s17 =	sshll.u32 s0, $0xA;
	s2 =	sadd.s32 s3, s2  }
0x8d: {  	s2 =	sadd.s32 s2, s17  }
0x8e: {  	[smem:$0x3FB5] =	sst s2  }
0x8f: {  	_ = 	snop  }
0x90: {  	s2 =	sld [smem:$0x3FD0];
	(tm) =	ssettm $0x1  }
0x91: {  	s18 =	sld [smem:$0x3FFB];
	_ =	sdelay $0x3  }
0x92: {  	_ =	strace s18  }
0x93: {  	s3 =	sld [smem:$0x3FFC];
	_ =	sdelay $0x3  }
0x94: {  	_ =	strace s3  }
0x95: {  	s3 =	sld [smem:$0x3FFD];
	_ =	sdelay $0x3  }
0x96: {  	_ =	strace s3  }
0x97: {  	_ =	strace $0x8FFFFFFF  }
0x98: {  	s19 =	sld [smem:$0x3FDB];
	_ =	sdelay $0x1  }
0x99: {  	s4 =	simm.s32 $_scs_section_size  }
0x9a: {  	s5 =	simm.s32 $_size__tile_overlayer_lowered;
	s6 =	simm.s32 $_tile_overlayer_lowered  }
0x9b: {  	s22 =	simm.s32 $0x1BFF;
	s21 =	sshll.u32 s6, $0x1;
	s3 =	sadd.s32 s4, s19  }
0x9c: {  	s7 =	simm.s32 $0x0;
	s20 =	sshll.u32 s5, $0x1;
	s5 =	sadd.s32 s21, s3  }
0x9d: {  	[timem:s7], [sflag:s22] =	dma.local [hbm:s5], s20  }
0x9e: {  	_ =	swait.ge [sflag:s22], s20  }
0x9f: {  	s4 =	ssub.s32 $0x0, s20;
	[sflag:s22] =	ssyncset.done $0x0  }
0xa0: {  	[sflag:s22] =	ssyncadd.s32 s4;
	_ =	sdelay $0x1  }
0xa1: {  	s23 =	simm.s32 $0x1B8B  }
0xa2: {  	_ =	swait.ge [sflag:s23], $0x1  }
0xa3: {  	[sflag:s23] =	ssyncset.done $0x0  }
0xa4: {  	s25 =	simm.s32 $0x1B8E;
	s24 =	sld [smem:$0x3FFE];
	[sflag:s23] =	ssyncadd.s32 $0xFFFFFFFF  }
0xa5: {  	s26 =	simm.s32 $execute0_lowered;
	[smem:$0x3FD2] =	sst s25  }
0xa6: {  	s5 =	sshll.u32 s26, $0x1;
	_ =	strace $0x80000046;
	[dreg:$0x1] =	wrdreg $0xFFFFFFFF  }
0xa7: {  	s28 =	simm.s32 $_size_execute0_lowered;
	s3 =	sadd.s32 s3, s5;
	[dreg:$0x0] =	wrdreg $0x0  }
0xa8: {  	s5 =	sshll.u32 s28, $0x1;
	[dreg:$0x2] =	wrdreg s3  }
0xa9: {  	[dreg:$0x3] =	wrdreg s5  }
0xaa: {  	[dreg:$0x4] =	wrdreg $0xC0  }
0xab: {  	_ =	task [dreg:s7], $0x5FFFF  }
0xac: {  	[dreg:$0x1] =	wrdreg $0xFFFFFFFF  }
0xad: {  	[dreg:$0x0] =	wrdreg $0x60  }
0xae: {  	[dreg:$0x2] =	wrdreg s2  }
0xaf: {  	[dreg:$0x3] =	wrdreg s24  }
0xb0: {  	[dreg:$0x4] =	wrdreg $0x95800  }
0xb1: {  	[dreg:$0x5] =	wrdreg $0x1D5800  }
0xb2: {  	[dreg:$0x6] =	wrdreg $0x1D8000  }
0xb3: {  	[dreg:$0x7] =	wrdreg $0x1DA800  }
0xb4: {  	[dreg:$0x8] =	wrdreg $0x9  }
0xb5: {  	_ =	task.clear_ibuf [dreg:s7], $0x9FFFF;
	_ =	strace $0x90000046  }
0xb6: {  	s29 =	simm.s32 $0x9;
	_ =	strace $0x80000048  }
0xb7: {  	_ =	swait.ge [sflag:s29], $0x1  }
0xb8: {  	[sflag:s29] =	ssyncadd.s32 $0xFFFFFFFF  }
0xb9: {  	_ =	strace $0x90000048  }
0xba: {  	_ =	sfence  }
0xbb: {  	s30 =	sld [smem:$0x0];
	_ =	sdelay $0x2  }
0xbc: {  	s31 =	sshll.u32 s1, $0xD;
	s1 =	sshrl.u32 s1, $0x2  }
0xbd: {  	s3 =	sand.u32 $0x4000, s31;
	s1 =	sadd.s32 s1, s30  }
0xbe: {  	s0 =	sor.u32 s3, s0;
	s1 =	sshll.u32 s1, $0x11  }
0xbf: {  	s0 =	sor.u32 s1, s0  }
0xc0: {  	s0 =	sadd.s32 $0x8F2B, s0  }
0xc1: {  	[sflag:s0] =	ssyncadd.remote.s32 $0x1  }
0xc2: {  	_ =	sfence.sel $0xFFFF  }
0xc3: {  	[dreg:$0x0] =	wrdreg $0xFFFFFFFF;
	(pc) =	sbr.abs _section_cstart, $3  }
0xc4: {  	[dreg:$0x1] =	wrdreg $0xFFFFFFFF  }
0xc5: {  	_ =	task.clear_ibuf [dreg:s7], $0x2FFFF;
	_ =	strace $0x9FFFFFFF  }
0xc6: {  	(tm) =	ssettm $0x7FFFFFFF  }
0xc7: {  	_ =	shalt  }
tec
execute0_lowered:
.L_overlay_start_1:
0x0: {  	(tag) =	ssettag $0x1  }
0x1: {  	s1 =	rddreg [dreg:$0x0]  }
0x2: {  	s0 =	rddreg [dreg:$0x1]  }
0x3: {  	s2 =	rddreg [dreg:$0x2]  }
0x4: {  	s3 =	rddreg [dreg:$0x3]  }
0x5: {  	s4 =	rddreg [dreg:$0x4]  }
0x6: {  	s5 =	rddreg [dreg:$0x5];
	s7 =	simm.s32 $0x0  }
0x7: {  	s6 =	srdreg.scid;
	s12 =	stileid.u32;
	s28 =	simm.s32 $0x2  }
0x8: {  	s29 =	simm.s32 $0x2680;
	[smem:$0x7FF] =	sst s7;
	s6 =	sand.u32 $0x1, s6  }
0x9: {  	s10 =	smul.u32 $0x14000, s12;
	s8 =	sadd.s32 $0xB5C00, s0;
	s9 =	sadd.s32 $0xA1C00, s0  }
0xa: {  	s11 =	smul.u32 $0x500, s12;
	s13 =	sadd.s32 $0x5200, s0;
	s16 =	sadd.s32 $0xDD400, s0  }
0xb: {  	s19 =	smul.u32 $0x50000, s12;
	_ =	strace $0x80000047;
	[dreg:$0x7] =	wrdreg s13  }
0xc: {  	s17 =	sadd.s32 $0xDDA00, s0;
	s14 =	smul.u32 $0x140000, s6;
	[dreg:$0x8] =	wrdreg s16  }
0xd: {  	s15 =	sshll.u32 s6, $0x7;
	[dreg:$0x9] =	wrdreg s17;
	s18 =	sshll.u32 s6, $0x4  }
0xe: {  	s6 =	ssub.s32 $0x2, s6;
	s7 =	sadd.s32 s10, s14;
	s10 =	sor.u32 s15, s11  }
0xf: {  	s14 =	sshrl.u32 s6, $0x1;
	s11 =	sshrl.u32 s19, $0x2;
	s7 =	sshrl.u32 s7, $0x3  }
0x10: {  	s10 =	sshrl.u32 s10, $0x3;
	s6 =	ssub.s32 s6, s14;
	s17 =	sadd.s32 s11, s2  }
0x11: {  	s7 =	sadd.s32 s7, s0;
	s14 =	sadd.s32 $0x2000, s17;
	[dreg:$0xa] =	wrdreg s17  }
0x12: {  	s0 =	sadd.s32 s10, s0;
	s16 =	sadd.s32 $0x4000, s17;
	[dreg:$0x15] =	wrdreg s14  }
0x13: {  	s10 =	sor.u32 s12, s18;
	s18 =	sadd.s32 $0x6000, s17;
	[dreg:$0x16] =	wrdreg s16  }
0x14: {  	s30 =	simm.s32 $0x3;
	s19 =	sadd.s32 $0x8000, s17;
	[dreg:$0x17] =	wrdreg s18  }
0x15: {  	s31 =	simm.s32 $0x300;
	s7 =	sadd.s32 $0xDFA00, s7;
	[dreg:$0x18] =	wrdreg s19  }
0x16: {  	s12 =	smul.u32 $0x280, s12;
	s25 =	sadd.s32 $0xDDC00, s0;
	[dreg:$0x10] =	wrdreg s7  }
0x17: {  	s13 =	smul.u32 $0x9E00, s10;
	s26 =	sadd.s32 $0xDE600, s0;
	[dreg:$0x11] =	wrdreg s25  }
0x18: {  	s15 =	smul.u32 $0x5000, s10;
	s0 =	sadd.s32 $0xDF000, s0;
	[dreg:$0x12] =	wrdreg s26  }
0x19: {  	s18 =	simm.s32 $0x4680;
	s20 =	sadd.s32 s12, s3;
	[dreg:$0x13] =	wrdreg s0  }
0x1a: {  	s16 =	simm.s32 $0x580;
	s21 =	sadd.s32 s12, s4;
	[dreg:$0xb] =	wrdreg s20  }
0x1b: {  	s19 =	simm.s32 $0x480;
	s23 =	sadd.s32 s12, s5;
	[dreg:$0xc] =	wrdreg s21  }
0x1c: {  	s12 =	smax.u32 s6, $0x1;
	s0 =	simm.s32 $0x500;
	[dreg:$0xd] =	wrdreg s23  }
0x1d: {  	s7 =	simm.s32 $0x0;
	[dreg:$0x14] =	wrdreg s12;
	s20 =	sadd.s32 $0xA000, s17  }
0x1e: {  	s22 =	sshrl.u32 s13, $0x3;
	s21 =	sadd.s32 $0xC000, s17;
	[dreg:$0x19] =	wrdreg s20  }
0x1f: {  	s24 =	sshrl.u32 s15, $0x3;
	s23 =	sadd.s32 $0x10000, s17;
	[dreg:$0x1a] =	wrdreg s21  }
0x20: {  	s11 =	sadd.s32 s8, s22;
	s22 =	sadd.s32 $0xE000, s17;
	[dreg:$0x1c] =	wrdreg s23  }
0x21: {  	s10 =	sadd.s32 s9, s24;
	s24 =	sadd.s32 $0x12000, s17;
	[dreg:$0x1b] =	wrdreg s22  }
0x22: {  	s21 =	simm.s32 $0x7;
	s23 =	simm.s32 $0x680;
	[dreg:$0x1d] =	wrdreg s24  }
0x23: {  	s20 =	simm.s32 $0x1;
	[dreg:$0xe] =	wrdreg s11;
	s25 =	sadd.s32 $0x20, s11  }
0x24: {  	[dreg:$0xf] =	wrdreg s10;
	s26 =	sadd.s32 $0x10, s10;
	s22 =	simm.s32 $0x6E00  }
0x25: {  	s24 =	simm.s32 $0x100;
	s10 =	simm.s32 $0x600;
	[dreg:$0x1e] =	wrdreg s25  }
0x26: {  	v0 =	vimm.f32 $1.000000000e+00;
	v1 =	vimm.f32 $0.0e+00;
	s11 =	simm.s32 $0x4;
	[dreg:$0x1f] =	wrdreg s26;
	s26 =	simm.s32 $0x40  }
.LBB2_1:
0x27: {  	[smem:$0x7FD] =	sst s7  }
0x28: {  	s12 =	simm.s32 $0x0;
	s6 =	rddreg [dreg:$0x7]  }
0x29: {  	[tilespmem:s18], [sflag:$0x7] =	stream.linear.gather [hbm4b:s6+s12], $0x2780, $0x38;
	[tilespmem:$0x1DD00] =	vst v63  }
0x2a: {  	_ =	swait.ge [sflag:s21], $0x2780  }
0x2b: {  	[sflag:s21] =	ssyncset.done $0x0  }
0x2c: {  	s14 =	rddreg [dreg:$0x8];
	[sflag:s21] =	ssyncadd.s32 $0xFFFFD880  }
0x2d: {  	[tilespmem:s22], [sflag:$0x7] =	stream.linear.gather [hbm4b:s14+s12], $0x2780, $0x38;
	[tilespmem:$0x1DD00] =	vst v63  }
0x2e: {  	_ =	swait.ge [sflag:s21], $0x2780  }
0x2f: {  	[sflag:s21] =	ssyncset.done $0x0  }
0x30: {  	[sflag:s21] =	ssyncadd.s32 $0xFFFFD880  }
0x31: {  	[tilespmem:$0x600] =	vst v0  }
0x32: {  	s25 =	sand.u32 $0x7E00, s12;
	[tilespmem:$0x610] =	vst v0  }
0x33: {  	s7 =	sand.u32 $0x70, s12;
	s12 =	sshrl.u32 s25, $0x2;
	[tilespmem:$0x620] =	vst v0  }
0x34: {  	s6 =	simm.s32 $0x40;
	s12 =	sor.u32 s7, s12;
	s7 =	simm.s32 $0x0;
	[tilespmem:$0x630] =	vst v0  }
.LBB2_2:
0x35: {  	p0 =	sne.s32 s6, $0x7FC0  }
0x36: {  	[tilespmem:s12+$0x680] =	vst v1;
	s7 =	sadd.s32 $0x10, s7;
	s12 =	smov.u32 s6;
	s6 =	sadd.s32 $0x40, s6  }
.Ltmp0:
0x37: {  	(pc) =	sbr.rel @p0 .LBB2_2-.Ltmp0, $4  }
0x38: {  	_ = 	snop  }
0x39: {  	s12 =	sand.u32 $0x7E00, s12  }
0x3a: {  	s14 =	sand.u32 $0x70, s7;
	s12 =	sshrl.u32 s12, $0x2  }
0x3b: {  	s12 =	sor.u32 s14, s12  }
0x3c: {  	[tilespmem:s12+$0x680] =	vst v1  }
0x3d: {  	[spmem:s17] =	stream.linear.scatter [tilespmem:s23], [sflag:$0x7], $0x2000, $0x38;
	[tilespmem:$0x1DD00] =	vst v63  }
0x3e: {  	_ =	swait.ge [sflag:s21], $0x2000  }
0x3f: {  	[sflag:s21] =	ssyncset.done $0x0  }
0x40: {  	s6 =	rddreg [dreg:$0x15];
	[sflag:s21] =	ssyncadd.s32 $0xFFFFE000  }
0x41: {  	[spmem:s6] =	stream.linear.scatter [tilespmem:s23], [sflag:$0x7], $0x2000, $0x38;
	[tilespmem:$0x1DD00] =	vst v63  }
0x42: {  	_ =	swait.ge [sflag:s21], $0x2000  }
0x43: {  	[sflag:s21] =	ssyncset.done $0x0  }
0x44: {  	s12 =	rddreg [dreg:$0x16];
	[sflag:s21] =	ssyncadd.s32 $0xFFFFE000  }
0x45: {  	[spmem:s12] =	stream.linear.scatter [tilespmem:s23], [sflag:$0x7], $0x2000, $0x38;
	[tilespmem:$0x1DD00] =	vst v63  }
0x46: {  	_ =	swait.ge [sflag:s21], $0x2000  }
0x47: {  	[sflag:s21] =	ssyncset.done $0x0  }
0x48: {  	s14 =	rddreg [dreg:$0x17];
	[sflag:s21] =	ssyncadd.s32 $0xFFFFE000  }
0x49: {  	[spmem:s14] =	stream.linear.scatter [tilespmem:s23], [sflag:$0x7], $0x2000, $0x38;
	[tilespmem:$0x1DD00] =	vst v63  }
0x4a: {  	_ =	swait.ge [sflag:s21], $0x2000  }
0x4b: {  	[sflag:s21] =	ssyncset.done $0x0  }
0x4c: {  	s17 =	rddreg [dreg:$0x18];
	[sflag:s21] =	ssyncadd.s32 $0xFFFFE000  }
0x4d: {  	[spmem:s17] =	stream.linear.scatter [tilespmem:s23], [sflag:$0x7], $0x2000, $0x38;
	[tilespmem:$0x1DD00] =	vst v63  }
0x4e: {  	_ =	swait.ge [sflag:s21], $0x2000  }
0x4f: {  	[sflag:s21] =	ssyncset.done $0x0  }
0x50: {  	s25 =	rddreg [dreg:$0x19];
	[sflag:s21] =	ssyncadd.s32 $0xFFFFE000  }
0x51: {  	[spmem:s25] =	stream.linear.scatter [tilespmem:s23], [sflag:$0x7], $0x2000, $0x38;
	[tilespmem:$0x1DD00] =	vst v63  }
0x52: {  	_ =	swait.ge [sflag:s21], $0x2000  }
0x53: {  	[sflag:s21] =	ssyncset.done $0x0  }
0x54: {  	s7 =	rddreg [dreg:$0x1a];
	[sflag:s21] =	ssyncadd.s32 $0xFFFFE000  }
0x55: {  	[spmem:s7] =	stream.linear.scatter [tilespmem:s23], [sflag:$0x7], $0x2000, $0x38;
	[tilespmem:$0x1DD00] =	vst v63  }
0x56: {  	_ =	swait.ge [sflag:s21], $0x2000  }
0x57: {  	[sflag:s21] =	ssyncset.done $0x0  }
0x58: {  	s12 =	rddreg [dreg:$0x1b];
	[sflag:s21] =	ssyncadd.s32 $0xFFFFE000  }
0x59: {  	[spmem:s12] =	stream.linear.scatter [tilespmem:s23], [sflag:$0x7], $0x2000, $0x38;
	[tilespmem:$0x1DD00] =	vst v63  }
0x5a: {  	_ =	swait.ge [sflag:s21], $0x2000  }
0x5b: {  	[sflag:s21] =	ssyncset.done $0x0  }
0x5c: {  	s14 =	rddreg [dreg:$0x1c];
	[sflag:s21] =	ssyncadd.s32 $0xFFFFE000  }
0x5d: {  	[spmem:s14] =	stream.linear.scatter [tilespmem:s23], [sflag:$0x7], $0x2000, $0x38;
	[tilespmem:$0x1DD00] =	vst v63  }
0x5e: {  	_ =	swait.ge [sflag:s21], $0x2000  }
0x5f: {  	[sflag:s21] =	ssyncset.done $0x0  }
0x60: {  	s17 =	rddreg [dreg:$0x1d];
	[sflag:s21] =	ssyncadd.s32 $0xFFFFE000  }
0x61: {  	[spmem:s17] =	stream.linear.scatter [tilespmem:s23], [sflag:$0x7], $0x2000, $0x38;
	[tilespmem:$0x1DD00] =	vst v63  }
0x62: {  	s25 =	stileid.u32;
	_ =	swait.ge [sflag:s21], $0x2000  }
0x63: {  	s6 =	sshll.u32 s25, $0x6;
	s7 =	rddreg [dreg:$0xb]  }
0x64: {  	[sflag:s21] =	ssyncset.done $0x0;
	s14 =	rddreg [dreg:$0x9];
	s7 =	sshrl.u32 s7, $0x3  }
0x65: {  	s12 =	sor.u32 $0x1C07, s6;
	[sflag:s21] =	ssyncadd.s32 $0xFFFFE000;
	[smem:$0x7F9] =	sst s7  }
0x66: {  	[spmem:s7], [sflag:s12] =	dma.local [hbm:s14], $0x50  }
0x67: {  	_ =	swait.ge [sflag:s21], $0x50  }
0x68: {  	s17 =	rddreg [dreg:$0xc]  }
0x69: {  	[sflag:s21] =	ssyncset.done $0x0;
	s7 =	sshrl.u32 s17, $0x3  }
0x6a: {  	[sflag:s21] =	ssyncadd.s32 $0xFFFFFFB0;
	[smem:$0x7FA] =	sst s7  }
0x6b: {  	[spmem:s7], [sflag:s12] =	dma.local [hbm:s14], $0x50  }
0x6c: {  	_ =	swait.ge [sflag:s21], $0x50  }
0x6d: {  	s25 =	rddreg [dreg:$0xd]  }
0x6e: {  	[sflag:s21] =	ssyncset.done $0x0;
	[smem:$0x7FB] =	sst s12;
	s7 =	sshrl.u32 s25, $0x3  }
0x6f: {  	[sflag:s21] =	ssyncadd.s32 $0xFFFFFFB0;
	[smem:$0x7FC] =	sst s7  }
0x70: {  	[spmem:s7], [sflag:s12] =	dma.local [hbm:s14], $0x50  }
0x71: {  	_ =	swait.ge [sflag:s21], $0x50  }
0x72: {  	[sflag:s21] =	ssyncset.done $0x0  }
0x73: {  	[sflag:s21] =	ssyncadd.s32 $0xFFFFFFB0  }
0x74: {  	[bflag:$0x0] =	sbarrier.arrive $0xFFFF  }
0x75: {  	s25 =	simm.s32 $0x0;
	s12 =	rddreg [dreg:$0xe]  }
0x76: {  	[tilespmem:s25], [sflag:$0x1] =	stream.linear.gather [hbm4b:s12+s25], $0x100, $0x38;
	[tilespmem:$0x1DD00] =	vst v63  }
0x77: {  	s17 =	simm.s32 $0x200;
	s14 =	rddreg [dreg:$0xf]  }
0x78: {  	[tilespmem:s17], [sflag:$0x1] =	stream.linear.gather [hbm4b:s14+s25], $0x80, $0x38;
	[tilespmem:$0x1DD00] =	vst v63  }
0x79: {  	s12 =	rddreg [dreg:$0x1e]  }
0x7a: {  	[tilespmem:s24], [sflag:$0x2] =	stream.linear.gather [hbm4b:s12+s25], $0x100, $0x38;
	[tilespmem:$0x1DD00] =	vst v63  }
0x7b: {  	s14 =	rddreg [dreg:$0x1f];
	s17 =	simm.s32 $0x280  }
0x7c: {  	[tilespmem:s17], [sflag:$0x2] =	stream.linear.gather [hbm4b:s14+s25], $0x80, $0x38;
	[tilespmem:$0x1DD00] =	vst v63  }
0x7d: {  	_ =	swait.ge [sflag:s20], $0x100  }
0x7e: {  	[sflag:s20] =	ssyncset.done $0x0  }
0x7f: {  	[sflag:s20] =	ssyncadd.s32 $0xFFFFFF00  }
0x80: {  	_ =	swait.ge [sflag:s20], $0x80  }
0x81: {  	[sflag:s20] =	ssyncset.done $0x0  }
0x82: {  	[sflag:s20] =	ssyncadd.s32 $0xFFFFFF80;
	s20 =	simm.s32 $0x0  }
0x83: {  	[tilespmem:s23], [sflag:$0x3] =	stream.indirect.gather [hbm4b:s1+s26], $0x80, s25, s26, $0xb8;
	[tilespmem:$0x1DD00] =	vst v63  }
.LBB2_4:
0x84: {  	_ =	swait.ge [sflag:s28], $0x100  }
0x85: {  	[sflag:s28] =	ssyncset.done $0x0  }
0x86: {  	[sflag:s28] =	ssyncadd.s32 $0xFFFFFF00  }
0x87: {  	_ =	swait.ge [sflag:s28], $0x80  }
0x88: {  	p0 =	seq.s32 s20, $0x0;
	[sflag:s28] =	ssyncset.done $0x0  }
0x89: {  	s6 =	simm.s32 @!p0 $0x6;
	[sflag:s28] =	ssyncadd.s32 $0xFFFFFF80  }
0x8a: {  	_ =	swait.ge @!p0 [sflag:s6], $0x2000  }
0x8b: {  	[sflag:s6] =	ssyncset.done @!p0 $0x0  }
0x8c: {  	[sflag:s6] =	ssyncadd.s32 @!p0 $0xFFFFE000  }
0x8d: {  	_ =	swait.ge @!p0 [sflag:s6], $0x40  }
0x8e: {  	[sflag:s6] =	ssyncset.done @!p0 $0x0  }
0x8f: {  	[sflag:s6] =	ssyncadd.s32 @!p0 $0xFFFFFFC0  }
0x90: {  	_ =	swait.ge @!p0 [sflag:s6], $0x40  }
0x91: {  	[sflag:s6] =	ssyncset.done @!p0 $0x0  }
0x92: {  	[sflag:s6] =	ssyncadd.s32 @!p0 $0xFFFFFFC0  }
0x93: {  	_ =	swait.ge @!p0 [sflag:s6], $0x40  }
0x94: {  	[sflag:s6] =	ssyncset.done @!p0 $0x0  }
0x95: {  	[sflag:s6] =	ssyncadd.s32 @!p0 $0xFFFFFFC0  }
0x96: {  	[tilespmem:s29], [sflag:$0x4] =	stream.indirect.gather [hbm4b:s1+s26], $0x80, s24, s26, $0xb8;
	[tilespmem:$0x1DD00] =	vst v63  }
0x97: {  	v2 =	vld [tilespmem:$0x0]  }
0x98: {  	v3 =	vld [tilespmem:$0x80];
	_ =	sdelay $0x6  }
0x99: {  	v2 =	vld.idx.msk [tilespmem:v2+s18+$0x0], $0xffff  }
0x9a: {  	v4 =	vld.idx.msk [tilespmem:v3+s22+$0x0], $0xffff;
	_ =	sdelay $0x1  }
0x9b: {  	v5 =	vld [tilespmem:$0x200];
	_ =	sdelay $0x2  }
0x9c: {  	v2 =	vadd.f32 v4, v2;
	_ =	sdelay $0x1  }
0x9d: {  	v2 =	vadd.f32 v2, v5;
	_ =	sdelay $0x1  }
0x9e: {  	v4 =	vmul.f32 $2.000000030e-01, v2  }
0x9f: {  	vm0 =	vge.f32 v2, $0.0e+00  }
0xa0: {  	v2 =	vsel vm0, v2, v4  }
0xa1: {  	v2 =	vmul.f32 $1.442695020e+00, v2;
	_ =	sdelay $0x1  }
0xa2: {  	(erf) = vpow2.f32 v2;
	_ =	sdelay $0x2  }
0xa3: {  	v2 =	vld [tilespmem:$0x10]  }
0xa4: {  	v4 =	vld [tilespmem:$0x90];
	_ =	sdelay $0x3  }
0xa5: {  	[tilespmem:$0x400] =	vst v5  }
0xa6: {  	[tilespmem:$0x500] =	vst v3;
	v6 =	vpop (erf)  }
0xa7: {  	[tilespmem:$0x300] =	vst v6  }
0xa8: {  	v2 =	vld.idx.msk [tilespmem:v2+s18+$0x0], $0xffff  }
0xa9: {  	v3 =	vld.idx.msk [tilespmem:v4+s22+$0x0], $0xffff;
	_ =	sdelay $0x1  }
0xaa: {  	v5 =	vld [tilespmem:$0x210];
	_ =	sdelay $0x2  }
0xab: {  	v2 =	vadd.f32 v3, v2;
	_ =	sdelay $0x1  }
0xac: {  	v2 =	vadd.f32 v2, v5;
	_ =	sdelay $0x1  }
0xad: {  	v3 =	vmul.f32 $2.000000030e-01, v2  }
0xae: {  	vm13 =	vge.f32 v2, $0.0e+00  }
0xaf: {  	v2 =	vsel vm13, v2, v3  }
0xb0: {  	v2 =	vmul.f32 $1.442695020e+00, v2;
	_ =	sdelay $0x1  }
0xb1: {  	(erf) = vpow2.f32 v2;
	_ =	sdelay $0x2  }
0xb2: {  	v2 =	vld [tilespmem:$0x20]  }
0xb3: {  	v3 =	vld [tilespmem:$0xA0];
	_ =	sdelay $0x3  }
0xb4: {  	[tilespmem:$0x410] =	vst v5  }
0xb5: {  	[tilespmem:$0x510] =	vst v4;
	v6 =	vpop (erf)  }
0xb6: {  	[tilespmem:$0x310] =	vst v6  }
0xb7: {  	v2 =	vld.idx.msk [tilespmem:v2+s18+$0x0], $0xffff  }
0xb8: {  	v4 =	vld.idx.msk [tilespmem:v3+s22+$0x0], $0xffff;
	_ =	sdelay $0x1  }
0xb9: {  	v5 =	vld [tilespmem:$0x220];
	_ =	sdelay $0x2  }
0xba: {  	v2 =	vadd.f32 v4, v2;
	_ =	sdelay $0x1  }
0xbb: {  	v2 =	vadd.f32 v2, v5;
	_ =	sdelay $0x1  }
0xbc: {  	v4 =	vmul.f32 $2.000000030e-01, v2  }
0xbd: {  	vm14 =	vge.f32 v2, $0.0e+00  }
0xbe: {  	v2 =	vsel vm14, v2, v4  }
0xbf: {  	v2 =	vmul.f32 $1.442695020e+00, v2;
	_ =	sdelay $0x1  }
0xc0: {  	(erf) = vpow2.f32 v2;
	_ =	sdelay $0x2  }
0xc1: {  	v2 =	vld [tilespmem:$0x30]  }
0xc2: {  	v4 =	vld [tilespmem:$0xB0];
	_ =	sdelay $0x3  }
0xc3: {  	[tilespmem:$0x420] =	vst v5  }
0xc4: {  	[tilespmem:$0x520] =	vst v3;
	v6 =	vpop (erf)  }
0xc5: {  	[tilespmem:$0x320] =	vst v6  }
0xc6: {  	v2 =	vld.idx.msk [tilespmem:v2+s18+$0x0], $0xffff  }
0xc7: {  	v3 =	vld.idx.msk [tilespmem:v4+s22+$0x0], $0xffff;
	_ =	sdelay $0x1  }
0xc8: {  	v5 =	vld [tilespmem:$0x230];
	_ =	sdelay $0x2  }
0xc9: {  	v2 =	vadd.f32 v3, v2;
	_ =	sdelay $0x1  }
0xca: {  	v2 =	vadd.f32 v2, v5;
	_ =	sdelay $0x1  }
0xcb: {  	v3 =	vmul.f32 $2.000000030e-01, v2  }
0xcc: {  	vm15 =	vge.f32 v2, $0.0e+00  }
0xcd: {  	v2 =	vsel vm15, v2, v3  }
0xce: {  	v2 =	vmul.f32 $1.442695020e+00, v2;
	_ =	sdelay $0x1  }
0xcf: {  	(erf) = vpow2.f32 v2;
	_ =	sdelay $0x7  }
0xd0: {  	s7 =	sshll.u32 s20, $0x1;
	p0 =	seq.s32 s20, $0x4E;
	[tilespmem:$0x430] =	vst v5  }
0xd1: {  	s6 =	sadd.s32 @!p0 $0x2, s7;
	[tilespmem:$0x530] =	vst v4;
	v2 =	vpop (erf)  }
0xd2: {  	s12 =	sshll.u32 @!p0 s6, $0x8;
	[tilespmem:$0x330] =	vst v2  }
0xd3: {  	s12 =	sadd.s32 @!p0 s13, s12;
	_ =	swait.ge [sflag:s30], $0x2000  }
0xd4: {  	s14 =	simm.s32 @!p0 $0x0;
	s12 =	sshrl.u32 @!p0 s12, $0x3;
	[sflag:s30] =	ssyncset.done $0x0  }
0xd5: {  	s6 =	sshll.u32 @!p0 s6, $0x7;
	s12 =	sadd.s32 @!p0 s8, s12;
	[sflag:s30] =	ssyncadd.s32 $0xFFFFE000  }
0xd6: {  	[tilespmem:s14], [sflag:$0x1] =	stream.linear.gather @!p0 [hbm4b:s12+s14], $0x100, $0x38;
	[tilespmem:$0x1DD00] =	vst v63  }
0xd7: {  	v2 =	vmov s25;
	s12 =	sand.u32 @!p0 $0xFC00, s6  }
0xd8: {  	v2 =	vand.u32 $0xFFFFFFFE, v2;
	s6 =	sand.u32 @!p0 $0x300, s6;
	s12 =	sadd.s32 @!p0 s15, s12  }
0xd9: {  	v3 =	vbroadcast v2, $0x0;
	s6 =	sor.u32 @!p0 s6, s12  }
0xda: {  	s6 =	sshrl.u32 @!p0 s6, $0x3  }
0xdb: {  	s12 =	simm.s32 @!p0 $0x200;
	s6 =	sadd.s32 @!p0 s9, s6  }
0xdc: {  	[tilespmem:s12], [sflag:$0x1] =	stream.linear.gather @!p0 [hbm4b:s6+s14], $0x80, $0x38;
	[tilespmem:$0x1DD00] =	vst v63  }
0xdd: {  	s14 =	simm.s32 $0x700  }
0xde: {  	v6 =	vld [tilespmem:s14+$0xFFFFFFF0]  }
0xdf: {  	v7 =	vld.idx.msk [tilespmem:v3+s31+$0x0], $0xffff  }
0xe0: {  	v8 =	vld [tilespmem:s14+$0xFFFFFF80]  }
0xe1: {  	v9 =	vld [tilespmem:s14+$0xFFFFFFA0]  }
0xe2: {  	v5 =	vld [tilespmem:s14+$0xFFFFFFB0]  }
0xe3: {  	v4 =	vld [tilespmem:s14+$0xFFFFFFD0]  }
0xe4: {  	v11 =	vld [tilespmem:s14+$0xFFFFFF90];
	v6 =	vmul.f32 v6, v7  }
0xe5: {  	v10 =	vld [tilespmem:s14+$0xFFFFFFE0];
	v8 =	vmul.f32 v8, v7  }
0xe6: {  	v12 =	vld [tilespmem:s14+$0xFFFFFFC0];
	v9 =	vmul.f32 v9, v7;
	[tilespmem:s14+$0xFFFFFFF0] =	vst v6  }
0xe7: {  	v5 =	vmul.f32 v5, v7;
	[tilespmem:s14+$0xFFFFFF80] =	vst v8  }
0xe8: {  	s17 =	simm.s32 $0x1;
	v4 =	vmul.f32 v4, v7;
	[tilespmem:s14+$0xFFFFFFA0] =	vst v9  }
0xe9: {  	v6 =	vmul.f32 v11, v7;
	[tilespmem:s14+$0xFFFFFFB0] =	vst v5;
	v8 =	vmov s17  }
0xea: {  	v2 =	vld [tilespmem:s14+$0x0];
	v5 =	vmul.f32 v10, v7;
	[tilespmem:s14+$0xFFFFFFD0] =	vst v4  }
0xeb: {  	v3 =	vld [tilespmem:s14+$0x10];
	v4 =	vmul.f32 v12, v7;
	[tilespmem:s14+$0xFFFFFF90] =	vst v6  }
0xec: {  	[tilespmem:s14+$0xFFFFFFE0] =	vst v5;
	v6 =	vld [tilespmem:s14+$0x30]  }
0xed: {  	[tilespmem:s14+$0xFFFFFFC0] =	vst v4;
	v5 =	vld [tilespmem:s14+$0x70]  }
0xee: {  	s12 =	simm.s32 $0x2;
	s6 =	simm.s32 $0x700;
	v4 =	vld.idx.msk [tilespmem:v8+s31+$0x0], $0xffff  }
.LBB2_5:
0xef: {  	p1 =	slt.u32 s12, $0x3E  }
0xf0: {  	v7 =	vld [tilespmem:s14+$0x20];
	s6 =	sadd.s32 $0x100, s6;
	s17 =	smov.u32 s12;
	s12 =	sadd.s32 $0x2, s12  }
0xf1: {  	v8 =	vld [tilespmem:s14+$0x40]  }
0xf2: {  	v9 =	vld [tilespmem:s14+$0x50]  }
0xf3: {  	v10 =	vld [tilespmem:s14+$0x60];
	_ =	sdelay $0x1  }
0xf4: {  	v2 =	vmul.f32 v2, v4;
	v3 =	vmul.f32 v3, v4  }
0xf5: {  	v6 =	vmul.f32 v6, v4;
	v7 =	vmul.f32 v7, v4  }
0xf6: {  	v11 =	vmov s17;
	v8 =	vmul.f32 v8, v4;
	[tilespmem:s14+$0x0] =	vst v2;
	v9 =	vmul.f32 v9, v4  }
0xf7: {  	v11 =	vand.u32 $0xFFFFFFFE, v11;
	v2 =	vld [tilespmem:s6+$0x0];
	[tilespmem:s14+$0x30] =	vst v6;
	v6 =	vmul.f32 v10, v4;
	v4 =	vmul.f32 v5, v4  }
0xf8: {  	v5 =	vbroadcast v11, $0x0;
	[tilespmem:s14+$0x10] =	vst v3  }
0xf9: {  	[tilespmem:s14+$0x70] =	vst v4  }
0xfa: {  	v4 =	vld [tilespmem:s6+$0xFFFFFFD0];
	[tilespmem:s14+$0x20] =	vst v7  }
0xfb: {  	v7 =	vld [tilespmem:s6+$0xFFFFFFB0];
	[tilespmem:s14+$0x60] =	vst v6  }
0xfc: {  	v6 =	vld [tilespmem:s6+$0xFFFFFFE0];
	[tilespmem:s14+$0x40] =	vst v8  }
0xfd: {  	v8 =	vld [tilespmem:s6+$0xFFFFFFF0];
	[tilespmem:s14+$0x50] =	vst v9;
	s14 =	smov.u32 s6  }
0xfe: {  	v5 =	vld.idx.msk [tilespmem:v5+s31+$0x0], $0xffff  }
0xff: {  	v9 =	vld [tilespmem:s6+$0xFFFFFF80]  }
0x100: {  	v10 =	vld [tilespmem:s6+$0xFFFFFFA0]  }
0x101: {  	v11 =	vld [tilespmem:s6+$0xFFFFFF90]  }
0x102: {  	v12 =	vld [tilespmem:s6+$0xFFFFFFC0]  }
0x103: {  	v3 =	vld [tilespmem:s6+$0x10]  }
0x104: {  	v8 =	vmul.f32 v8, v5;
	v9 =	vmul.f32 v9, v5  }
0x105: {  	v6 =	vmul.f32 v6, v5;
	v10 =	vmul.f32 v10, v5  }
0x106: {  	v7 =	vmul.f32 v7, v5;
	v11 =	vmul.f32 v11, v5;
	[tilespmem:s6+$0xFFFFFFF0] =	vst v8  }
0x107: {  	v4 =	vmul.f32 v4, v5;
	[tilespmem:s6+$0xFFFFFF80] =	vst v9;
	v8 =	vmul.f32 v12, v5  }
0x108: {  	s17 =	sadd.s32 $0x1, s17;
	[tilespmem:s6+$0xFFFFFFA0] =	vst v10  }
0x109: {  	[tilespmem:s6+$0xFFFFFFB0] =	vst v7;
	v7 =	vmov s17  }
.Ltmp1:
0x10a: {  	[tilespmem:s6+$0xFFFFFFD0] =	vst v4;
	(pc) =	sbr.rel @p1 .LBB2_5-.Ltmp1, $4  }
0x10b: {  	[tilespmem:s6+$0xFFFFFF90] =	vst v11  }
0x10c: {  	[tilespmem:s6+$0xFFFFFFE0] =	vst v6;
	v6 =	vld [tilespmem:s6+$0x30]  }
0x10d: {  	[tilespmem:s6+$0xFFFFFFC0] =	vst v8;
	v5 =	vld [tilespmem:s6+$0x70]  }
0x10e: {  	v4 =	vld.idx.msk [tilespmem:v7+s31+$0x0], $0xffff  }
0x10f: {  	_ =	sdelay $0x2  }
0x110: {  	v7 =	vld [tilespmem:s14+$0x20]  }
0x111: {  	v8 =	vld [tilespmem:s14+$0x60];
	v2 =	vmul.f32 v2, v4  }
0x112: {  	v9 =	vld [tilespmem:s14+$0x40];
	v6 =	vmul.f32 v6, v4  }
0x113: {  	v10 =	vld [tilespmem:s14+$0x50];
	v3 =	vmul.f32 v3, v4;
	[tilespmem:s14+$0x0] =	vst v2  }
0x114: {  	[tilespmem:s14+$0x30] =	vst v6;
	v2 =	vmul.f32 v5, v4  }
0x115: {  	v5 =	vmul.f32 v7, v4;
	[tilespmem:s14+$0x10] =	vst v3  }
0x116: {  	v3 =	vmul.f32 v8, v4;
	[tilespmem:s14+$0x70] =	vst v2  }
0x117: {  	v2 =	vmul.f32 v9, v4;
	[tilespmem:s14+$0x20] =	vst v5  }
0x118: {  	v4 =	vmul.f32 v10, v4;
	[tilespmem:s14+$0x60] =	vst v3  }
0x119: {  	[tilespmem:s14+$0x40] =	vst v2  }
0x11a: {  	[tilespmem:s14+$0x50] =	vst v4  }
0x11b: {  	[spmem:s2] =	stream.indirect.scatter.add.f32 [tilespmem:s23], [sflag:$0x5], $0x80, s0, s26, $0xb8;
	[tilespmem:$0x1DD00] =	vst v63  }
0x11c: {  	_ = 	snop  }
0x11d: {  	[spmem:s3] =	stream.indirect.scatter.add.f32 [tilespmem:s31], [sflag:$0x5], $0x1, s0, s26, $0xb8;
	[tilespmem:$0x1DD00] =	vst v63  }
0x11e: {  	s6 =	simm.s32 $0x400  }
0x11f: {  	[spmem:s4] =	stream.indirect.scatter.add.f32 [tilespmem:s6], [sflag:$0x5], $0x1, s0, s26, $0xb8;
	[tilespmem:$0x1DD00] =	vst v63  }
0x120: {  	s6 =	simm.s32 @!p0 $0x1  }
0x121: {  	[spmem:s5] =	stream.indirect.scatter.add.f32 [tilespmem:s10], [sflag:$0x5], $0x1, s0, s26, $0xb8;
	[tilespmem:$0x1DD00] =	vst v63  }
0x122: {  	_ =	swait.ge @!p0 [sflag:s6], $0x100  }
0x123: {  	[sflag:s6] =	ssyncset.done @!p0 $0x0  }
0x124: {  	[sflag:s6] =	ssyncadd.s32 @!p0 $0xFFFFFF00  }
0x125: {  	_ =	swait.ge @!p0 [sflag:s6], $0x80  }
0x126: {  	[sflag:s6] =	ssyncset.done @!p0 $0x0  }
0x127: {  	[sflag:s6] =	ssyncadd.s32 @!p0 $0xFFFFFF80;
	s6 =	simm.s32 @!p0 $0x5  }
0x128: {  	_ =	swait.ge @!p0 [sflag:s6], $0x2000  }
0x129: {  	[sflag:s6] =	ssyncset.done @!p0 $0x0  }
0x12a: {  	[sflag:s6] =	ssyncadd.s32 @!p0 $0xFFFFE000  }
0x12b: {  	_ =	swait.ge @!p0 [sflag:s6], $0x40  }
0x12c: {  	[sflag:s6] =	ssyncset.done @!p0 $0x0  }
0x12d: {  	[sflag:s6] =	ssyncadd.s32 @!p0 $0xFFFFFFC0  }
0x12e: {  	_ =	swait.ge @!p0 [sflag:s6], $0x40  }
0x12f: {  	[sflag:s6] =	ssyncset.done @!p0 $0x0  }
0x130: {  	[sflag:s6] =	ssyncadd.s32 @!p0 $0xFFFFFFC0  }
0x131: {  	_ =	swait.ge @!p0 [sflag:s6], $0x40  }
0x132: {  	s12 =	simm.s32 @!p0 $0x40;
	[sflag:s6] =	ssyncset.done @!p0 $0x0  }
0x133: {  	s14 =	simm.s32 @!p0 $0x680;
	[sflag:s6] =	ssyncadd.s32 @!p0 $0xFFFFFFC0;
	s6 =	simm.s32 @!p0 $0x0  }
0x134: {  	[tilespmem:s14], [sflag:$0x3] =	stream.indirect.gather @!p0 [hbm4b:s1+s12], $0x80, s6, s12, $0xb8;
	[tilespmem:$0x1DD00] =	vst v63  }
0x135: {  	v2 =	vld [tilespmem:$0x100]  }
0x136: {  	v3 =	vld [tilespmem:$0x180];
	_ =	sdelay $0x6  }
0x137: {  	v2 =	vld.idx.msk [tilespmem:v2+s18+$0x0], $0xffff  }
0x138: {  	v4 =	vld.idx.msk [tilespmem:v3+s22+$0x0], $0xffff;
	_ =	sdelay $0x1  }
0x139: {  	v5 =	vld [tilespmem:$0x280];
	_ =	sdelay $0x2  }
0x13a: {  	v2 =	vadd.f32 v4, v2;
	_ =	sdelay $0x1  }
0x13b: {  	v2 =	vadd.f32 v2, v5;
	_ =	sdelay $0x1  }
0x13c: {  	v4 =	vmul.f32 $2.000000030e-01, v2  }
0x13d: {  	vm0 =	vge.f32 v2, $0.0e+00  }
0x13e: {  	v2 =	vsel vm0, v2, v4  }
0x13f: {  	v2 =	vmul.f32 $1.442695020e+00, v2;
	_ =	sdelay $0x1  }
0x140: {  	(erf) = vpow2.f32 v2;
	_ =	sdelay $0x2  }
0x141: {  	v2 =	vld [tilespmem:$0x110]  }
0x142: {  	v4 =	vld [tilespmem:$0x190];
	_ =	sdelay $0x3  }
0x143: {  	[tilespmem:$0x480] =	vst v5  }
0x144: {  	[tilespmem:$0x580] =	vst v3;
	v6 =	vpop (erf)  }
0x145: {  	[tilespmem:$0x380] =	vst v6  }
0x146: {  	v2 =	vld.idx.msk [tilespmem:v2+s18+$0x0], $0xffff  }
0x147: {  	v3 =	vld.idx.msk [tilespmem:v4+s22+$0x0], $0xffff;
	_ =	sdelay $0x1  }
0x148: {  	v5 =	vld [tilespmem:$0x290];
	_ =	sdelay $0x2  }
0x149: {  	v2 =	vadd.f32 v3, v2;
	_ =	sdelay $0x1  }
0x14a: {  	v2 =	vadd.f32 v2, v5;
	_ =	sdelay $0x1  }
0x14b: {  	v3 =	vmul.f32 $2.000000030e-01, v2  }
0x14c: {  	vm13 =	vge.f32 v2, $0.0e+00  }
0x14d: {  	v2 =	vsel vm13, v2, v3  }
0x14e: {  	v2 =	vmul.f32 $1.442695020e+00, v2;
	_ =	sdelay $0x1  }
0x14f: {  	(erf) = vpow2.f32 v2;
	_ =	sdelay $0x2  }
0x150: {  	v2 =	vld [tilespmem:$0x120]  }
0x151: {  	v3 =	vld [tilespmem:$0x1A0];
	_ =	sdelay $0x3  }
0x152: {  	[tilespmem:$0x490] =	vst v5  }
0x153: {  	[tilespmem:$0x590] =	vst v4;
	v6 =	vpop (erf)  }
0x154: {  	[tilespmem:$0x390] =	vst v6  }
0x155: {  	v2 =	vld.idx.msk [tilespmem:v2+s18+$0x0], $0xffff  }
0x156: {  	v4 =	vld.idx.msk [tilespmem:v3+s22+$0x0], $0xffff;
	_ =	sdelay $0x1  }
0x157: {  	v5 =	vld [tilespmem:$0x2A0];
	_ =	sdelay $0x2  }
0x158: {  	v2 =	vadd.f32 v4, v2;
	_ =	sdelay $0x1  }
0x159: {  	v2 =	vadd.f32 v2, v5;
	_ =	sdelay $0x1  }
0x15a: {  	v4 =	vmul.f32 $2.000000030e-01, v2  }
0x15b: {  	vm14 =	vge.f32 v2, $0.0e+00  }
0x15c: {  	v2 =	vsel vm14, v2, v4  }
0x15d: {  	v2 =	vmul.f32 $1.442695020e+00, v2;
	_ =	sdelay $0x1  }
0x15e: {  	(erf) = vpow2.f32 v2;
	_ =	sdelay $0x2  }
0x15f: {  	v2 =	vld [tilespmem:$0x130]  }
0x160: {  	v4 =	vld [tilespmem:$0x1B0];
	_ =	sdelay $0x3  }
0x161: {  	[tilespmem:$0x4A0] =	vst v5  }
0x162: {  	[tilespmem:$0x5A0] =	vst v3;
	v6 =	vpop (erf)  }
0x163: {  	[tilespmem:$0x3A0] =	vst v6  }
0x164: {  	v2 =	vld.idx.msk [tilespmem:v2+s18+$0x0], $0xffff  }
0x165: {  	v3 =	vld.idx.msk [tilespmem:v4+s22+$0x0], $0xffff;
	_ =	sdelay $0x1  }
0x166: {  	v5 =	vld [tilespmem:$0x2B0];
	_ =	sdelay $0x2  }
0x167: {  	v2 =	vadd.f32 v3, v2;
	_ =	sdelay $0x1  }
0x168: {  	v2 =	vadd.f32 v2, v5;
	_ =	sdelay $0x1  }
0x169: {  	v3 =	vmul.f32 $2.000000030e-01, v2  }
0x16a: {  	vm15 =	vge.f32 v2, $0.0e+00  }
0x16b: {  	v2 =	vsel vm15, v2, v3  }
0x16c: {  	v2 =	vmul.f32 $1.442695020e+00, v2;
	_ =	sdelay $0x1  }
0x16d: {  	(erf) = vpow2.f32 v2;
	_ =	sdelay $0x7  }
0x16e: {  	[tilespmem:$0x4B0] =	vst v5  }
0x16f: {  	s7 =	sadd.s32 @!p0 $0x3, s7;
	[tilespmem:$0x5B0] =	vst v4;
	v2 =	vpop (erf)  }
0x170: {  	s12 =	sshll.u32 @!p0 s7, $0x8;
	[tilespmem:$0x3B0] =	vst v2  }
0x171: {  	s17 =	simm.s32 $0x0;
	s12 =	sadd.s32 @!p0 s13, s12;
	_ =	swait.ge [sflag:s11], $0x2000  }
0x172: {  	s14 =	simm.s32 @!p0 $0x100;
	s12 =	sshrl.u32 @!p0 s12, $0x3;
	[sflag:s11] =	ssyncset.done $0x0  }
0x173: {  	s7 =	sshll.u32 @!p0 s7, $0x7;
	s12 =	sadd.s32 @!p0 s8, s12;
	[sflag:s11] =	ssyncadd.s32 $0xFFFFE000  }
0x174: {  	v2 =	vmov s17;
	[tilespmem:s14], [sflag:$0x2] =	stream.linear.gather @!p0 [hbm4b:s12+s6], $0x100, $0x38;
	[tilespmem:$0x1DD00] =	vst v63  }
0x175: {  	v2 =	vand.u32 $0x7E, v2;
	s12 =	sand.u32 @!p0 $0xFC00, s7  }
0x176: {  	v2 =	vor.u32 $0x80, v2;
	s7 =	sand.u32 @!p0 $0x380, s7;
	s12 =	sadd.s32 @!p0 s15, s12  }
0x177: {  	v4 =	vbroadcast v2, $0x0;
	s7 =	sor.u32 @!p0 s7, s12  }
0x178: {  	s7 =	sshrl.u32 @!p0 s7, $0x3  }
0x179: {  	s12 =	simm.s32 @!p0 $0x280;
	s7 =	sadd.s32 @!p0 s9, s7  }
0x17a: {  	[tilespmem:s12], [sflag:$0x2] =	stream.linear.gather @!p0 [hbm4b:s7+s6], $0x80, $0x38;
	[tilespmem:$0x1DD00] =	vst v63  }
0x17b: {  	s7 =	simm.s32 $0x2770  }
0x17c: {  	v6 =	vld [tilespmem:s7+$0xFFFFFF80]  }
0x17d: {  	v4 =	vld.idx.msk [tilespmem:v4+s31+$0x0], $0xffff  }
0x17e: {  	v7 =	vld [tilespmem:s7+$0xFFFFFF10]  }
0x17f: {  	v8 =	vld [tilespmem:s7+$0xFFFFFF30]  }
0x180: {  	v62 =	vld [tilespmem:s7+$0xFFFFFF40]  }
0x181: {  	v5 =	vld [tilespmem:s7+$0xFFFFFF60]  }
0x182: {  	s17 =	simm.s32 $0x1;
	v63 =	vld [tilespmem:s7+$0xFFFFFF70];
	v6 =	vmul.f32 v6, v4  }
0x183: {  	v13 =	vmov s17;
	v12 =	vld [tilespmem:s7+$0xFFFFFF50];
	v7 =	vmul.f32 v7, v4  }
0x184: {  	v11 =	vld [tilespmem:s7+$0xFFFFFF20];
	v8 =	vmul.f32 v8, v4;
	[tilespmem:s7+$0xFFFFFF80] =	vst v6;
	v6 =	vand.u32 $0x7F, v13  }
0x185: {  	v9 =	vmul.f32 v62, v4;
	[tilespmem:s7+$0xFFFFFF10] =	vst v7;
	v6 =	vor.u32 $0x80, v6  }
0x186: {  	v5 =	vmul.f32 v5, v4;
	[tilespmem:s7+$0xFFFFFF30] =	vst v8;
	v7 =	vbroadcast v6, $0x0  }
0x187: {  	[tilespmem:s7+$0xFFFFFF40] =	vst v9;
	v8 =	vmul.f32 v63, v4  }
0x188: {  	v2 =	vld [tilespmem:s7+$0xFFFFFF90];
	[tilespmem:s7+$0xFFFFFF60] =	vst v5;
	v5 =	vmul.f32 v12, v4  }
0x189: {  	v3 =	vld [tilespmem:s7+$0xFFFFFFA0];
	v6 =	vmul.f32 v11, v4;
	[tilespmem:s7+$0xFFFFFF70] =	vst v8  }
0x18a: {  	v4 =	vld [tilespmem:s7+$0xFFFFFFF0];
	[tilespmem:s7+$0xFFFFFF50] =	vst v5  }
0x18b: {  	[tilespmem:s7+$0xFFFFFF20] =	vst v6;
	v6 =	vld [tilespmem:s7+$0xFFFFFFB0]  }
0x18c: {  	s14 =	simm.s32 $0x2;
	s12 =	simm.s32 $0x2770;
	v5 =	vld.idx.msk [tilespmem:v7+s31+$0x0], $0xffff  }
.LBB2_7:
0x18d: {  	p0 =	slt.u32 s14, $0x3E  }
0x18e: {  	v7 =	vld [tilespmem:s7+$0xFFFFFFE0];
	s12 =	sadd.s32 $0x100, s12;
	s6 =	smov.u32 s14;
	s14 =	sadd.s32 $0x2, s14  }
0x18f: {  	v8 =	vld [tilespmem:s7+$0xFFFFFFC0]  }
0x190: {  	v9 =	vld [tilespmem:s7+$0xFFFFFFD0]  }
0x191: {  	v10 =	vld [tilespmem:s7+$0x0];
	_ =	sdelay $0x1  }
0x192: {  	v2 =	vmul.f32 v2, v5;
	v3 =	vmul.f32 v3, v5  }
0x193: {  	v11 =	vmov s6;
	v6 =	vmul.f32 v6, v5;
	v8 =	vmul.f32 v8, v5  }
0x194: {  	v11 =	vand.u32 $0x7E, v11;
	v7 =	vmul.f32 v7, v5;
	[tilespmem:s7+$0xFFFFFF90] =	vst v2;
	v9 =	vmul.f32 v9, v5  }
0x195: {  	v11 =	vor.u32 $0x80, v11;
	v4 =	vmul.f32 v4, v5;
	v2 =	vld [tilespmem:s12+$0xFFFFFF90];
	[tilespmem:s7+$0xFFFFFFB0] =	vst v6;
	v5 =	vmul.f32 v10, v5  }
0x196: {  	v6 =	vbroadcast v11, $0x0;
	[tilespmem:s7+$0xFFFFFFA0] =	vst v3  }
0x197: {  	v3 =	vld [tilespmem:s12+$0xFFFFFFA0];
	[tilespmem:s7+$0xFFFFFFE0] =	vst v7  }
0x198: {  	v7 =	vld [tilespmem:s12+$0xFFFFFF60];
	[tilespmem:s7+$0x0] =	vst v5  }
0x199: {  	v5 =	vld [tilespmem:s12+$0xFFFFFF40];
	[tilespmem:s7+$0xFFFFFFC0] =	vst v8  }
0x19a: {  	v8 =	vld [tilespmem:s12+$0xFFFFFF70];
	[tilespmem:s7+$0xFFFFFFF0] =	vst v4  }
0x19b: {  	v4 =	vld [tilespmem:s12+$0xFFFFFF80];
	[tilespmem:s7+$0xFFFFFFD0] =	vst v9;
	s7 =	smov.u32 s12  }
0x19c: {  	v6 =	vld.idx.msk [tilespmem:v6+s31+$0x0], $0xffff  }
0x19d: {  	v9 =	vld [tilespmem:s12+$0xFFFFFF10]  }
0x19e: {  	v10 =	vld [tilespmem:s12+$0xFFFFFF30]  }
0x19f: {  	v11 =	vld [tilespmem:s12+$0xFFFFFF20]  }
0x1a0: {  	v12 =	vld [tilespmem:s12+$0xFFFFFF50];
	_ =	sdelay $0x1  }
0x1a1: {  	s6 =	sadd.s32 $0x1, s6;
	v4 =	vmul.f32 v4, v6;
	v9 =	vmul.f32 v9, v6  }
0x1a2: {  	v13 =	vmov s6;
	v8 =	vmul.f32 v8, v6;
	v10 =	vmul.f32 v10, v6  }
0x1a3: {  	v5 =	vmul.f32 v5, v6;
	v11 =	vmul.f32 v11, v6;
	[tilespmem:s12+$0xFFFFFF80] =	vst v4;
	v4 =	vand.u32 $0x7F, v13  }
0x1a4: {  	[tilespmem:s12+$0xFFFFFF10] =	vst v9;
	v9 =	vmul.f32 v12, v6;
	v6 =	vmul.f32 v7, v6;
	v4 =	vor.u32 $0x80, v4  }
0x1a5: {  	[tilespmem:s12+$0xFFFFFF30] =	vst v10;
	v7 =	vbroadcast v4, $0x0  }
0x1a6: {  	[tilespmem:s12+$0xFFFFFF40] =	vst v5  }
.Ltmp2:
0x1a7: {  	[tilespmem:s12+$0xFFFFFF60] =	vst v6;
	(pc) =	sbr.rel @p0 .LBB2_7-.Ltmp2, $4  }
0x1a8: {  	[tilespmem:s12+$0xFFFFFF20] =	vst v11  }
0x1a9: {  	[tilespmem:s12+$0xFFFFFF70] =	vst v8;
	v4 =	vld [tilespmem:s12+$0xFFFFFFF0]  }
0x1aa: {  	[tilespmem:s12+$0xFFFFFF50] =	vst v9;
	v6 =	vld [tilespmem:s12+$0xFFFFFFB0]  }
0x1ab: {  	v5 =	vld.idx.msk [tilespmem:v7+s31+$0x0], $0xffff  }
0x1ac: {  	_ =	sdelay $0x1  }
0x1ad: {  	v8 =	vld [tilespmem:s7+$0x0]  }
0x1ae: {  	v10 =	vld [tilespmem:s7+$0xFFFFFFD0]  }
0x1af: {  	v7 =	vld [tilespmem:s7+$0xFFFFFFE0];
	v2 =	vmul.f32 v2, v5  }
0x1b0: {  	v9 =	vld [tilespmem:s7+$0xFFFFFFC0];
	v6 =	vmul.f32 v6, v5  }
0x1b1: {  	v3 =	vmul.f32 v3, v5;
	[tilespmem:s7+$0xFFFFFF90] =	vst v2  }
0x1b2: {  	v62 =	vmul.f32 v8, v5;
	[tilespmem:s7+$0xFFFFFFB0] =	vst v6  }
0x1b3: {  	v63 =	vmul.f32 v10, v5;
	[tilespmem:s7+$0xFFFFFFA0] =	vst v3  }
0x1b4: {  	v2 =	vmul.f32 v7, v5;
	[tilespmem:s7+$0x0] =	vst v62  }
0x1b5: {  	v3 =	vmul.f32 v9, v5;
	[tilespmem:s7+$0xFFFFFFD0] =	vst v63  }
0x1b6: {  	[tilespmem:s7+$0xFFFFFFE0] =	vst v2;
	v2 =	vmul.f32 v4, v5  }
0x1b7: {  	[tilespmem:s7+$0xFFFFFFC0] =	vst v3  }
0x1b8: {  	s20 =	sadd.s32 $0x1, s20;
	[tilespmem:s7+$0xFFFFFFF0] =	vst v2  }
0x1b9: {  	[spmem:s2] =	stream.indirect.scatter.add.f32 [tilespmem:s29], [sflag:$0x6], $0x80, s16, s26, $0xb8;
	[tilespmem:$0x1DD00] =	vst v63  }
0x1ba: {  	s6 =	simm.s32 $0x380;
	p0 =	sne.s32 s20, $0x4F  }
0x1bb: {  	[spmem:s3] =	stream.indirect.scatter.add.f32 [tilespmem:s6], [sflag:$0x6], $0x1, s16, s26, $0xb8;
	[tilespmem:$0x1DD00] =	vst v63  }
.Ltmp3:
0x1bc: {  	_ = 	snop;
	(pc) =	sbr.rel @p0 .LBB2_4-.Ltmp3, $4  }
0x1bd: {  	_ = 	snop  }
0x1be: {  	[spmem:s4] =	stream.indirect.scatter.add.f32 [tilespmem:s19], [sflag:$0x6], $0x1, s16, s26, $0xb8;
	[tilespmem:$0x1DD00] =	vst v63  }
0x1bf: {  	_ = 	snop  }
0x1c0: {  	[spmem:s5] =	stream.indirect.scatter.add.f32 [tilespmem:s10], [sflag:$0x6], $0x1, s16, s26, $0xb8;
	[tilespmem:$0x1DD00] =	vst v63  }
0x1c1: {  	s6 =	simm.s32 $0x5  }
0x1c2: {  	_ =	swait.ge [sflag:s6], $0x2000  }
0x1c3: {  	[sflag:s6] =	ssyncset.done $0x0  }
0x1c4: {  	[sflag:s6] =	ssyncadd.s32 $0xFFFFE000  }
0x1c5: {  	_ =	swait.ge [sflag:s6], $0x40  }
0x1c6: {  	[sflag:s6] =	ssyncset.done $0x0  }
0x1c7: {  	[sflag:s6] =	ssyncadd.s32 $0xFFFFFFC0  }
0x1c8: {  	_ =	swait.ge [sflag:s6], $0x40  }
0x1c9: {  	[sflag:s6] =	ssyncset.done $0x0  }
0x1ca: {  	[sflag:s6] =	ssyncadd.s32 $0xFFFFFFC0  }
0x1cb: {  	_ =	swait.ge [sflag:s6], $0x40  }
0x1cc: {  	[sflag:s6] =	ssyncset.done $0x0  }
0x1cd: {  	s7 =	simm.s32 $0x6;
	[sflag:s6] =	ssyncadd.s32 $0xFFFFFFC0  }
0x1ce: {  	_ =	swait.ge [sflag:s7], $0x2000  }
0x1cf: {  	[sflag:s7] =	ssyncset.done $0x0  }
0x1d0: {  	[sflag:s7] =	ssyncadd.s32 $0xFFFFE000  }
0x1d1: {  	_ =	swait.ge [sflag:s7], $0x40  }
0x1d2: {  	[sflag:s7] =	ssyncset.done $0x0  }
0x1d3: {  	[sflag:s7] =	ssyncadd.s32 $0xFFFFFFC0  }
0x1d4: {  	_ =	swait.ge [sflag:s7], $0x40  }
0x1d5: {  	[sflag:s7] =	ssyncset.done $0x0  }
0x1d6: {  	[sflag:s7] =	ssyncadd.s32 $0xFFFFFFC0  }
0x1d7: {  	_ =	swait.ge [sflag:s7], $0x40  }
0x1d8: {  	[sflag:s7] =	ssyncset.done $0x0  }
0x1d9: {  	[sflag:s7] =	ssyncadd.s32 $0xFFFFFFC0  }
0x1da: {  	[bflag:$0x0] =	sbarrier.arrive $0xFFFF  }
0x1db: {  	s14 =	sld [smem:$0x7FB]  }
0x1dc: {  	s17 =	rddreg [dreg:$0xa]  }
0x1dd: {  	s7 =	rddreg [dreg:$0x10];
	s12 =	sshrl.u32 s17, $0x3  }
0x1de: {  	[hbm:s7], [sflag:s14] =	dma.local [spmem:s12], $0x2800  }
0x1df: {  	_ =	swait.ge [sflag:s21], $0x2800  }
0x1e0: {  	s25 =	sld [smem:$0x7F9]  }
0x1e1: {  	s20 =	simm.s32 $0x1;
	s7 =	simm.s32 $0x20;
	[sflag:s21] =	ssyncset.done $0x0  }
0x1e2: {  	s12 =	simm.s32 $0x10;
	s6 =	rddreg [dreg:$0x11];
	[sflag:s21] =	ssyncadd.s32 $0xFFFFD800  }
0x1e3: {  	[hbm:s6@s7], [sflag:s14] =	dma.strided [spmem:s25@s12], $0x50, s20, $0x10   }
0x1e4: {  	_ =	swait.ge [sflag:s21], $0x50  }
0x1e5: {  	s25 =	sld [smem:$0x7FA]  }
0x1e6: {  	[sflag:s21] =	ssyncset.done $0x0  }
0x1e7: {  	s6 =	rddreg [dreg:$0x12];
	[sflag:s21] =	ssyncadd.s32 $0xFFFFFFB0  }
0x1e8: {  	[hbm:s6@s7], [sflag:s14] =	dma.strided [spmem:s25@s12], $0x50, s20, $0x10   }
0x1e9: {  	_ =	swait.ge [sflag:s21], $0x50  }
0x1ea: {  	s25 =	sld [smem:$0x7FC]  }
0x1eb: {  	[sflag:s21] =	ssyncset.done $0x0  }
0x1ec: {  	s6 =	rddreg [dreg:$0x13];
	[sflag:s21] =	ssyncadd.s32 $0xFFFFFFB0  }
0x1ed: {  	[hbm:s6@s7], [sflag:s14] =	dma.strided [spmem:s25@s12], $0x50, s20, $0x10   }
0x1ee: {  	_ =	swait.ge [sflag:s21], $0x50  }
0x1ef: {  	s14 =	sld [smem:$0x7FD];
	_ =	sdelay $0x2  }
0x1f0: {  	s25 =	rddreg [dreg:$0x14];
	s7 =	sadd.s32 $0x1, s14  }
0x1f1: {  	p0 =	sne.s32 s7, s25  }
.Ltmp4:
0x1f2: {  	_ = 	snop;
	(pc) =	sbr.rel @p0 .LBB2_1-.Ltmp4, $3  }
0x1f3: {  	_ =	sdelay $0x1  }
0x1f4: {  	[sflag:s21] =	ssyncset.done $0x0  }
0x1f5: {  	[sflag:s21] =	ssyncadd.s32 $0xFFFFFFB0  }
0x1f6: {  	_ =	sfence.sel $0x180000  }
0x1f7: {  	[bflag:$0x0] =	sbarrier.arrive $0xFFFF  }
0x1f8: {  	_ =	strace $0x90000047  }
0x1f9: {  	s0 =	stileid.u32;
	[bflag:$0x2] =	sbarrier.arrive $0xFFFF  }
0x1fa: {  	p0 =	sne.s32 s0, $0x0;
	s0 =	rddreg [dreg:$0x6]  }
0x1fb: {  	s0 =	sadd.s32 @!p0 $0x100000, s0  }
0x1fc: {  	[sflag:s0] =	ssyncadd.tile.s32 @!p0 $0x1;
	_ =	shalt  }
.Lfunc_end2:
_tile_overlayer_lowered:
.L_overlay_start_2:
0x1fd: {  	(tag) =	ssettag $0x2  }
0x1fe: {  	s0 =	rddreg [dreg:$0x0];
	s2 =	stileid.u32  }
0x1ff: {  	s1 =	rddreg [dreg:$0x1];
	p0 =	sne.s32 s2, $0x0  }
0x200: {  	s3 =	rddreg [dreg:$0x2];
	[bflag:$0x3] =	sbarrier.arrive $0xFFFF;
	s2 =	simm.s32 @!p0 $0x1C07  }
0x201: {  	[timem:s3], [sflag:s2] =	dma.local @!p0 [hbm:s0], s1  }
0x202: {  	s0 =	simm.s32 @!p0 $0x7  }
0x203: {  	_ =	swait.ge @!p0 [sflag:s0], s1  }
0x204: {  	s1 =	ssub.s32 @!p0 $0x0, s1;
	[sflag:s0] =	ssyncset.done @!p0 $0x0  }
0x205: {  	[sflag:s0] =	ssyncadd.s32 @!p0 s1  }
0x206: {  	[bflag:$0x3] =	sbarrier.arrive $0xFFFF  }
0x207: {  	_ =	shalt  }

// kernel: kernel.13.cloned.1.call-start
scs
__scs_entry_jumppad:
0x0: {  	(pc) =	sbr.rel $0x88, $3  }
0x1: {  	(tag) =	ssettag $0x0;
	lr =	simm.s32 $0x1  }
0x2: {  	[smem:$0x3F8E] =	sst lr;
	_ =	strace $0xD0000000  }
0x3: {  	_ = 	snop  }
0x4: {  	_ = 	snop  }
0x5: {  	_ = 	snop  }
0x6: {  	_ = 	snop  }
0x7: {  	_ = 	snop  }
__scs_overlays_trampoline_lowered:
0x8: {  	[smem:$0x3F9D] =	sst s0  }
0x9: {  	[smem:$0x3F9E] =	sst s1  }
0xa: {  	[smem:$0x3F9F] =	sst s2  }
0xb: {  	[smem:$0x3FA0] =	sst s3  }
0xc: {  	[smem:$0x3FA1] =	sst s4  }
0xd: {  	[smem:$0x3FA2] =	sst s5  }
0xe: {  	[smem:$0x3FA3] =	sst s6  }
0xf: {  	[smem:$0x3FA4] =	sst s7  }
0x10: {  	[smem:$0x3FA5] =	sst s8  }
0x11: {  	[smem:$0x3FA6] =	sst s9;
	s0 =	simm.s32 @!p0 $0x0  }
0x12: {  	s1 =	sld [smem:$0x3F8C];
	s0 =	simm.s32 @p0 $0x1  }
0x13: {  	[smem:$0x3FA7] =	sst s0;
	s0 =	simm.s32 @!p1 $0x0  }
0x14: {  	s2 =	sld [smem:$0x3F8B];
	s0 =	simm.s32 @p1 $0x1  }
0x15: {  	[smem:$0x3FA8] =	sst s0;
	s0 =	simm.s32 @!p2 $0x0  }
0x16: {  	s3 =	sld [smem:$0x3FDB];
	s0 =	simm.s32 @p2 $0x1  }
0x17: {  	s4 =	simm.s32 $0x1BF5;
	[smem:$0x3FAA] =	sst s0  }
0x18: {  	s0 =	sld [smem:$0x3F8D];
	_ =	swait.ge [sflag:s4], $0x0  }
0x19: {  	s7 =	sld [smem:$0x3F8E]  }
0x1a: {  	s8 =	sadd.s32 $0xFFFFE003, lr  }
0x1b: {  	s9 =	sadd.s32 $0xFFFFFEF7, lr;
	s5 =	simm.s32 $0xFFFFFFFF;
	p2 =	slt.u32 s8, $0xFFFFF086  }
0x1c: {  	p1 =	slt.u32 s9, $0xF7A;
	s5 =	simm.s32 @!p2 $0x0  }
0x1d: {  	s5 =	simm.s32 @p1 $0x1;
	p0 =	seq.s32 s7, s2  }
0x1e: {  	s7 =	smul.u32 @!p0 $0xF7A, s2;
	p2 =	seq.s32 @!p0 s5, $0x0  }
0x1f: {  	s9 =	smul.u32 $0xF7A, s1;
	s8 =	simm.s32 @!p0 $0x1BF5;
	p2 =	por !p2, p0  }
0x20: {  	[sflag:s8] =	ssyncset.s32 @!p0 $0xFFFFF086;
	s6 =	sadd.s32 @!p0 s3, s7;
	s7 =	simm.s32 @!p0 $0x108  }
0x21: {  	s3 =	sadd.s32 s3, s9;
	s6 =	sadd.s32 @!p0 $0x88, s6;
	s7 =	simm.s32 @p2 $0x1082  }
0x22: {  	[simem:s7], [sflag:s8] =	dma.local @!p0 [hbm:s6], $0xF7A  }
0x23: {  	s9 =	sor.u32 $0xD0000000, s2;
	s6 =	simm.s32 $0x108;
	_ =	swait.ge @!p0 [sflag:s8], $0x0  }
0x24: {  	s3 =	sadd.s32 $0x88, s3;
	s6 =	simm.s32 @!p1 $0x1082;
	[sflag:s4] =	ssyncset.s32 $0xFFFFF086  }
0x25: {  	[simem:s6], [sflag:s4] =	dma.local [hbm:s3], $0xF7A  }
0x26: {  	[smem:$0x3F8E] =	sst s1;
	(tag) =	ssettag s2;
	_ =	strace s9  }
0x27: {  	s1 =	sld [smem:$0x3F9E]  }
0x28: {  	s2 =	sld [smem:$0x3F9F]  }
0x29: {  	s4 =	sld [smem:$0x3FA1]  }
0x2a: {  	p0 =	seq.s32 s5, $0x0;
	s5 =	sld [smem:$0x3FA2]  }
0x2b: {  	s6 =	sld [smem:$0x3FA3]  }
0x2c: {  	s7 =	sld [smem:$0x3FA4]  }
0x2d: {  	s3 =	simm.s32 $0x108;
	s8 =	sld [smem:$0x3FA5]  }
0x2e: {  	s3 =	simm.s32 @!p0 $0x1082;
	s9 =	sld [smem:$0x3FA6]  }
0x2f: {  	lr =	sadd.s32 s0, s3;
	s0 =	sld [smem:$0x3F9D]  }
0x30: {  	s3 =	sld [smem:$0x3FA0]  }
0x31: {  	[smem:$0x3FA9] =	sst s10  }
0x32: {  	s10 =	sld [smem:$0x3FA7];
	_ =	sdelay $0x3  }
0x33: {  	p0 =	seq.s32 s10, $0x1;
	s10 =	sld [smem:$0x3FA9];
	_ =	sdelay $0x3  }
0x34: {  	[smem:$0x3FA9] =	sst s10  }
0x35: {  	s10 =	sld [smem:$0x3FA8];
	_ =	sdelay $0x3  }
0x36: {  	p1 =	seq.s32 s10, $0x1;
	s10 =	sld [smem:$0x3FA9];
	_ =	sdelay $0x3  }
0x37: {  	[smem:$0x3FA9] =	sst s10  }
0x38: {  	s10 =	sld [smem:$0x3FAA]  }
0x39: {  	_ = 	snop;
	(pc) =	sbr.ind lr, $3  }
0x3a: {  	_ = 	snop  }
0x3b: {  	_ = 	snop  }
0x3c: {  	p2 =	seq.s32 s10, $0x1;
	s10 =	sld [smem:$0x3FA9]  }
0x3d: {  	_ =	shalt  }
0x3e: {  	_ =	shalt  }
0x3f: {  	_ =	shalt  }
0x40: {  	_ =	shalt  }
0x41: {  	_ =	shalt  }
0x42: {  	_ =	shalt  }
0x43: {  	_ =	shalt  }
0x44: {  	_ =	shalt  }
0x45: {  	_ =	shalt  }
0x46: {  	_ =	shalt  }
0x47: {  	_ =	shalt  }
0x48: {  	_ =	shalt  }
0x49: {  	_ =	shalt  }
0x4a: {  	_ =	shalt  }
0x4b: {  	_ =	shalt  }
0x4c: {  	_ =	shalt  }
0x4d: {  	_ =	shalt  }
0x4e: {  	_ =	shalt  }
0x4f: {  	_ =	shalt  }
0x50: {  	_ =	shalt  }
0x51: {  	_ =	shalt  }
0x52: {  	_ =	shalt  }
0x53: {  	_ =	shalt  }
0x54: {  	_ =	shalt  }
0x55: {  	_ =	shalt  }
0x56: {  	_ =	shalt  }
0x57: {  	_ =	shalt  }
0x58: {  	_ =	shalt  }
0x59: {  	_ =	shalt  }
0x5a: {  	_ =	shalt  }
0x5b: {  	_ =	shalt  }
0x5c: {  	_ =	shalt  }
0x5d: {  	_ =	shalt  }
0x5e: {  	_ =	shalt  }
0x5f: {  	_ =	shalt  }
0x60: {  	_ =	shalt  }
0x61: {  	_ =	shalt  }
0x62: {  	_ =	shalt  }
0x63: {  	_ =	shalt  }
0x64: {  	_ =	shalt  }
0x65: {  	_ =	shalt  }
0x66: {  	_ =	shalt  }
0x67: {  	_ =	shalt  }
0x68: {  	_ =	shalt  }
0x69: {  	_ =	shalt  }
0x6a: {  	_ =	shalt  }
0x6b: {  	_ =	shalt  }
0x6c: {  	_ =	shalt  }
0x6d: {  	_ =	shalt  }
0x6e: {  	_ =	shalt  }
0x6f: {  	_ =	shalt  }
0x70: {  	_ =	shalt  }
0x71: {  	_ =	shalt  }
0x72: {  	_ =	shalt  }
0x73: {  	_ =	shalt  }
0x74: {  	_ =	shalt  }
0x75: {  	_ =	shalt  }
0x76: {  	_ =	shalt  }
0x77: {  	_ =	shalt  }
0x78: {  	_ =	shalt  }
0x79: {  	_ =	shalt  }
0x7a: {  	_ =	shalt  }
0x7b: {  	_ =	shalt  }
0x7c: {  	_ =	shalt  }
0x7d: {  	_ =	shalt  }
0x7e: {  	_ =	shalt  }
0x7f: {  	_ =	shalt  }
0x80: {  	_ =	shalt  }
0x81: {  	_ =	shalt  }
0x82: {  	_ =	shalt  }
0x83: {  	_ =	shalt  }
0x84: {  	_ =	shalt  }
0x85: {  	_ =	shalt  }
0x86: {  	_ =	shalt  }
0x87: {  	_ =	shalt  }
.Lfunc_end0:
.L_simem_size_0:
called_computation.1_lowered:
.L_overlay_start_0:
0x88: {  	s2 =	sld [smem:$0x3FD9]  }
0x89: {  	s3 =	sld [smem:$0x3FFE];
	_ =	sdelay $0x1  }
0x8a: {  	s1 =	srdreg.scid  }
0x8b: {  	s0 =	sand.u32 $0x1, s1  }
0x8c: {  	s17 =	sshll.u32 s0, $0xA;
	s2 =	sadd.s32 s3, s2  }
0x8d: {  	s2 =	sadd.s32 s2, s17  }
0x8e: {  	[smem:$0x3FB5] =	sst s2  }
0x8f: {  	_ = 	snop  }
0x90: {  	s2 =	sld [smem:$0x3FD0];
	(tm) =	ssettm $0x1  }
0x91: {  	s18 =	sld [smem:$0x3FFB];
	_ =	sdelay $0x3  }
0x92: {  	_ =	strace s18  }
0x93: {  	s3 =	sld [smem:$0x3FFC];
	_ =	sdelay $0x3  }
0x94: {  	_ =	strace s3  }
0x95: {  	s3 =	sld [smem:$0x3FFD];
	_ =	sdelay $0x3  }
0x96: {  	_ =	strace s3  }
0x97: {  	_ =	strace $0x8FFFFFFF  }
0x98: {  	s19 =	sld [smem:$0x3FDB];
	_ =	sdelay $0x1  }
0x99: {  	s4 =	simm.s32 $_scs_section_size  }
0x9a: {  	s5 =	simm.s32 $_size__tile_overlayer_lowered;
	s6 =	simm.s32 $_tile_overlayer_lowered  }
0x9b: {  	s22 =	simm.s32 $0x1BFF;
	s21 =	sshll.u32 s6, $0x1;
	s3 =	sadd.s32 s4, s19  }
0x9c: {  	s7 =	simm.s32 $0x0;
	s20 =	sshll.u32 s5, $0x1;
	s5 =	sadd.s32 s21, s3  }
0x9d: {  	[timem:s7], [sflag:s22] =	dma.local [hbm:s5], s20  }
0x9e: {  	_ =	swait.ge [sflag:s22], s20  }
0x9f: {  	s4 =	ssub.s32 $0x0, s20;
	[sflag:s22] =	ssyncset.done $0x0  }
0xa0: {  	[sflag:s22] =	ssyncadd.s32 s4;
	_ =	sdelay $0x1  }
0xa1: {  	s23 =	simm.s32 $0x1B8B  }
0xa2: {  	_ =	swait.ge [sflag:s23], $0x1  }
0xa3: {  	[sflag:s23] =	ssyncset.done $0x0  }
0xa4: {  	s25 =	simm.s32 $0x1B8E;
	s24 =	sld [smem:$0x3FFE];
	[sflag:s23] =	ssyncadd.s32 $0xFFFFFFFF  }
0xa5: {  	s26 =	simm.s32 $execute0_lowered;
	[smem:$0x3FD2] =	sst s25  }
0xa6: {  	s5 =	sshll.u32 s26, $0x1;
	_ =	strace $0x80000049;
	[dreg:$0x1] =	wrdreg $0xFFFFFFFF  }
0xa7: {  	s28 =	simm.s32 $_size_execute0_lowered;
	s3 =	sadd.s32 s3, s5;
	[dreg:$0x0] =	wrdreg $0x0  }
0xa8: {  	s5 =	sshll.u32 s28, $0x1;
	[dreg:$0x2] =	wrdreg s3  }
0xa9: {  	[dreg:$0x3] =	wrdreg s5  }
0xaa: {  	[dreg:$0x4] =	wrdreg $0xC0  }
0xab: {  	_ =	task [dreg:s7], $0x5FFFF  }
0xac: {  	[dreg:$0x1] =	wrdreg $0xFFFFFFFF  }
0xad: {  	[dreg:$0x0] =	wrdreg $0x60  }
0xae: {  	[dreg:$0x2] =	wrdreg s2  }
0xaf: {  	[dreg:$0x3] =	wrdreg s24  }
0xb0: {  	[dreg:$0x4] =	wrdreg $0x95800  }
0xb1: {  	[dreg:$0x5] =	wrdreg $0x1D5800  }
0xb2: {  	[dreg:$0x6] =	wrdreg $0x1D8000  }
0xb3: {  	[dreg:$0x7] =	wrdreg $0x1DA800  }
0xb4: {  	[dreg:$0x8] =	wrdreg $0x9  }
0xb5: {  	_ =	task.clear_ibuf [dreg:s7], $0x9FFFF;
	_ =	strace $0x90000049  }
0xb6: {  	s29 =	simm.s32 $0x9;
	_ =	strace $0x8000004B  }
0xb7: {  	_ =	swait.ge [sflag:s29], $0x1  }
0xb8: {  	[sflag:s29] =	ssyncadd.s32 $0xFFFFFFFF  }
0xb9: {  	_ =	strace $0x9000004B  }
0xba: {  	_ =	sfence  }
0xbb: {  	s30 =	sld [smem:$0x0];
	_ =	sdelay $0x2  }
0xbc: {  	s31 =	sshll.u32 s1, $0xD;
	s1 =	sshrl.u32 s1, $0x2  }
0xbd: {  	s3 =	sand.u32 $0x4000, s31;
	s1 =	sadd.s32 s1, s30  }
0xbe: {  	s0 =	sor.u32 s3, s0;
	s1 =	sshll.u32 s1, $0x11  }
0xbf: {  	s0 =	sor.u32 s1, s0  }
0xc0: {  	s0 =	sadd.s32 $0x8F2B, s0  }
0xc1: {  	[sflag:s0] =	ssyncadd.remote.s32 $0x1  }
0xc2: {  	_ =	sfence.sel $0xFFFF  }
0xc3: {  	[dreg:$0x0] =	wrdreg $0xFFFFFFFF;
	(pc) =	sbr.abs _section_cstart, $3  }
0xc4: {  	[dreg:$0x1] =	wrdreg $0xFFFFFFFF  }
0xc5: {  	_ =	task.clear_ibuf [dreg:s7], $0x2FFFF;
	_ =	strace $0x9FFFFFFF  }
0xc6: {  	(tm) =	ssettm $0x7FFFFFFF  }
0xc7: {  	_ =	shalt  }
tec
execute0_lowered:
.L_overlay_start_1:
0x0: {  	(tag) =	ssettag $0x1  }
0x1: {  	s1 =	rddreg [dreg:$0x0]  }
0x2: {  	s0 =	rddreg [dreg:$0x1]  }
0x3: {  	s2 =	rddreg [dreg:$0x2]  }
0x4: {  	s3 =	rddreg [dreg:$0x3]  }
0x5: {  	s4 =	rddreg [dreg:$0x4]  }
0x6: {  	s5 =	rddreg [dreg:$0x5];
	s7 =	simm.s32 $0x0  }
0x7: {  	s6 =	srdreg.scid;
	s12 =	stileid.u32;
	s28 =	simm.s32 $0x2  }
0x8: {  	s29 =	simm.s32 $0x2680;
	[smem:$0x7FF] =	sst s7;
	s6 =	sand.u32 $0x1, s6  }
0x9: {  	s10 =	smul.u32 $0x14000, s12;
	s8 =	sadd.s32 $0xB5C00, s0;
	s9 =	sadd.s32 $0x5800, s0  }
0xa: {  	s11 =	smul.u32 $0x500, s12;
	s13 =	sadd.s32 $0xDD400, s0;
	s16 =	sadd.s32 $0x5200, s0  }
0xb: {  	s19 =	smul.u32 $0x50000, s12;
	_ =	strace $0x8000004A;
	[dreg:$0x7] =	wrdreg s13  }
0xc: {  	s17 =	sadd.s32 $0xDDA00, s0;
	s14 =	smul.u32 $0x140000, s6;
	[dreg:$0x8] =	wrdreg s16  }
0xd: {  	s15 =	sshll.u32 s6, $0x7;
	[dreg:$0x9] =	wrdreg s17;
	s18 =	sshll.u32 s6, $0x4  }
0xe: {  	s6 =	ssub.s32 $0x2, s6;
	s7 =	sadd.s32 s10, s14;
	s10 =	sor.u32 s15, s11  }
0xf: {  	s14 =	sshrl.u32 s6, $0x1;
	s11 =	sshrl.u32 s19, $0x2;
	s7 =	sshrl.u32 s7, $0x3  }
0x10: {  	s10 =	sshrl.u32 s10, $0x3;
	s6 =	ssub.s32 s6, s14;
	s17 =	sadd.s32 s11, s2  }
0x11: {  	s7 =	sadd.s32 s7, s0;
	s14 =	sadd.s32 $0x2000, s17;
	[dreg:$0xa] =	wrdreg s17  }
0x12: {  	s0 =	sadd.s32 s10, s0;
	s16 =	sadd.s32 $0x4000, s17;
	[dreg:$0x15] =	wrdreg s14  }
0x13: {  	s10 =	sor.u32 s12, s18;
	s18 =	sadd.s32 $0x6000, s17;
	[dreg:$0x16] =	wrdreg s16  }
0x14: {  	s30 =	simm.s32 $0x3;
	s19 =	sadd.s32 $0x8000, s17;
	[dreg:$0x17] =	wrdreg s18  }
0x15: {  	s31 =	simm.s32 $0x300;
	s7 =	sadd.s32 $0x1B600, s7;
	[dreg:$0x18] =	wrdreg s19  }
0x16: {  	s12 =	smul.u32 $0x280, s12;
	s25 =	sadd.s32 $0x1AC00, s0;
	[dreg:$0x10] =	wrdreg s7  }
0x17: {  	s13 =	smul.u32 $0x9E00, s10;
	s26 =	sadd.s32 $0x1A200, s0;
	[dreg:$0x11] =	wrdreg s25  }
0x18: {  	s15 =	smul.u32 $0x5000, s10;
	s0 =	sadd.s32 $0x19800, s0;
	[dreg:$0x12] =	wrdreg s26  }
0x19: {  	s18 =	simm.s32 $0x4680;
	s20 =	sadd.s32 s12, s3;
	[dreg:$0x13] =	wrdreg s0  }
0x1a: {  	s16 =	simm.s32 $0x580;
	s21 =	sadd.s32 s12, s4;
	[dreg:$0xb] =	wrdreg s20  }
0x1b: {  	s19 =	simm.s32 $0x480;
	s23 =	sadd.s32 s12, s5;
	[dreg:$0xc] =	wrdreg s21  }
0x1c: {  	s12 =	smax.u32 s6, $0x1;
	s0 =	simm.s32 $0x500;
	[dreg:$0xd] =	wrdreg s23  }
0x1d: {  	s7 =	simm.s32 $0x0;
	[dreg:$0x14] =	wrdreg s12;
	s20 =	sadd.s32 $0xA000, s17  }
0x1e: {  	s22 =	sshrl.u32 s13, $0x3;
	s21 =	sadd.s32 $0xC000, s17;
	[dreg:$0x19] =	wrdreg s20  }
0x1f: {  	s24 =	sshrl.u32 s15, $0x3;
	s23 =	sadd.s32 $0x10000, s17;
	[dreg:$0x1a] =	wrdreg s21  }
0x20: {  	s11 =	sadd.s32 s8, s22;
	s22 =	sadd.s32 $0xE000, s17;
	[dreg:$0x1c] =	wrdreg s23  }
0x21: {  	s10 =	sadd.s32 s9, s24;
	s24 =	sadd.s32 $0x12000, s17;
	[dreg:$0x1b] =	wrdreg s22  }
0x22: {  	s21 =	simm.s32 $0x7;
	s23 =	simm.s32 $0x680;
	[dreg:$0x1d] =	wrdreg s24  }
0x23: {  	s20 =	simm.s32 $0x1;
	[dreg:$0xe] =	wrdreg s11;
	s25 =	sadd.s32 $0x20, s11  }
0x24: {  	[dreg:$0xf] =	wrdreg s10;
	s26 =	sadd.s32 $0x10, s10;
	s22 =	simm.s32 $0x6E00  }
0x25: {  	s24 =	simm.s32 $0x100;
	s10 =	simm.s32 $0x600;
	[dreg:$0x1e] =	wrdreg s25  }
0x26: {  	v0 =	vimm.f32 $1.000000000e+00;
	v1 =	vimm.f32 $0.0e+00;
	s11 =	simm.s32 $0x4;
	[dreg:$0x1f] =	wrdreg s26;
	s26 =	simm.s32 $0x40  }
.LBB2_1:
0x27: {  	[smem:$0x7FD] =	sst s7  }
0x28: {  	s12 =	simm.s32 $0x0;
	s6 =	rddreg [dreg:$0x7]  }
0x29: {  	[tilespmem:s18], [sflag:$0x7] =	stream.linear.gather [hbm4b:s6+s12], $0x2780, $0x38;
	[tilespmem:$0x1DD00] =	vst v63  }
0x2a: {  	_ =	swait.ge [sflag:s21], $0x2780  }
0x2b: {  	[sflag:s21] =	ssyncset.done $0x0  }
0x2c: {  	s14 =	rddreg [dreg:$0x8];
	[sflag:s21] =	ssyncadd.s32 $0xFFFFD880  }
0x2d: {  	[tilespmem:s22], [sflag:$0x7] =	stream.linear.gather [hbm4b:s14+s12], $0x2780, $0x38;
	[tilespmem:$0x1DD00] =	vst v63  }
0x2e: {  	_ =	swait.ge [sflag:s21], $0x2780  }
0x2f: {  	[sflag:s21] =	ssyncset.done $0x0  }
0x30: {  	[sflag:s21] =	ssyncadd.s32 $0xFFFFD880  }
0x31: {  	[tilespmem:$0x600] =	vst v0  }
0x32: {  	s25 =	sand.u32 $0x7E00, s12;
	[tilespmem:$0x610] =	vst v0  }
0x33: {  	s7 =	sand.u32 $0x70, s12;
	s12 =	sshrl.u32 s25, $0x2;
	[tilespmem:$0x620] =	vst v0  }
0x34: {  	s6 =	simm.s32 $0x40;
	s12 =	sor.u32 s7, s12;
	s7 =	simm.s32 $0x0;
	[tilespmem:$0x630] =	vst v0  }
.LBB2_2:
0x35: {  	p0 =	sne.s32 s6, $0x7FC0  }
0x36: {  	[tilespmem:s12+$0x680] =	vst v1;
	s7 =	sadd.s32 $0x10, s7;
	s12 =	smov.u32 s6;
	s6 =	sadd.s32 $0x40, s6  }
.Ltmp0:
0x37: {  	(pc) =	sbr.rel @p0 .LBB2_2-.Ltmp0, $4  }
0x38: {  	_ = 	snop  }
0x39: {  	s12 =	sand.u32 $0x7E00, s12  }
0x3a: {  	s14 =	sand.u32 $0x70, s7;
	s12 =	sshrl.u32 s12, $0x2  }
0x3b: {  	s12 =	sor.u32 s14, s12  }
0x3c: {  	[tilespmem:s12+$0x680] =	vst v1  }
0x3d: {  	[spmem:s17] =	stream.linear.scatter [tilespmem:s23], [sflag:$0x7], $0x2000, $0x38;
	[tilespmem:$0x1DD00] =	vst v63  }
0x3e: {  	_ =	swait.ge [sflag:s21], $0x2000  }
0x3f: {  	[sflag:s21] =	ssyncset.done $0x0  }
0x40: {  	s6 =	rddreg [dreg:$0x15];
	[sflag:s21] =	ssyncadd.s32 $0xFFFFE000  }
0x41: {  	[spmem:s6] =	stream.linear.scatter [tilespmem:s23], [sflag:$0x7], $0x2000, $0x38;
	[tilespmem:$0x1DD00] =	vst v63  }
0x42: {  	_ =	swait.ge [sflag:s21], $0x2000  }
0x43: {  	[sflag:s21] =	ssyncset.done $0x0  }
0x44: {  	s12 =	rddreg [dreg:$0x16];
	[sflag:s21] =	ssyncadd.s32 $0xFFFFE000  }
0x45: {  	[spmem:s12] =	stream.linear.scatter [tilespmem:s23], [sflag:$0x7], $0x2000, $0x38;
	[tilespmem:$0x1DD00] =	vst v63  }
0x46: {  	_ =	swait.ge [sflag:s21], $0x2000  }
0x47: {  	[sflag:s21] =	ssyncset.done $0x0  }
0x48: {  	s14 =	rddreg [dreg:$0x17];
	[sflag:s21] =	ssyncadd.s32 $0xFFFFE000  }
0x49: {  	[spmem:s14] =	stream.linear.scatter [tilespmem:s23], [sflag:$0x7], $0x2000, $0x38;
	[tilespmem:$0x1DD00] =	vst v63  }
0x4a: {  	_ =	swait.ge [sflag:s21], $0x2000  }
0x4b: {  	[sflag:s21] =	ssyncset.done $0x0  }
0x4c: {  	s17 =	rddreg [dreg:$0x18];
	[sflag:s21] =	ssyncadd.s32 $0xFFFFE000  }
0x4d: {  	[spmem:s17] =	stream.linear.scatter [tilespmem:s23], [sflag:$0x7], $0x2000, $0x38;
	[tilespmem:$0x1DD00] =	vst v63  }
0x4e: {  	_ =	swait.ge [sflag:s21], $0x2000  }
0x4f: {  	[sflag:s21] =	ssyncset.done $0x0  }
0x50: {  	s25 =	rddreg [dreg:$0x19];
	[sflag:s21] =	ssyncadd.s32 $0xFFFFE000  }
0x51: {  	[spmem:s25] =	stream.linear.scatter [tilespmem:s23], [sflag:$0x7], $0x2000, $0x38;
	[tilespmem:$0x1DD00] =	vst v63  }
0x52: {  	_ =	swait.ge [sflag:s21], $0x2000  }
0x53: {  	[sflag:s21] =	ssyncset.done $0x0  }
0x54: {  	s7 =	rddreg [dreg:$0x1a];
	[sflag:s21] =	ssyncadd.s32 $0xFFFFE000  }
0x55: {  	[spmem:s7] =	stream.linear.scatter [tilespmem:s23], [sflag:$0x7], $0x2000, $0x38;
	[tilespmem:$0x1DD00] =	vst v63  }
0x56: {  	_ =	swait.ge [sflag:s21], $0x2000  }
0x57: {  	[sflag:s21] =	ssyncset.done $0x0  }
0x58: {  	s12 =	rddreg [dreg:$0x1b];
	[sflag:s21] =	ssyncadd.s32 $0xFFFFE000  }
0x59: {  	[spmem:s12] =	stream.linear.scatter [tilespmem:s23], [sflag:$0x7], $0x2000, $0x38;
	[tilespmem:$0x1DD00] =	vst v63  }
0x5a: {  	_ =	swait.ge [sflag:s21], $0x2000  }
0x5b: {  	[sflag:s21] =	ssyncset.done $0x0  }
0x5c: {  	s14 =	rddreg [dreg:$0x1c];
	[sflag:s21] =	ssyncadd.s32 $0xFFFFE000  }
0x5d: {  	[spmem:s14] =	stream.linear.scatter [tilespmem:s23], [sflag:$0x7], $0x2000, $0x38;
	[tilespmem:$0x1DD00] =	vst v63  }
0x5e: {  	_ =	swait.ge [sflag:s21], $0x2000  }
0x5f: {  	[sflag:s21] =	ssyncset.done $0x0  }
0x60: {  	s17 =	rddreg [dreg:$0x1d];
	[sflag:s21] =	ssyncadd.s32 $0xFFFFE000  }
0x61: {  	[spmem:s17] =	stream.linear.scatter [tilespmem:s23], [sflag:$0x7], $0x2000, $0x38;
	[tilespmem:$0x1DD00] =	vst v63  }
0x62: {  	s25 =	stileid.u32;
	_ =	swait.ge [sflag:s21], $0x2000  }
0x63: {  	s6 =	sshll.u32 s25, $0x6;
	s7 =	rddreg [dreg:$0xb]  }
0x64: {  	[sflag:s21] =	ssyncset.done $0x0;
	s14 =	rddreg [dreg:$0x9];
	s7 =	sshrl.u32 s7, $0x3  }
0x65: {  	s12 =	sor.u32 $0x1C07, s6;
	[sflag:s21] =	ssyncadd.s32 $0xFFFFE000;
	[smem:$0x7F9] =	sst s7  }
0x66: {  	[spmem:s7], [sflag:s12] =	dma.local [hbm:s14], $0x50  }
0x67: {  	_ =	swait.ge [sflag:s21], $0x50  }
0x68: {  	s17 =	rddreg [dreg:$0xc]  }
0x69: {  	[sflag:s21] =	ssyncset.done $0x0;
	s7 =	sshrl.u32 s17, $0x3  }
0x6a: {  	[sflag:s21] =	ssyncadd.s32 $0xFFFFFFB0;
	[smem:$0x7FA] =	sst s7  }
0x6b: {  	[spmem:s7], [sflag:s12] =	dma.local [hbm:s14], $0x50  }
0x6c: {  	_ =	swait.ge [sflag:s21], $0x50  }
0x6d: {  	s25 =	rddreg [dreg:$0xd]  }
0x6e: {  	[sflag:s21] =	ssyncset.done $0x0;
	[smem:$0x7FB] =	sst s12;
	s7 =	sshrl.u32 s25, $0x3  }
0x6f: {  	[sflag:s21] =	ssyncadd.s32 $0xFFFFFFB0;
	[smem:$0x7FC] =	sst s7  }
0x70: {  	[spmem:s7], [sflag:s12] =	dma.local [hbm:s14], $0x50  }
0x71: {  	_ =	swait.ge [sflag:s21], $0x50  }
0x72: {  	[sflag:s21] =	ssyncset.done $0x0  }
0x73: {  	[sflag:s21] =	ssyncadd.s32 $0xFFFFFFB0  }
0x74: {  	[bflag:$0x0] =	sbarrier.arrive $0xFFFF  }
0x75: {  	s25 =	simm.s32 $0x0;
	s12 =	rddreg [dreg:$0xe]  }
0x76: {  	[tilespmem:s25], [sflag:$0x1] =	stream.linear.gather [hbm4b:s12+s25], $0x100, $0x38;
	[tilespmem:$0x1DD00] =	vst v63  }
0x77: {  	s17 =	simm.s32 $0x200;
	s14 =	rddreg [dreg:$0xf]  }
0x78: {  	[tilespmem:s17], [sflag:$0x1] =	stream.linear.gather [hbm4b:s14+s25], $0x80, $0x38;
	[tilespmem:$0x1DD00] =	vst v63  }
0x79: {  	s12 =	rddreg [dreg:$0x1e]  }
0x7a: {  	[tilespmem:s24], [sflag:$0x2] =	stream.linear.gather [hbm4b:s12+s25], $0x100, $0x38;
	[tilespmem:$0x1DD00] =	vst v63  }
0x7b: {  	s14 =	rddreg [dreg:$0x1f];
	s17 =	simm.s32 $0x280  }
0x7c: {  	[tilespmem:s17], [sflag:$0x2] =	stream.linear.gather [hbm4b:s14+s25], $0x80, $0x38;
	[tilespmem:$0x1DD00] =	vst v63  }
0x7d: {  	_ =	swait.ge [sflag:s20], $0x100  }
0x7e: {  	[sflag:s20] =	ssyncset.done $0x0  }
0x7f: {  	[sflag:s20] =	ssyncadd.s32 $0xFFFFFF00  }
0x80: {  	_ =	swait.ge [sflag:s20], $0x80  }
0x81: {  	[sflag:s20] =	ssyncset.done $0x0  }
0x82: {  	[sflag:s20] =	ssyncadd.s32 $0xFFFFFF80;
	s20 =	simm.s32 $0x0  }
0x83: {  	[tilespmem:s23], [sflag:$0x3] =	stream.indirect.gather [hbm4b:s1+s26], $0x80, s25, s26, $0xb8;
	[tilespmem:$0x1DD00] =	vst v63  }
.LBB2_4:
0x84: {  	_ =	swait.ge [sflag:s28], $0x100  }
0x85: {  	[sflag:s28] =	ssyncset.done $0x0  }
0x86: {  	[sflag:s28] =	ssyncadd.s32 $0xFFFFFF00  }
0x87: {  	_ =	swait.ge [sflag:s28], $0x80  }
0x88: {  	p0 =	seq.s32 s20, $0x0;
	[sflag:s28] =	ssyncset.done $0x0  }
0x89: {  	s6 =	simm.s32 @!p0 $0x6;
	[sflag:s28] =	ssyncadd.s32 $0xFFFFFF80  }
0x8a: {  	_ =	swait.ge @!p0 [sflag:s6], $0x2000  }
0x8b: {  	[sflag:s6] =	ssyncset.done @!p0 $0x0  }
0x8c: {  	[sflag:s6] =	ssyncadd.s32 @!p0 $0xFFFFE000  }
0x8d: {  	_ =	swait.ge @!p0 [sflag:s6], $0x40  }
0x8e: {  	[sflag:s6] =	ssyncset.done @!p0 $0x0  }
0x8f: {  	[sflag:s6] =	ssyncadd.s32 @!p0 $0xFFFFFFC0  }
0x90: {  	_ =	swait.ge @!p0 [sflag:s6], $0x40  }
0x91: {  	[sflag:s6] =	ssyncset.done @!p0 $0x0  }
0x92: {  	[sflag:s6] =	ssyncadd.s32 @!p0 $0xFFFFFFC0  }
0x93: {  	_ =	swait.ge @!p0 [sflag:s6], $0x40  }
0x94: {  	[sflag:s6] =	ssyncset.done @!p0 $0x0  }
0x95: {  	[sflag:s6] =	ssyncadd.s32 @!p0 $0xFFFFFFC0  }
0x96: {  	[tilespmem:s29], [sflag:$0x4] =	stream.indirect.gather [hbm4b:s1+s26], $0x80, s24, s26, $0xb8;
	[tilespmem:$0x1DD00] =	vst v63  }
0x97: {  	v2 =	vld [tilespmem:$0x0]  }
0x98: {  	v3 =	vld [tilespmem:$0x80];
	_ =	sdelay $0x6  }
0x99: {  	v2 =	vld.idx.msk [tilespmem:v2+s18+$0x0], $0xffff  }
0x9a: {  	v4 =	vld.idx.msk [tilespmem:v3+s22+$0x0], $0xffff;
	_ =	sdelay $0x1  }
0x9b: {  	v5 =	vld [tilespmem:$0x200];
	_ =	sdelay $0x2  }
0x9c: {  	v2 =	vadd.f32 v4, v2;
	_ =	sdelay $0x1  }
0x9d: {  	v2 =	vadd.f32 v2, v5;
	_ =	sdelay $0x1  }
0x9e: {  	v4 =	vmul.f32 $2.000000030e-01, v2  }
0x9f: {  	vm0 =	vge.f32 v2, $0.0e+00  }
0xa0: {  	v2 =	vsel vm0, v2, v4  }
0xa1: {  	v2 =	vmul.f32 $1.442695020e+00, v2;
	_ =	sdelay $0x1  }
0xa2: {  	(erf) = vpow2.f32 v2;
	_ =	sdelay $0x2  }
0xa3: {  	v2 =	vld [tilespmem:$0x10]  }
0xa4: {  	v4 =	vld [tilespmem:$0x90];
	_ =	sdelay $0x3  }
0xa5: {  	[tilespmem:$0x400] =	vst v5  }
0xa6: {  	[tilespmem:$0x500] =	vst v3;
	v6 =	vpop (erf)  }
0xa7: {  	[tilespmem:$0x300] =	vst v6  }
0xa8: {  	v2 =	vld.idx.msk [tilespmem:v2+s18+$0x0], $0xffff  }
0xa9: {  	v3 =	vld.idx.msk [tilespmem:v4+s22+$0x0], $0xffff;
	_ =	sdelay $0x1  }
0xaa: {  	v5 =	vld [tilespmem:$0x210];
	_ =	sdelay $0x2  }
0xab: {  	v2 =	vadd.f32 v3, v2;
	_ =	sdelay $0x1  }
0xac: {  	v2 =	vadd.f32 v2, v5;
	_ =	sdelay $0x1  }
0xad: {  	v3 =	vmul.f32 $2.000000030e-01, v2  }
0xae: {  	vm13 =	vge.f32 v2, $0.0e+00  }
0xaf: {  	v2 =	vsel vm13, v2, v3  }
0xb0: {  	v2 =	vmul.f32 $1.442695020e+00, v2;
	_ =	sdelay $0x1  }
0xb1: {  	(erf) = vpow2.f32 v2;
	_ =	sdelay $0x2  }
0xb2: {  	v2 =	vld [tilespmem:$0x20]  }
0xb3: {  	v3 =	vld [tilespmem:$0xA0];
	_ =	sdelay $0x3  }
0xb4: {  	[tilespmem:$0x410] =	vst v5  }
0xb5: {  	[tilespmem:$0x510] =	vst v4;
	v6 =	vpop (erf)  }
0xb6: {  	[tilespmem:$0x310] =	vst v6  }
0xb7: {  	v2 =	vld.idx.msk [tilespmem:v2+s18+$0x0], $0xffff  }
0xb8: {  	v4 =	vld.idx.msk [tilespmem:v3+s22+$0x0], $0xffff;
	_ =	sdelay $0x1  }
0xb9: {  	v5 =	vld [tilespmem:$0x220];
	_ =	sdelay $0x2  }
0xba: {  	v2 =	vadd.f32 v4, v2;
	_ =	sdelay $0x1  }
0xbb: {  	v2 =	vadd.f32 v2, v5;
	_ =	sdelay $0x1  }
0xbc: {  	v4 =	vmul.f32 $2.000000030e-01, v2  }
0xbd: {  	vm14 =	vge.f32 v2, $0.0e+00  }
0xbe: {  	v2 =	vsel vm14, v2, v4  }
0xbf: {  	v2 =	vmul.f32 $1.442695020e+00, v2;
	_ =	sdelay $0x1  }
0xc0: {  	(erf) = vpow2.f32 v2;
	_ =	sdelay $0x2  }
0xc1: {  	v2 =	vld [tilespmem:$0x30]  }
0xc2: {  	v4 =	vld [tilespmem:$0xB0];
	_ =	sdelay $0x3  }
0xc3: {  	[tilespmem:$0x420] =	vst v5  }
0xc4: {  	[tilespmem:$0x520] =	vst v3;
	v6 =	vpop (erf)  }
0xc5: {  	[tilespmem:$0x320] =	vst v6  }
0xc6: {  	v2 =	vld.idx.msk [tilespmem:v2+s18+$0x0], $0xffff  }
0xc7: {  	v3 =	vld.idx.msk [tilespmem:v4+s22+$0x0], $0xffff;
	_ =	sdelay $0x1  }
0xc8: {  	v5 =	vld [tilespmem:$0x230];
	_ =	sdelay $0x2  }
0xc9: {  	v2 =	vadd.f32 v3, v2;
	_ =	sdelay $0x1  }
0xca: {  	v2 =	vadd.f32 v2, v5;
	_ =	sdelay $0x1  }
0xcb: {  	v3 =	vmul.f32 $2.000000030e-01, v2  }
0xcc: {  	vm15 =	vge.f32 v2, $0.0e+00  }
0xcd: {  	v2 =	vsel vm15, v2, v3  }
0xce: {  	v2 =	vmul.f32 $1.442695020e+00, v2;
	_ =	sdelay $0x1  }
0xcf: {  	(erf) = vpow2.f32 v2;
	_ =	sdelay $0x7  }
0xd0: {  	s7 =	sshll.u32 s20, $0x1;
	p0 =	seq.s32 s20, $0x4E;
	[tilespmem:$0x430] =	vst v5  }
0xd1: {  	s6 =	sadd.s32 @!p0 $0x2, s7;
	[tilespmem:$0x530] =	vst v4;
	v2 =	vpop (erf)  }
0xd2: {  	s12 =	sshll.u32 @!p0 s6, $0x8;
	[tilespmem:$0x330] =	vst v2  }
0xd3: {  	s12 =	sadd.s32 @!p0 s13, s12;
	_ =	swait.ge [sflag:s30], $0x2000  }
0xd4: {  	s14 =	simm.s32 @!p0 $0x0;
	s12 =	sshrl.u32 @!p0 s12, $0x3;
	[sflag:s30] =	ssyncset.done $0x0  }
0xd5: {  	s6 =	sshll.u32 @!p0 s6, $0x7;
	s12 =	sadd.s32 @!p0 s8, s12;
	[sflag:s30] =	ssyncadd.s32 $0xFFFFE000  }
0xd6: {  	[tilespmem:s14], [sflag:$0x1] =	stream.linear.gather @!p0 [hbm4b:s12+s14], $0x100, $0x38;
	[tilespmem:$0x1DD00] =	vst v63  }
0xd7: {  	v2 =	vmov s25;
	s12 =	sand.u32 @!p0 $0xFC00, s6  }
0xd8: {  	v2 =	vand.u32 $0xFFFFFFFE, v2;
	s6 =	sand.u32 @!p0 $0x300, s6;
	s12 =	sadd.s32 @!p0 s15, s12  }
0xd9: {  	v3 =	vbroadcast v2, $0x0;
	s6 =	sor.u32 @!p0 s6, s12  }
0xda: {  	s6 =	sshrl.u32 @!p0 s6, $0x3  }
0xdb: {  	s12 =	simm.s32 @!p0 $0x200;
	s6 =	sadd.s32 @!p0 s9, s6  }
0xdc: {  	[tilespmem:s12], [sflag:$0x1] =	stream.linear.gather @!p0 [hbm4b:s6+s14], $0x80, $0x38;
	[tilespmem:$0x1DD00] =	vst v63  }
0xdd: {  	s14 =	simm.s32 $0x700  }
0xde: {  	v6 =	vld [tilespmem:s14+$0xFFFFFFF0]  }
0xdf: {  	v7 =	vld.idx.msk [tilespmem:v3+s31+$0x0], $0xffff  }
0xe0: {  	v8 =	vld [tilespmem:s14+$0xFFFFFF80]  }
0xe1: {  	v9 =	vld [tilespmem:s14+$0xFFFFFFA0]  }
0xe2: {  	v5 =	vld [tilespmem:s14+$0xFFFFFFB0]  }
0xe3: {  	v4 =	vld [tilespmem:s14+$0xFFFFFFD0]  }
0xe4: {  	v11 =	vld [tilespmem:s14+$0xFFFFFF90];
	v6 =	vmul.f32 v6, v7  }
0xe5: {  	v10 =	vld [tilespmem:s14+$0xFFFFFFE0];
	v8 =	vmul.f32 v8, v7  }
0xe6: {  	v12 =	vld [tilespmem:s14+$0xFFFFFFC0];
	v9 =	vmul.f32 v9, v7;
	[tilespmem:s14+$0xFFFFFFF0] =	vst v6  }
0xe7: {  	v5 =	vmul.f32 v5, v7;
	[tilespmem:s14+$0xFFFFFF80] =	vst v8  }
0xe8: {  	s17 =	simm.s32 $0x1;
	v4 =	vmul.f32 v4, v7;
	[tilespmem:s14+$0xFFFFFFA0] =	vst v9  }
0xe9: {  	v6 =	vmul.f32 v11, v7;
	[tilespmem:s14+$0xFFFFFFB0] =	vst v5;
	v8 =	vmov s17  }
0xea: {  	v2 =	vld [tilespmem:s14+$0x0];
	v5 =	vmul.f32 v10, v7;
	[tilespmem:s14+$0xFFFFFFD0] =	vst v4  }
0xeb: {  	v3 =	vld [tilespmem:s14+$0x10];
	v4 =	vmul.f32 v12, v7;
	[tilespmem:s14+$0xFFFFFF90] =	vst v6  }
0xec: {  	[tilespmem:s14+$0xFFFFFFE0] =	vst v5;
	v6 =	vld [tilespmem:s14+$0x30]  }
0xed: {  	[tilespmem:s14+$0xFFFFFFC0] =	vst v4;
	v5 =	vld [tilespmem:s14+$0x70]  }
0xee: {  	s12 =	simm.s32 $0x2;
	s6 =	simm.s32 $0x700;
	v4 =	vld.idx.msk [tilespmem:v8+s31+$0x0], $0xffff  }
.LBB2_5:
0xef: {  	p1 =	slt.u32 s12, $0x3E  }
0xf0: {  	v7 =	vld [tilespmem:s14+$0x20];
	s6 =	sadd.s32 $0x100, s6;
	s17 =	smov.u32 s12;
	s12 =	sadd.s32 $0x2, s12  }
0xf1: {  	v8 =	vld [tilespmem:s14+$0x40]  }
0xf2: {  	v9 =	vld [tilespmem:s14+$0x50]  }
0xf3: {  	v10 =	vld [tilespmem:s14+$0x60];
	_ =	sdelay $0x1  }
0xf4: {  	v2 =	vmul.f32 v2, v4;
	v3 =	vmul.f32 v3, v4  }
0xf5: {  	v6 =	vmul.f32 v6, v4;
	v7 =	vmul.f32 v7, v4  }
0xf6: {  	v11 =	vmov s17;
	v8 =	vmul.f32 v8, v4;
	[tilespmem:s14+$0x0] =	vst v2;
	v9 =	vmul.f32 v9, v4  }
0xf7: {  	v11 =	vand.u32 $0xFFFFFFFE, v11;
	v2 =	vld [tilespmem:s6+$0x0];
	[tilespmem:s14+$0x30] =	vst v6;
	v6 =	vmul.f32 v10, v4;
	v4 =	vmul.f32 v5, v4  }
0xf8: {  	v5 =	vbroadcast v11, $0x0;
	[tilespmem:s14+$0x10] =	vst v3  }
0xf9: {  	[tilespmem:s14+$0x70] =	vst v4  }
0xfa: {  	v4 =	vld [tilespmem:s6+$0xFFFFFFD0];
	[tilespmem:s14+$0x20] =	vst v7  }
0xfb: {  	v7 =	vld [tilespmem:s6+$0xFFFFFFB0];
	[tilespmem:s14+$0x60] =	vst v6  }
0xfc: {  	v6 =	vld [tilespmem:s6+$0xFFFFFFE0];
	[tilespmem:s14+$0x40] =	vst v8  }
0xfd: {  	v8 =	vld [tilespmem:s6+$0xFFFFFFF0];
	[tilespmem:s14+$0x50] =	vst v9;
	s14 =	smov.u32 s6  }
0xfe: {  	v5 =	vld.idx.msk [tilespmem:v5+s31+$0x0], $0xffff  }
0xff: {  	v9 =	vld [tilespmem:s6+$0xFFFFFF80]  }
0x100: {  	v10 =	vld [tilespmem:s6+$0xFFFFFFA0]  }
0x101: {  	v11 =	vld [tilespmem:s6+$0xFFFFFF90]  }
0x102: {  	v12 =	vld [tilespmem:s6+$0xFFFFFFC0]  }
0x103: {  	v3 =	vld [tilespmem:s6+$0x10]  }
0x104: {  	v8 =	vmul.f32 v8, v5;
	v9 =	vmul.f32 v9, v5  }
0x105: {  	v6 =	vmul.f32 v6, v5;
	v10 =	vmul.f32 v10, v5  }
0x106: {  	v7 =	vmul.f32 v7, v5;
	v11 =	vmul.f32 v11, v5;
	[tilespmem:s6+$0xFFFFFFF0] =	vst v8  }
0x107: {  	v4 =	vmul.f32 v4, v5;
	[tilespmem:s6+$0xFFFFFF80] =	vst v9;
	v8 =	vmul.f32 v12, v5  }
0x108: {  	s17 =	sadd.s32 $0x1, s17;
	[tilespmem:s6+$0xFFFFFFA0] =	vst v10  }
0x109: {  	[tilespmem:s6+$0xFFFFFFB0] =	vst v7;
	v7 =	vmov s17  }
.Ltmp1:
0x10a: {  	[tilespmem:s6+$0xFFFFFFD0] =	vst v4;
	(pc) =	sbr.rel @p1 .LBB2_5-.Ltmp1, $4  }
0x10b: {  	[tilespmem:s6+$0xFFFFFF90] =	vst v11  }
0x10c: {  	[tilespmem:s6+$0xFFFFFFE0] =	vst v6;
	v6 =	vld [tilespmem:s6+$0x30]  }
0x10d: {  	[tilespmem:s6+$0xFFFFFFC0] =	vst v8;
	v5 =	vld [tilespmem:s6+$0x70]  }
0x10e: {  	v4 =	vld.idx.msk [tilespmem:v7+s31+$0x0], $0xffff  }
0x10f: {  	_ =	sdelay $0x2  }
0x110: {  	v7 =	vld [tilespmem:s14+$0x20]  }
0x111: {  	v8 =	vld [tilespmem:s14+$0x60];
	v2 =	vmul.f32 v2, v4  }
0x112: {  	v9 =	vld [tilespmem:s14+$0x40];
	v6 =	vmul.f32 v6, v4  }
0x113: {  	v10 =	vld [tilespmem:s14+$0x50];
	v3 =	vmul.f32 v3, v4;
	[tilespmem:s14+$0x0] =	vst v2  }
0x114: {  	[tilespmem:s14+$0x30] =	vst v6;
	v2 =	vmul.f32 v5, v4  }
0x115: {  	v5 =	vmul.f32 v7, v4;
	[tilespmem:s14+$0x10] =	vst v3  }
0x116: {  	v3 =	vmul.f32 v8, v4;
	[tilespmem:s14+$0x70] =	vst v2  }
0x117: {  	v2 =	vmul.f32 v9, v4;
	[tilespmem:s14+$0x20] =	vst v5  }
0x118: {  	v4 =	vmul.f32 v10, v4;
	[tilespmem:s14+$0x60] =	vst v3  }
0x119: {  	[tilespmem:s14+$0x40] =	vst v2  }
0x11a: {  	[tilespmem:s14+$0x50] =	vst v4  }
0x11b: {  	[spmem:s2] =	stream.indirect.scatter.add.f32 [tilespmem:s23], [sflag:$0x5], $0x80, s0, s26, $0xb8;
	[tilespmem:$0x1DD00] =	vst v63  }
0x11c: {  	_ = 	snop  }
0x11d: {  	[spmem:s3] =	stream.indirect.scatter.add.f32 [tilespmem:s31], [sflag:$0x5], $0x1, s0, s26, $0xb8;
	[tilespmem:$0x1DD00] =	vst v63  }
0x11e: {  	s6 =	simm.s32 $0x400  }
0x11f: {  	[spmem:s4] =	stream.indirect.scatter.add.f32 [tilespmem:s6], [sflag:$0x5], $0x1, s0, s26, $0xb8;
	[tilespmem:$0x1DD00] =	vst v63  }
0x120: {  	s6 =	simm.s32 @!p0 $0x1  }
0x121: {  	[spmem:s5] =	stream.indirect.scatter.add.f32 [tilespmem:s10], [sflag:$0x5], $0x1, s0, s26, $0xb8;
	[tilespmem:$0x1DD00] =	vst v63  }
0x122: {  	_ =	swait.ge @!p0 [sflag:s6], $0x100  }
0x123: {  	[sflag:s6] =	ssyncset.done @!p0 $0x0  }
0x124: {  	[sflag:s6] =	ssyncadd.s32 @!p0 $0xFFFFFF00  }
0x125: {  	_ =	swait.ge @!p0 [sflag:s6], $0x80  }
0x126: {  	[sflag:s6] =	ssyncset.done @!p0 $0x0  }
0x127: {  	[sflag:s6] =	ssyncadd.s32 @!p0 $0xFFFFFF80;
	s6 =	simm.s32 @!p0 $0x5  }
0x128: {  	_ =	swait.ge @!p0 [sflag:s6], $0x2000  }
0x129: {  	[sflag:s6] =	ssyncset.done @!p0 $0x0  }
0x12a: {  	[sflag:s6] =	ssyncadd.s32 @!p0 $0xFFFFE000  }
0x12b: {  	_ =	swait.ge @!p0 [sflag:s6], $0x40  }
0x12c: {  	[sflag:s6] =	ssyncset.done @!p0 $0x0  }
0x12d: {  	[sflag:s6] =	ssyncadd.s32 @!p0 $0xFFFFFFC0  }
0x12e: {  	_ =	swait.ge @!p0 [sflag:s6], $0x40  }
0x12f: {  	[sflag:s6] =	ssyncset.done @!p0 $0x0  }
0x130: {  	[sflag:s6] =	ssyncadd.s32 @!p0 $0xFFFFFFC0  }
0x131: {  	_ =	swait.ge @!p0 [sflag:s6], $0x40  }
0x132: {  	s12 =	simm.s32 @!p0 $0x40;
	[sflag:s6] =	ssyncset.done @!p0 $0x0  }
0x133: {  	s14 =	simm.s32 @!p0 $0x680;
	[sflag:s6] =	ssyncadd.s32 @!p0 $0xFFFFFFC0;
	s6 =	simm.s32 @!p0 $0x0  }
0x134: {  	[tilespmem:s14], [sflag:$0x3] =	stream.indirect.gather @!p0 [hbm4b:s1+s12], $0x80, s6, s12, $0xb8;
	[tilespmem:$0x1DD00] =	vst v63  }
0x135: {  	v2 =	vld [tilespmem:$0x100]  }
0x136: {  	v3 =	vld [tilespmem:$0x180];
	_ =	sdelay $0x6  }
0x137: {  	v2 =	vld.idx.msk [tilespmem:v2+s18+$0x0], $0xffff  }
0x138: {  	v4 =	vld.idx.msk [tilespmem:v3+s22+$0x0], $0xffff;
	_ =	sdelay $0x1  }
0x139: {  	v5 =	vld [tilespmem:$0x280];
	_ =	sdelay $0x2  }
0x13a: {  	v2 =	vadd.f32 v4, v2;
	_ =	sdelay $0x1  }
0x13b: {  	v2 =	vadd.f32 v2, v5;
	_ =	sdelay $0x1  }
0x13c: {  	v4 =	vmul.f32 $2.000000030e-01, v2  }
0x13d: {  	vm0 =	vge.f32 v2, $0.0e+00  }
0x13e: {  	v2 =	vsel vm0, v2, v4  }
0x13f: {  	v2 =	vmul.f32 $1.442695020e+00, v2;
	_ =	sdelay $0x1  }
0x140: {  	(erf) = vpow2.f32 v2;
	_ =	sdelay $0x2  }
0x141: {  	v2 =	vld [tilespmem:$0x110]  }
0x142: {  	v4 =	vld [tilespmem:$0x190];
	_ =	sdelay $0x3  }
0x143: {  	[tilespmem:$0x480] =	vst v5  }
0x144: {  	[tilespmem:$0x580] =	vst v3;
	v6 =	vpop (erf)  }
0x145: {  	[tilespmem:$0x380] =	vst v6  }
0x146: {  	v2 =	vld.idx.msk [tilespmem:v2+s18+$0x0], $0xffff  }
0x147: {  	v3 =	vld.idx.msk [tilespmem:v4+s22+$0x0], $0xffff;
	_ =	sdelay $0x1  }
0x148: {  	v5 =	vld [tilespmem:$0x290];
	_ =	sdelay $0x2  }
0x149: {  	v2 =	vadd.f32 v3, v2;
	_ =	sdelay $0x1  }
0x14a: {  	v2 =	vadd.f32 v2, v5;
	_ =	sdelay $0x1  }
0x14b: {  	v3 =	vmul.f32 $2.000000030e-01, v2  }
0x14c: {  	vm13 =	vge.f32 v2, $0.0e+00  }
0x14d: {  	v2 =	vsel vm13, v2, v3  }
0x14e: {  	v2 =	vmul.f32 $1.442695020e+00, v2;
	_ =	sdelay $0x1  }
0x14f: {  	(erf) = vpow2.f32 v2;
	_ =	sdelay $0x2  }
0x150: {  	v2 =	vld [tilespmem:$0x120]  }
0x151: {  	v3 =	vld [tilespmem:$0x1A0];
	_ =	sdelay $0x3  }
0x152: {  	[tilespmem:$0x490] =	vst v5  }
0x153: {  	[tilespmem:$0x590] =	vst v4;
	v6 =	vpop (erf)  }
0x154: {  	[tilespmem:$0x390] =	vst v6  }
0x155: {  	v2 =	vld.idx.msk [tilespmem:v2+s18+$0x0], $0xffff  }
0x156: {  	v4 =	vld.idx.msk [tilespmem:v3+s22+$0x0], $0xffff;
	_ =	sdelay $0x1  }
0x157: {  	v5 =	vld [tilespmem:$0x2A0];
	_ =	sdelay $0x2  }
0x158: {  	v2 =	vadd.f32 v4, v2;
	_ =	sdelay $0x1  }
0x159: {  	v2 =	vadd.f32 v2, v5;
	_ =	sdelay $0x1  }
0x15a: {  	v4 =	vmul.f32 $2.000000030e-01, v2  }
0x15b: {  	vm14 =	vge.f32 v2, $0.0e+00  }
0x15c: {  	v2 =	vsel vm14, v2, v4  }
0x15d: {  	v2 =	vmul.f32 $1.442695020e+00, v2;
	_ =	sdelay $0x1  }
0x15e: {  	(erf) = vpow2.f32 v2;
	_ =	sdelay $0x2  }
0x15f: {  	v2 =	vld [tilespmem:$0x130]  }
0x160: {  	v4 =	vld [tilespmem:$0x1B0];
	_ =	sdelay $0x3  }
0x161: {  	[tilespmem:$0x4A0] =	vst v5  }
0x162: {  	[tilespmem:$0x5A0] =	vst v3;
	v6 =	vpop (erf)  }
0x163: {  	[tilespmem:$0x3A0] =	vst v6  }
0x164: {  	v2 =	vld.idx.msk [tilespmem:v2+s18+$0x0], $0xffff  }
0x165: {  	v3 =	vld.idx.msk [tilespmem:v4+s22+$0x0], $0xffff;
	_ =	sdelay $0x1  }
0x166: {  	v5 =	vld [tilespmem:$0x2B0];
	_ =	sdelay $0x2  }
0x167: {  	v2 =	vadd.f32 v3, v2;
	_ =	sdelay $0x1  }
0x168: {  	v2 =	vadd.f32 v2, v5;
	_ =	sdelay $0x1  }
0x169: {  	v3 =	vmul.f32 $2.000000030e-01, v2  }
0x16a: {  	vm15 =	vge.f32 v2, $0.0e+00  }
0x16b: {  	v2 =	vsel vm15, v2, v3  }
0x16c: {  	v2 =	vmul.f32 $1.442695020e+00, v2;
	_ =	sdelay $0x1  }
0x16d: {  	(erf) = vpow2.f32 v2;
	_ =	sdelay $0x7  }
0x16e: {  	[tilespmem:$0x4B0] =	vst v5  }
0x16f: {  	s7 =	sadd.s32 @!p0 $0x3, s7;
	[tilespmem:$0x5B0] =	vst v4;
	v2 =	vpop (erf)  }
0x170: {  	s12 =	sshll.u32 @!p0 s7, $0x8;
	[tilespmem:$0x3B0] =	vst v2  }
0x171: {  	s17 =	simm.s32 $0x0;
	s12 =	sadd.s32 @!p0 s13, s12;
	_ =	swait.ge [sflag:s11], $0x2000  }
0x172: {  	s14 =	simm.s32 @!p0 $0x100;
	s12 =	sshrl.u32 @!p0 s12, $0x3;
	[sflag:s11] =	ssyncset.done $0x0  }
0x173: {  	s7 =	sshll.u32 @!p0 s7, $0x7;
	s12 =	sadd.s32 @!p0 s8, s12;
	[sflag:s11] =	ssyncadd.s32 $0xFFFFE000  }
0x174: {  	v2 =	vmov s17;
	[tilespmem:s14], [sflag:$0x2] =	stream.linear.gather @!p0 [hbm4b:s12+s6], $0x100, $0x38;
	[tilespmem:$0x1DD00] =	vst v63  }
0x175: {  	v2 =	vand.u32 $0x7E, v2;
	s12 =	sand.u32 @!p0 $0xFC00, s7  }
0x176: {  	v2 =	vor.u32 $0x80, v2;
	s7 =	sand.u32 @!p0 $0x380, s7;
	s12 =	sadd.s32 @!p0 s15, s12  }
0x177: {  	v4 =	vbroadcast v2, $0x0;
	s7 =	sor.u32 @!p0 s7, s12  }
0x178: {  	s7 =	sshrl.u32 @!p0 s7, $0x3  }
0x179: {  	s12 =	simm.s32 @!p0 $0x280;
	s7 =	sadd.s32 @!p0 s9, s7  }
0x17a: {  	[tilespmem:s12], [sflag:$0x2] =	stream.linear.gather @!p0 [hbm4b:s7+s6], $0x80, $0x38;
	[tilespmem:$0x1DD00] =	vst v63  }
0x17b: {  	s7 =	simm.s32 $0x2770  }
0x17c: {  	v6 =	vld [tilespmem:s7+$0xFFFFFF80]  }
0x17d: {  	v4 =	vld.idx.msk [tilespmem:v4+s31+$0x0], $0xffff  }
0x17e: {  	v7 =	vld [tilespmem:s7+$0xFFFFFF10]  }
0x17f: {  	v8 =	vld [tilespmem:s7+$0xFFFFFF30]  }
0x180: {  	v62 =	vld [tilespmem:s7+$0xFFFFFF40]  }
0x181: {  	v5 =	vld [tilespmem:s7+$0xFFFFFF60]  }
0x182: {  	s17 =	simm.s32 $0x1;
	v63 =	vld [tilespmem:s7+$0xFFFFFF70];
	v6 =	vmul.f32 v6, v4  }
0x183: {  	v13 =	vmov s17;
	v12 =	vld [tilespmem:s7+$0xFFFFFF50];
	v7 =	vmul.f32 v7, v4  }
0x184: {  	v11 =	vld [tilespmem:s7+$0xFFFFFF20];
	v8 =	vmul.f32 v8, v4;
	[tilespmem:s7+$0xFFFFFF80] =	vst v6;
	v6 =	vand.u32 $0x7F, v13  }
0x185: {  	v9 =	vmul.f32 v62, v4;
	[tilespmem:s7+$0xFFFFFF10] =	vst v7;
	v6 =	vor.u32 $0x80, v6  }
0x186: {  	v5 =	vmul.f32 v5, v4;
	[tilespmem:s7+$0xFFFFFF30] =	vst v8;
	v7 =	vbroadcast v6, $0x0  }
0x187: {  	[tilespmem:s7+$0xFFFFFF40] =	vst v9;
	v8 =	vmul.f32 v63, v4  }
0x188: {  	v2 =	vld [tilespmem:s7+$0xFFFFFF90];
	[tilespmem:s7+$0xFFFFFF60] =	vst v5;
	v5 =	vmul.f32 v12, v4  }
0x189: {  	v3 =	vld [tilespmem:s7+$0xFFFFFFA0];
	v6 =	vmul.f32 v11, v4;
	[tilespmem:s7+$0xFFFFFF70] =	vst v8  }
0x18a: {  	v4 =	vld [tilespmem:s7+$0xFFFFFFF0];
	[tilespmem:s7+$0xFFFFFF50] =	vst v5  }
0x18b: {  	[tilespmem:s7+$0xFFFFFF20] =	vst v6;
	v6 =	vld [tilespmem:s7+$0xFFFFFFB0]  }
0x18c: {  	s14 =	simm.s32 $0x2;
	s12 =	simm.s32 $0x2770;
	v5 =	vld.idx.msk [tilespmem:v7+s31+$0x0], $0xffff  }
.LBB2_7:
0x18d: {  	p0 =	slt.u32 s14, $0x3E  }
0x18e: {  	v7 =	vld [tilespmem:s7+$0xFFFFFFE0];
	s12 =	sadd.s32 $0x100, s12;
	s6 =	smov.u32 s14;
	s14 =	sadd.s32 $0x2, s14  }
0x18f: {  	v8 =	vld [tilespmem:s7+$0xFFFFFFC0]  }
0x190: {  	v9 =	vld [tilespmem:s7+$0xFFFFFFD0]  }
0x191: {  	v10 =	vld [tilespmem:s7+$0x0];
	_ =	sdelay $0x1  }
0x192: {  	v2 =	vmul.f32 v2, v5;
	v3 =	vmul.f32 v3, v5  }
0x193: {  	v11 =	vmov s6;
	v6 =	vmul.f32 v6, v5;
	v8 =	vmul.f32 v8, v5  }
0x194: {  	v11 =	vand.u32 $0x7E, v11;
	v7 =	vmul.f32 v7, v5;
	[tilespmem:s7+$0xFFFFFF90] =	vst v2;
	v9 =	vmul.f32 v9, v5  }
0x195: {  	v11 =	vor.u32 $0x80, v11;
	v4 =	vmul.f32 v4, v5;
	v2 =	vld [tilespmem:s12+$0xFFFFFF90];
	[tilespmem:s7+$0xFFFFFFB0] =	vst v6;
	v5 =	vmul.f32 v10, v5  }
0x196: {  	v6 =	vbroadcast v11, $0x0;
	[tilespmem:s7+$0xFFFFFFA0] =	vst v3  }
0x197: {  	v3 =	vld [tilespmem:s12+$0xFFFFFFA0];
	[tilespmem:s7+$0xFFFFFFE0] =	vst v7  }
0x198: {  	v7 =	vld [tilespmem:s12+$0xFFFFFF60];
	[tilespmem:s7+$0x0] =	vst v5  }
0x199: {  	v5 =	vld [tilespmem:s12+$0xFFFFFF40];
	[tilespmem:s7+$0xFFFFFFC0] =	vst v8  }
0x19a: {  	v8 =	vld [tilespmem:s12+$0xFFFFFF70];
	[tilespmem:s7+$0xFFFFFFF0] =	vst v4  }
0x19b: {  	v4 =	vld [tilespmem:s12+$0xFFFFFF80];
	[tilespmem:s7+$0xFFFFFFD0] =	vst v9;
	s7 =	smov.u32 s12  }
0x19c: {  	v6 =	vld.idx.msk [tilespmem:v6+s31+$0x0], $0xffff  }
0x19d: {  	v9 =	vld [tilespmem:s12+$0xFFFFFF10]  }
0x19e: {  	v10 =	vld [tilespmem:s12+$0xFFFFFF30]  }
0x19f: {  	v11 =	vld [tilespmem:s12+$0xFFFFFF20]  }
0x1a0: {  	v12 =	vld [tilespmem:s12+$0xFFFFFF50];
	_ =	sdelay $0x1  }
0x1a1: {  	s6 =	sadd.s32 $0x1, s6;
	v4 =	vmul.f32 v4, v6;
	v9 =	vmul.f32 v9, v6  }
0x1a2: {  	v13 =	vmov s6;
	v8 =	vmul.f32 v8, v6;
	v10 =	vmul.f32 v10, v6  }
0x1a3: {  	v5 =	vmul.f32 v5, v6;
	v11 =	vmul.f32 v11, v6;
	[tilespmem:s12+$0xFFFFFF80] =	vst v4;
	v4 =	vand.u32 $0x7F, v13  }
0x1a4: {  	[tilespmem:s12+$0xFFFFFF10] =	vst v9;
	v9 =	vmul.f32 v12, v6;
	v6 =	vmul.f32 v7, v6;
	v4 =	vor.u32 $0x80, v4  }
0x1a5: {  	[tilespmem:s12+$0xFFFFFF30] =	vst v10;
	v7 =	vbroadcast v4, $0x0  }
0x1a6: {  	[tilespmem:s12+$0xFFFFFF40] =	vst v5  }
.Ltmp2:
0x1a7: {  	[tilespmem:s12+$0xFFFFFF60] =	vst v6;
	(pc) =	sbr.rel @p0 .LBB2_7-.Ltmp2, $4  }
0x1a8: {  	[tilespmem:s12+$0xFFFFFF20] =	vst v11  }
0x1a9: {  	[tilespmem:s12+$0xFFFFFF70] =	vst v8;
	v4 =	vld [tilespmem:s12+$0xFFFFFFF0]  }
0x1aa: {  	[tilespmem:s12+$0xFFFFFF50] =	vst v9;
	v6 =	vld [tilespmem:s12+$0xFFFFFFB0]  }
0x1ab: {  	v5 =	vld.idx.msk [tilespmem:v7+s31+$0x0], $0xffff  }
0x1ac: {  	_ =	sdelay $0x1  }
0x1ad: {  	v8 =	vld [tilespmem:s7+$0x0]  }
0x1ae: {  	v10 =	vld [tilespmem:s7+$0xFFFFFFD0]  }
0x1af: {  	v7 =	vld [tilespmem:s7+$0xFFFFFFE0];
	v2 =	vmul.f32 v2, v5  }
0x1b0: {  	v9 =	vld [tilespmem:s7+$0xFFFFFFC0];
	v6 =	vmul.f32 v6, v5  }
0x1b1: {  	v3 =	vmul.f32 v3, v5;
	[tilespmem:s7+$0xFFFFFF90] =	vst v2  }
0x1b2: {  	v62 =	vmul.f32 v8, v5;
	[tilespmem:s7+$0xFFFFFFB0] =	vst v6  }
0x1b3: {  	v63 =	vmul.f32 v10, v5;
	[tilespmem:s7+$0xFFFFFFA0] =	vst v3  }
0x1b4: {  	v2 =	vmul.f32 v7, v5;
	[tilespmem:s7+$0x0] =	vst v62  }
0x1b5: {  	v3 =	vmul.f32 v9, v5;
	[tilespmem:s7+$0xFFFFFFD0] =	vst v63  }
0x1b6: {  	[tilespmem:s7+$0xFFFFFFE0] =	vst v2;
	v2 =	vmul.f32 v4, v5  }
0x1b7: {  	[tilespmem:s7+$0xFFFFFFC0] =	vst v3  }
0x1b8: {  	s20 =	sadd.s32 $0x1, s20;
	[tilespmem:s7+$0xFFFFFFF0] =	vst v2  }
0x1b9: {  	[spmem:s2] =	stream.indirect.scatter.add.f32 [tilespmem:s29], [sflag:$0x6], $0x80, s16, s26, $0xb8;
	[tilespmem:$0x1DD00] =	vst v63  }
0x1ba: {  	s6 =	simm.s32 $0x380;
	p0 =	sne.s32 s20, $0x4F  }
0x1bb: {  	[spmem:s3] =	stream.indirect.scatter.add.f32 [tilespmem:s6], [sflag:$0x6], $0x1, s16, s26, $0xb8;
	[tilespmem:$0x1DD00] =	vst v63  }
.Ltmp3:
0x1bc: {  	_ = 	snop;
	(pc) =	sbr.rel @p0 .LBB2_4-.Ltmp3, $4  }
0x1bd: {  	_ = 	snop  }
0x1be: {  	[spmem:s4] =	stream.indirect.scatter.add.f32 [tilespmem:s19], [sflag:$0x6], $0x1, s16, s26, $0xb8;
	[tilespmem:$0x1DD00] =	vst v63  }
0x1bf: {  	_ = 	snop  }
0x1c0: {  	[spmem:s5] =	stream.indirect.scatter.add.f32 [tilespmem:s10], [sflag:$0x6], $0x1, s16, s26, $0xb8;
	[tilespmem:$0x1DD00] =	vst v63  }
0x1c1: {  	s6 =	simm.s32 $0x5  }
0x1c2: {  	_ =	swait.ge [sflag:s6], $0x2000  }
0x1c3: {  	[sflag:s6] =	ssyncset.done $0x0  }
0x1c4: {  	[sflag:s6] =	ssyncadd.s32 $0xFFFFE000  }
0x1c5: {  	_ =	swait.ge [sflag:s6], $0x40  }
0x1c6: {  	[sflag:s6] =	ssyncset.done $0x0  }
0x1c7: {  	[sflag:s6] =	ssyncadd.s32 $0xFFFFFFC0  }
0x1c8: {  	_ =	swait.ge [sflag:s6], $0x40  }
0x1c9: {  	[sflag:s6] =	ssyncset.done $0x0  }
0x1ca: {  	[sflag:s6] =	ssyncadd.s32 $0xFFFFFFC0  }
0x1cb: {  	_ =	swait.ge [sflag:s6], $0x40  }
0x1cc: {  	[sflag:s6] =	ssyncset.done $0x0  }
0x1cd: {  	s7 =	simm.s32 $0x6;
	[sflag:s6] =	ssyncadd.s32 $0xFFFFFFC0  }
0x1ce: {  	_ =	swait.ge [sflag:s7], $0x2000  }
0x1cf: {  	[sflag:s7] =	ssyncset.done $0x0  }
0x1d0: {  	[sflag:s7] =	ssyncadd.s32 $0xFFFFE000  }
0x1d1: {  	_ =	swait.ge [sflag:s7], $0x40  }
0x1d2: {  	[sflag:s7] =	ssyncset.done $0x0  }
0x1d3: {  	[sflag:s7] =	ssyncadd.s32 $0xFFFFFFC0  }
0x1d4: {  	_ =	swait.ge [sflag:s7], $0x40  }
0x1d5: {  	[sflag:s7] =	ssyncset.done $0x0  }
0x1d6: {  	[sflag:s7] =	ssyncadd.s32 $0xFFFFFFC0  }
0x1d7: {  	_ =	swait.ge [sflag:s7], $0x40  }
0x1d8: {  	[sflag:s7] =	ssyncset.done $0x0  }
0x1d9: {  	[sflag:s7] =	ssyncadd.s32 $0xFFFFFFC0  }
0x1da: {  	[bflag:$0x0] =	sbarrier.arrive $0xFFFF  }
0x1db: {  	s14 =	sld [smem:$0x7FB]  }
0x1dc: {  	s17 =	rddreg [dreg:$0xa]  }
0x1dd: {  	s7 =	rddreg [dreg:$0x10];
	s12 =	sshrl.u32 s17, $0x3  }
0x1de: {  	[hbm:s7], [sflag:s14] =	dma.local [spmem:s12], $0x2800  }
0x1df: {  	_ =	swait.ge [sflag:s21], $0x2800  }
0x1e0: {  	s25 =	sld [smem:$0x7F9]  }
0x1e1: {  	s20 =	simm.s32 $0x1;
	s7 =	simm.s32 $0x20;
	[sflag:s21] =	ssyncset.done $0x0  }
0x1e2: {  	s12 =	simm.s32 $0x10;
	s6 =	rddreg [dreg:$0x11];
	[sflag:s21] =	ssyncadd.s32 $0xFFFFD800  }
0x1e3: {  	[hbm:s6@s7], [sflag:s14] =	dma.strided [spmem:s25@s12], $0x50, s20, $0x10   }
0x1e4: {  	_ =	swait.ge [sflag:s21], $0x50  }
0x1e5: {  	s25 =	sld [smem:$0x7FA]  }
0x1e6: {  	[sflag:s21] =	ssyncset.done $0x0  }
0x1e7: {  	s6 =	rddreg [dreg:$0x12];
	[sflag:s21] =	ssyncadd.s32 $0xFFFFFFB0  }
0x1e8: {  	[hbm:s6@s7], [sflag:s14] =	dma.strided [spmem:s25@s12], $0x50, s20, $0x10   }
0x1e9: {  	_ =	swait.ge [sflag:s21], $0x50  }
0x1ea: {  	s25 =	sld [smem:$0x7FC]  }
0x1eb: {  	[sflag:s21] =	ssyncset.done $0x0  }
0x1ec: {  	s6 =	rddreg [dreg:$0x13];
	[sflag:s21] =	ssyncadd.s32 $0xFFFFFFB0  }
0x1ed: {  	[hbm:s6@s7], [sflag:s14] =	dma.strided [spmem:s25@s12], $0x50, s20, $0x10   }
0x1ee: {  	_ =	swait.ge [sflag:s21], $0x50  }
0x1ef: {  	s14 =	sld [smem:$0x7FD];
	_ =	sdelay $0x2  }
0x1f0: {  	s25 =	rddreg [dreg:$0x14];
	s7 =	sadd.s32 $0x1, s14  }
0x1f1: {  	p0 =	sne.s32 s7, s25  }
.Ltmp4:
0x1f2: {  	_ = 	snop;
	(pc) =	sbr.rel @p0 .LBB2_1-.Ltmp4, $3  }
0x1f3: {  	_ =	sdelay $0x1  }
0x1f4: {  	[sflag:s21] =	ssyncset.done $0x0  }
0x1f5: {  	[sflag:s21] =	ssyncadd.s32 $0xFFFFFFB0  }
0x1f6: {  	_ =	sfence.sel $0x180000  }
0x1f7: {  	[bflag:$0x0] =	sbarrier.arrive $0xFFFF  }
0x1f8: {  	_ =	strace $0x9000004A  }
0x1f9: {  	s0 =	stileid.u32;
	[bflag:$0x2] =	sbarrier.arrive $0xFFFF  }
0x1fa: {  	p0 =	sne.s32 s0, $0x0;
	s0 =	rddreg [dreg:$0x6]  }
0x1fb: {  	s0 =	sadd.s32 @!p0 $0x100000, s0  }
0x1fc: {  	[sflag:s0] =	ssyncadd.tile.s32 @!p0 $0x1;
	_ =	shalt  }
.Lfunc_end2:
_tile_overlayer_lowered:
.L_overlay_start_2:
0x1fd: {  	(tag) =	ssettag $0x2  }
0x1fe: {  	s0 =	rddreg [dreg:$0x0];
	s2 =	stileid.u32  }
0x1ff: {  	s1 =	rddreg [dreg:$0x1];
	p0 =	sne.s32 s2, $0x0  }
0x200: {  	s3 =	rddreg [dreg:$0x2];
	[bflag:$0x3] =	sbarrier.arrive $0xFFFF;
	s2 =	simm.s32 @!p0 $0x1C07  }
0x201: {  	[timem:s3], [sflag:s2] =	dma.local @!p0 [hbm:s0], s1  }
0x202: {  	s0 =	simm.s32 @!p0 $0x7  }
0x203: {  	_ =	swait.ge @!p0 [sflag:s0], s1  }
0x204: {  	s1 =	ssub.s32 @!p0 $0x0, s1;
	[sflag:s0] =	ssyncset.done @!p0 $0x0  }
0x205: {  	[sflag:s0] =	ssyncadd.s32 @!p0 s1  }
0x206: {  	[bflag:$0x3] =	sbarrier.arrive $0xFFFF  }
0x207: {  	_ =	shalt  }

</sc_bundles>
